<compile_context>
chip_gen: v7x
topology: tpu7x:2x2x1
jax: 0.10.2.dev20260603
libtpu: 0.0.44.dev20260713+nightly
codegen_flags: <defaults>
</compile_context>

<pallas_src>
import functools

import jax
import jax.numpy as jnp
from jax import lax
from jax.experimental import pallas as pl
from jax.experimental.pallas import tpu as pltpu
from jax.experimental.pallas import tpu_sc as plsc

VOCAB = 1_000_000
DIM = 32
LANE = 128
NW = 32
N_VBLK = VOCAB // LANE
V_TAIL = VOCAB - N_VBLK * LANE
A_STEPS = (N_VBLK + NW - 1) // NW

NI_TILE = 16384 // LANE
N_FULL_UNIT = 6 * NI_TILE
B_FULL_STEPS = N_FULL_UNIT // NW
B_TAIL_STEPS = NI_TILE // NW

_mesh = plsc.VectorSubcoreMesh(core_axis_name="c", subcore_axis_name="s")
_params = pltpu.CompilerParams(needs_layout_passes=False)


def _iota16():
    return lax.iota(jnp.int32, 16)


@functools.partial(
    pl.kernel,
    mesh=_mesh,
    out_type=jax.ShapeDtypeStruct((VOCAB // 4, LANE), jnp.float32),
    scratch_types=[
        pltpu.VMEM((DIM, LANE), jnp.float32),
        pltpu.VMEM((DIM, LANE), jnp.float32),
    ],
    compiler_params=_params,
)
def _transpose_table(tabT_hbm, tail16_hbm, t4_hbm, in_v, out_v):
    wid = lax.axis_index("s") * 2 + lax.axis_index("c")

    lo16 = _iota16()
    hi16 = 16 + _iota16()

    def transpose_block():
        for q in range(32):
            for c in range(8):
                rows = lo16 if c % 2 == 0 else hi16
                cols = jnp.full((16,), q * 4 + c // 2, jnp.int32)
                out_v[q, pl.ds(c * 16, 16)] = plsc.load_gather(
                    in_v, [rows, cols])

    def step(k, carry):
        b = wid + k * NW

        @pl.when(b < N_VBLK)
        def _():
            pltpu.sync_copy(tabT_hbm.at[:, pl.ds(b * LANE, LANE)], in_v)
            transpose_block()
            pltpu.sync_copy(out_v, t4_hbm.at[pl.ds(b * 32, 32)])

        return carry

    lax.fori_loop(0, A_STEPS, step, 0)

    @pl.when(wid == 4)
    def _():
        pltpu.sync_copy(tail16_hbm, in_v.at[pl.ds(0, 16)])
        pltpu.sync_copy(
            in_v.at[pl.ds(0, 16)], t4_hbm.at[pl.ds(N_VBLK * 32, 16)])


@functools.partial(
    pl.kernel,
    mesh=_mesh,
    out_type=jax.ShapeDtypeStruct((50, DIM, 16384), jnp.float32),
    scratch_types=[
        pltpu.VMEM((8, LANE), jnp.int32),
        pltpu.VMEM((LANE,), jnp.int32),
        pltpu.VMEM((LANE,), jnp.int32),
        pltpu.VMEM((LANE,), jnp.int32),
        pltpu.VMEM((LANE,), jnp.int32),
        pltpu.VMEM((LANE, LANE), jnp.float32),
        pltpu.VMEM((LANE, LANE), jnp.float32),
        pltpu.VMEM((DIM, LANE), jnp.float32),
        pltpu.VMEM((DIM, LANE), jnp.float32),
        pltpu.SemaphoreType.DMA,
        pltpu.SemaphoreType.DMA,
    ],
    compiler_params=_params,
)
def _gather_out(t4_hbm, xT_hbm, out_hbm, idx_v, tlA, mlA, tlB, mlB,
                bufA, bufB, obA, obB, semG, semO):
    wid = lax.axis_index("s") * 2 + lax.axis_index("c")

    def build(jl, tl, ml):
        for ci in range(8):
            v = idx_v[jl, pl.ds(ci * 16, 16)]
            tl[pl.ds(ci * 16, 16)] = lax.shift_right_logical(v, 2)
            ml[pl.ds(ci * 16, 16)] = (v & 3) * DIM

    def fire(tl, buf):
        pltpu.async_copy(t4_hbm.at[tl], buf, semG)

    def gather_wait(buf):
        pltpu.make_async_copy(t4_hbm.at[tlA], buf, semG).wait()

    def transpose_into(buf, ob, ml):
        def ic_body(ic, c3):
            m = ml[pl.ds(ic * 16, 16)]
            rows = ic * 16 + _iota16()
            for f in range(DIM):
                ob[f, pl.ds(ic * 16, 16)] = plsc.load_gather(
                    buf, [rows, m + f])
            return c3

        lax.fori_loop(0, 8, ic_body, 0)

    def out_start(ob, jg, it):
        pltpu.async_copy(ob, out_hbm.at[jg, :, pl.ds(it * LANE, LANE)], semO)

    def out_wait():
        pltpu.make_async_copy(
            obA, out_hbm.at[0, :, pl.ds(0, LANE)], semO).wait()

    def full_step(k, carry):
        u = wid + k * NW
        jb = u // NI_TILE
        it = u - jb * NI_TILE
        jg0 = jb * 8
        pltpu.sync_copy(
            xT_hbm.at[pl.ds(jb * 8, 8), pl.ds(it * LANE, LANE)], idx_v)
        build(0, tlA, mlA)
        fire(tlA, bufA)

        def pair(g, c2):
            @pl.when(g > 0)
            def _():
                out_wait()
                out_wait()

            build(2 * g + 1, tlB, mlB)
            gather_wait(bufA)
            fire(tlB, bufB)
            transpose_into(bufA, obA, mlA)
            out_start(obA, jg0 + 2 * g, it)

            @pl.when(g < 3)
            def _():
                build(2 * g + 2, tlA, mlA)

            gather_wait(bufB)

            @pl.when(g < 3)
            def _():
                fire(tlA, bufA)

            transpose_into(bufB, obB, mlB)
            out_start(obB, jg0 + 2 * g + 1, it)
            return c2

        lax.fori_loop(0, 4, pair, 0)
        out_wait()
        out_wait()
        return carry

    def tail_step(k, carry):
        it = wid + k * NW
        pltpu.sync_copy(
            xT_hbm.at[pl.ds(48, 2), pl.ds(it * LANE, LANE)],
            idx_v.at[pl.ds(0, 2)])
        build(0, tlA, mlA)
        fire(tlA, bufA)
        build(1, tlB, mlB)
        gather_wait(bufA)
        fire(tlB, bufB)
        transpose_into(bufA, obA, mlA)
        out_start(obA, 48, it)
        gather_wait(bufB)
        transpose_into(bufB, obB, mlB)
        out_start(obB, 49, it)
        out_wait()
        out_wait()
        return carry

    lax.fori_loop(0, B_FULL_STEPS, full_step, 0)
    lax.fori_loop(0, B_TAIL_STEPS, tail_step, 0)


def kernel(x, table):
    xT = x.astype(jnp.int32).T
    t4 = jnp.ravel(table).reshape(VOCAB // 4, LANE)
    out_p = _gather_out(t4, xT)
    return jnp.transpose(out_p, (2, 0, 1))

# --- scband reference (transcript-rebuilt; emitter-appended) ---
"""Pipeline reference for scband-mock-embedding-42193758716495 (READ-ONLY COPY).

The authoritative reference and input builder live on the scoring server;
editing this copy changes nothing except your own understanding.
"""

import jax, jax.numpy as jnp
import numpy as np

VOCAB = 1000000
DIM = 32

def setup_inputs(seed: int = 0) -> dict:
    key = jax.random.key(seed)
    k1, k2 = jax.random.split(key)
    x = jax.random.randint(k1, (16384, 50), 0, VOCAB, dtype=jnp.int64)
    table = jax.random.normal(k2, (VOCAB, DIM), dtype=jnp.float32)
    return {"x": x, "table": table}

def reference(x, table):
    # Embedding lookup: gather rows of the table by index
    return jnp.take(table, x, axis=0)

if __name__ == "__main__":
    import jax
    _d = setup_inputs()
    print(jax.jit(kernel)(*tuple(_d.values())))

</pallas_src>

<mosaic_0001>
#map = affine_map<(d0, d1) -> (0, 0)>
#map1 = affine_map<(d0, d1) -> (0, 0, 0)>
module attributes {stable_mosaic.version = 14 : i64} {
  func.func @_gather_out(%arg0: i32, %arg1: i32, %arg2: memref<250000x128xf32, #tpu.memory_space<hbm>>, %arg3: memref<50x16384xi32, #tpu.memory_space<hbm>>, %arg4: memref<50x32x16384xf32, #tpu.memory_space<hbm>>, %arg5: memref<8x128xi32, #tpu.memory_space<vmem>>, %arg6: memref<128xi32, #tpu.memory_space<vmem>>, %arg7: memref<128xi32, #tpu.memory_space<vmem>>, %arg8: memref<128xi32, #tpu.memory_space<vmem>>, %arg9: memref<128xi32, #tpu.memory_space<vmem>>, %arg10: memref<128x128xf32, #tpu.memory_space<vmem>>, %arg11: memref<128x128xf32, #tpu.memory_space<vmem>>, %arg12: memref<32x128xf32, #tpu.memory_space<vmem>>, %arg13: memref<32x128xf32, #tpu.memory_space<vmem>>, %arg14: memref<!tpu.dma_semaphore, #tpu.memory_space<semaphore_mem>>, %arg15: memref<!tpu.dma_semaphore, #tpu.memory_space<semaphore_mem>>) attributes {dimension_semantics = [#tpu.dimension_semantics<core_parallel>, #tpu.dimension_semantics<subcore_parallel>], iteration_bounds = array<i64: 2, 16>, scalar_prefetch = 0 : i64, scratch_operands = 11 : i64, tpu.core_type = #tpu.core_type<sc_vector_subcore>, window_params = [{transform_indices = #map}, {transform_indices = #map}, {transform_indices = #map1}]} {
    %mul3A = arith.constant 2 : i32
    %mul3A_0 = arith.muli %arg1, %mul3A : i32
    %add3A = arith.addi %mul3A_0, %arg0 : i32
    %scan3A = arith.constant 0 : i32
    %scan3A_1 = arith.constant 0 : i32
    %scan3A_2 = arith.constant 24 : i32
    %scan3A_3 = arith.addi %scan3A_1, %scan3A_2 : i32
    %scan3A_4 = arith.constant 1 : i32
    scf.for %scan3A_12 = %scan3A_1 to %scan3A_3 step %scan3A_4  : i32 {
      %mul3A_13 = arith.constant 32 : i32
      %mul3A_14 = arith.muli %scan3A_12, %mul3A_13 : i32
      %add3A_15 = arith.addi %add3A, %mul3A_14 : i32
      %jit3A = arith.constant 128 : i32
      %div3A = arith.divsi %add3A_15, %jit3A : i32
      %sign3A = arith.constant 0 : i32
      %sign3A_16 = arith.cmpi sgt, %add3A_15, %sign3A : i32
      %sign3A_17 = arith.extui %sign3A_16 : i1 to i32
      %sign3A_18 = arith.constant 0 : i32
      %sign3A_19 = arith.cmpi slt, %add3A_15, %sign3A_18 : i32
      %sign3A_20 = arith.extui %sign3A_19 : i1 to i32
      %sign3A_21 = arith.subi %sign3A_17, %sign3A_20 : i32
      %sign3A_22 = arith.constant 0 : i32
      %sign3A_23 = arith.cmpi sgt, %jit3A, %sign3A_22 : i32
      %sign3A_24 = arith.extui %sign3A_23 : i1 to i32
      %sign3A_25 = arith.constant 0 : i32
      %sign3A_26 = arith.cmpi slt, %jit3A, %sign3A_25 : i32
      %sign3A_27 = arith.extui %sign3A_26 : i1 to i32
      %sign3A_28 = arith.subi %sign3A_24, %sign3A_27 : i32
      %ne3A = arith.cmpi ne, %sign3A_21, %sign3A_28 : i32
      %rem3A = arith.remsi %add3A_15, %jit3A : i32
      %ne3A_29 = arith.constant 0 : i32
      %ne3A_30 = arith.cmpi ne, %rem3A, %ne3A_29 : i32
      %and3A = arith.andi %ne3A, %ne3A_30 : i1
      %sub3A = arith.constant 1 : i32
      %sub3A_31 = arith.subi %div3A, %sub3A : i32
      %select_n3A = arith.select %and3A, %sub3A_31, %div3A : i32
      %mul3A_32 = arith.constant 128 : i32
      %mul3A_33 = arith.muli %select_n3A, %mul3A_32 : i32
      %sub3A_34 = arith.subi %add3A_15, %mul3A_33 : i32
      %mul3A_35 = arith.constant 8 : i32
      %mul3A_36 = arith.muli %select_n3A, %mul3A_35 : i32
      %mul3A_37 = arith.constant 8 : i32
      %mul3A_38 = arith.muli %select_n3A, %mul3A_37 : i32
      %mul3A_39 = arith.constant 128 : i32
      %mul3A_40 = arith.muli %sub3A_34, %mul3A_39 : i32
      "tpu.region"() ({
        %run_scoped3A = tpu.sem_alloc : memref<!tpu.dma_semaphore, #tpu.memory_space<semaphore_mem>>
        %dma_start3A_199 = tpu.memref_slice %arg3[%mul3A_38, %mul3A_40] : memref<50x16384xi32, #tpu.memory_space<hbm>> -> memref<8x128xi32, #tpu.memory_space<hbm>>
        %dma_start3A_200 = tpu.memref_slice %arg3[%mul3A_38, %mul3A_40] : memref<50x16384xi32, #tpu.memory_space<hbm>> -> memref<8x128xi32, #tpu.memory_space<hbm>>
        tpu.enqueue_dma source(%dma_start3A_200 : memref<8x128xi32, #tpu.memory_space<hbm>>) target(%arg5 : memref<8x128xi32, #tpu.memory_space<vmem>>) target_semaphore(%run_scoped3A : memref<!tpu.dma_semaphore, #tpu.memory_space<semaphore_mem>>)
        %dma_wait3A_201 = tpu.memref_slice %arg3[%mul3A_38, %mul3A_40] : memref<50x16384xi32, #tpu.memory_space<hbm>> -> memref<8x128xi32, #tpu.memory_space<hbm>>
        %dma_wait3A_202 = tpu.memref_slice %arg3[%mul3A_38, %mul3A_40] : memref<50x16384xi32, #tpu.memory_space<hbm>> -> memref<8x128xi32, #tpu.memory_space<hbm>>
        tpu.wait_dma2 semaphore(%run_scoped3A : memref<!tpu.dma_semaphore, #tpu.memory_space<semaphore_mem>>) src(%dma_wait3A_202 : memref<8x128xi32, #tpu.memory_space<hbm>>) dst(%arg5 : memref<8x128xi32, #tpu.memory_space<vmem>>)
        tpu.yield
      }) : () -> ()
      %get3A = arith.constant 0 : i32
      %get3A_41 = arith.index_cast %get3A : i32 to index
      %get3A_42 = arith.constant 0 : index
      %get3A_43 = tpu.vector_load %arg5[%get3A_41, %get3A_42] {strides = array<i32>} : memref<8x128xi32, #tpu.memory_space<vmem>>, vector<16xi32>,
      %shift_right_logical3A = arith.constant 2 : i32
      %shift_right_logical3A_44 = vector.broadcast %shift_right_logical3A : i32 to vector<16xi32>
      %shift_right_logical3A_45 = arith.shrui %get3A_43, %shift_right_logical3A_44 : vector<16xi32>
      %swap3A = arith.constant 0 : index
      %swap3A_46 = tpu.vector_load %arg6[%swap3A] {strides = array<i32>} : memref<128xi32, #tpu.memory_space<vmem>>, vector<16xi32>,
      tpu.vector_store %arg6[%swap3A], %shift_right_logical3A_45 {strides = array<i32>} : memref<128xi32, #tpu.memory_space<vmem>>, vector<16xi32>,
      %and3A_47 = arith.constant 3 : i32
      %and3A_48 = vector.broadcast %and3A_47 : i32 to vector<16xi32>
      %and3A_49 = arith.andi %get3A_43, %and3A_48 : vector<16xi32>
      %mul3A_50 = arith.constant 32 : i32
      %mul3A_51 = vector.broadcast %mul3A_50 : i32 to vector<16xi32>
      %mul3A_52 = arith.muli %and3A_49, %mul3A_51 : vector<16xi32>
      %swap3A_53 = arith.constant 0 : index
      %swap3A_54 = tpu.vector_load %arg7[%swap3A_53] {strides = array<i32>} : memref<128xi32, #tpu.memory_space<vmem>>, vector<16xi32>,
      tpu.vector_store %arg7[%swap3A_53], %mul3A_52 {strides = array<i32>} : memref<128xi32, #tpu.memory_space<vmem>>, vector<16xi32>,
      %get3A_55 = arith.constant 0 : i32
      %get3A_56 = arith.index_cast %get3A_55 : i32 to index
      %get3A_57 = arith.constant 16 : index
      %get3A_58 = tpu.vector_load %arg5[%get3A_56, %get3A_57] {strides = array<i32>} : memref<8x128xi32, #tpu.memory_space<vmem>>, vector<16xi32>,
      %shift_right_logical3A_59 = arith.constant 2 : i32
      %shift_right_logical3A_60 = vector.broadcast %shift_right_logical3A_59 : i32 to vector<16xi32>
      %shift_right_logical3A_61 = arith.shrui %get3A_58, %shift_right_logical3A_60 : vector<16xi32>
      %swap3A_62 = arith.constant 16 : index
      %swap3A_63 = tpu.vector_load %arg6[%swap3A_62] {strides = array<i32>} : memref<128xi32, #tpu.memory_space<vmem>>, vector<16xi32>,
      tpu.vector_store %arg6[%swap3A_62], %shift_right_logical3A_61 {strides = array<i32>} : memref<128xi32, #tpu.memory_space<vmem>>, vector<16xi32>,
      %and3A_64 = arith.constant 3 : i32
      %and3A_65 = vector.broadcast %and3A_64 : i32 to vector<16xi32>
      %and3A_66 = arith.andi %get3A_58, %and3A_65 : vector<16xi32>
      %mul3A_67 = arith.constant 32 : i32
      %mul3A_68 = vector.broadcast %mul3A_67 : i32 to vector<16xi32>
      %mul3A_69 = arith.muli %and3A_66, %mul3A_68 : vector<16xi32>
      %swap3A_70 = arith.constant 16 : index
      %swap3A_71 = tpu.vector_load %arg7[%swap3A_70] {strides = array<i32>} : memref<128xi32, #tpu.memory_space<vmem>>, vector<16xi32>,
      tpu.vector_store %arg7[%swap3A_70], %mul3A_69 {strides = array<i32>} : memref<128xi32, #tpu.memory_space<vmem>>, vector<16xi32>,
      %get3A_72 = arith.constant 0 : i32
      %get3A_73 = arith.index_cast %get3A_72 : i32 to index
      %get3A_74 = arith.constant 32 : index
      %get3A_75 = tpu.vector_load %arg5[%get3A_73, %get3A_74] {strides = array<i32>} : memref<8x128xi32, #tpu.memory_space<vmem>>, vector<16xi32>,
      %shift_right_logical3A_76 = arith.constant 2 : i32
      %shift_right_logical3A_77 = vector.broadcast %shift_right_logical3A_76 : i32 to vector<16xi32>
      %shift_right_logical3A_78 = arith.shrui %get3A_75, %shift_right_logical3A_77 : vector<16xi32>
      %swap3A_79 = arith.constant 32 : index
      %swap3A_80 = tpu.vector_load %arg6[%swap3A_79] {strides = array<i32>} : memref<128xi32, #tpu.memory_space<vmem>>, vector<16xi32>,
      tpu.vector_store %arg6[%swap3A_79], %shift_right_logical3A_78 {strides = array<i32>} : memref<128xi32, #tpu.memory_space<vmem>>, vector<16xi32>,
      %and3A_81 = arith.constant 3 : i32
      %and3A_82 = vector.broadcast %and3A_81 : i32 to vector<16xi32>
      %and3A_83 = arith.andi %get3A_75, %and3A_82 : vector<16xi32>
      %mul3A_84 = arith.constant 32 : i32
      %mul3A_85 = vector.broadcast %mul3A_84 : i32 to vector<16xi32>
      %mul3A_86 = arith.muli %and3A_83, %mul3A_85 : vector<16xi32>
      %swap3A_87 = arith.constant 32 : index
      %swap3A_88 = tpu.vector_load %arg7[%swap3A_87] {strides = array<i32>} : memref<128xi32, #tpu.memory_space<vmem>>, vector<16xi32>,
      tpu.vector_store %arg7[%swap3A_87], %mul3A_86 {strides = array<i32>} : memref<128xi32, #tpu.memory_space<vmem>>, vector<16xi32>,
      %get3A_89 = arith.constant 0 : i32
      %get3A_90 = arith.index_cast %get3A_89 : i32 to index
      %get3A_91 = arith.constant 48 : index
      %get3A_92 = tpu.vector_load %arg5[%get3A_90, %get3A_91] {strides = array<i32>} : memref<8x128xi32, #tpu.memory_space<vmem>>, vector<16xi32>,
      %shift_right_logical3A_93 = arith.constant 2 : i32
      %shift_right_logical3A_94 = vector.broadcast %shift_right_logical3A_93 : i32 to vector<16xi32>
      %shift_right_logical3A_95 = arith.shrui %get3A_92, %shift_right_logical3A_94 : vector<16xi32>
      %swap3A_96 = arith.constant 48 : index
      %swap3A_97 = tpu.vector_load %arg6[%swap3A_96] {strides = array<i32>} : memref<128xi32, #tpu.memory_space<vmem>>, vector<16xi32>,
      tpu.vector_store %arg6[%swap3A_96], %shift_right_logical3A_95 {strides = array<i32>} : memref<128xi32, #tpu.memory_space<vmem>>, vector<16xi32>,
      %and3A_98 = arith.constant 3 : i32
      %and3A_99 = vector.broadcast %and3A_98 : i32 to vector<16xi32>
      %and3A_100 = arith.andi %get3A_92, %and3A_99 : vector<16xi32>
      %mul3A_101 = arith.constant 32 : i32
      %mul3A_102 = vector.broadcast %mul3A_101 : i32 to vector<16xi32>
      %mul3A_103 = arith.muli %and3A_100, %mul3A_102 : vector<16xi32>
      %swap3A_104 = arith.constant 48 : index
      %swap3A_105 = tpu.vector_load %arg7[%swap3A_104] {strides = array<i32>} : memref<128xi32, #tpu.memory_space<vmem>>, vector<16xi32>,
      tpu.vector_store %arg7[%swap3A_104], %mul3A_103 {strides = array<i32>} : memref<128xi32, #tpu.memory_space<vmem>>, vector<16xi32>,
      %get3A_106 = arith.constant 0 : i32
      %get3A_107 = arith.index_cast %get3A_106 : i32 to index
      %get3A_108 = arith.constant 64 : index
      %get3A_109 = tpu.vector_load %arg5[%get3A_107, %get3A_108] {strides = array<i32>} : memref<8x128xi32, #tpu.memory_space<vmem>>, vector<16xi32>,
      %shift_right_logical3A_110 = arith.constant 2 : i32
      %shift_right_logical3A_111 = vector.broadcast %shift_right_logical3A_110 : i32 to vector<16xi32>
      %shift_right_logical3A_112 = arith.shrui %get3A_109, %shift_right_logical3A_111 : vector<16xi32>
      %swap3A_113 = arith.constant 64 : index
      %swap3A_114 = tpu.vector_load %arg6[%swap3A_113] {strides = array<i32>} : memref<128xi32, #tpu.memory_space<vmem>>, vector<16xi32>,
      tpu.vector_store %arg6[%swap3A_113], %shift_right_logical3A_112 {strides = array<i32>} : memref<128xi32, #tpu.memory_space<vmem>>, vector<16xi32>,
      %and3A_115 = arith.constant 3 : i32
      %and3A_116 = vector.broadcast %and3A_115 : i32 to vector<16xi32>
      %and3A_117 = arith.andi %get3A_109, %and3A_116 : vector<16xi32>
      %mul3A_118 = arith.constant 32 : i32
      %mul3A_119 = vector.broadcast %mul3A_118 : i32 to vector<16xi32>
      %mul3A_120 = arith.muli %and3A_117, %mul3A_119 : vector<16xi32>
      %swap3A_121 = arith.constant 64 : index
      %swap3A_122 = tpu.vector_load %arg7[%swap3A_121] {strides = array<i32>} : memref<128xi32, #tpu.memory_space<vmem>>, vector<16xi32>,
      tpu.vector_store %arg7[%swap3A_121], %mul3A_120 {strides = array<i32>} : memref<128xi32, #tpu.memory_space<vmem>>, vector<16xi32>,
      %get3A_123 = arith.constant 0 : i32
      %get3A_124 = arith.index_cast %get3A_123 : i32 to index
      %get3A_125 = arith.constant 80 : index
      %get3A_126 = tpu.vector_load %arg5[%get3A_124, %get3A_125] {strides = array<i32>} : memref<8x128xi32, #tpu.memory_space<vmem>>, vector<16xi32>,
      %shift_right_logical3A_127 = arith.constant 2 : i32
      %shift_right_logical3A_128 = vector.broadcast %shift_right_logical3A_127 : i32 to vector<16xi32>
      %shift_right_logical3A_129 = arith.shrui %get3A_126, %shift_right_logical3A_128 : vector<16xi32>
      %swap3A_130 = arith.constant 80 : index
      %swap3A_131 = tpu.vector_load %arg6[%swap3A_130] {strides = array<i32>} : memref<128xi32, #tpu.memory_space<vmem>>, vector<16xi32>,
      tpu.vector_store %arg6[%swap3A_130], %shift_right_logical3A_129 {strides = array<i32>} : memref<128xi32, #tpu.memory_space<vmem>>, vector<16xi32>,
      %and3A_132 = arith.constant 3 : i32
      %and3A_133 = vector.broadcast %and3A_132 : i32 to vector<16xi32>
      %and3A_134 = arith.andi %get3A_126, %and3A_133 : vector<16xi32>
      %mul3A_135 = arith.constant 32 : i32
      %mul3A_136 = vector.broadcast %mul3A_135 : i32 to vector<16xi32>
      %mul3A_137 = arith.muli %and3A_134, %mul3A_136 : vector<16xi32>
      %swap3A_138 = arith.constant 80 : index
      %swap3A_139 = tpu.vector_load %arg7[%swap3A_138] {strides = array<i32>} : memref<128xi32, #tpu.memory_space<vmem>>, vector<16xi32>,
      tpu.vector_store %arg7[%swap3A_138], %mul3A_137 {strides = array<i32>} : memref<128xi32, #tpu.memory_space<vmem>>, vector<16xi32>,
      %get3A_140 = arith.constant 0 : i32
      %get3A_141 = arith.index_cast %get3A_140 : i32 to index
      %get3A_142 = arith.constant 96 : index
      %get3A_143 = tpu.vector_load %arg5[%get3A_141, %get3A_142] {strides = array<i32>} : memref<8x128xi32, #tpu.memory_space<vmem>>, vector<16xi32>,
      %shift_right_logical3A_144 = arith.constant 2 : i32
      %shift_right_logical3A_145 = vector.broadcast %shift_right_logical3A_144 : i32 to vector<16xi32>
      %shift_right_logical3A_146 = arith.shrui %get3A_143, %shift_right_logical3A_145 : vector<16xi32>
      %swap3A_147 = arith.constant 96 : index
      %swap3A_148 = tpu.vector_load %arg6[%swap3A_147] {strides = array<i32>} : memref<128xi32, #tpu.memory_space<vmem>>, vector<16xi32>,
      tpu.vector_store %arg6[%swap3A_147], %shift_right_logical3A_146 {strides = array<i32>} : memref<128xi32, #tpu.memory_space<vmem>>, vector<16xi32>,
      %and3A_149 = arith.constant 3 : i32
      %and3A_150 = vector.broadcast %and3A_149 : i32 to vector<16xi32>
      %and3A_151 = arith.andi %get3A_143, %and3A_150 : vector<16xi32>
      %mul3A_152 = arith.constant 32 : i32
      %mul3A_153 = vector.broadcast %mul3A_152 : i32 to vector<16xi32>
      %mul3A_154 = arith.muli %and3A_151, %mul3A_153 : vector<16xi32>
      %swap3A_155 = arith.constant 96 : index
      %swap3A_156 = tpu.vector_load %arg7[%swap3A_155] {strides = array<i32>} : memref<128xi32, #tpu.memory_space<vmem>>, vector<16xi32>,
      tpu.vector_store %arg7[%swap3A_155], %mul3A_154 {strides = array<i32>} : memref<128xi32, #tpu.memory_space<vmem>>, vector<16xi32>,
      %get3A_157 = arith.constant 0 : i32
      %get3A_158 = arith.index_cast %get3A_157 : i32 to index
      %get3A_159 = arith.constant 112 : index
      %get3A_160 = tpu.vector_load %arg5[%get3A_158, %get3A_159] {strides = array<i32>} : memref<8x128xi32, #tpu.memory_space<vmem>>, vector<16xi32>,
      %shift_right_logical3A_161 = arith.constant 2 : i32
      %shift_right_logical3A_162 = vector.broadcast %shift_right_logical3A_161 : i32 to vector<16xi32>
      %shift_right_logical3A_163 = arith.shrui %get3A_160, %shift_right_logical3A_162 : vector<16xi32>
      %swap3A_164 = arith.constant 112 : index
      %swap3A_165 = tpu.vector_load %arg6[%swap3A_164] {strides = array<i32>} : memref<128xi32, #tpu.memory_space<vmem>>, vector<16xi32>,
      tpu.vector_store %arg6[%swap3A_164], %shift_right_logical3A_163 {strides = array<i32>} : memref<128xi32, #tpu.memory_space<vmem>>, vector<16xi32>,
      %and3A_166 = arith.constant 3 : i32
      %and3A_167 = vector.broadcast %and3A_166 : i32 to vector<16xi32>
      %and3A_168 = arith.andi %get3A_160, %and3A_167 : vector<16xi32>
      %mul3A_169 = arith.constant 32 : i32
      %mul3A_170 = vector.broadcast %mul3A_169 : i32 to vector<16xi32>
      %mul3A_171 = arith.muli %and3A_168, %mul3A_170 : vector<16xi32>
      %swap3A_172 = arith.constant 112 : index
      %swap3A_173 = tpu.vector_load %arg7[%swap3A_172] {strides = array<i32>} : memref<128xi32, #tpu.memory_space<vmem>>, vector<16xi32>,
      tpu.vector_store %arg7[%swap3A_172], %mul3A_171 {strides = array<i32>} : memref<128xi32, #tpu.memory_space<vmem>>, vector<16xi32>,
      %dma_start3A = arith.constant 0 : i32
      %dma_start3A_174 = arith.constant 0 : i32
      %dma_start3A_175 = tpu.memref_slice %arg2[%dma_start3A, %dma_start3A_174] : memref<250000x128xf32, #tpu.memory_space<hbm>> -> memref<250000x128xf32, #tpu.memory_space<hbm>>
      tpu.enqueue_indirect_dma source(%dma_start3A_175 : memref<250000x128xf32, #tpu.memory_space<hbm>>) target(%arg10 : memref<128x128xf32, #tpu.memory_space<vmem>>) offsets(%arg6 : memref<128xi32, #tpu.memory_space<vmem>>) semaphore(%arg14 : memref<!tpu.dma_semaphore, #tpu.memory_space<semaphore_mem>>)
      %scan3A_176 = arith.constant 0 : i32
      %scan3A_177 = arith.constant 0 : i32
      %scan3A_178 = arith.constant 4 : i32
      %scan3A_179 = arith.addi %scan3A_177, %scan3A_178 : i32
      %scan3A_180 = arith.constant 1 : i32
      scf.for %scan3A_199 = %scan3A_177 to %scan3A_179 step %scan3A_180  : i32 {
        %gt3A = arith.constant 0 : i32
        %gt3A_200 = arith.cmpi sgt, %scan3A_199, %gt3A : i32
        %convert_element_type3A = arith.extui %gt3A_200 : i1 to i32
        %cond3A = arith.constant 0 : i32
        %cond3A_201 = arith.cmpi ne, %convert_element_type3A, %cond3A : i32
        scf.if %cond3A_201 {
          %dma_wait3A_388 = arith.constant 0 : i32
          %dma_wait3A_389 = arith.constant 0 : i32
          %dma_wait3A_390 = arith.constant 0 : i32
          %dma_wait3A_391 = tpu.memref_slice %arg4[%dma_wait3A_388, %dma_wait3A_389, %dma_wait3A_390] : memref<50x32x16384xf32, #tpu.memory_space<hbm>> -> memref<1x32x128xf32, #tpu.memory_space<hbm>>
          %dma_wait3A_392 = tpu.memref_squeeze %dma_wait3A_391 : memref<1x32x128xf32, #tpu.memory_space<hbm>> -> memref<32x128xf32, #tpu.memory_space<hbm>>
          %dma_wait3A_393 = arith.constant 0 : i32
          %dma_wait3A_394 = arith.constant 0 : i32
          %dma_wait3A_395 = tpu.memref_slice %arg4[%dma_wait3A_388, %dma_wait3A_393, %dma_wait3A_394] : memref<50x32x16384xf32, #tpu.memory_space<hbm>> -> memref<1x32x128xf32, #tpu.memory_space<hbm>>
          %dma_wait3A_396 = tpu.memref_squeeze %dma_wait3A_395 : memref<1x32x128xf32, #tpu.memory_space<hbm>> -> memref<32x128xf32, #tpu.memory_space<hbm>>
          tpu.wait_dma2 semaphore(%arg15 : memref<!tpu.dma_semaphore, #tpu.memory_space<semaphore_mem>>) src(%arg12 : memref<32x128xf32, #tpu.memory_space<vmem>>) dst(%dma_wait3A_396 : memref<32x128xf32, #tpu.memory_space<hbm>>)
          %dma_wait3A_397 = arith.constant 0 : i32
          %dma_wait3A_398 = arith.constant 0 : i32
          %dma_wait3A_399 = arith.constant 0 : i32
          %dma_wait3A_400 = tpu.memref_slice %arg4[%dma_wait3A_397, %dma_wait3A_398, %dma_wait3A_399] : memref<50x32x16384xf32, #tpu.memory_space<hbm>> -> memref<1x32x128xf32, #tpu.memory_space<hbm>>
          %dma_wait3A_401 = tpu.memref_squeeze %dma_wait3A_400 : memref<1x32x128xf32, #tpu.memory_space<hbm>> -> memref<32x128xf32, #tpu.memory_space<hbm>>
          %dma_wait3A_402 = arith.constant 0 : i32
          %dma_wait3A_403 = arith.constant 0 : i32
          %dma_wait3A_404 = tpu.memref_slice %arg4[%dma_wait3A_397, %dma_wait3A_402, %dma_wait3A_403] : memref<50x32x16384xf32, #tpu.memory_space<hbm>> -> memref<1x32x128xf32, #tpu.memory_space<hbm>>
          %dma_wait3A_405 = tpu.memref_squeeze %dma_wait3A_404 : memref<1x32x128xf32, #tpu.memory_space<hbm>> -> memref<32x128xf32, #tpu.memory_space<hbm>>
          tpu.wait_dma2 semaphore(%arg15 : memref<!tpu.dma_semaphore, #tpu.memory_space<semaphore_mem>>) src(%arg12 : memref<32x128xf32, #tpu.memory_space<vmem>>) dst(%dma_wait3A_405 : memref<32x128xf32, #tpu.memory_space<hbm>>)
        } else {
        }
        %mul3A_202 = arith.constant 2 : i32
        %mul3A_203 = arith.muli %mul3A_202, %scan3A_199 : i32
        %add3A_204 = arith.constant 1 : i32
        %add3A_205 = arith.addi %mul3A_203, %add3A_204 : i32
        %get3A_206 = arith.index_cast %add3A_205 : i32 to index
        %get3A_207 = arith.constant 0 : index
        %get3A_208 = tpu.vector_load %arg5[%get3A_206, %get3A_207] {strides = array<i32>} : memref<8x128xi32, #tpu.memory_space<vmem>>, vector<16xi32>,
        %shift_right_logical3A_209 = arith.constant 2 : i32
        %shift_right_logical3A_210 = vector.broadcast %shift_right_logical3A_209 : i32 to vector<16xi32>
        %shift_right_logical3A_211 = arith.shrui %get3A_208, %shift_right_logical3A_210 : vector<16xi32>
        %swap3A_212 = arith.constant 0 : index
        %swap3A_213 = tpu.vector_load %arg8[%swap3A_212] {strides = array<i32>} : memref<128xi32, #tpu.memory_space<vmem>>, vector<16xi32>,
        tpu.vector_store %arg8[%swap3A_212], %shift_right_logical3A_211 {strides = array<i32>} : memref<128xi32, #tpu.memory_space<vmem>>, vector<16xi32>,
        %and3A_214 = arith.constant 3 : i32
        %and3A_215 = vector.broadcast %and3A_214 : i32 to vector<16xi32>
        %and3A_216 = arith.andi %get3A_208, %and3A_215 : vector<16xi32>
        %mul3A_217 = arith.constant 32 : i32
        %mul3A_218 = vector.broadcast %mul3A_217 : i32 to vector<16xi32>
        %mul3A_219 = arith.muli %and3A_216, %mul3A_218 : vector<16xi32>
        %swap3A_220 = arith.constant 0 : index
        %swap3A_221 = tpu.vector_load %arg9[%swap3A_220] {strides = array<i32>} : memref<128xi32, #tpu.memory_space<vmem>>, vector<16xi32>,
        tpu.vector_store %arg9[%swap3A_220], %mul3A_219 {strides = array<i32>} : memref<128xi32, #tpu.memory_space<vmem>>, vector<16xi32>,
        %get3A_222 = arith.index_cast %add3A_205 : i32 to index
        %get3A_223 = arith.constant 16 : index
        %get3A_224 = tpu.vector_load %arg5[%get3A_222, %get3A_223] {strides = array<i32>} : memref<8x128xi32, #tpu.memory_space<vmem>>, vector<16xi32>,
        %shift_right_logical3A_225 = arith.constant 2 : i32
        %shift_right_logical3A_226 = vector.broadcast %shift_right_logical3A_225 : i32 to vector<16xi32>
        %shift_right_logical3A_227 = arith.shrui %get3A_224, %shift_right_logical3A_226 : vector<16xi32>
        %swap3A_228 = arith.constant 16 : index
        %swap3A_229 = tpu.vector_load %arg8[%swap3A_228] {strides = array<i32>} : memref<128xi32, #tpu.memory_space<vmem>>, vector<16xi32>,
        tpu.vector_store %arg8[%swap3A_228], %shift_right_logical3A_227 {strides = array<i32>} : memref<128xi32, #tpu.memory_space<vmem>>, vector<16xi32>,
        %and3A_230 = arith.constant 3 : i32
        %and3A_231 = vector.broadcast %and3A_230 : i32 to vector<16xi32>
        %and3A_232 = arith.andi %get3A_224, %and3A_231 : vector<16xi32>
        %mul3A_233 = arith.constant 32 : i32
        %mul3A_234 = vector.broadcast %mul3A_233 : i32 to vector<16xi32>
        %mul3A_235 = arith.muli %and3A_232, %mul3A_234 : vector<16xi32>
        %swap3A_236 = arith.constant 16 : index
        %swap3A_237 = tpu.vector_load %arg9[%swap3A_236] {strides = array<i32>} : memref<128xi32, #tpu.memory_space<vmem>>, vector<16xi32>,
        tpu.vector_store %arg9[%swap3A_236], %mul3A_235 {strides = array<i32>} : memref<128xi32, #tpu.memory_space<vmem>>, vector<16xi32>,
        %get3A_238 = arith.index_cast %add3A_205 : i32 to index
        %get3A_239 = arith.constant 32 : index
        %get3A_240 = tpu.vector_load %arg5[%get3A_238, %get3A_239] {strides = array<i32>} : memref<8x128xi32, #tpu.memory_space<vmem>>, vector<16xi32>,
        %shift_right_logical3A_241 = arith.constant 2 : i32
        %shift_right_logical3A_242 = vector.broadcast %shift_right_logical3A_241 : i32 to vector<16xi32>
        %shift_right_logical3A_243 = arith.shrui %get3A_240, %shift_right_logical3A_242 : vector<16xi32>
        %swap3A_244 = arith.constant 32 : index
        %swap3A_245 = tpu.vector_load %arg8[%swap3A_244] {strides = array<i32>} : memref<128xi32, #tpu.memory_space<vmem>>, vector<16xi32>,
        tpu.vector_store %arg8[%swap3A_244], %shift_right_logical3A_243 {strides = array<i32>} : memref<128xi32, #tpu.memory_space<vmem>>, vector<16xi32>,
        %and3A_246 = arith.constant 3 : i32
        %and3A_247 = vector.broadcast %and3A_246 : i32 to vector<16xi32>
        %and3A_248 = arith.andi %get3A_240, %and3A_247 : vector<16xi32>
        %mul3A_249 = arith.constant 32 : i32
        %mul3A_250 = vector.broadcast %mul3A_249 : i32 to vector<16xi32>
        %mul3A_251 = arith.muli %and3A_248, %mul3A_250 : vector<16xi32>
        %swap3A_252 = arith.constant 32 : index
        %swap3A_253 = tpu.vector_load %arg9[%swap3A_252] {strides = array<i32>} : memref<128xi32, #tpu.memory_space<vmem>>, vector<16xi32>,
        tpu.vector_store %arg9[%swap3A_252], %mul3A_251 {strides = array<i32>} : memref<128xi32, #tpu.memory_space<vmem>>, vector<16xi32>,
        %get3A_254 = arith.index_cast %add3A_205 : i32 to index
        %get3A_255 = arith.constant 48 : index
        %get3A_256 = tpu.vector_load %arg5[%get3A_254, %get3A_255] {strides = array<i32>} : memref<8x128xi32, #tpu.memory_space<vmem>>, vector<16xi32>,
        %shift_right_logical3A_257 = arith.constant 2 : i32
        %shift_right_logical3A_258 = vector.broadcast %shift_right_logical3A_257 : i32 to vector<16xi32>
        %shift_right_logical3A_259 = arith.shrui %get3A_256, %shift_right_logical3A_258 : vector<16xi32>
        %swap3A_260 = arith.constant 48 : index
        %swap3A_261 = tpu.vector_load %arg8[%swap3A_260] {strides = array<i32>} : memref<128xi32, #tpu.memory_space<vmem>>, vector<16xi32>,
        tpu.vector_store %arg8[%swap3A_260], %shift_right_logical3A_259 {strides = array<i32>} : memref<128xi32, #tpu.memory_space<vmem>>, vector<16xi32>,
        %and3A_262 = arith.constant 3 : i32
        %and3A_263 = vector.broadcast %and3A_262 : i32 to vector<16xi32>
        %and3A_264 = arith.andi %get3A_256, %and3A_263 : vector<16xi32>
        %mul3A_265 = arith.constant 32 : i32
        %mul3A_266 = vector.broadcast %mul3A_265 : i32 to vector<16xi32>
        %mul3A_267 = arith.muli %and3A_264, %mul3A_266 : vector<16xi32>
        %swap3A_268 = arith.constant 48 : index
        %swap3A_269 = tpu.vector_load %arg9[%swap3A_268] {strides = array<i32>} : memref<128xi32, #tpu.memory_space<vmem>>, vector<16xi32>,
        tpu.vector_store %arg9[%swap3A_268], %mul3A_267 {strides = array<i32>} : memref<128xi32, #tpu.memory_space<vmem>>, vector<16xi32>,
        %get3A_270 = arith.index_cast %add3A_205 : i32 to index
        %get3A_271 = arith.constant 64 : index
        %get3A_272 = tpu.vector_load %arg5[%get3A_270, %get3A_271] {strides = array<i32>} : memref<8x128xi32, #tpu.memory_space<vmem>>, vector<16xi32>,
        %shift_right_logical3A_273 = arith.constant 2 : i32
        %shift_right_logical3A_274 = vector.broadcast %shift_right_logical3A_273 : i32 to vector<16xi32>
        %shift_right_logical3A_275 = arith.shrui %get3A_272, %shift_right_logical3A_274 : vector<16xi32>
        %swap3A_276 = arith.constant 64 : index
        %swap3A_277 = tpu.vector_load %arg8[%swap3A_276] {strides = array<i32>} : memref<128xi32, #tpu.memory_space<vmem>>, vector<16xi32>,
        tpu.vector_store %arg8[%swap3A_276], %shift_right_logical3A_275 {strides = array<i32>} : memref<128xi32, #tpu.memory_space<vmem>>, vector<16xi32>,
        %and3A_278 = arith.constant 3 : i32
        %and3A_279 = vector.broadcast %and3A_278 : i32 to vector<16xi32>
        %and3A_280 = arith.andi %get3A_272, %and3A_279 : vector<16xi32>
        %mul3A_281 = arith.constant 32 : i32
        %mul3A_282 = vector.broadcast %mul3A_281 : i32 to vector<16xi32>
        %mul3A_283 = arith.muli %and3A_280, %mul3A_282 : vector<16xi32>
        %swap3A_284 = arith.constant 64 : index
        %swap3A_285 = tpu.vector_load %arg9[%swap3A_284] {strides = array<i32>} : memref<128xi32, #tpu.memory_space<vmem>>, vector<16xi32>,
        tpu.vector_store %arg9[%swap3A_284], %mul3A_283 {strides = array<i32>} : memref<128xi32, #tpu.memory_space<vmem>>, vector<16xi32>,
        %get3A_286 = arith.index_cast %add3A_205 : i32 to index
        %get3A_287 = arith.constant 80 : index
        %get3A_288 = tpu.vector_load %arg5[%get3A_286, %get3A_287] {strides = array<i32>} : memref<8x128xi32, #tpu.memory_space<vmem>>, vector<16xi32>,
        %shift_right_logical3A_289 = arith.constant 2 : i32
        %shift_right_logical3A_290 = vector.broadcast %shift_right_logical3A_289 : i32 to vector<16xi32>
        %shift_right_logical3A_291 = arith.shrui %get3A_288, %shift_right_logical3A_290 : vector<16xi32>
        %swap3A_292 = arith.constant 80 : index
        %swap3A_293 = tpu.vector_load %arg8[%swap3A_292] {strides = array<i32>} : memref<128xi32, #tpu.memory_space<vmem>>, vector<16xi32>,
        tpu.vector_store %arg8[%swap3A_292], %shift_right_logical3A_291 {strides = array<i32>} : memref<128xi32, #tpu.memory_space<vmem>>, vector<16xi32>,
        %and3A_294 = arith.constant 3 : i32
        %and3A_295 = vector.broadcast %and3A_294 : i32 to vector<16xi32>
        %and3A_296 = arith.andi %get3A_288, %and3A_295 : vector<16xi32>
        %mul3A_297 = arith.constant 32 : i32
        %mul3A_298 = vector.broadcast %mul3A_297 : i32 to vector<16xi32>
        %mul3A_299 = arith.muli %and3A_296, %mul3A_298 : vector<16xi32>
        %swap3A_300 = arith.constant 80 : index
        %swap3A_301 = tpu.vector_load %arg9[%swap3A_300] {strides = array<i32>} : memref<128xi32, #tpu.memory_space<vmem>>, vector<16xi32>,
        tpu.vector_store %arg9[%swap3A_300], %mul3A_299 {strides = array<i32>} : memref<128xi32, #tpu.memory_space<vmem>>, vector<16xi32>,
        %get3A_302 = arith.index_cast %add3A_205 : i32 to index
        %get3A_303 = arith.constant 96 : index
        %get3A_304 = tpu.vector_load %arg5[%get3A_302, %get3A_303] {strides = array<i32>} : memref<8x128xi32, #tpu.memory_space<vmem>>, vector<16xi32>,
        %shift_right_logical3A_305 = arith.constant 2 : i32
        %shift_right_logical3A_306 = vector.broadcast %shift_right_logical3A_305 : i32 to vector<16xi32>
        %shift_right_logical3A_307 = arith.shrui %get3A_304, %shift_right_logical3A_306 : vector<16xi32>
        %swap3A_308 = arith.constant 96 : index
        %swap3A_309 = tpu.vector_load %arg8[%swap3A_308] {strides = array<i32>} : memref<128xi32, #tpu.memory_space<vmem>>, vector<16xi32>,
        tpu.vector_store %arg8[%swap3A_308], %shift_right_logical3A_307 {strides = array<i32>} : memref<128xi32, #tpu.memory_space<vmem>>, vector<16xi32>,
        %and3A_310 = arith.constant 3 : i32
        %and3A_311 = vector.broadcast %and3A_310 : i32 to vector<16xi32>
        %and3A_312 = arith.andi %get3A_304, %and3A_311 : vector<16xi32>
        %mul3A_313 = arith.constant 32 : i32
        %mul3A_314 = vector.broadcast %mul3A_313 : i32 to vector<16xi32>
        %mul3A_315 = arith.muli %and3A_312, %mul3A_314 : vector<16xi32>
        %swap3A_316 = arith.constant 96 : index
        %swap3A_317 = tpu.vector_load %arg9[%swap3A_316] {strides = array<i32>} : memref<128xi32, #tpu.memory_space<vmem>>, vector<16xi32>,
        tpu.vector_store %arg9[%swap3A_316], %mul3A_315 {strides = array<i32>} : memref<128xi32, #tpu.memory_space<vmem>>, vector<16xi32>,
        %get3A_318 = arith.index_cast %add3A_205 : i32 to index
        %get3A_319 = arith.constant 112 : index
        %get3A_320 = tpu.vector_load %arg5[%get3A_318, %get3A_319] {strides = array<i32>} : memref<8x128xi32, #tpu.memory_space<vmem>>, vector<16xi32>,
        %shift_right_logical3A_321 = arith.constant 2 : i32
        %shift_right_logical3A_322 = vector.broadcast %shift_right_logical3A_321 : i32 to vector<16xi32>
        %shift_right_logical3A_323 = arith.shrui %get3A_320, %shift_right_logical3A_322 : vector<16xi32>
        %swap3A_324 = arith.constant 112 : index
        %swap3A_325 = tpu.vector_load %arg8[%swap3A_324] {strides = array<i32>} : memref<128xi32, #tpu.memory_space<vmem>>, vector<16xi32>,
        tpu.vector_store %arg8[%swap3A_324], %shift_right_logical3A_323 {strides = array<i32>} : memref<128xi32, #tpu.memory_space<vmem>>, vector<16xi32>,
        %and3A_326 = arith.constant 3 : i32
        %and3A_327 = vector.broadcast %and3A_326 : i32 to vector<16xi32>
        %and3A_328 = arith.andi %get3A_320, %and3A_327 : vector<16xi32>
        %mul3A_329 = arith.constant 32 : i32
        %mul3A_330 = vector.broadcast %mul3A_329 : i32 to vector<16xi32>
        %mul3A_331 = arith.muli %and3A_328, %mul3A_330 : vector<16xi32>
        %swap3A_332 = arith.constant 112 : index
        %swap3A_333 = tpu.vector_load %arg9[%swap3A_332] {strides = array<i32>} : memref<128xi32, #tpu.memory_space<vmem>>, vector<16xi32>,
        tpu.vector_store %arg9[%swap3A_332], %mul3A_331 {strides = array<i32>} : memref<128xi32, #tpu.memory_space<vmem>>, vector<16xi32>,
        %dma_wait3A_334 = arith.constant 0 : i32
        %dma_wait3A_335 = arith.constant 0 : i32
        %dma_wait3A_336 = tpu.memref_slice %arg2[%dma_wait3A_334, %dma_wait3A_335] : memref<250000x128xf32, #tpu.memory_space<hbm>> -> memref<250000x128xf32, #tpu.memory_space<hbm>>
        tpu.wait_indirect_dma semaphore(%arg14 : memref<!tpu.dma_semaphore, #tpu.memory_space<semaphore_mem>>) src(%dma_wait3A_336 : memref<250000x128xf32, #tpu.memory_space<hbm>>) dst(%arg10 : memref<128x128xf32, #tpu.memory_space<vmem>>)
        %dma_start3A_337 = arith.constant 0 : i32
        %dma_start3A_338 = arith.constant 0 : i32
        %dma_start3A_339 = tpu.memref_slice %arg2[%dma_start3A_337, %dma_start3A_338] : memref<250000x128xf32, #tpu.memory_space<hbm>> -> memref<250000x128xf32, #tpu.memory_space<hbm>>
        tpu.enqueue_indirect_dma source(%dma_start3A_339 : memref<250000x128xf32, #tpu.memory_space<hbm>>) target(%arg11 : memref<128x128xf32, #tpu.memory_space<vmem>>) offsets(%arg8 : memref<128xi32, #tpu.memory_space<vmem>>) semaphore(%arg14 : memref<!tpu.dma_semaphore, #tpu.memory_space<semaphore_mem>>)
        %scan3A_340 = arith.constant 0 : i32
        %scan3A_341 = arith.constant 0 : i32
        %scan3A_342 = arith.constant 8 : i32
        %scan3A_343 = arith.addi %scan3A_341, %scan3A_342 : i32
        %scan3A_344 = arith.constant 1 : i32
        scf.for %scan3A_388 = %scan3A_341 to %scan3A_343 step %scan3A_344  : i32 {
          %mul3A_389 = arith.constant 16 : i32
          %mul3A_390 = arith.muli %scan3A_388, %mul3A_389 : i32
          %get3A_391 = arith.index_cast %mul3A_390 : i32 to index
          %get3A_392 = tpu.vector_load %arg7[%get3A_391] {strides = array<i32>} : memref<128xi32, #tpu.memory_space<vmem>>, vector<16xi32>,
          %mul3A_393 = arith.constant 16 : i32
          %mul3A_394 = arith.muli %scan3A_388, %mul3A_393 : i32
          %iota3A = tpu.iota {dimensions = array<i32: 0>} : vector<16xi32>
          %add3A_395 = vector.broadcast %mul3A_394 : i32 to vector<16xi32>
          %add3A_396 = arith.addi %add3A_395, %iota3A : vector<16xi32>
          %add3A_397 = arith.constant 0 : i32
          %add3A_398 = vector.broadcast %add3A_397 : i32 to vector<16xi32>
          %add3A_399 = arith.addi %get3A_392, %add3A_398 : vector<16xi32>
          %gather3A = tpu.vector_load_idx %arg10[%add3A_396, %add3A_399] : memref<128x128xf32, #tpu.memory_space<vmem>>[vector<16xi32>, vector<16xi32>], vector<16xf32>,
          %mul3A_400 = arith.constant 16 : i32
          %mul3A_401 = arith.muli %scan3A_388, %mul3A_400 : i32
          %swap3A_402 = arith.constant 0 : i32
          %swap3A_403 = arith.index_cast %swap3A_402 : i32 to index
          %swap3A_404 = arith.index_cast %mul3A_401 : i32 to index
          %swap3A_405 = tpu.vector_load %arg12[%swap3A_403, %swap3A_404] {strides = array<i32>} : memref<32x128xf32, #tpu.memory_space<vmem>>, vector<16xf32>,
          tpu.vector_store %arg12[%swap3A_403, %swap3A_404], %gather3A {strides = array<i32>} : memref<32x128xf32, #tpu.memory_space<vmem>>, vector<16xf32>,
          %add3A_406 = arith.constant 1 : i32
          %add3A_407 = vector.broadcast %add3A_406 : i32 to vector<16xi32>
          %add3A_408 = arith.addi %get3A_392, %add3A_407 : vector<16xi32>
          %gather3A_409 = tpu.vector_load_idx %arg10[%add3A_396, %add3A_408] : memref<128x128xf32, #tpu.memory_space<vmem>>[vector<16xi32>, vector<16xi32>], vector<16xf32>,
          %mul3A_410 = arith.constant 16 : i32
          %mul3A_411 = arith.muli %scan3A_388, %mul3A_410 : i32
          %swap3A_412 = arith.constant 1 : i32
          %swap3A_413 = arith.index_cast %swap3A_412 : i32 to index
          %swap3A_414 = arith.index_cast %mul3A_411 : i32 to index
          %swap3A_415 = tpu.vector_load %arg12[%swap3A_413, %swap3A_414] {strides = array<i32>} : memref<32x128xf32, #tpu.memory_space<vmem>>, vector<16xf32>,
          tpu.vector_store %arg12[%swap3A_413, %swap3A_414], %gather3A_409 {strides = array<i32>} : memref<32x128xf32, #tpu.memory_space<vmem>>, vector<16xf32>,
          %add3A_416 = arith.constant 2 : i32
          %add3A_417 = vector.broadcast %add3A_416 : i32 to vector<16xi32>
          %add3A_418 = arith.addi %get3A_392, %add3A_417 : vector<16xi32>
          %gather3A_419 = tpu.vector_load_idx %arg10[%add3A_396, %add3A_418] : memref<128x128xf32, #tpu.memory_space<vmem>>[vector<16xi32>, vector<16xi32>], vector<16xf32>,
          %mul3A_420 = arith.constant 16 : i32
          %mul3A_421 = arith.muli %scan3A_388, %mul3A_420 : i32
          %swap3A_422 = arith.constant 2 : i32
          %swap3A_423 = arith.index_cast %swap3A_422 : i32 to index
          %swap3A_424 = arith.index_cast %mul3A_421 : i32 to index
          %swap3A_425 = tpu.vector_load %arg12[%swap3A_423, %swap3A_424] {strides = array<i32>} : memref<32x128xf32, #tpu.memory_space<vmem>>, vector<16xf32>,
          tpu.vector_store %arg12[%swap3A_423, %swap3A_424], %gather3A_419 {strides = array<i32>} : memref<32x128xf32, #tpu.memory_space<vmem>>, vector<16xf32>,
          %add3A_426 = arith.constant 3 : i32
          %add3A_427 = vector.broadcast %add3A_426 : i32 to vector<16xi32>
          %add3A_428 = arith.addi %get3A_392, %add3A_427 : vector<16xi32>
          %gather3A_429 = tpu.vector_load_idx %arg10[%add3A_396, %add3A_428] : memref<128x128xf32, #tpu.memory_space<vmem>>[vector<16xi32>, vector<16xi32>], vector<16xf32>,
          %mul3A_430 = arith.constant 16 : i32
          %mul3A_431 = arith.muli %scan3A_388, %mul3A_430 : i32
          %swap3A_432 = arith.constant 3 : i32
          %swap3A_433 = arith.index_cast %swap3A_432 : i32 to index
          %swap3A_434 = arith.index_cast %mul3A_431 : i32 to index
          %swap3A_435 = tpu.vector_load %arg12[%swap3A_433, %swap3A_434] {strides = array<i32>} : memref<32x128xf32, #tpu.memory_space<vmem>>, vector<16xf32>,
          tpu.vector_store %arg12[%swap3A_433, %swap3A_434], %gather3A_429 {strides = array<i32>} : memref<32x128xf32, #tpu.memory_space<vmem>>, vector<16xf32>,
          %add3A_436 = arith.constant 4 : i32
          %add3A_437 = vector.broadcast %add3A_436 : i32 to vector<16xi32>
          %add3A_438 = arith.addi %get3A_392, %add3A_437 : vector<16xi32>
          %gather3A_439 = tpu.vector_load_idx %arg10[%add3A_396, %add3A_438] : memref<128x128xf32, #tpu.memory_space<vmem>>[vector<16xi32>, vector<16xi32>], vector<16xf32>,
          %mul3A_440 = arith.constant 16 : i32
          %mul3A_441 = arith.muli %scan3A_388, %mul3A_440 : i32
          %swap3A_442 = arith.constant 4 : i32
          %swap3A_443 = arith.index_cast %swap3A_442 : i32 to index
          %swap3A_444 = arith.index_cast %mul3A_441 : i32 to index
          %swap3A_445 = tpu.vector_load %arg12[%swap3A_443, %swap3A_444] {strides = array<i32>} : memref<32x128xf32, #tpu.memory_space<vmem>>, vector<16xf32>,
          tpu.vector_store %arg12[%swap3A_443, %swap3A_444], %gather3A_439 {strides = array<i32>} : memref<32x128xf32, #tpu.memory_space<vmem>>, vector<16xf32>,
          %add3A_446 = arith.constant 5 : i32
          %add3A_447 = vector.broadcast %add3A_446 : i32 to vector<16xi32>
          %add3A_448 = arith.addi %get3A_392, %add3A_447 : vector<16xi32>
          %gather3A_449 = tpu.vector_load_idx %arg10[%add3A_396, %add3A_448] : memref<128x128xf32, #tpu.memory_space<vmem>>[vector<16xi32>, vector<16xi32>], vector<16xf32>,
          %mul3A_450 = arith.constant 16 : i32
          %mul3A_451 = arith.muli %scan3A_388, %mul3A_450 : i32
          %swap3A_452 = arith.constant 5 : i32
          %swap3A_453 = arith.index_cast %swap3A_452 : i32 to index
          %swap3A_454 = arith.index_cast %mul3A_451 : i32 to index
          %swap3A_455 = tpu.vector_load %arg12[%swap3A_453, %swap3A_454] {strides = array<i32>} : memref<32x128xf32, #tpu.memory_space<vmem>>, vector<16xf32>,
          tpu.vector_store %arg12[%swap3A_453, %swap3A_454], %gather3A_449 {strides = array<i32>} : memref<32x128xf32, #tpu.memory_space<vmem>>, vector<16xf32>,
          %add3A_456 = arith.constant 6 : i32
          %add3A_457 = vector.broadcast %add3A_456 : i32 to vector<16xi32>
          %add3A_458 = arith.addi %get3A_392, %add3A_457 : vector<16xi32>
          %gather3A_459 = tpu.vector_load_idx %arg10[%add3A_396, %add3A_458] : memref<128x128xf32, #tpu.memory_space<vmem>>[vector<16xi32>, vector<16xi32>], vector<16xf32>,
          %mul3A_460 = arith.constant 16 : i32
          %mul3A_461 = arith.muli %scan3A_388, %mul3A_460 : i32
          %swap3A_462 = arith.constant 6 : i32
          %swap3A_463 = arith.index_cast %swap3A_462 : i32 to index
          %swap3A_464 = arith.index_cast %mul3A_461 : i32 to index
          %swap3A_465 = tpu.vector_load %arg12[%swap3A_463, %swap3A_464] {strides = array<i32>} : memref<32x128xf32, #tpu.memory_space<vmem>>, vector<16xf32>,
          tpu.vector_store %arg12[%swap3A_463, %swap3A_464], %gather3A_459 {strides = array<i32>} : memref<32x128xf32, #tpu.memory_space<vmem>>, vector<16xf32>,
          %add3A_466 = arith.constant 7 : i32
          %add3A_467 = vector.broadcast %add3A_466 : i32 to vector<16xi32>
          %add3A_468 = arith.addi %get3A_392, %add3A_467 : vector<16xi32>
          %gather3A_469 = tpu.vector_load_idx %arg10[%add3A_396, %add3A_468] : memref<128x128xf32, #tpu.memory_space<vmem>>[vector<16xi32>, vector<16xi32>], vector<16xf32>,
          %mul3A_470 = arith.constant 16 : i32
          %mul3A_471 = arith.muli %scan3A_388, %mul3A_470 : i32
          %swap3A_472 = arith.constant 7 : i32
          %swap3A_473 = arith.index_cast %swap3A_472 : i32 to index
          %swap3A_474 = arith.index_cast %mul3A_471 : i32 to index
          %swap3A_475 = tpu.vector_load %arg12[%swap3A_473, %swap3A_474] {strides = array<i32>} : memref<32x128xf32, #tpu.memory_space<vmem>>, vector<16xf32>,
          tpu.vector_store %arg12[%swap3A_473, %swap3A_474], %gather3A_469 {strides = array<i32>} : memref<32x128xf32, #tpu.memory_space<vmem>>, vector<16xf32>,
          %add3A_476 = arith.constant 8 : i32
          %add3A_477 = vector.broadcast %add3A_476 : i32 to vector<16xi32>
          %add3A_478 = arith.addi %get3A_392, %add3A_477 : vector<16xi32>
          %gather3A_479 = tpu.vector_load_idx %arg10[%add3A_396, %add3A_478] : memref<128x128xf32, #tpu.memory_space<vmem>>[vector<16xi32>, vector<16xi32>], vector<16xf32>,
          %mul3A_480 = arith.constant 16 : i32
          %mul3A_481 = arith.muli %scan3A_388, %mul3A_480 : i32
          %swap3A_482 = arith.constant 8 : i32
          %swap3A_483 = arith.index_cast %swap3A_482 : i32 to index
          %swap3A_484 = arith.index_cast %mul3A_481 : i32 to index
          %swap3A_485 = tpu.vector_load %arg12[%swap3A_483, %swap3A_484] {strides = array<i32>} : memref<32x128xf32, #tpu.memory_space<vmem>>, vector<16xf32>,
          tpu.vector_store %arg12[%swap3A_483, %swap3A_484], %gather3A_479 {strides = array<i32>} : memref<32x128xf32, #tpu.memory_space<vmem>>, vector<16xf32>,
          %add3A_486 = arith.constant 9 : i32
          %add3A_487 = vector.broadcast %add3A_486 : i32 to vector<16xi32>
          %add3A_488 = arith.addi %get3A_392, %add3A_487 : vector<16xi32>
          %gather3A_489 = tpu.vector_load_idx %arg10[%add3A_396, %add3A_488] : memref<128x128xf32, #tpu.memory_space<vmem>>[vector<16xi32>, vector<16xi32>], vector<16xf32>,
          %mul3A_490 = arith.constant 16 : i32
          %mul3A_491 = arith.muli %scan3A_388, %mul3A_490 : i32
          %swap3A_492 = arith.constant 9 : i32
          %swap3A_493 = arith.index_cast %swap3A_492 : i32 to index
          %swap3A_494 = arith.index_cast %mul3A_491 : i32 to index
          %swap3A_495 = tpu.vector_load %arg12[%swap3A_493, %swap3A_494] {strides = array<i32>} : memref<32x128xf32, #tpu.memory_space<vmem>>, vector<16xf32>,
          tpu.vector_store %arg12[%swap3A_493, %swap3A_494], %gather3A_489 {strides = array<i32>} : memref<32x128xf32, #tpu.memory_space<vmem>>, vector<16xf32>,
          %add3A_496 = arith.constant 10 : i32
          %add3A_497 = vector.broadcast %add3A_496 : i32 to vector<16xi32>
          %add3A_498 = arith.addi %get3A_392, %add3A_497 : vector<16xi32>
          %gather3A_499 = tpu.vector_load_idx %arg10[%add3A_396, %add3A_498] : memref<128x128xf32, #tpu.memory_space<vmem>>[vector<16xi32>, vector<16xi32>], vector<16xf32>,
          %mul3A_500 = arith.constant 16 : i32
          %mul3A_501 = arith.muli %scan3A_388, %mul3A_500 : i32
          %swap3A_502 = arith.constant 10 : i32
          %swap3A_503 = arith.index_cast %swap3A_502 : i32 to index
          %swap3A_504 = arith.index_cast %mul3A_501 : i32 to index
          %swap3A_505 = tpu.vector_load %arg12[%swap3A_503, %swap3A_504] {strides = array<i32>} : memref<32x128xf32, #tpu.memory_space<vmem>>, vector<16xf32>,
          tpu.vector_store %arg12[%swap3A_503, %swap3A_504], %gather3A_499 {strides = array<i32>} : memref<32x128xf32, #tpu.memory_space<vmem>>, vector<16xf32>,
          %add3A_506 = arith.constant 11 : i32
          %add3A_507 = vector.broadcast %add3A_506 : i32 to vector<16xi32>
          %add3A_508 = arith.addi %get3A_392, %add3A_507 : vector<16xi32>
          %gather3A_509 = tpu.vector_load_idx %arg10[%add3A_396, %add3A_508] : memref<128x128xf32, #tpu.memory_space<vmem>>[vector<16xi32>, vector<16xi32>], vector<16xf32>,
          %mul3A_510 = arith.constant 16 : i32
          %mul3A_511 = arith.muli %scan3A_388, %mul3A_510 : i32
          %swap3A_512 = arith.constant 11 : i32
          %swap3A_513 = arith.index_cast %swap3A_512 : i32 to index
          %swap3A_514 = arith.index_cast %mul3A_511 : i32 to index
          %swap3A_515 = tpu.vector_load %arg12[%swap3A_513, %swap3A_514] {strides = array<i32>} : memref<32x128xf32, #tpu.memory_space<vmem>>, vector<16xf32>,
          tpu.vector_store %arg12[%swap3A_513, %swap3A_514], %gather3A_509 {strides = array<i32>} : memref<32x128xf32, #tpu.memory_space<vmem>>, vector<16xf32>,
          %add3A_516 = arith.constant 12 : i32
          %add3A_517 = vector.broadcast %add3A_516 : i32 to vector<16xi32>
          %add3A_518 = arith.addi %get3A_392, %add3A_517 : vector<16xi32>
          %gather3A_519 = tpu.vector_load_idx %arg10[%add3A_396, %add3A_518] : memref<128x128xf32, #tpu.memory_space<vmem>>[vector<16xi32>, vector<16xi32>], vector<16xf32>,
          %mul3A_520 = arith.constant 16 : i32
          %mul3A_521 = arith.muli %scan3A_388, %mul3A_520 : i32
          %swap3A_522 = arith.constant 12 : i32
          %swap3A_523 = arith.index_cast %swap3A_522 : i32 to index
          %swap3A_524 = arith.index_cast %mul3A_521 : i32 to index
          %swap3A_525 = tpu.vector_load %arg12[%swap3A_523, %swap3A_524] {strides = array<i32>} : memref<32x128xf32, #tpu.memory_space<vmem>>, vector<16xf32>,
          tpu.vector_store %arg12[%swap3A_523, %swap3A_524], %gather3A_519 {strides = array<i32>} : memref<32x128xf32, #tpu.memory_space<vmem>>, vector<16xf32>,
          %add3A_526 = arith.constant 13 : i32
          %add3A_527 = vector.broadcast %add3A_526 : i32 to vector<16xi32>
          %add3A_528 = arith.addi %get3A_392, %add3A_527 : vector<16xi32>
          %gather3A_529 = tpu.vector_load_idx %arg10[%add3A_396, %add3A_528] : memref<128x128xf32, #tpu.memory_space<vmem>>[vector<16xi32>, vector<16xi32>], vector<16xf32>,
          %mul3A_530 = arith.constant 16 : i32
          %mul3A_531 = arith.muli %scan3A_388, %mul3A_530 : i32
          %swap3A_532 = arith.constant 13 : i32
          %swap3A_533 = arith.index_cast %swap3A_532 : i32 to index
          %swap3A_534 = arith.index_cast %mul3A_531 : i32 to index
          %swap3A_535 = tpu.vector_load %arg12[%swap3A_533, %swap3A_534] {strides = array<i32>} : memref<32x128xf32, #tpu.memory_space<vmem>>, vector<16xf32>,
          tpu.vector_store %arg12[%swap3A_533, %swap3A_534], %gather3A_529 {strides = array<i32>} : memref<32x128xf32, #tpu.memory_space<vmem>>, vector<16xf32>,
          %add3A_536 = arith.constant 14 : i32
          %add3A_537 = vector.broadcast %add3A_536 : i32 to vector<16xi32>
          %add3A_538 = arith.addi %get3A_392, %add3A_537 : vector<16xi32>
          %gather3A_539 = tpu.vector_load_idx %arg10[%add3A_396, %add3A_538] : memref<128x128xf32, #tpu.memory_space<vmem>>[vector<16xi32>, vector<16xi32>], vector<16xf32>,
          %mul3A_540 = arith.constant 16 : i32
          %mul3A_541 = arith.muli %scan3A_388, %mul3A_540 : i32
          %swap3A_542 = arith.constant 14 : i32
          %swap3A_543 = arith.index_cast %swap3A_542 : i32 to index
          %swap3A_544 = arith.index_cast %mul3A_541 : i32 to index
          %swap3A_545 = tpu.vector_load %arg12[%swap3A_543, %swap3A_544] {strides = array<i32>} : memref<32x128xf32, #tpu.memory_space<vmem>>, vector<16xf32>,
          tpu.vector_store %arg12[%swap3A_543, %swap3A_544], %gather3A_539 {strides = array<i32>} : memref<32x128xf32, #tpu.memory_space<vmem>>, vector<16xf32>,
          %add3A_546 = arith.constant 15 : i32
          %add3A_547 = vector.broadcast %add3A_546 : i32 to vector<16xi32>
          %add3A_548 = arith.addi %get3A_392, %add3A_547 : vector<16xi32>
          %gather3A_549 = tpu.vector_load_idx %arg10[%add3A_396, %add3A_548] : memref<128x128xf32, #tpu.memory_space<vmem>>[vector<16xi32>, vector<16xi32>], vector<16xf32>,
          %mul3A_550 = arith.constant 16 : i32
          %mul3A_551 = arith.muli %scan3A_388, %mul3A_550 : i32
          %swap3A_552 = arith.constant 15 : i32
          %swap3A_553 = arith.index_cast %swap3A_552 : i32 to index
          %swap3A_554 = arith.index_cast %mul3A_551 : i32 to index
          %swap3A_555 = tpu.vector_load %arg12[%swap3A_553, %swap3A_554] {strides = array<i32>} : memref<32x128xf32, #tpu.memory_space<vmem>>, vector<16xf32>,
          tpu.vector_store %arg12[%swap3A_553, %swap3A_554], %gather3A_549 {strides = array<i32>} : memref<32x128xf32, #tpu.memory_space<vmem>>, vector<16xf32>,
          %add3A_556 = arith.constant 16 : i32
          %add3A_557 = vector.broadcast %add3A_556 : i32 to vector<16xi32>
          %add3A_558 = arith.addi %get3A_392, %add3A_557 : vector<16xi32>
          %gather3A_559 = tpu.vector_load_idx %arg10[%add3A_396, %add3A_558] : memref<128x128xf32, #tpu.memory_space<vmem>>[vector<16xi32>, vector<16xi32>], vector<16xf32>,
          %mul3A_560 = arith.constant 16 : i32
          %mul3A_561 = arith.muli %scan3A_388, %mul3A_560 : i32
          %swap3A_562 = arith.constant 16 : i32
          %swap3A_563 = arith.index_cast %swap3A_562 : i32 to index
          %swap3A_564 = arith.index_cast %mul3A_561 : i32 to index
          %swap3A_565 = tpu.vector_load %arg12[%swap3A_563, %swap3A_564] {strides = array<i32>} : memref<32x128xf32, #tpu.memory_space<vmem>>, vector<16xf32>,
          tpu.vector_store %arg12[%swap3A_563, %swap3A_564], %gather3A_559 {strides = array<i32>} : memref<32x128xf32, #tpu.memory_space<vmem>>, vector<16xf32>,
          %add3A_566 = arith.constant 17 : i32
          %add3A_567 = vector.broadcast %add3A_566 : i32 to vector<16xi32>
          %add3A_568 = arith.addi %get3A_392, %add3A_567 : vector<16xi32>
          %gather3A_569 = tpu.vector_load_idx %arg10[%add3A_396, %add3A_568] : memref<128x128xf32, #tpu.memory_space<vmem>>[vector<16xi32>, vector<16xi32>], vector<16xf32>,
          %mul3A_570 = arith.constant 16 : i32
          %mul3A_571 = arith.muli %scan3A_388, %mul3A_570 : i32
          %swap3A_572 = arith.constant 17 : i32
          %swap3A_573 = arith.index_cast %swap3A_572 : i32 to index
          %swap3A_574 = arith.index_cast %mul3A_571 : i32 to index
          %swap3A_575 = tpu.vector_load %arg12[%swap3A_573, %swap3A_574] {strides = array<i32>} : memref<32x128xf32, #tpu.memory_space<vmem>>, vector<16xf32>,
          tpu.vector_store %arg12[%swap3A_573, %swap3A_574], %gather3A_569 {strides = array<i32>} : memref<32x128xf32, #tpu.memory_space<vmem>>, vector<16xf32>,
          %add3A_576 = arith.constant 18 : i32
          %add3A_577 = vector.broadcast %add3A_576 : i32 to vector<16xi32>
          %add3A_578 = arith.addi %get3A_392, %add3A_577 : vector<16xi32>
          %gather3A_579 = tpu.vector_load_idx %arg10[%add3A_396, %add3A_578] : memref<128x128xf32, #tpu.memory_space<vmem>>[vector<16xi32>, vector<16xi32>], vector<16xf32>,
          %mul3A_580 = arith.constant 16 : i32
          %mul3A_581 = arith.muli %scan3A_388, %mul3A_580 : i32
          %swap3A_582 = arith.constant 18 : i32
          %swap3A_583 = arith.index_cast %swap3A_582 : i32 to index
          %swap3A_584 = arith.index_cast %mul3A_581 : i32 to index
          %swap3A_585 = tpu.vector_load %arg12[%swap3A_583, %swap3A_584] {strides = array<i32>} : memref<32x128xf32, #tpu.memory_space<vmem>>, vector<16xf32>,
          tpu.vector_store %arg12[%swap3A_583, %swap3A_584], %gather3A_579 {strides = array<i32>} : memref<32x128xf32, #tpu.memory_space<vmem>>, vector<16xf32>,
          %add3A_586 = arith.constant 19 : i32
          %add3A_587 = vector.broadcast %add3A_586 : i32 to vector<16xi32>
          %add3A_588 = arith.addi %get3A_392, %add3A_587 : vector<16xi32>
          %gather3A_589 = tpu.vector_load_idx %arg10[%add3A_396, %add3A_588] : memref<128x128xf32, #tpu.memory_space<vmem>>[vector<16xi32>, vector<16xi32>], vector<16xf32>,
          %mul3A_590 = arith.constant 16 : i32
          %mul3A_591 = arith.muli %scan3A_388, %mul3A_590 : i32
          %swap3A_592 = arith.constant 19 : i32
          %swap3A_593 = arith.index_cast %swap3A_592 : i32 to index
          %swap3A_594 = arith.index_cast %mul3A_591 : i32 to index
          %swap3A_595 = tpu.vector_load %arg12[%swap3A_593, %swap3A_594] {strides = array<i32>} : memref<32x128xf32, #tpu.memory_space<vmem>>, vector<16xf32>,
          tpu.vector_store %arg12[%swap3A_593, %swap3A_594], %gather3A_589 {strides = array<i32>} : memref<32x128xf32, #tpu.memory_space<vmem>>, vector<16xf32>,
          %add3A_596 = arith.constant 20 : i32
          %add3A_597 = vector.broadcast %add3A_596 : i32 to vector<16xi32>
          %add3A_598 = arith.addi %get3A_392, %add3A_597 : vector<16xi32>
          %gather3A_599 = tpu.vector_load_idx %arg10[%add3A_396, %add3A_598] : memref<128x128xf32, #tpu.memory_space<vmem>>[vector<16xi32>, vector<16xi32>], vector<16xf32>,
          %mul3A_600 = arith.constant 16 : i32
          %mul3A_601 = arith.muli %scan3A_388, %mul3A_600 : i32
          %swap3A_602 = arith.constant 20 : i32
          %swap3A_603 = arith.index_cast %swap3A_602 : i32 to index
          %swap3A_604 = arith.index_cast %mul3A_601 : i32 to index
          %swap3A_605 = tpu.vector_load %arg12[%swap3A_603, %swap3A_604] {strides = array<i32>} : memref<32x128xf32, #tpu.memory_space<vmem>>, vector<16xf32>,
          tpu.vector_store %arg12[%swap3A_603, %swap3A_604], %gather3A_599 {strides = array<i32>} : memref<32x128xf32, #tpu.memory_space<vmem>>, vector<16xf32>,
          %add3A_606 = arith.constant 21 : i32
          %add3A_607 = vector.broadcast %add3A_606 : i32 to vector<16xi32>
          %add3A_608 = arith.addi %get3A_392, %add3A_607 : vector<16xi32>
          %gather3A_609 = tpu.vector_load_idx %arg10[%add3A_396, %add3A_608] : memref<128x128xf32, #tpu.memory_space<vmem>>[vector<16xi32>, vector<16xi32>], vector<16xf32>,
          %mul3A_610 = arith.constant 16 : i32
          %mul3A_611 = arith.muli %scan3A_388, %mul3A_610 : i32
          %swap3A_612 = arith.constant 21 : i32
          %swap3A_613 = arith.index_cast %swap3A_612 : i32 to index
          %swap3A_614 = arith.index_cast %mul3A_611 : i32 to index
          %swap3A_615 = tpu.vector_load %arg12[%swap3A_613, %swap3A_614] {strides = array<i32>} : memref<32x128xf32, #tpu.memory_space<vmem>>, vector<16xf32>,
          tpu.vector_store %arg12[%swap3A_613, %swap3A_614], %gather3A_609 {strides = array<i32>} : memref<32x128xf32, #tpu.memory_space<vmem>>, vector<16xf32>,
          %add3A_616 = arith.constant 22 : i32
          %add3A_617 = vector.broadcast %add3A_616 : i32 to vector<16xi32>
          %add3A_618 = arith.addi %get3A_392, %add3A_617 : vector<16xi32>
          %gather3A_619 = tpu.vector_load_idx %arg10[%add3A_396, %add3A_618] : memref<128x128xf32, #tpu.memory_space<vmem>>[vector<16xi32>, vector<16xi32>], vector<16xf32>,
          %mul3A_620 = arith.constant 16 : i32
          %mul3A_621 = arith.muli %scan3A_388, %mul3A_620 : i32
          %swap3A_622 = arith.constant 22 : i32
          %swap3A_623 = arith.index_cast %swap3A_622 : i32 to index
          %swap3A_624 = arith.index_cast %mul3A_621 : i32 to index
          %swap3A_625 = tpu.vector_load %arg12[%swap3A_623, %swap3A_624] {strides = array<i32>} : memref<32x128xf32, #tpu.memory_space<vmem>>, vector<16xf32>,
          tpu.vector_store %arg12[%swap3A_623, %swap3A_624], %gather3A_619 {strides = array<i32>} : memref<32x128xf32, #tpu.memory_space<vmem>>, vector<16xf32>,
          %add3A_626 = arith.constant 23 : i32
          %add3A_627 = vector.broadcast %add3A_626 : i32 to vector<16xi32>
          %add3A_628 = arith.addi %get3A_392, %add3A_627 : vector<16xi32>
          %gather3A_629 = tpu.vector_load_idx %arg10[%add3A_396, %add3A_628] : memref<128x128xf32, #tpu.memory_space<vmem>>[vector<16xi32>, vector<16xi32>], vector<16xf32>,
          %mul3A_630 = arith.constant 16 : i32
          %mul3A_631 = arith.muli %scan3A_388, %mul3A_630 : i32
          %swap3A_632 = arith.constant 23 : i32
          %swap3A_633 = arith.index_cast %swap3A_632 : i32 to index
          %swap3A_634 = arith.index_cast %mul3A_631 : i32 to index
          %swap3A_635 = tpu.vector_load %arg12[%swap3A_633, %swap3A_634] {strides = array<i32>} : memref<32x128xf32, #tpu.memory_space<vmem>>, vector<16xf32>,
          tpu.vector_store %arg12[%swap3A_633, %swap3A_634], %gather3A_629 {strides = array<i32>} : memref<32x128xf32, #tpu.memory_space<vmem>>, vector<16xf32>,
          %add3A_636 = arith.constant 24 : i32
          %add3A_637 = vector.broadcast %add3A_636 : i32 to vector<16xi32>
          %add3A_638 = arith.addi %get3A_392, %add3A_637 : vector<16xi32>
          %gather3A_639 = tpu.vector_load_idx %arg10[%add3A_396, %add3A_638] : memref<128x128xf32, #tpu.memory_space<vmem>>[vector<16xi32>, vector<16xi32>], vector<16xf32>,
          %mul3A_640 = arith.constant 16 : i32
          %mul3A_641 = arith.muli %scan3A_388, %mul3A_640 : i32
          %swap3A_642 = arith.constant 24 : i32
          %swap3A_643 = arith.index_cast %swap3A_642 : i32 to index
          %swap3A_644 = arith.index_cast %mul3A_641 : i32 to index
          %swap3A_645 = tpu.vector_load %arg12[%swap3A_643, %swap3A_644] {strides = array<i32>} : memref<32x128xf32, #tpu.memory_space<vmem>>, vector<16xf32>,
          tpu.vector_store %arg12[%swap3A_643, %swap3A_644], %gather3A_639 {strides = array<i32>} : memref<32x128xf32, #tpu.memory_space<vmem>>, vector<16xf32>,
          %add3A_646 = arith.constant 25 : i32
          %add3A_647 = vector.broadcast %add3A_646 : i32 to vector<16xi32>
          %add3A_648 = arith.addi %get3A_392, %add3A_647 : vector<16xi32>
          %gather3A_649 = tpu.vector_load_idx %arg10[%add3A_396, %add3A_648] : memref<128x128xf32, #tpu.memory_space<vmem>>[vector<16xi32>, vector<16xi32>], vector<16xf32>,
          %mul3A_650 = arith.constant 16 : i32
          %mul3A_651 = arith.muli %scan3A_388, %mul3A_650 : i32
          %swap3A_652 = arith.constant 25 : i32
          %swap3A_653 = arith.index_cast %swap3A_652 : i32 to index
          %swap3A_654 = arith.index_cast %mul3A_651 : i32 to index
          %swap3A_655 = tpu.vector_load %arg12[%swap3A_653, %swap3A_654] {strides = array<i32>} : memref<32x128xf32, #tpu.memory_space<vmem>>, vector<16xf32>,
          tpu.vector_store %arg12[%swap3A_653, %swap3A_654], %gather3A_649 {strides = array<i32>} : memref<32x128xf32, #tpu.memory_space<vmem>>, vector<16xf32>,
          %add3A_656 = arith.constant 26 : i32
          %add3A_657 = vector.broadcast %add3A_656 : i32 to vector<16xi32>
          %add3A_658 = arith.addi %get3A_392, %add3A_657 : vector<16xi32>
          %gather3A_659 = tpu.vector_load_idx %arg10[%add3A_396, %add3A_658] : memref<128x128xf32, #tpu.memory_space<vmem>>[vector<16xi32>, vector<16xi32>], vector<16xf32>,
          %mul3A_660 = arith.constant 16 : i32
          %mul3A_661 = arith.muli %scan3A_388, %mul3A_660 : i32
          %swap3A_662 = arith.constant 26 : i32
          %swap3A_663 = arith.index_cast %swap3A_662 : i32 to index
          %swap3A_664 = arith.index_cast %mul3A_661 : i32 to index
          %swap3A_665 = tpu.vector_load %arg12[%swap3A_663, %swap3A_664] {strides = array<i32>} : memref<32x128xf32, #tpu.memory_space<vmem>>, vector<16xf32>,
          tpu.vector_store %arg12[%swap3A_663, %swap3A_664], %gather3A_659 {strides = array<i32>} : memref<32x128xf32, #tpu.memory_space<vmem>>, vector<16xf32>,
          %add3A_666 = arith.constant 27 : i32
          %add3A_667 = vector.broadcast %add3A_666 : i32 to vector<16xi32>
          %add3A_668 = arith.addi %get3A_392, %add3A_667 : vector<16xi32>
          %gather3A_669 = tpu.vector_load_idx %arg10[%add3A_396, %add3A_668] : memref<128x128xf32, #tpu.memory_space<vmem>>[vector<16xi32>, vector<16xi32>], vector<16xf32>,
          %mul3A_670 = arith.constant 16 : i32
          %mul3A_671 = arith.muli %scan3A_388, %mul3A_670 : i32
          %swap3A_672 = arith.constant 27 : i32
          %swap3A_673 = arith.index_cast %swap3A_672 : i32 to index
          %swap3A_674 = arith.index_cast %mul3A_671 : i32 to index
          %swap3A_675 = tpu.vector_load %arg12[%swap3A_673, %swap3A_674] {strides = array<i32>} : memref<32x128xf32, #tpu.memory_space<vmem>>, vector<16xf32>,
          tpu.vector_store %arg12[%swap3A_673, %swap3A_674], %gather3A_669 {strides = array<i32>} : memref<32x128xf32, #tpu.memory_space<vmem>>, vector<16xf32>,
          %add3A_676 = arith.constant 28 : i32
          %add3A_677 = vector.broadcast %add3A_676 : i32 to vector<16xi32>
          %add3A_678 = arith.addi %get3A_392, %add3A_677 : vector<16xi32>
          %gather3A_679 = tpu.vector_load_idx %arg10[%add3A_396, %add3A_678] : memref<128x128xf32, #tpu.memory_space<vmem>>[vector<16xi32>, vector<16xi32>], vector<16xf32>,
          %mul3A_680 = arith.constant 16 : i32
          %mul3A_681 = arith.muli %scan3A_388, %mul3A_680 : i32
          %swap3A_682 = arith.constant 28 : i32
          %swap3A_683 = arith.index_cast %swap3A_682 : i32 to index
          %swap3A_684 = arith.index_cast %mul3A_681 : i32 to index
          %swap3A_685 = tpu.vector_load %arg12[%swap3A_683, %swap3A_684] {strides = array<i32>} : memref<32x128xf32, #tpu.memory_space<vmem>>, vector<16xf32>,
          tpu.vector_store %arg12[%swap3A_683, %swap3A_684], %gather3A_679 {strides = array<i32>} : memref<32x128xf32, #tpu.memory_space<vmem>>, vector<16xf32>,
          %add3A_686 = arith.constant 29 : i32
          %add3A_687 = vector.broadcast %add3A_686 : i32 to vector<16xi32>
          %add3A_688 = arith.addi %get3A_392, %add3A_687 : vector<16xi32>
          %gather3A_689 = tpu.vector_load_idx %arg10[%add3A_396, %add3A_688] : memref<128x128xf32, #tpu.memory_space<vmem>>[vector<16xi32>, vector<16xi32>], vector<16xf32>,
          %mul3A_690 = arith.constant 16 : i32
          %mul3A_691 = arith.muli %scan3A_388, %mul3A_690 : i32
          %swap3A_692 = arith.constant 29 : i32
          %swap3A_693 = arith.index_cast %swap3A_692 : i32 to index
          %swap3A_694 = arith.index_cast %mul3A_691 : i32 to index
          %swap3A_695 = tpu.vector_load %arg12[%swap3A_693, %swap3A_694] {strides = array<i32>} : memref<32x128xf32, #tpu.memory_space<vmem>>, vector<16xf32>,
          tpu.vector_store %arg12[%swap3A_693, %swap3A_694], %gather3A_689 {strides = array<i32>} : memref<32x128xf32, #tpu.memory_space<vmem>>, vector<16xf32>,
          %add3A_696 = arith.constant 30 : i32
          %add3A_697 = vector.broadcast %add3A_696 : i32 to vector<16xi32>
          %add3A_698 = arith.addi %get3A_392, %add3A_697 : vector<16xi32>
          %gather3A_699 = tpu.vector_load_idx %arg10[%add3A_396, %add3A_698] : memref<128x128xf32, #tpu.memory_space<vmem>>[vector<16xi32>, vector<16xi32>], vector<16xf32>,
          %mul3A_700 = arith.constant 16 : i32
          %mul3A_701 = arith.muli %scan3A_388, %mul3A_700 : i32
          %swap3A_702 = arith.constant 30 : i32
          %swap3A_703 = arith.index_cast %swap3A_702 : i32 to index
          %swap3A_704 = arith.index_cast %mul3A_701 : i32 to index
          %swap3A_705 = tpu.vector_load %arg12[%swap3A_703, %swap3A_704] {strides = array<i32>} : memref<32x128xf32, #tpu.memory_space<vmem>>, vector<16xf32>,
          tpu.vector_store %arg12[%swap3A_703, %swap3A_704], %gather3A_699 {strides = array<i32>} : memref<32x128xf32, #tpu.memory_space<vmem>>, vector<16xf32>,
          %add3A_706 = arith.constant 31 : i32
          %add3A_707 = vector.broadcast %add3A_706 : i32 to vector<16xi32>
          %add3A_708 = arith.addi %get3A_392, %add3A_707 : vector<16xi32>
          %gather3A_709 = tpu.vector_load_idx %arg10[%add3A_396, %add3A_708] : memref<128x128xf32, #tpu.memory_space<vmem>>[vector<16xi32>, vector<16xi32>], vector<16xf32>,
          %mul3A_710 = arith.constant 16 : i32
          %mul3A_711 = arith.muli %scan3A_388, %mul3A_710 : i32
          %swap3A_712 = arith.constant 31 : i32
          %swap3A_713 = arith.index_cast %swap3A_712 : i32 to index
          %swap3A_714 = arith.index_cast %mul3A_711 : i32 to index
          %swap3A_715 = tpu.vector_load %arg12[%swap3A_713, %swap3A_714] {strides = array<i32>} : memref<32x128xf32, #tpu.memory_space<vmem>>, vector<16xf32>,
          tpu.vector_store %arg12[%swap3A_713, %swap3A_714], %gather3A_709 {strides = array<i32>} : memref<32x128xf32, #tpu.memory_space<vmem>>, vector<16xf32>,
        }
        %scan3A_345 = arith.constant 8 : i32
        %mul3A_346 = arith.constant 2 : i32
        %mul3A_347 = arith.muli %mul3A_346, %scan3A_199 : i32
        %add3A_348 = arith.addi %mul3A_36, %mul3A_347 : i32
        %mul3A_349 = arith.constant 128 : i32
        %mul3A_350 = arith.muli %sub3A_34, %mul3A_349 : i32
        %dma_start3A_351 = arith.constant 0 : i32
        %dma_start3A_352 = tpu.memref_slice %arg4[%add3A_348, %dma_start3A_351, %mul3A_350] : memref<50x32x16384xf32, #tpu.memory_space<hbm>> -> memref<1x32x128xf32, #tpu.memory_space<hbm>>
        %dma_start3A_353 = tpu.memref_squeeze %dma_start3A_352 : memref<1x32x128xf32, #tpu.memory_space<hbm>> -> memref<32x128xf32, #tpu.memory_space<hbm>>
        %dma_start3A_354 = arith.constant 0 : i32
        %dma_start3A_355 = tpu.memref_slice %arg4[%add3A_348, %dma_start3A_354, %mul3A_350] : memref<50x32x16384xf32, #tpu.memory_space<hbm>> -> memref<1x32x128xf32, #tpu.memory_space<hbm>>
        %dma_start3A_356 = tpu.memref_squeeze %dma_start3A_355 : memref<1x32x128xf32, #tpu.memory_space<hbm>> -> memref<32x128xf32, #tpu.memory_space<hbm>>
        tpu.enqueue_dma source(%arg12 : memref<32x128xf32, #tpu.memory_space<vmem>>) target(%dma_start3A_356 : memref<32x128xf32, #tpu.memory_space<hbm>>) target_semaphore(%arg15 : memref<!tpu.dma_semaphore, #tpu.memory_space<semaphore_mem>>)
        %lt3A = arith.constant 3 : i32
        %lt3A_357 = arith.cmpi slt, %scan3A_199, %lt3A : i32
        %convert_element_type3A_358 = arith.extui %lt3A_357 : i1 to i32
        %cond3A_359 = arith.constant 0 : i32
        %cond3A_360 = arith.cmpi ne, %convert_element_type3A_358, %cond3A_359 : i32
        scf.if %cond3A_360 {
          %mul3A_388 = arith.constant 2 : i32
          %mul3A_389 = arith.muli %mul3A_388, %scan3A_199 : i32
          %add3A_390 = arith.constant 2 : i32
          %add3A_391 = arith.addi %mul3A_389, %add3A_390 : i32
          %get3A_392 = arith.index_cast %add3A_391 : i32 to index
          %get3A_393 = arith.constant 0 : index
          %get3A_394 = tpu.vector_load %arg5[%get3A_392, %get3A_393] {strides = array<i32>} : memref<8x128xi32, #tpu.memory_space<vmem>>, vector<16xi32>,
          %shift_right_logical3A_395 = arith.constant 2 : i32
          %shift_right_logical3A_396 = vector.broadcast %shift_right_logical3A_395 : i32 to vector<16xi32>
          %shift_right_logical3A_397 = arith.shrui %get3A_394, %shift_right_logical3A_396 : vector<16xi32>
          %swap3A_398 = arith.constant 0 : index
          %swap3A_399 = tpu.vector_load %arg6[%swap3A_398] {strides = array<i32>} : memref<128xi32, #tpu.memory_space<vmem>>, vector<16xi32>,
          tpu.vector_store %arg6[%swap3A_398], %shift_right_logical3A_397 {strides = array<i32>} : memref<128xi32, #tpu.memory_space<vmem>>, vector<16xi32>,
          %and3A_400 = arith.constant 3 : i32
          %and3A_401 = vector.broadcast %and3A_400 : i32 to vector<16xi32>
          %and3A_402 = arith.andi %get3A_394, %and3A_401 : vector<16xi32>
          %mul3A_403 = arith.constant 32 : i32
          %mul3A_404 = vector.broadcast %mul3A_403 : i32 to vector<16xi32>
          %mul3A_405 = arith.muli %and3A_402, %mul3A_404 : vector<16xi32>
          %swap3A_406 = arith.constant 0 : index
          %swap3A_407 = tpu.vector_load %arg7[%swap3A_406] {strides = array<i32>} : memref<128xi32, #tpu.memory_space<vmem>>, vector<16xi32>,
          tpu.vector_store %arg7[%swap3A_406], %mul3A_405 {strides = array<i32>} : memref<128xi32, #tpu.memory_space<vmem>>, vector<16xi32>,
          %get3A_408 = arith.index_cast %add3A_391 : i32 to index
          %get3A_409 = arith.constant 16 : index
          %get3A_410 = tpu.vector_load %arg5[%get3A_408, %get3A_409] {strides = array<i32>} : memref<8x128xi32, #tpu.memory_space<vmem>>, vector<16xi32>,
          %shift_right_logical3A_411 = arith.constant 2 : i32
          %shift_right_logical3A_412 = vector.broadcast %shift_right_logical3A_411 : i32 to vector<16xi32>
          %shift_right_logical3A_413 = arith.shrui %get3A_410, %shift_right_logical3A_412 : vector<16xi32>
          %swap3A_414 = arith.constant 16 : index
          %swap3A_415 = tpu.vector_load %arg6[%swap3A_414] {strides = array<i32>} : memref<128xi32, #tpu.memory_space<vmem>>, vector<16xi32>,
          tpu.vector_store %arg6[%swap3A_414], %shift_right_logical3A_413 {strides = array<i32>} : memref<128xi32, #tpu.memory_space<vmem>>, vector<16xi32>,
          %and3A_416 = arith.constant 3 : i32
          %and3A_417 = vector.broadcast %and3A_416 : i32 to vector<16xi32>
          %and3A_418 = arith.andi %get3A_410, %and3A_417 : vector<16xi32>
          %mul3A_419 = arith.constant 32 : i32
          %mul3A_420 = vector.broadcast %mul3A_419 : i32 to vector<16xi32>
          %mul3A_421 = arith.muli %and3A_418, %mul3A_420 : vector<16xi32>
          %swap3A_422 = arith.constant 16 : index
          %swap3A_423 = tpu.vector_load %arg7[%swap3A_422] {strides = array<i32>} : memref<128xi32, #tpu.memory_space<vmem>>, vector<16xi32>,
          tpu.vector_store %arg7[%swap3A_422], %mul3A_421 {strides = array<i32>} : memref<128xi32, #tpu.memory_space<vmem>>, vector<16xi32>,
          %get3A_424 = arith.index_cast %add3A_391 : i32 to index
          %get3A_425 = arith.constant 32 : index
          %get3A_426 = tpu.vector_load %arg5[%get3A_424, %get3A_425] {strides = array<i32>} : memref<8x128xi32, #tpu.memory_space<vmem>>, vector<16xi32>,
          %shift_right_logical3A_427 = arith.constant 2 : i32
          %shift_right_logical3A_428 = vector.broadcast %shift_right_logical3A_427 : i32 to vector<16xi32>
          %shift_right_logical3A_429 = arith.shrui %get3A_426, %shift_right_logical3A_428 : vector<16xi32>
          %swap3A_430 = arith.constant 32 : index
          %swap3A_431 = tpu.vector_load %arg6[%swap3A_430] {strides = array<i32>} : memref<128xi32, #tpu.memory_space<vmem>>, vector<16xi32>,
          tpu.vector_store %arg6[%swap3A_430], %shift_right_logical3A_429 {strides = array<i32>} : memref<128xi32, #tpu.memory_space<vmem>>, vector<16xi32>,
          %and3A_432 = arith.constant 3 : i32
          %and3A_433 = vector.broadcast %and3A_432 : i32 to vector<16xi32>
          %and3A_434 = arith.andi %get3A_426, %and3A_433 : vector<16xi32>
          %mul3A_435 = arith.constant 32 : i32
          %mul3A_436 = vector.broadcast %mul3A_435 : i32 to vector<16xi32>
          %mul3A_437 = arith.muli %and3A_434, %mul3A_436 : vector<16xi32>
          %swap3A_438 = arith.constant 32 : index
          %swap3A_439 = tpu.vector_load %arg7[%swap3A_438] {strides = array<i32>} : memref<128xi32, #tpu.memory_space<vmem>>, vector<16xi32>,
          tpu.vector_store %arg7[%swap3A_438], %mul3A_437 {strides = array<i32>} : memref<128xi32, #tpu.memory_space<vmem>>, vector<16xi32>,
          %get3A_440 = arith.index_cast %add3A_391 : i32 to index
          %get3A_441 = arith.constant 48 : index
          %get3A_442 = tpu.vector_load %arg5[%get3A_440, %get3A_441] {strides = array<i32>} : memref<8x128xi32, #tpu.memory_space<vmem>>, vector<16xi32>,
          %shift_right_logical3A_443 = arith.constant 2 : i32
          %shift_right_logical3A_444 = vector.broadcast %shift_right_logical3A_443 : i32 to vector<16xi32>
          %shift_right_logical3A_445 = arith.shrui %get3A_442, %shift_right_logical3A_444 : vector<16xi32>
          %swap3A_446 = arith.constant 48 : index
          %swap3A_447 = tpu.vector_load %arg6[%swap3A_446] {strides = array<i32>} : memref<128xi32, #tpu.memory_space<vmem>>, vector<16xi32>,
          tpu.vector_store %arg6[%swap3A_446], %shift_right_logical3A_445 {strides = array<i32>} : memref<128xi32, #tpu.memory_space<vmem>>, vector<16xi32>,
          %and3A_448 = arith.constant 3 : i32
          %and3A_449 = vector.broadcast %and3A_448 : i32 to vector<16xi32>
          %and3A_450 = arith.andi %get3A_442, %and3A_449 : vector<16xi32>
          %mul3A_451 = arith.constant 32 : i32
          %mul3A_452 = vector.broadcast %mul3A_451 : i32 to vector<16xi32>
          %mul3A_453 = arith.muli %and3A_450, %mul3A_452 : vector<16xi32>
          %swap3A_454 = arith.constant 48 : index
          %swap3A_455 = tpu.vector_load %arg7[%swap3A_454] {strides = array<i32>} : memref<128xi32, #tpu.memory_space<vmem>>, vector<16xi32>,
          tpu.vector_store %arg7[%swap3A_454], %mul3A_453 {strides = array<i32>} : memref<128xi32, #tpu.memory_space<vmem>>, vector<16xi32>,
          %get3A_456 = arith.index_cast %add3A_391 : i32 to index
          %get3A_457 = arith.constant 64 : index
          %get3A_458 = tpu.vector_load %arg5[%get3A_456, %get3A_457] {strides = array<i32>} : memref<8x128xi32, #tpu.memory_space<vmem>>, vector<16xi32>,
          %shift_right_logical3A_459 = arith.constant 2 : i32
          %shift_right_logical3A_460 = vector.broadcast %shift_right_logical3A_459 : i32 to vector<16xi32>
          %shift_right_logical3A_461 = arith.shrui %get3A_458, %shift_right_logical3A_460 : vector<16xi32>
          %swap3A_462 = arith.constant 64 : index
          %swap3A_463 = tpu.vector_load %arg6[%swap3A_462] {strides = array<i32>} : memref<128xi32, #tpu.memory_space<vmem>>, vector<16xi32>,
          tpu.vector_store %arg6[%swap3A_462], %shift_right_logical3A_461 {strides = array<i32>} : memref<128xi32, #tpu.memory_space<vmem>>, vector<16xi32>,
          %and3A_464 = arith.constant 3 : i32
          %and3A_465 = vector.broadcast %and3A_464 : i32 to vector<16xi32>
          %and3A_466 = arith.andi %get3A_458, %and3A_465 : vector<16xi32>
          %mul3A_467 = arith.constant 32 : i32
          %mul3A_468 = vector.broadcast %mul3A_467 : i32 to vector<16xi32>
          %mul3A_469 = arith.muli %and3A_466, %mul3A_468 : vector<16xi32>
          %swap3A_470 = arith.constant 64 : index
          %swap3A_471 = tpu.vector_load %arg7[%swap3A_470] {strides = array<i32>} : memref<128xi32, #tpu.memory_space<vmem>>, vector<16xi32>,
          tpu.vector_store %arg7[%swap3A_470], %mul3A_469 {strides = array<i32>} : memref<128xi32, #tpu.memory_space<vmem>>, vector<16xi32>,
          %get3A_472 = arith.index_cast %add3A_391 : i32 to index
          %get3A_473 = arith.constant 80 : index
          %get3A_474 = tpu.vector_load %arg5[%get3A_472, %get3A_473] {strides = array<i32>} : memref<8x128xi32, #tpu.memory_space<vmem>>, vector<16xi32>,
          %shift_right_logical3A_475 = arith.constant 2 : i32
          %shift_right_logical3A_476 = vector.broadcast %shift_right_logical3A_475 : i32 to vector<16xi32>
          %shift_right_logical3A_477 = arith.shrui %get3A_474, %shift_right_logical3A_476 : vector<16xi32>
          %swap3A_478 = arith.constant 80 : index
          %swap3A_479 = tpu.vector_load %arg6[%swap3A_478] {strides = array<i32>} : memref<128xi32, #tpu.memory_space<vmem>>, vector<16xi32>,
          tpu.vector_store %arg6[%swap3A_478], %shift_right_logical3A_477 {strides = array<i32>} : memref<128xi32, #tpu.memory_space<vmem>>, vector<16xi32>,
          %and3A_480 = arith.constant 3 : i32
          %and3A_481 = vector.broadcast %and3A_480 : i32 to vector<16xi32>
          %and3A_482 = arith.andi %get3A_474, %and3A_481 : vector<16xi32>
          %mul3A_483 = arith.constant 32 : i32
          %mul3A_484 = vector.broadcast %mul3A_483 : i32 to vector<16xi32>
          %mul3A_485 = arith.muli %and3A_482, %mul3A_484 : vector<16xi32>
          %swap3A_486 = arith.constant 80 : index
          %swap3A_487 = tpu.vector_load %arg7[%swap3A_486] {strides = array<i32>} : memref<128xi32, #tpu.memory_space<vmem>>, vector<16xi32>,
          tpu.vector_store %arg7[%swap3A_486], %mul3A_485 {strides = array<i32>} : memref<128xi32, #tpu.memory_space<vmem>>, vector<16xi32>,
          %get3A_488 = arith.index_cast %add3A_391 : i32 to index
          %get3A_489 = arith.constant 96 : index
          %get3A_490 = tpu.vector_load %arg5[%get3A_488, %get3A_489] {strides = array<i32>} : memref<8x128xi32, #tpu.memory_space<vmem>>, vector<16xi32>,
          %shift_right_logical3A_491 = arith.constant 2 : i32
          %shift_right_logical3A_492 = vector.broadcast %shift_right_logical3A_491 : i32 to vector<16xi32>
          %shift_right_logical3A_493 = arith.shrui %get3A_490, %shift_right_logical3A_492 : vector<16xi32>
          %swap3A_494 = arith.constant 96 : index
          %swap3A_495 = tpu.vector_load %arg6[%swap3A_494] {strides = array<i32>} : memref<128xi32, #tpu.memory_space<vmem>>, vector<16xi32>,
          tpu.vector_store %arg6[%swap3A_494], %shift_right_logical3A_493 {strides = array<i32>} : memref<128xi32, #tpu.memory_space<vmem>>, vector<16xi32>,
          %and3A_496 = arith.constant 3 : i32
          %and3A_497 = vector.broadcast %and3A_496 : i32 to vector<16xi32>
          %and3A_498 = arith.andi %get3A_490, %and3A_497 : vector<16xi32>
          %mul3A_499 = arith.constant 32 : i32
          %mul3A_500 = vector.broadcast %mul3A_499 : i32 to vector<16xi32>
          %mul3A_501 = arith.muli %and3A_498, %mul3A_500 : vector<16xi32>
          %swap3A_502 = arith.constant 96 : index
          %swap3A_503 = tpu.vector_load %arg7[%swap3A_502] {strides = array<i32>} : memref<128xi32, #tpu.memory_space<vmem>>, vector<16xi32>,
          tpu.vector_store %arg7[%swap3A_502], %mul3A_501 {strides = array<i32>} : memref<128xi32, #tpu.memory_space<vmem>>, vector<16xi32>,
          %get3A_504 = arith.index_cast %add3A_391 : i32 to index
          %get3A_505 = arith.constant 112 : index
          %get3A_506 = tpu.vector_load %arg5[%get3A_504, %get3A_505] {strides = array<i32>} : memref<8x128xi32, #tpu.memory_space<vmem>>, vector<16xi32>,
          %shift_right_logical3A_507 = arith.constant 2 : i32
          %shift_right_logical3A_508 = vector.broadcast %shift_right_logical3A_507 : i32 to vector<16xi32>
          %shift_right_logical3A_509 = arith.shrui %get3A_506, %shift_right_logical3A_508 : vector<16xi32>
          %swap3A_510 = arith.constant 112 : index
          %swap3A_511 = tpu.vector_load %arg6[%swap3A_510] {strides = array<i32>} : memref<128xi32, #tpu.memory_space<vmem>>, vector<16xi32>,
          tpu.vector_store %arg6[%swap3A_510], %shift_right_logical3A_509 {strides = array<i32>} : memref<128xi32, #tpu.memory_space<vmem>>, vector<16xi32>,
          %and3A_512 = arith.constant 3 : i32
          %and3A_513 = vector.broadcast %and3A_512 : i32 to vector<16xi32>
          %and3A_514 = arith.andi %get3A_506, %and3A_513 : vector<16xi32>
          %mul3A_515 = arith.constant 32 : i32
          %mul3A_516 = vector.broadcast %mul3A_515 : i32 to vector<16xi32>
          %mul3A_517 = arith.muli %and3A_514, %mul3A_516 : vector<16xi32>
          %swap3A_518 = arith.constant 112 : index
          %swap3A_519 = tpu.vector_load %arg7[%swap3A_518] {strides = array<i32>} : memref<128xi32, #tpu.memory_space<vmem>>, vector<16xi32>,
          tpu.vector_store %arg7[%swap3A_518], %mul3A_517 {strides = array<i32>} : memref<128xi32, #tpu.memory_space<vmem>>, vector<16xi32>,
        } else {
        }
        %dma_wait3A_361 = arith.constant 0 : i32
        %dma_wait3A_362 = arith.constant 0 : i32
        %dma_wait3A_363 = tpu.memref_slice %arg2[%dma_wait3A_361, %dma_wait3A_362] : memref<250000x128xf32, #tpu.memory_space<hbm>> -> memref<250000x128xf32, #tpu.memory_space<hbm>>
        tpu.wait_indirect_dma semaphore(%arg14 : memref<!tpu.dma_semaphore, #tpu.memory_space<semaphore_mem>>) src(%dma_wait3A_363 : memref<250000x128xf32, #tpu.memory_space<hbm>>) dst(%arg11 : memref<128x128xf32, #tpu.memory_space<vmem>>)
        %lt3A_364 = arith.constant 3 : i32
        %lt3A_365 = arith.cmpi slt, %scan3A_199, %lt3A_364 : i32
        %convert_element_type3A_366 = arith.extui %lt3A_365 : i1 to i32
        %cond3A_367 = arith.constant 0 : i32
        %cond3A_368 = arith.cmpi ne, %convert_element_type3A_366, %cond3A_367 : i32
        scf.if %cond3A_368 {
          %dma_start3A_388 = arith.constant 0 : i32
          %dma_start3A_389 = arith.constant 0 : i32
          %dma_start3A_390 = tpu.memref_slice %arg2[%dma_start3A_388, %dma_start3A_389] : memref<250000x128xf32, #tpu.memory_space<hbm>> -> memref<250000x128xf32, #tpu.memory_space<hbm>>
          tpu.enqueue_indirect_dma source(%dma_start3A_390 : memref<250000x128xf32, #tpu.memory_space<hbm>>) target(%arg10 : memref<128x128xf32, #tpu.memory_space<vmem>>) offsets(%arg6 : memref<128xi32, #tpu.memory_space<vmem>>) semaphore(%arg14 : memref<!tpu.dma_semaphore, #tpu.memory_space<semaphore_mem>>)
        } else {
        }
        %scan3A_369 = arith.constant 0 : i32
        %scan3A_370 = arith.constant 0 : i32
        %scan3A_371 = arith.constant 8 : i32
        %scan3A_372 = arith.addi %scan3A_370, %scan3A_371 : i32
        %scan3A_373 = arith.constant 1 : i32
        scf.for %scan3A_388 = %scan3A_370 to %scan3A_372 step %scan3A_373  : i32 {
          %mul3A_389 = arith.constant 16 : i32
          %mul3A_390 = arith.muli %scan3A_388, %mul3A_389 : i32
          %get3A_391 = arith.index_cast %mul3A_390 : i32 to index
          %get3A_392 = tpu.vector_load %arg9[%get3A_391] {strides = array<i32>} : memref<128xi32, #tpu.memory_space<vmem>>, vector<16xi32>,
          %mul3A_393 = arith.constant 16 : i32
          %mul3A_394 = arith.muli %scan3A_388, %mul3A_393 : i32
          %iota3A = tpu.iota {dimensions = array<i32: 0>} : vector<16xi32>
          %add3A_395 = vector.broadcast %mul3A_394 : i32 to vector<16xi32>
          %add3A_396 = arith.addi %add3A_395, %iota3A : vector<16xi32>
          %add3A_397 = arith.constant 0 : i32
          %add3A_398 = vector.broadcast %add3A_397 : i32 to vector<16xi32>
          %add3A_399 = arith.addi %get3A_392, %add3A_398 : vector<16xi32>
          %gather3A = tpu.vector_load_idx %arg11[%add3A_396, %add3A_399] : memref<128x128xf32, #tpu.memory_space<vmem>>[vector<16xi32>, vector<16xi32>], vector<16xf32>,
          %mul3A_400 = arith.constant 16 : i32
          %mul3A_401 = arith.muli %scan3A_388, %mul3A_400 : i32
          %swap3A_402 = arith.constant 0 : i32
          %swap3A_403 = arith.index_cast %swap3A_402 : i32 to index
          %swap3A_404 = arith.index_cast %mul3A_401 : i32 to index
          %swap3A_405 = tpu.vector_load %arg13[%swap3A_403, %swap3A_404] {strides = array<i32>} : memref<32x128xf32, #tpu.memory_space<vmem>>, vector<16xf32>,
          tpu.vector_store %arg13[%swap3A_403, %swap3A_404], %gather3A {strides = array<i32>} : memref<32x128xf32, #tpu.memory_space<vmem>>, vector<16xf32>,
          %add3A_406 = arith.constant 1 : i32
          %add3A_407 = vector.broadcast %add3A_406 : i32 to vector<16xi32>
          %add3A_408 = arith.addi %get3A_392, %add3A_407 : vector<16xi32>
          %gather3A_409 = tpu.vector_load_idx %arg11[%add3A_396, %add3A_408] : memref<128x128xf32, #tpu.memory_space<vmem>>[vector<16xi32>, vector<16xi32>], vector<16xf32>,
          %mul3A_410 = arith.constant 16 : i32
          %mul3A_411 = arith.muli %scan3A_388, %mul3A_410 : i32
          %swap3A_412 = arith.constant 1 : i32
          %swap3A_413 = arith.index_cast %swap3A_412 : i32 to index
          %swap3A_414 = arith.index_cast %mul3A_411 : i32 to index
          %swap3A_415 = tpu.vector_load %arg13[%swap3A_413, %swap3A_414] {strides = array<i32>} : memref<32x128xf32, #tpu.memory_space<vmem>>, vector<16xf32>,
          tpu.vector_store %arg13[%swap3A_413, %swap3A_414], %gather3A_409 {strides = array<i32>} : memref<32x128xf32, #tpu.memory_space<vmem>>, vector<16xf32>,
          %add3A_416 = arith.constant 2 : i32
          %add3A_417 = vector.broadcast %add3A_416 : i32 to vector<16xi32>
          %add3A_418 = arith.addi %get3A_392, %add3A_417 : vector<16xi32>
          %gather3A_419 = tpu.vector_load_idx %arg11[%add3A_396, %add3A_418] : memref<128x128xf32, #tpu.memory_space<vmem>>[vector<16xi32>, vector<16xi32>], vector<16xf32>,
          %mul3A_420 = arith.constant 16 : i32
          %mul3A_421 = arith.muli %scan3A_388, %mul3A_420 : i32
          %swap3A_422 = arith.constant 2 : i32
          %swap3A_423 = arith.index_cast %swap3A_422 : i32 to index
          %swap3A_424 = arith.index_cast %mul3A_421 : i32 to index
          %swap3A_425 = tpu.vector_load %arg13[%swap3A_423, %swap3A_424] {strides = array<i32>} : memref<32x128xf32, #tpu.memory_space<vmem>>, vector<16xf32>,
          tpu.vector_store %arg13[%swap3A_423, %swap3A_424], %gather3A_419 {strides = array<i32>} : memref<32x128xf32, #tpu.memory_space<vmem>>, vector<16xf32>,
          %add3A_426 = arith.constant 3 : i32
          %add3A_427 = vector.broadcast %add3A_426 : i32 to vector<16xi32>
          %add3A_428 = arith.addi %get3A_392, %add3A_427 : vector<16xi32>
          %gather3A_429 = tpu.vector_load_idx %arg11[%add3A_396, %add3A_428] : memref<128x128xf32, #tpu.memory_space<vmem>>[vector<16xi32>, vector<16xi32>], vector<16xf32>,
          %mul3A_430 = arith.constant 16 : i32
          %mul3A_431 = arith.muli %scan3A_388, %mul3A_430 : i32
          %swap3A_432 = arith.constant 3 : i32
          %swap3A_433 = arith.index_cast %swap3A_432 : i32 to index
          %swap3A_434 = arith.index_cast %mul3A_431 : i32 to index
          %swap3A_435 = tpu.vector_load %arg13[%swap3A_433, %swap3A_434] {strides = array<i32>} : memref<32x128xf32, #tpu.memory_space<vmem>>, vector<16xf32>,
          tpu.vector_store %arg13[%swap3A_433, %swap3A_434], %gather3A_429 {strides = array<i32>} : memref<32x128xf32, #tpu.memory_space<vmem>>, vector<16xf32>,
          %add3A_436 = arith.constant 4 : i32
          %add3A_437 = vector.broadcast %add3A_436 : i32 to vector<16xi32>
          %add3A_438 = arith.addi %get3A_392, %add3A_437 : vector<16xi32>
          %gather3A_439 = tpu.vector_load_idx %arg11[%add3A_396, %add3A_438] : memref<128x128xf32, #tpu.memory_space<vmem>>[vector<16xi32>, vector<16xi32>], vector<16xf32>,
          %mul3A_440 = arith.constant 16 : i32
          %mul3A_441 = arith.muli %scan3A_388, %mul3A_440 : i32
          %swap3A_442 = arith.constant 4 : i32
          %swap3A_443 = arith.index_cast %swap3A_442 : i32 to index
          %swap3A_444 = arith.index_cast %mul3A_441 : i32 to index
          %swap3A_445 = tpu.vector_load %arg13[%swap3A_443, %swap3A_444] {strides = array<i32>} : memref<32x128xf32, #tpu.memory_space<vmem>>, vector<16xf32>,
          tpu.vector_store %arg13[%swap3A_443, %swap3A_444], %gather3A_439 {strides = array<i32>} : memref<32x128xf32, #tpu.memory_space<vmem>>, vector<16xf32>,
          %add3A_446 = arith.constant 5 : i32
          %add3A_447 = vector.broadcast %add3A_446 : i32 to vector<16xi32>
          %add3A_448 = arith.addi %get3A_392, %add3A_447 : vector<16xi32>
          %gather3A_449 = tpu.vector_load_idx %arg11[%add3A_396, %add3A_448] : memref<128x128xf32, #tpu.memory_space<vmem>>[vector<16xi32>, vector<16xi32>], vector<16xf32>,
          %mul3A_450 = arith.constant 16 : i32
          %mul3A_451 = arith.muli %scan3A_388, %mul3A_450 : i32
          %swap3A_452 = arith.constant 5 : i32
          %swap3A_453 = arith.index_cast %swap3A_452 : i32 to index
          %swap3A_454 = arith.index_cast %mul3A_451 : i32 to index
          %swap3A_455 = tpu.vector_load %arg13[%swap3A_453, %swap3A_454] {strides = array<i32>} : memref<32x128xf32, #tpu.memory_space<vmem>>, vector<16xf32>,
          tpu.vector_store %arg13[%swap3A_453, %swap3A_454], %gather3A_449 {strides = array<i32>} : memref<32x128xf32, #tpu.memory_space<vmem>>, vector<16xf32>,
          %add3A_456 = arith.constant 6 : i32
          %add3A_457 = vector.broadcast %add3A_456 : i32 to vector<16xi32>
          %add3A_458 = arith.addi %get3A_392, %add3A_457 : vector<16xi32>
          %gather3A_459 = tpu.vector_load_idx %arg11[%add3A_396, %add3A_458] : memref<128x128xf32, #tpu.memory_space<vmem>>[vector<16xi32>, vector<16xi32>], vector<16xf32>,
          %mul3A_460 = arith.constant 16 : i32
          %mul3A_461 = arith.muli %scan3A_388, %mul3A_460 : i32
          %swap3A_462 = arith.constant 6 : i32
          %swap3A_463 = arith.index_cast %swap3A_462 : i32 to index
          %swap3A_464 = arith.index_cast %mul3A_461 : i32 to index
          %swap3A_465 = tpu.vector_load %arg13[%swap3A_463, %swap3A_464] {strides = array<i32>} : memref<32x128xf32, #tpu.memory_space<vmem>>, vector<16xf32>,
          tpu.vector_store %arg13[%swap3A_463, %swap3A_464], %gather3A_459 {strides = array<i32>} : memref<32x128xf32, #tpu.memory_space<vmem>>, vector<16xf32>,
          %add3A_466 = arith.constant 7 : i32
          %add3A_467 = vector.broadcast %add3A_466 : i32 to vector<16xi32>
          %add3A_468 = arith.addi %get3A_392, %add3A_467 : vector<16xi32>
          %gather3A_469 = tpu.vector_load_idx %arg11[%add3A_396, %add3A_468] : memref<128x128xf32, #tpu.memory_space<vmem>>[vector<16xi32>, vector<16xi32>], vector<16xf32>,
          %mul3A_470 = arith.constant 16 : i32
          %mul3A_471 = arith.muli %scan3A_388, %mul3A_470 : i32
          %swap3A_472 = arith.constant 7 : i32
          %swap3A_473 = arith.index_cast %swap3A_472 : i32 to index
          %swap3A_474 = arith.index_cast %mul3A_471 : i32 to index
          %swap3A_475 = tpu.vector_load %arg13[%swap3A_473, %swap3A_474] {strides = array<i32>} : memref<32x128xf32, #tpu.memory_space<vmem>>, vector<16xf32>,
          tpu.vector_store %arg13[%swap3A_473, %swap3A_474], %gather3A_469 {strides = array<i32>} : memref<32x128xf32, #tpu.memory_space<vmem>>, vector<16xf32>,
          %add3A_476 = arith.constant 8 : i32
          %add3A_477 = vector.broadcast %add3A_476 : i32 to vector<16xi32>
          %add3A_478 = arith.addi %get3A_392, %add3A_477 : vector<16xi32>
          %gather3A_479 = tpu.vector_load_idx %arg11[%add3A_396, %add3A_478] : memref<128x128xf32, #tpu.memory_space<vmem>>[vector<16xi32>, vector<16xi32>], vector<16xf32>,
          %mul3A_480 = arith.constant 16 : i32
          %mul3A_481 = arith.muli %scan3A_388, %mul3A_480 : i32
          %swap3A_482 = arith.constant 8 : i32
          %swap3A_483 = arith.index_cast %swap3A_482 : i32 to index
          %swap3A_484 = arith.index_cast %mul3A_481 : i32 to index
          %swap3A_485 = tpu.vector_load %arg13[%swap3A_483, %swap3A_484] {strides = array<i32>} : memref<32x128xf32, #tpu.memory_space<vmem>>, vector<16xf32>,
          tpu.vector_store %arg13[%swap3A_483, %swap3A_484], %gather3A_479 {strides = array<i32>} : memref<32x128xf32, #tpu.memory_space<vmem>>, vector<16xf32>,
          %add3A_486 = arith.constant 9 : i32
          %add3A_487 = vector.broadcast %add3A_486 : i32 to vector<16xi32>
          %add3A_488 = arith.addi %get3A_392, %add3A_487 : vector<16xi32>
          %gather3A_489 = tpu.vector_load_idx %arg11[%add3A_396, %add3A_488] : memref<128x128xf32, #tpu.memory_space<vmem>>[vector<16xi32>, vector<16xi32>], vector<16xf32>,
          %mul3A_490 = arith.constant 16 : i32
          %mul3A_491 = arith.muli %scan3A_388, %mul3A_490 : i32
          %swap3A_492 = arith.constant 9 : i32
          %swap3A_493 = arith.index_cast %swap3A_492 : i32 to index
          %swap3A_494 = arith.index_cast %mul3A_491 : i32 to index
          %swap3A_495 = tpu.vector_load %arg13[%swap3A_493, %swap3A_494] {strides = array<i32>} : memref<32x128xf32, #tpu.memory_space<vmem>>, vector<16xf32>,
          tpu.vector_store %arg13[%swap3A_493, %swap3A_494], %gather3A_489 {strides = array<i32>} : memref<32x128xf32, #tpu.memory_space<vmem>>, vector<16xf32>,
          %add3A_496 = arith.constant 10 : i32
          %add3A_497 = vector.broadcast %add3A_496 : i32 to vector<16xi32>
          %add3A_498 = arith.addi %get3A_392, %add3A_497 : vector<16xi32>
          %gather3A_499 = tpu.vector_load_idx %arg11[%add3A_396, %add3A_498] : memref<128x128xf32, #tpu.memory_space<vmem>>[vector<16xi32>, vector<16xi32>], vector<16xf32>,
          %mul3A_500 = arith.constant 16 : i32
          %mul3A_501 = arith.muli %scan3A_388, %mul3A_500 : i32
          %swap3A_502 = arith.constant 10 : i32
          %swap3A_503 = arith.index_cast %swap3A_502 : i32 to index
          %swap3A_504 = arith.index_cast %mul3A_501 : i32 to index
          %swap3A_505 = tpu.vector_load %arg13[%swap3A_503, %swap3A_504] {strides = array<i32>} : memref<32x128xf32, #tpu.memory_space<vmem>>, vector<16xf32>,
          tpu.vector_store %arg13[%swap3A_503, %swap3A_504], %gather3A_499 {strides = array<i32>} : memref<32x128xf32, #tpu.memory_space<vmem>>, vector<16xf32>,
          %add3A_506 = arith.constant 11 : i32
          %add3A_507 = vector.broadcast %add3A_506 : i32 to vector<16xi32>
          %add3A_508 = arith.addi %get3A_392, %add3A_507 : vector<16xi32>
          %gather3A_509 = tpu.vector_load_idx %arg11[%add3A_396, %add3A_508] : memref<128x128xf32, #tpu.memory_space<vmem>>[vector<16xi32>, vector<16xi32>], vector<16xf32>,
          %mul3A_510 = arith.constant 16 : i32
          %mul3A_511 = arith.muli %scan3A_388, %mul3A_510 : i32
          %swap3A_512 = arith.constant 11 : i32
          %swap3A_513 = arith.index_cast %swap3A_512 : i32 to index
          %swap3A_514 = arith.index_cast %mul3A_511 : i32 to index
          %swap3A_515 = tpu.vector_load %arg13[%swap3A_513, %swap3A_514] {strides = array<i32>} : memref<32x128xf32, #tpu.memory_space<vmem>>, vector<16xf32>,
          tpu.vector_store %arg13[%swap3A_513, %swap3A_514], %gather3A_509 {strides = array<i32>} : memref<32x128xf32, #tpu.memory_space<vmem>>, vector<16xf32>,
          %add3A_516 = arith.constant 12 : i32
          %add3A_517 = vector.broadcast %add3A_516 : i32 to vector<16xi32>
          %add3A_518 = arith.addi %get3A_392, %add3A_517 : vector<16xi32>
          %gather3A_519 = tpu.vector_load_idx %arg11[%add3A_396, %add3A_518] : memref<128x128xf32, #tpu.memory_space<vmem>>[vector<16xi32>, vector<16xi32>], vector<16xf32>,
          %mul3A_520 = arith.constant 16 : i32
          %mul3A_521 = arith.muli %scan3A_388, %mul3A_520 : i32
          %swap3A_522 = arith.constant 12 : i32
          %swap3A_523 = arith.index_cast %swap3A_522 : i32 to index
          %swap3A_524 = arith.index_cast %mul3A_521 : i32 to index
          %swap3A_525 = tpu.vector_load %arg13[%swap3A_523, %swap3A_524] {strides = array<i32>} : memref<32x128xf32, #tpu.memory_space<vmem>>, vector<16xf32>,
          tpu.vector_store %arg13[%swap3A_523, %swap3A_524], %gather3A_519 {strides = array<i32>} : memref<32x128xf32, #tpu.memory_space<vmem>>, vector<16xf32>,
          %add3A_526 = arith.constant 13 : i32
          %add3A_527 = vector.broadcast %add3A_526 : i32 to vector<16xi32>
          %add3A_528 = arith.addi %get3A_392, %add3A_527 : vector<16xi32>
          %gather3A_529 = tpu.vector_load_idx %arg11[%add3A_396, %add3A_528] : memref<128x128xf32, #tpu.memory_space<vmem>>[vector<16xi32>, vector<16xi32>], vector<16xf32>,
          %mul3A_530 = arith.constant 16 : i32
          %mul3A_531 = arith.muli %scan3A_388, %mul3A_530 : i32
          %swap3A_532 = arith.constant 13 : i32
          %swap3A_533 = arith.index_cast %swap3A_532 : i32 to index
          %swap3A_534 = arith.index_cast %mul3A_531 : i32 to index
          %swap3A_535 = tpu.vector_load %arg13[%swap3A_533, %swap3A_534] {strides = array<i32>} : memref<32x128xf32, #tpu.memory_space<vmem>>, vector<16xf32>,
          tpu.vector_store %arg13[%swap3A_533, %swap3A_534], %gather3A_529 {strides = array<i32>} : memref<32x128xf32, #tpu.memory_space<vmem>>, vector<16xf32>,
          %add3A_536 = arith.constant 14 : i32
          %add3A_537 = vector.broadcast %add3A_536 : i32 to vector<16xi32>
          %add3A_538 = arith.addi %get3A_392, %add3A_537 : vector<16xi32>
          %gather3A_539 = tpu.vector_load_idx %arg11[%add3A_396, %add3A_538] : memref<128x128xf32, #tpu.memory_space<vmem>>[vector<16xi32>, vector<16xi32>], vector<16xf32>,
          %mul3A_540 = arith.constant 16 : i32
          %mul3A_541 = arith.muli %scan3A_388, %mul3A_540 : i32
          %swap3A_542 = arith.constant 14 : i32
          %swap3A_543 = arith.index_cast %swap3A_542 : i32 to index
          %swap3A_544 = arith.index_cast %mul3A_541 : i32 to index
          %swap3A_545 = tpu.vector_load %arg13[%swap3A_543, %swap3A_544] {strides = array<i32>} : memref<32x128xf32, #tpu.memory_space<vmem>>, vector<16xf32>,
          tpu.vector_store %arg13[%swap3A_543, %swap3A_544], %gather3A_539 {strides = array<i32>} : memref<32x128xf32, #tpu.memory_space<vmem>>, vector<16xf32>,
          %add3A_546 = arith.constant 15 : i32
          %add3A_547 = vector.broadcast %add3A_546 : i32 to vector<16xi32>
          %add3A_548 = arith.addi %get3A_392, %add3A_547 : vector<16xi32>
          %gather3A_549 = tpu.vector_load_idx %arg11[%add3A_396, %add3A_548] : memref<128x128xf32, #tpu.memory_space<vmem>>[vector<16xi32>, vector<16xi32>], vector<16xf32>,
          %mul3A_550 = arith.constant 16 : i32
          %mul3A_551 = arith.muli %scan3A_388, %mul3A_550 : i32
          %swap3A_552 = arith.constant 15 : i32
          %swap3A_553 = arith.index_cast %swap3A_552 : i32 to index
          %swap3A_554 = arith.index_cast %mul3A_551 : i32 to index
          %swap3A_555 = tpu.vector_load %arg13[%swap3A_553, %swap3A_554] {strides = array<i32>} : memref<32x128xf32, #tpu.memory_space<vmem>>, vector<16xf32>,
          tpu.vector_store %arg13[%swap3A_553, %swap3A_554], %gather3A_549 {strides = array<i32>} : memref<32x128xf32, #tpu.memory_space<vmem>>, vector<16xf32>,
          %add3A_556 = arith.constant 16 : i32
          %add3A_557 = vector.broadcast %add3A_556 : i32 to vector<16xi32>
          %add3A_558 = arith.addi %get3A_392, %add3A_557 : vector<16xi32>
          %gather3A_559 = tpu.vector_load_idx %arg11[%add3A_396, %add3A_558] : memref<128x128xf32, #tpu.memory_space<vmem>>[vector<16xi32>, vector<16xi32>], vector<16xf32>,
          %mul3A_560 = arith.constant 16 : i32
          %mul3A_561 = arith.muli %scan3A_388, %mul3A_560 : i32
          %swap3A_562 = arith.constant 16 : i32
          %swap3A_563 = arith.index_cast %swap3A_562 : i32 to index
          %swap3A_564 = arith.index_cast %mul3A_561 : i32 to index
          %swap3A_565 = tpu.vector_load %arg13[%swap3A_563, %swap3A_564] {strides = array<i32>} : memref<32x128xf32, #tpu.memory_space<vmem>>, vector<16xf32>,
          tpu.vector_store %arg13[%swap3A_563, %swap3A_564], %gather3A_559 {strides = array<i32>} : memref<32x128xf32, #tpu.memory_space<vmem>>, vector<16xf32>,
          %add3A_566 = arith.constant 17 : i32
          %add3A_567 = vector.broadcast %add3A_566 : i32 to vector<16xi32>
          %add3A_568 = arith.addi %get3A_392, %add3A_567 : vector<16xi32>
          %gather3A_569 = tpu.vector_load_idx %arg11[%add3A_396, %add3A_568] : memref<128x128xf32, #tpu.memory_space<vmem>>[vector<16xi32>, vector<16xi32>], vector<16xf32>,
          %mul3A_570 = arith.constant 16 : i32
          %mul3A_571 = arith.muli %scan3A_388, %mul3A_570 : i32
          %swap3A_572 = arith.constant 17 : i32
          %swap3A_573 = arith.index_cast %swap3A_572 : i32 to index
          %swap3A_574 = arith.index_cast %mul3A_571 : i32 to index
          %swap3A_575 = tpu.vector_load %arg13[%swap3A_573, %swap3A_574] {strides = array<i32>} : memref<32x128xf32, #tpu.memory_space<vmem>>, vector<16xf32>,
          tpu.vector_store %arg13[%swap3A_573, %swap3A_574], %gather3A_569 {strides = array<i32>} : memref<32x128xf32, #tpu.memory_space<vmem>>, vector<16xf32>,
          %add3A_576 = arith.constant 18 : i32
          %add3A_577 = vector.broadcast %add3A_576 : i32 to vector<16xi32>
          %add3A_578 = arith.addi %get3A_392, %add3A_577 : vector<16xi32>
          %gather3A_579 = tpu.vector_load_idx %arg11[%add3A_396, %add3A_578] : memref<128x128xf32, #tpu.memory_space<vmem>>[vector<16xi32>, vector<16xi32>], vector<16xf32>,
          %mul3A_580 = arith.constant 16 : i32
          %mul3A_581 = arith.muli %scan3A_388, %mul3A_580 : i32
          %swap3A_582 = arith.constant 18 : i32
          %swap3A_583 = arith.index_cast %swap3A_582 : i32 to index
          %swap3A_584 = arith.index_cast %mul3A_581 : i32 to index
          %swap3A_585 = tpu.vector_load %arg13[%swap3A_583, %swap3A_584] {strides = array<i32>} : memref<32x128xf32, #tpu.memory_space<vmem>>, vector<16xf32>,
          tpu.vector_store %arg13[%swap3A_583, %swap3A_584], %gather3A_579 {strides = array<i32>} : memref<32x128xf32, #tpu.memory_space<vmem>>, vector<16xf32>,
          %add3A_586 = arith.constant 19 : i32
          %add3A_587 = vector.broadcast %add3A_586 : i32 to vector<16xi32>
          %add3A_588 = arith.addi %get3A_392, %add3A_587 : vector<16xi32>
          %gather3A_589 = tpu.vector_load_idx %arg11[%add3A_396, %add3A_588] : memref<128x128xf32, #tpu.memory_space<vmem>>[vector<16xi32>, vector<16xi32>], vector<16xf32>,
          %mul3A_590 = arith.constant 16 : i32
          %mul3A_591 = arith.muli %scan3A_388, %mul3A_590 : i32
          %swap3A_592 = arith.constant 19 : i32
          %swap3A_593 = arith.index_cast %swap3A_592 : i32 to index
          %swap3A_594 = arith.index_cast %mul3A_591 : i32 to index
          %swap3A_595 = tpu.vector_load %arg13[%swap3A_593, %swap3A_594] {strides = array<i32>} : memref<32x128xf32, #tpu.memory_space<vmem>>, vector<16xf32>,
          tpu.vector_store %arg13[%swap3A_593, %swap3A_594], %gather3A_589 {strides = array<i32>} : memref<32x128xf32, #tpu.memory_space<vmem>>, vector<16xf32>,
          %add3A_596 = arith.constant 20 : i32
          %add3A_597 = vector.broadcast %add3A_596 : i32 to vector<16xi32>
          %add3A_598 = arith.addi %get3A_392, %add3A_597 : vector<16xi32>
          %gather3A_599 = tpu.vector_load_idx %arg11[%add3A_396, %add3A_598] : memref<128x128xf32, #tpu.memory_space<vmem>>[vector<16xi32>, vector<16xi32>], vector<16xf32>,
          %mul3A_600 = arith.constant 16 : i32
          %mul3A_601 = arith.muli %scan3A_388, %mul3A_600 : i32
          %swap3A_602 = arith.constant 20 : i32
          %swap3A_603 = arith.index_cast %swap3A_602 : i32 to index
          %swap3A_604 = arith.index_cast %mul3A_601 : i32 to index
          %swap3A_605 = tpu.vector_load %arg13[%swap3A_603, %swap3A_604] {strides = array<i32>} : memref<32x128xf32, #tpu.memory_space<vmem>>, vector<16xf32>,
          tpu.vector_store %arg13[%swap3A_603, %swap3A_604], %gather3A_599 {strides = array<i32>} : memref<32x128xf32, #tpu.memory_space<vmem>>, vector<16xf32>,
          %add3A_606 = arith.constant 21 : i32
          %add3A_607 = vector.broadcast %add3A_606 : i32 to vector<16xi32>
          %add3A_608 = arith.addi %get3A_392, %add3A_607 : vector<16xi32>
          %gather3A_609 = tpu.vector_load_idx %arg11[%add3A_396, %add3A_608] : memref<128x128xf32, #tpu.memory_space<vmem>>[vector<16xi32>, vector<16xi32>], vector<16xf32>,
          %mul3A_610 = arith.constant 16 : i32
          %mul3A_611 = arith.muli %scan3A_388, %mul3A_610 : i32
          %swap3A_612 = arith.constant 21 : i32
          %swap3A_613 = arith.index_cast %swap3A_612 : i32 to index
          %swap3A_614 = arith.index_cast %mul3A_611 : i32 to index
          %swap3A_615 = tpu.vector_load %arg13[%swap3A_613, %swap3A_614] {strides = array<i32>} : memref<32x128xf32, #tpu.memory_space<vmem>>, vector<16xf32>,
          tpu.vector_store %arg13[%swap3A_613, %swap3A_614], %gather3A_609 {strides = array<i32>} : memref<32x128xf32, #tpu.memory_space<vmem>>, vector<16xf32>,
          %add3A_616 = arith.constant 22 : i32
          %add3A_617 = vector.broadcast %add3A_616 : i32 to vector<16xi32>
          %add3A_618 = arith.addi %get3A_392, %add3A_617 : vector<16xi32>
          %gather3A_619 = tpu.vector_load_idx %arg11[%add3A_396, %add3A_618] : memref<128x128xf32, #tpu.memory_space<vmem>>[vector<16xi32>, vector<16xi32>], vector<16xf32>,
          %mul3A_620 = arith.constant 16 : i32
          %mul3A_621 = arith.muli %scan3A_388, %mul3A_620 : i32
          %swap3A_622 = arith.constant 22 : i32
          %swap3A_623 = arith.index_cast %swap3A_622 : i32 to index
          %swap3A_624 = arith.index_cast %mul3A_621 : i32 to index
          %swap3A_625 = tpu.vector_load %arg13[%swap3A_623, %swap3A_624] {strides = array<i32>} : memref<32x128xf32, #tpu.memory_space<vmem>>, vector<16xf32>,
          tpu.vector_store %arg13[%swap3A_623, %swap3A_624], %gather3A_619 {strides = array<i32>} : memref<32x128xf32, #tpu.memory_space<vmem>>, vector<16xf32>,
          %add3A_626 = arith.constant 23 : i32
          %add3A_627 = vector.broadcast %add3A_626 : i32 to vector<16xi32>
          %add3A_628 = arith.addi %get3A_392, %add3A_627 : vector<16xi32>
          %gather3A_629 = tpu.vector_load_idx %arg11[%add3A_396, %add3A_628] : memref<128x128xf32, #tpu.memory_space<vmem>>[vector<16xi32>, vector<16xi32>], vector<16xf32>,
          %mul3A_630 = arith.constant 16 : i32
          %mul3A_631 = arith.muli %scan3A_388, %mul3A_630 : i32
          %swap3A_632 = arith.constant 23 : i32
          %swap3A_633 = arith.index_cast %swap3A_632 : i32 to index
          %swap3A_634 = arith.index_cast %mul3A_631 : i32 to index
          %swap3A_635 = tpu.vector_load %arg13[%swap3A_633, %swap3A_634] {strides = array<i32>} : memref<32x128xf32, #tpu.memory_space<vmem>>, vector<16xf32>,
          tpu.vector_store %arg13[%swap3A_633, %swap3A_634], %gather3A_629 {strides = array<i32>} : memref<32x128xf32, #tpu.memory_space<vmem>>, vector<16xf32>,
          %add3A_636 = arith.constant 24 : i32
          %add3A_637 = vector.broadcast %add3A_636 : i32 to vector<16xi32>
          %add3A_638 = arith.addi %get3A_392, %add3A_637 : vector<16xi32>
          %gather3A_639 = tpu.vector_load_idx %arg11[%add3A_396, %add3A_638] : memref<128x128xf32, #tpu.memory_space<vmem>>[vector<16xi32>, vector<16xi32>], vector<16xf32>,
          %mul3A_640 = arith.constant 16 : i32
          %mul3A_641 = arith.muli %scan3A_388, %mul3A_640 : i32
          %swap3A_642 = arith.constant 24 : i32
          %swap3A_643 = arith.index_cast %swap3A_642 : i32 to index
          %swap3A_644 = arith.index_cast %mul3A_641 : i32 to index
          %swap3A_645 = tpu.vector_load %arg13[%swap3A_643, %swap3A_644] {strides = array<i32>} : memref<32x128xf32, #tpu.memory_space<vmem>>, vector<16xf32>,
          tpu.vector_store %arg13[%swap3A_643, %swap3A_644], %gather3A_639 {strides = array<i32>} : memref<32x128xf32, #tpu.memory_space<vmem>>, vector<16xf32>,
          %add3A_646 = arith.constant 25 : i32
          %add3A_647 = vector.broadcast %add3A_646 : i32 to vector<16xi32>
          %add3A_648 = arith.addi %get3A_392, %add3A_647 : vector<16xi32>
          %gather3A_649 = tpu.vector_load_idx %arg11[%add3A_396, %add3A_648] : memref<128x128xf32, #tpu.memory_space<vmem>>[vector<16xi32>, vector<16xi32>], vector<16xf32>,
          %mul3A_650 = arith.constant 16 : i32
          %mul3A_651 = arith.muli %scan3A_388, %mul3A_650 : i32
          %swap3A_652 = arith.constant 25 : i32
          %swap3A_653 = arith.index_cast %swap3A_652 : i32 to index
          %swap3A_654 = arith.index_cast %mul3A_651 : i32 to index
          %swap3A_655 = tpu.vector_load %arg13[%swap3A_653, %swap3A_654] {strides = array<i32>} : memref<32x128xf32, #tpu.memory_space<vmem>>, vector<16xf32>,
          tpu.vector_store %arg13[%swap3A_653, %swap3A_654], %gather3A_649 {strides = array<i32>} : memref<32x128xf32, #tpu.memory_space<vmem>>, vector<16xf32>,
          %add3A_656 = arith.constant 26 : i32
          %add3A_657 = vector.broadcast %add3A_656 : i32 to vector<16xi32>
          %add3A_658 = arith.addi %get3A_392, %add3A_657 : vector<16xi32>
          %gather3A_659 = tpu.vector_load_idx %arg11[%add3A_396, %add3A_658] : memref<128x128xf32, #tpu.memory_space<vmem>>[vector<16xi32>, vector<16xi32>], vector<16xf32>,
          %mul3A_660 = arith.constant 16 : i32
          %mul3A_661 = arith.muli %scan3A_388, %mul3A_660 : i32
          %swap3A_662 = arith.constant 26 : i32
          %swap3A_663 = arith.index_cast %swap3A_662 : i32 to index
          %swap3A_664 = arith.index_cast %mul3A_661 : i32 to index
          %swap3A_665 = tpu.vector_load %arg13[%swap3A_663, %swap3A_664] {strides = array<i32>} : memref<32x128xf32, #tpu.memory_space<vmem>>, vector<16xf32>,
          tpu.vector_store %arg13[%swap3A_663, %swap3A_664], %gather3A_659 {strides = array<i32>} : memref<32x128xf32, #tpu.memory_space<vmem>>, vector<16xf32>,
          %add3A_666 = arith.constant 27 : i32
          %add3A_667 = vector.broadcast %add3A_666 : i32 to vector<16xi32>
          %add3A_668 = arith.addi %get3A_392, %add3A_667 : vector<16xi32>
          %gather3A_669 = tpu.vector_load_idx %arg11[%add3A_396, %add3A_668] : memref<128x128xf32, #tpu.memory_space<vmem>>[vector<16xi32>, vector<16xi32>], vector<16xf32>,
          %mul3A_670 = arith.constant 16 : i32
          %mul3A_671 = arith.muli %scan3A_388, %mul3A_670 : i32
          %swap3A_672 = arith.constant 27 : i32
          %swap3A_673 = arith.index_cast %swap3A_672 : i32 to index
          %swap3A_674 = arith.index_cast %mul3A_671 : i32 to index
          %swap3A_675 = tpu.vector_load %arg13[%swap3A_673, %swap3A_674] {strides = array<i32>} : memref<32x128xf32, #tpu.memory_space<vmem>>, vector<16xf32>,
          tpu.vector_store %arg13[%swap3A_673, %swap3A_674], %gather3A_669 {strides = array<i32>} : memref<32x128xf32, #tpu.memory_space<vmem>>, vector<16xf32>,
          %add3A_676 = arith.constant 28 : i32
          %add3A_677 = vector.broadcast %add3A_676 : i32 to vector<16xi32>
          %add3A_678 = arith.addi %get3A_392, %add3A_677 : vector<16xi32>
          %gather3A_679 = tpu.vector_load_idx %arg11[%add3A_396, %add3A_678] : memref<128x128xf32, #tpu.memory_space<vmem>>[vector<16xi32>, vector<16xi32>], vector<16xf32>,
          %mul3A_680 = arith.constant 16 : i32
          %mul3A_681 = arith.muli %scan3A_388, %mul3A_680 : i32
          %swap3A_682 = arith.constant 28 : i32
          %swap3A_683 = arith.index_cast %swap3A_682 : i32 to index
          %swap3A_684 = arith.index_cast %mul3A_681 : i32 to index
          %swap3A_685 = tpu.vector_load %arg13[%swap3A_683, %swap3A_684] {strides = array<i32>} : memref<32x128xf32, #tpu.memory_space<vmem>>, vector<16xf32>,
          tpu.vector_store %arg13[%swap3A_683, %swap3A_684], %gather3A_679 {strides = array<i32>} : memref<32x128xf32, #tpu.memory_space<vmem>>, vector<16xf32>,
          %add3A_686 = arith.constant 29 : i32
          %add3A_687 = vector.broadcast %add3A_686 : i32 to vector<16xi32>
          %add3A_688 = arith.addi %get3A_392, %add3A_687 : vector<16xi32>
          %gather3A_689 = tpu.vector_load_idx %arg11[%add3A_396, %add3A_688] : memref<128x128xf32, #tpu.memory_space<vmem>>[vector<16xi32>, vector<16xi32>], vector<16xf32>,
          %mul3A_690 = arith.constant 16 : i32
          %mul3A_691 = arith.muli %scan3A_388, %mul3A_690 : i32
          %swap3A_692 = arith.constant 29 : i32
          %swap3A_693 = arith.index_cast %swap3A_692 : i32 to index
          %swap3A_694 = arith.index_cast %mul3A_691 : i32 to index
          %swap3A_695 = tpu.vector_load %arg13[%swap3A_693, %swap3A_694] {strides = array<i32>} : memref<32x128xf32, #tpu.memory_space<vmem>>, vector<16xf32>,
          tpu.vector_store %arg13[%swap3A_693, %swap3A_694], %gather3A_689 {strides = array<i32>} : memref<32x128xf32, #tpu.memory_space<vmem>>, vector<16xf32>,
          %add3A_696 = arith.constant 30 : i32
          %add3A_697 = vector.broadcast %add3A_696 : i32 to vector<16xi32>
          %add3A_698 = arith.addi %get3A_392, %add3A_697 : vector<16xi32>
          %gather3A_699 = tpu.vector_load_idx %arg11[%add3A_396, %add3A_698] : memref<128x128xf32, #tpu.memory_space<vmem>>[vector<16xi32>, vector<16xi32>], vector<16xf32>,
          %mul3A_700 = arith.constant 16 : i32
          %mul3A_701 = arith.muli %scan3A_388, %mul3A_700 : i32
          %swap3A_702 = arith.constant 30 : i32
          %swap3A_703 = arith.index_cast %swap3A_702 : i32 to index
          %swap3A_704 = arith.index_cast %mul3A_701 : i32 to index
          %swap3A_705 = tpu.vector_load %arg13[%swap3A_703, %swap3A_704] {strides = array<i32>} : memref<32x128xf32, #tpu.memory_space<vmem>>, vector<16xf32>,
          tpu.vector_store %arg13[%swap3A_703, %swap3A_704], %gather3A_699 {strides = array<i32>} : memref<32x128xf32, #tpu.memory_space<vmem>>, vector<16xf32>,
          %add3A_706 = arith.constant 31 : i32
          %add3A_707 = vector.broadcast %add3A_706 : i32 to vector<16xi32>
          %add3A_708 = arith.addi %get3A_392, %add3A_707 : vector<16xi32>
          %gather3A_709 = tpu.vector_load_idx %arg11[%add3A_396, %add3A_708] : memref<128x128xf32, #tpu.memory_space<vmem>>[vector<16xi32>, vector<16xi32>], vector<16xf32>,
          %mul3A_710 = arith.constant 16 : i32
          %mul3A_711 = arith.muli %scan3A_388, %mul3A_710 : i32
          %swap3A_712 = arith.constant 31 : i32
          %swap3A_713 = arith.index_cast %swap3A_712 : i32 to index
          %swap3A_714 = arith.index_cast %mul3A_711 : i32 to index
          %swap3A_715 = tpu.vector_load %arg13[%swap3A_713, %swap3A_714] {strides = array<i32>} : memref<32x128xf32, #tpu.memory_space<vmem>>, vector<16xf32>,
          tpu.vector_store %arg13[%swap3A_713, %swap3A_714], %gather3A_709 {strides = array<i32>} : memref<32x128xf32, #tpu.memory_space<vmem>>, vector<16xf32>,
        }
        %scan3A_374 = arith.constant 8 : i32
        %mul3A_375 = arith.constant 2 : i32
        %mul3A_376 = arith.muli %mul3A_375, %scan3A_199 : i32
        %add3A_377 = arith.addi %mul3A_36, %mul3A_376 : i32
        %add3A_378 = arith.constant 1 : i32
        %add3A_379 = arith.addi %add3A_377, %add3A_378 : i32
        %mul3A_380 = arith.constant 128 : i32
        %mul3A_381 = arith.muli %sub3A_34, %mul3A_380 : i32
        %dma_start3A_382 = arith.constant 0 : i32
        %dma_start3A_383 = tpu.memref_slice %arg4[%add3A_379, %dma_start3A_382, %mul3A_381] : memref<50x32x16384xf32, #tpu.memory_space<hbm>> -> memref<1x32x128xf32, #tpu.memory_space<hbm>>
        %dma_start3A_384 = tpu.memref_squeeze %dma_start3A_383 : memref<1x32x128xf32, #tpu.memory_space<hbm>> -> memref<32x128xf32, #tpu.memory_space<hbm>>
        %dma_start3A_385 = arith.constant 0 : i32
        %dma_start3A_386 = tpu.memref_slice %arg4[%add3A_379, %dma_start3A_385, %mul3A_381] : memref<50x32x16384xf32, #tpu.memory_space<hbm>> -> memref<1x32x128xf32, #tpu.memory_space<hbm>>
        %dma_start3A_387 = tpu.memref_squeeze %dma_start3A_386 : memref<1x32x128xf32, #tpu.memory_space<hbm>> -> memref<32x128xf32, #tpu.memory_space<hbm>>
        tpu.enqueue_dma source(%arg13 : memref<32x128xf32, #tpu.memory_space<vmem>>) target(%dma_start3A_387 : memref<32x128xf32, #tpu.memory_space<hbm>>) target_semaphore(%arg15 : memref<!tpu.dma_semaphore, #tpu.memory_space<semaphore_mem>>)
      }
      %scan3A_181 = arith.constant 4 : i32
      %dma_wait3A = arith.constant 0 : i32
      %dma_wait3A_182 = arith.constant 0 : i32
      %dma_wait3A_183 = arith.constant 0 : i32
      %dma_wait3A_184 = tpu.memref_slice %arg4[%dma_wait3A, %dma_wait3A_182, %dma_wait3A_183] : memref<50x32x16384xf32, #tpu.memory_space<hbm>> -> memref<1x32x128xf32, #tpu.memory_space<hbm>>
      %dma_wait3A_185 = tpu.memref_squeeze %dma_wait3A_184 : memref<1x32x128xf32, #tpu.memory_space<hbm>> -> memref<32x128xf32, #tpu.memory_space<hbm>>
      %dma_wait3A_186 = arith.constant 0 : i32
      %dma_wait3A_187 = arith.constant 0 : i32
      %dma_wait3A_188 = tpu.memref_slice %arg4[%dma_wait3A, %dma_wait3A_186, %dma_wait3A_187] : memref<50x32x16384xf32, #tpu.memory_space<hbm>> -> memref<1x32x128xf32, #tpu.memory_space<hbm>>
      %dma_wait3A_189 = tpu.memref_squeeze %dma_wait3A_188 : memref<1x32x128xf32, #tpu.memory_space<hbm>> -> memref<32x128xf32, #tpu.memory_space<hbm>>
      tpu.wait_dma2 semaphore(%arg15 : memref<!tpu.dma_semaphore, #tpu.memory_space<semaphore_mem>>) src(%arg12 : memref<32x128xf32, #tpu.memory_space<vmem>>) dst(%dma_wait3A_189 : memref<32x128xf32, #tpu.memory_space<hbm>>)
      %dma_wait3A_190 = arith.constant 0 : i32
      %dma_wait3A_191 = arith.constant 0 : i32
      %dma_wait3A_192 = arith.constant 0 : i32
      %dma_wait3A_193 = tpu.memref_slice %arg4[%dma_wait3A_190, %dma_wait3A_191, %dma_wait3A_192] : memref<50x32x16384xf32, #tpu.memory_space<hbm>> -> memref<1x32x128xf32, #tpu.memory_space<hbm>>
      %dma_wait3A_194 = tpu.memref_squeeze %dma_wait3A_193 : memref<1x32x128xf32, #tpu.memory_space<hbm>> -> memref<32x128xf32, #tpu.memory_space<hbm>>
      %dma_wait3A_195 = arith.constant 0 : i32
      %dma_wait3A_196 = arith.constant 0 : i32
      %dma_wait3A_197 = tpu.memref_slice %arg4[%dma_wait3A_190, %dma_wait3A_195, %dma_wait3A_196] : memref<50x32x16384xf32, #tpu.memory_space<hbm>> -> memref<1x32x128xf32, #tpu.memory_space<hbm>>
      %dma_wait3A_198 = tpu.memref_squeeze %dma_wait3A_197 : memref<1x32x128xf32, #tpu.memory_space<hbm>> -> memref<32x128xf32, #tpu.memory_space<hbm>>
      tpu.wait_dma2 semaphore(%arg15 : memref<!tpu.dma_semaphore, #tpu.memory_space<semaphore_mem>>) src(%arg12 : memref<32x128xf32, #tpu.memory_space<vmem>>) dst(%dma_wait3A_198 : memref<32x128xf32, #tpu.memory_space<hbm>>)
    }
    %scan3A_5 = arith.constant 24 : i32
    %scan3A_6 = arith.constant 0 : i32
    %scan3A_7 = arith.constant 0 : i32
    %scan3A_8 = arith.constant 4 : i32
    %scan3A_9 = arith.addi %scan3A_7, %scan3A_8 : i32
    %scan3A_10 = arith.constant 1 : i32
    scf.for %scan3A_12 = %scan3A_7 to %scan3A_9 step %scan3A_10  : i32 {
      %mul3A_13 = arith.constant 32 : i32
      %mul3A_14 = arith.muli %scan3A_12, %mul3A_13 : i32
      %add3A_15 = arith.addi %add3A, %mul3A_14 : i32
      %mul3A_16 = arith.constant 128 : i32
      %mul3A_17 = arith.muli %add3A_15, %mul3A_16 : i32
      "tpu.region"() ({
        %run_scoped3A = tpu.sem_alloc : memref<!tpu.dma_semaphore, #tpu.memory_space<semaphore_mem>>
        %dma_start3A_344 = arith.constant 0 : i32
        %dma_start3A_345 = arith.constant 0 : i32
        %dma_start3A_346 = tpu.memref_slice %arg5[%dma_start3A_344, %dma_start3A_345] : memref<8x128xi32, #tpu.memory_space<vmem>> -> memref<2x128xi32, #tpu.memory_space<vmem>>
        %dma_start3A_347 = arith.constant 48 : i32
        %dma_start3A_348 = tpu.memref_slice %arg3[%dma_start3A_347, %mul3A_17] : memref<50x16384xi32, #tpu.memory_space<hbm>> -> memref<2x128xi32, #tpu.memory_space<hbm>>
        %dma_start3A_349 = arith.constant 0 : i32
        %dma_start3A_350 = arith.constant 0 : i32
        %dma_start3A_351 = tpu.memref_slice %arg5[%dma_start3A_349, %dma_start3A_350] : memref<8x128xi32, #tpu.memory_space<vmem>> -> memref<2x128xi32, #tpu.memory_space<vmem>>
        %dma_start3A_352 = arith.constant 48 : i32
        %dma_start3A_353 = tpu.memref_slice %arg3[%dma_start3A_352, %mul3A_17] : memref<50x16384xi32, #tpu.memory_space<hbm>> -> memref<2x128xi32, #tpu.memory_space<hbm>>
        tpu.enqueue_dma source(%dma_start3A_353 : memref<2x128xi32, #tpu.memory_space<hbm>>) target(%dma_start3A_351 : memref<2x128xi32, #tpu.memory_space<vmem>>) target_semaphore(%run_scoped3A : memref<!tpu.dma_semaphore, #tpu.memory_space<semaphore_mem>>)
        %dma_wait3A_354 = arith.constant 0 : i32
        %dma_wait3A_355 = arith.constant 0 : i32
        %dma_wait3A_356 = tpu.memref_slice %arg5[%dma_wait3A_354, %dma_wait3A_355] : memref<8x128xi32, #tpu.memory_space<vmem>> -> memref<2x128xi32, #tpu.memory_space<vmem>>
        %dma_wait3A_357 = arith.constant 48 : i32
        %dma_wait3A_358 = tpu.memref_slice %arg3[%dma_wait3A_357, %mul3A_17] : memref<50x16384xi32, #tpu.memory_space<hbm>> -> memref<2x128xi32, #tpu.memory_space<hbm>>
        %dma_wait3A_359 = arith.constant 0 : i32
        %dma_wait3A_360 = arith.constant 0 : i32
        %dma_wait3A_361 = tpu.memref_slice %arg5[%dma_wait3A_359, %dma_wait3A_360] : memref<8x128xi32, #tpu.memory_space<vmem>> -> memref<2x128xi32, #tpu.memory_space<vmem>>
        %dma_wait3A_362 = arith.constant 48 : i32
        %dma_wait3A_363 = tpu.memref_slice %arg3[%dma_wait3A_362, %mul3A_17] : memref<50x16384xi32, #tpu.memory_space<hbm>> -> memref<2x128xi32, #tpu.memory_space<hbm>>
        tpu.wait_dma2 semaphore(%run_scoped3A : memref<!tpu.dma_semaphore, #tpu.memory_space<semaphore_mem>>) src(%dma_wait3A_363 : memref<2x128xi32, #tpu.memory_space<hbm>>) dst(%dma_wait3A_361 : memref<2x128xi32, #tpu.memory_space<vmem>>)
        tpu.yield
      }) : () -> ()
      %get3A = arith.constant 0 : i32
      %get3A_18 = arith.index_cast %get3A : i32 to index
      %get3A_19 = arith.constant 0 : index
      %get3A_20 = tpu.vector_load %arg5[%get3A_18, %get3A_19] {strides = array<i32>} : memref<8x128xi32, #tpu.memory_space<vmem>>, vector<16xi32>,
      %shift_right_logical3A = arith.constant 2 : i32
      %shift_right_logical3A_21 = vector.broadcast %shift_right_logical3A : i32 to vector<16xi32>
      %shift_right_logical3A_22 = arith.shrui %get3A_20, %shift_right_logical3A_21 : vector<16xi32>
      %swap3A = arith.constant 0 : index
      %swap3A_23 = tpu.vector_load %arg6[%swap3A] {strides = array<i32>} : memref<128xi32, #tpu.memory_space<vmem>>, vector<16xi32>,
      tpu.vector_store %arg6[%swap3A], %shift_right_logical3A_22 {strides = array<i32>} : memref<128xi32, #tpu.memory_space<vmem>>, vector<16xi32>,
      %and3A = arith.constant 3 : i32
      %and3A_24 = vector.broadcast %and3A : i32 to vector<16xi32>
      %and3A_25 = arith.andi %get3A_20, %and3A_24 : vector<16xi32>
      %mul3A_26 = arith.constant 32 : i32
      %mul3A_27 = vector.broadcast %mul3A_26 : i32 to vector<16xi32>
      %mul3A_28 = arith.muli %and3A_25, %mul3A_27 : vector<16xi32>
      %swap3A_29 = arith.constant 0 : index
      %swap3A_30 = tpu.vector_load %arg7[%swap3A_29] {strides = array<i32>} : memref<128xi32, #tpu.memory_space<vmem>>, vector<16xi32>,
      tpu.vector_store %arg7[%swap3A_29], %mul3A_28 {strides = array<i32>} : memref<128xi32, #tpu.memory_space<vmem>>, vector<16xi32>,
      %get3A_31 = arith.constant 0 : i32
      %get3A_32 = arith.index_cast %get3A_31 : i32 to index
      %get3A_33 = arith.constant 16 : index
      %get3A_34 = tpu.vector_load %arg5[%get3A_32, %get3A_33] {strides = array<i32>} : memref<8x128xi32, #tpu.memory_space<vmem>>, vector<16xi32>,
      %shift_right_logical3A_35 = arith.constant 2 : i32
      %shift_right_logical3A_36 = vector.broadcast %shift_right_logical3A_35 : i32 to vector<16xi32>
      %shift_right_logical3A_37 = arith.shrui %get3A_34, %shift_right_logical3A_36 : vector<16xi32>
      %swap3A_38 = arith.constant 16 : index
      %swap3A_39 = tpu.vector_load %arg6[%swap3A_38] {strides = array<i32>} : memref<128xi32, #tpu.memory_space<vmem>>, vector<16xi32>,
      tpu.vector_store %arg6[%swap3A_38], %shift_right_logical3A_37 {strides = array<i32>} : memref<128xi32, #tpu.memory_space<vmem>>, vector<16xi32>,
      %and3A_40 = arith.constant 3 : i32
      %and3A_41 = vector.broadcast %and3A_40 : i32 to vector<16xi32>
      %and3A_42 = arith.andi %get3A_34, %and3A_41 : vector<16xi32>
      %mul3A_43 = arith.constant 32 : i32
      %mul3A_44 = vector.broadcast %mul3A_43 : i32 to vector<16xi32>
      %mul3A_45 = arith.muli %and3A_42, %mul3A_44 : vector<16xi32>
      %swap3A_46 = arith.constant 16 : index
      %swap3A_47 = tpu.vector_load %arg7[%swap3A_46] {strides = array<i32>} : memref<128xi32, #tpu.memory_space<vmem>>, vector<16xi32>,
      tpu.vector_store %arg7[%swap3A_46], %mul3A_45 {strides = array<i32>} : memref<128xi32, #tpu.memory_space<vmem>>, vector<16xi32>,
      %get3A_48 = arith.constant 0 : i32
      %get3A_49 = arith.index_cast %get3A_48 : i32 to index
      %get3A_50 = arith.constant 32 : index
      %get3A_51 = tpu.vector_load %arg5[%get3A_49, %get3A_50] {strides = array<i32>} : memref<8x128xi32, #tpu.memory_space<vmem>>, vector<16xi32>,
      %shift_right_logical3A_52 = arith.constant 2 : i32
      %shift_right_logical3A_53 = vector.broadcast %shift_right_logical3A_52 : i32 to vector<16xi32>
      %shift_right_logical3A_54 = arith.shrui %get3A_51, %shift_right_logical3A_53 : vector<16xi32>
      %swap3A_55 = arith.constant 32 : index
      %swap3A_56 = tpu.vector_load %arg6[%swap3A_55] {strides = array<i32>} : memref<128xi32, #tpu.memory_space<vmem>>, vector<16xi32>,
      tpu.vector_store %arg6[%swap3A_55], %shift_right_logical3A_54 {strides = array<i32>} : memref<128xi32, #tpu.memory_space<vmem>>, vector<16xi32>,
      %and3A_57 = arith.constant 3 : i32
      %and3A_58 = vector.broadcast %and3A_57 : i32 to vector<16xi32>
      %and3A_59 = arith.andi %get3A_51, %and3A_58 : vector<16xi32>
      %mul3A_60 = arith.constant 32 : i32
      %mul3A_61 = vector.broadcast %mul3A_60 : i32 to vector<16xi32>
      %mul3A_62 = arith.muli %and3A_59, %mul3A_61 : vector<16xi32>
      %swap3A_63 = arith.constant 32 : index
      %swap3A_64 = tpu.vector_load %arg7[%swap3A_63] {strides = array<i32>} : memref<128xi32, #tpu.memory_space<vmem>>, vector<16xi32>,
      tpu.vector_store %arg7[%swap3A_63], %mul3A_62 {strides = array<i32>} : memref<128xi32, #tpu.memory_space<vmem>>, vector<16xi32>,
      %get3A_65 = arith.constant 0 : i32
      %get3A_66 = arith.index_cast %get3A_65 : i32 to index
      %get3A_67 = arith.constant 48 : index
      %get3A_68 = tpu.vector_load %arg5[%get3A_66, %get3A_67] {strides = array<i32>} : memref<8x128xi32, #tpu.memory_space<vmem>>, vector<16xi32>,
      %shift_right_logical3A_69 = arith.constant 2 : i32
      %shift_right_logical3A_70 = vector.broadcast %shift_right_logical3A_69 : i32 to vector<16xi32>
      %shift_right_logical3A_71 = arith.shrui %get3A_68, %shift_right_logical3A_70 : vector<16xi32>
      %swap3A_72 = arith.constant 48 : index
      %swap3A_73 = tpu.vector_load %arg6[%swap3A_72] {strides = array<i32>} : memref<128xi32, #tpu.memory_space<vmem>>, vector<16xi32>,
      tpu.vector_store %arg6[%swap3A_72], %shift_right_logical3A_71 {strides = array<i32>} : memref<128xi32, #tpu.memory_space<vmem>>, vector<16xi32>,
      %and3A_74 = arith.constant 3 : i32
      %and3A_75 = vector.broadcast %and3A_74 : i32 to vector<16xi32>
      %and3A_76 = arith.andi %get3A_68, %and3A_75 : vector<16xi32>
      %mul3A_77 = arith.constant 32 : i32
      %mul3A_78 = vector.broadcast %mul3A_77 : i32 to vector<16xi32>
      %mul3A_79 = arith.muli %and3A_76, %mul3A_78 : vector<16xi32>
      %swap3A_80 = arith.constant 48 : index
      %swap3A_81 = tpu.vector_load %arg7[%swap3A_80] {strides = array<i32>} : memref<128xi32, #tpu.memory_space<vmem>>, vector<16xi32>,
      tpu.vector_store %arg7[%swap3A_80], %mul3A_79 {strides = array<i32>} : memref<128xi32, #tpu.memory_space<vmem>>, vector<16xi32>,
      %get3A_82 = arith.constant 0 : i32
      %get3A_83 = arith.index_cast %get3A_82 : i32 to index
      %get3A_84 = arith.constant 64 : index
      %get3A_85 = tpu.vector_load %arg5[%get3A_83, %get3A_84] {strides = array<i32>} : memref<8x128xi32, #tpu.memory_space<vmem>>, vector<16xi32>,
      %shift_right_logical3A_86 = arith.constant 2 : i32
      %shift_right_logical3A_87 = vector.broadcast %shift_right_logical3A_86 : i32 to vector<16xi32>
      %shift_right_logical3A_88 = arith.shrui %get3A_85, %shift_right_logical3A_87 : vector<16xi32>
      %swap3A_89 = arith.constant 64 : index
      %swap3A_90 = tpu.vector_load %arg6[%swap3A_89] {strides = array<i32>} : memref<128xi32, #tpu.memory_space<vmem>>, vector<16xi32>,
      tpu.vector_store %arg6[%swap3A_89], %shift_right_logical3A_88 {strides = array<i32>} : memref<128xi32, #tpu.memory_space<vmem>>, vector<16xi32>,
      %and3A_91 = arith.constant 3 : i32
      %and3A_92 = vector.broadcast %and3A_91 : i32 to vector<16xi32>
      %and3A_93 = arith.andi %get3A_85, %and3A_92 : vector<16xi32>
      %mul3A_94 = arith.constant 32 : i32
      %mul3A_95 = vector.broadcast %mul3A_94 : i32 to vector<16xi32>
      %mul3A_96 = arith.muli %and3A_93, %mul3A_95 : vector<16xi32>
      %swap3A_97 = arith.constant 64 : index
      %swap3A_98 = tpu.vector_load %arg7[%swap3A_97] {strides = array<i32>} : memref<128xi32, #tpu.memory_space<vmem>>, vector<16xi32>,
      tpu.vector_store %arg7[%swap3A_97], %mul3A_96 {strides = array<i32>} : memref<128xi32, #tpu.memory_space<vmem>>, vector<16xi32>,
      %get3A_99 = arith.constant 0 : i32
      %get3A_100 = arith.index_cast %get3A_99 : i32 to index
      %get3A_101 = arith.constant 80 : index
      %get3A_102 = tpu.vector_load %arg5[%get3A_100, %get3A_101] {strides = array<i32>} : memref<8x128xi32, #tpu.memory_space<vmem>>, vector<16xi32>,
      %shift_right_logical3A_103 = arith.constant 2 : i32
      %shift_right_logical3A_104 = vector.broadcast %shift_right_logical3A_103 : i32 to vector<16xi32>
      %shift_right_logical3A_105 = arith.shrui %get3A_102, %shift_right_logical3A_104 : vector<16xi32>
      %swap3A_106 = arith.constant 80 : index
      %swap3A_107 = tpu.vector_load %arg6[%swap3A_106] {strides = array<i32>} : memref<128xi32, #tpu.memory_space<vmem>>, vector<16xi32>,
      tpu.vector_store %arg6[%swap3A_106], %shift_right_logical3A_105 {strides = array<i32>} : memref<128xi32, #tpu.memory_space<vmem>>, vector<16xi32>,
      %and3A_108 = arith.constant 3 : i32
      %and3A_109 = vector.broadcast %and3A_108 : i32 to vector<16xi32>
      %and3A_110 = arith.andi %get3A_102, %and3A_109 : vector<16xi32>
      %mul3A_111 = arith.constant 32 : i32
      %mul3A_112 = vector.broadcast %mul3A_111 : i32 to vector<16xi32>
      %mul3A_113 = arith.muli %and3A_110, %mul3A_112 : vector<16xi32>
      %swap3A_114 = arith.constant 80 : index
      %swap3A_115 = tpu.vector_load %arg7[%swap3A_114] {strides = array<i32>} : memref<128xi32, #tpu.memory_space<vmem>>, vector<16xi32>,
      tpu.vector_store %arg7[%swap3A_114], %mul3A_113 {strides = array<i32>} : memref<128xi32, #tpu.memory_space<vmem>>, vector<16xi32>,
      %get3A_116 = arith.constant 0 : i32
      %get3A_117 = arith.index_cast %get3A_116 : i32 to index
      %get3A_118 = arith.constant 96 : index
      %get3A_119 = tpu.vector_load %arg5[%get3A_117, %get3A_118] {strides = array<i32>} : memref<8x128xi32, #tpu.memory_space<vmem>>, vector<16xi32>,
      %shift_right_logical3A_120 = arith.constant 2 : i32
      %shift_right_logical3A_121 = vector.broadcast %shift_right_logical3A_120 : i32 to vector<16xi32>
      %shift_right_logical3A_122 = arith.shrui %get3A_119, %shift_right_logical3A_121 : vector<16xi32>
      %swap3A_123 = arith.constant 96 : index
      %swap3A_124 = tpu.vector_load %arg6[%swap3A_123] {strides = array<i32>} : memref<128xi32, #tpu.memory_space<vmem>>, vector<16xi32>,
      tpu.vector_store %arg6[%swap3A_123], %shift_right_logical3A_122 {strides = array<i32>} : memref<128xi32, #tpu.memory_space<vmem>>, vector<16xi32>,
      %and3A_125 = arith.constant 3 : i32
      %and3A_126 = vector.broadcast %and3A_125 : i32 to vector<16xi32>
      %and3A_127 = arith.andi %get3A_119, %and3A_126 : vector<16xi32>
      %mul3A_128 = arith.constant 32 : i32
      %mul3A_129 = vector.broadcast %mul3A_128 : i32 to vector<16xi32>
      %mul3A_130 = arith.muli %and3A_127, %mul3A_129 : vector<16xi32>
      %swap3A_131 = arith.constant 96 : index
      %swap3A_132 = tpu.vector_load %arg7[%swap3A_131] {strides = array<i32>} : memref<128xi32, #tpu.memory_space<vmem>>, vector<16xi32>,
      tpu.vector_store %arg7[%swap3A_131], %mul3A_130 {strides = array<i32>} : memref<128xi32, #tpu.memory_space<vmem>>, vector<16xi32>,
      %get3A_133 = arith.constant 0 : i32
      %get3A_134 = arith.index_cast %get3A_133 : i32 to index
      %get3A_135 = arith.constant 112 : index
      %get3A_136 = tpu.vector_load %arg5[%get3A_134, %get3A_135] {strides = array<i32>} : memref<8x128xi32, #tpu.memory_space<vmem>>, vector<16xi32>,
      %shift_right_logical3A_137 = arith.constant 2 : i32
      %shift_right_logical3A_138 = vector.broadcast %shift_right_logical3A_137 : i32 to vector<16xi32>
      %shift_right_logical3A_139 = arith.shrui %get3A_136, %shift_right_logical3A_138 : vector<16xi32>
      %swap3A_140 = arith.constant 112 : index
      %swap3A_141 = tpu.vector_load %arg6[%swap3A_140] {strides = array<i32>} : memref<128xi32, #tpu.memory_space<vmem>>, vector<16xi32>,
      tpu.vector_store %arg6[%swap3A_140], %shift_right_logical3A_139 {strides = array<i32>} : memref<128xi32, #tpu.memory_space<vmem>>, vector<16xi32>,
      %and3A_142 = arith.constant 3 : i32
      %and3A_143 = vector.broadcast %and3A_142 : i32 to vector<16xi32>
      %and3A_144 = arith.andi %get3A_136, %and3A_143 : vector<16xi32>
      %mul3A_145 = arith.constant 32 : i32
      %mul3A_146 = vector.broadcast %mul3A_145 : i32 to vector<16xi32>
      %mul3A_147 = arith.muli %and3A_144, %mul3A_146 : vector<16xi32>
      %swap3A_148 = arith.constant 112 : index
      %swap3A_149 = tpu.vector_load %arg7[%swap3A_148] {strides = array<i32>} : memref<128xi32, #tpu.memory_space<vmem>>, vector<16xi32>,
      tpu.vector_store %arg7[%swap3A_148], %mul3A_147 {strides = array<i32>} : memref<128xi32, #tpu.memory_space<vmem>>, vector<16xi32>,
      %dma_start3A = arith.constant 0 : i32
      %dma_start3A_150 = arith.constant 0 : i32
      %dma_start3A_151 = tpu.memref_slice %arg2[%dma_start3A, %dma_start3A_150] : memref<250000x128xf32, #tpu.memory_space<hbm>> -> memref<250000x128xf32, #tpu.memory_space<hbm>>
      tpu.enqueue_indirect_dma source(%dma_start3A_151 : memref<250000x128xf32, #tpu.memory_space<hbm>>) target(%arg10 : memref<128x128xf32, #tpu.memory_space<vmem>>) offsets(%arg6 : memref<128xi32, #tpu.memory_space<vmem>>) semaphore(%arg14 : memref<!tpu.dma_semaphore, #tpu.memory_space<semaphore_mem>>)
      %get3A_152 = arith.constant 1 : i32
      %get3A_153 = arith.index_cast %get3A_152 : i32 to index
      %get3A_154 = arith.constant 0 : index
      %get3A_155 = tpu.vector_load %arg5[%get3A_153, %get3A_154] {strides = array<i32>} : memref<8x128xi32, #tpu.memory_space<vmem>>, vector<16xi32>,
      %shift_right_logical3A_156 = arith.constant 2 : i32
      %shift_right_logical3A_157 = vector.broadcast %shift_right_logical3A_156 : i32 to vector<16xi32>
      %shift_right_logical3A_158 = arith.shrui %get3A_155, %shift_right_logical3A_157 : vector<16xi32>
      %swap3A_159 = arith.constant 0 : index
      %swap3A_160 = tpu.vector_load %arg8[%swap3A_159] {strides = array<i32>} : memref<128xi32, #tpu.memory_space<vmem>>, vector<16xi32>,
      tpu.vector_store %arg8[%swap3A_159], %shift_right_logical3A_158 {strides = array<i32>} : memref<128xi32, #tpu.memory_space<vmem>>, vector<16xi32>,
      %and3A_161 = arith.constant 3 : i32
      %and3A_162 = vector.broadcast %and3A_161 : i32 to vector<16xi32>
      %and3A_163 = arith.andi %get3A_155, %and3A_162 : vector<16xi32>
      %mul3A_164 = arith.constant 32 : i32
      %mul3A_165 = vector.broadcast %mul3A_164 : i32 to vector<16xi32>
      %mul3A_166 = arith.muli %and3A_163, %mul3A_165 : vector<16xi32>
      %swap3A_167 = arith.constant 0 : index
      %swap3A_168 = tpu.vector_load %arg9[%swap3A_167] {strides = array<i32>} : memref<128xi32, #tpu.memory_space<vmem>>, vector<16xi32>,
      tpu.vector_store %arg9[%swap3A_167], %mul3A_166 {strides = array<i32>} : memref<128xi32, #tpu.memory_space<vmem>>, vector<16xi32>,
      %get3A_169 = arith.constant 1 : i32
      %get3A_170 = arith.index_cast %get3A_169 : i32 to index
      %get3A_171 = arith.constant 16 : index
      %get3A_172 = tpu.vector_load %arg5[%get3A_170, %get3A_171] {strides = array<i32>} : memref<8x128xi32, #tpu.memory_space<vmem>>, vector<16xi32>,
      %shift_right_logical3A_173 = arith.constant 2 : i32
      %shift_right_logical3A_174 = vector.broadcast %shift_right_logical3A_173 : i32 to vector<16xi32>
      %shift_right_logical3A_175 = arith.shrui %get3A_172, %shift_right_logical3A_174 : vector<16xi32>
      %swap3A_176 = arith.constant 16 : index
      %swap3A_177 = tpu.vector_load %arg8[%swap3A_176] {strides = array<i32>} : memref<128xi32, #tpu.memory_space<vmem>>, vector<16xi32>,
      tpu.vector_store %arg8[%swap3A_176], %shift_right_logical3A_175 {strides = array<i32>} : memref<128xi32, #tpu.memory_space<vmem>>, vector<16xi32>,
      %and3A_178 = arith.constant 3 : i32
      %and3A_179 = vector.broadcast %and3A_178 : i32 to vector<16xi32>
      %and3A_180 = arith.andi %get3A_172, %and3A_179 : vector<16xi32>
      %mul3A_181 = arith.constant 32 : i32
      %mul3A_182 = vector.broadcast %mul3A_181 : i32 to vector<16xi32>
      %mul3A_183 = arith.muli %and3A_180, %mul3A_182 : vector<16xi32>
      %swap3A_184 = arith.constant 16 : index
      %swap3A_185 = tpu.vector_load %arg9[%swap3A_184] {strides = array<i32>} : memref<128xi32, #tpu.memory_space<vmem>>, vector<16xi32>,
      tpu.vector_store %arg9[%swap3A_184], %mul3A_183 {strides = array<i32>} : memref<128xi32, #tpu.memory_space<vmem>>, vector<16xi32>,
      %get3A_186 = arith.constant 1 : i32
      %get3A_187 = arith.index_cast %get3A_186 : i32 to index
      %get3A_188 = arith.constant 32 : index
      %get3A_189 = tpu.vector_load %arg5[%get3A_187, %get3A_188] {strides = array<i32>} : memref<8x128xi32, #tpu.memory_space<vmem>>, vector<16xi32>,
      %shift_right_logical3A_190 = arith.constant 2 : i32
      %shift_right_logical3A_191 = vector.broadcast %shift_right_logical3A_190 : i32 to vector<16xi32>
      %shift_right_logical3A_192 = arith.shrui %get3A_189, %shift_right_logical3A_191 : vector<16xi32>
      %swap3A_193 = arith.constant 32 : index
      %swap3A_194 = tpu.vector_load %arg8[%swap3A_193] {strides = array<i32>} : memref<128xi32, #tpu.memory_space<vmem>>, vector<16xi32>,
      tpu.vector_store %arg8[%swap3A_193], %shift_right_logical3A_192 {strides = array<i32>} : memref<128xi32, #tpu.memory_space<vmem>>, vector<16xi32>,
      %and3A_195 = arith.constant 3 : i32
      %and3A_196 = vector.broadcast %and3A_195 : i32 to vector<16xi32>
      %and3A_197 = arith.andi %get3A_189, %and3A_196 : vector<16xi32>
      %mul3A_198 = arith.constant 32 : i32
      %mul3A_199 = vector.broadcast %mul3A_198 : i32 to vector<16xi32>
      %mul3A_200 = arith.muli %and3A_197, %mul3A_199 : vector<16xi32>
      %swap3A_201 = arith.constant 32 : index
      %swap3A_202 = tpu.vector_load %arg9[%swap3A_201] {strides = array<i32>} : memref<128xi32, #tpu.memory_space<vmem>>, vector<16xi32>,
      tpu.vector_store %arg9[%swap3A_201], %mul3A_200 {strides = array<i32>} : memref<128xi32, #tpu.memory_space<vmem>>, vector<16xi32>,
      %get3A_203 = arith.constant 1 : i32
      %get3A_204 = arith.index_cast %get3A_203 : i32 to index
      %get3A_205 = arith.constant 48 : index
      %get3A_206 = tpu.vector_load %arg5[%get3A_204, %get3A_205] {strides = array<i32>} : memref<8x128xi32, #tpu.memory_space<vmem>>, vector<16xi32>,
      %shift_right_logical3A_207 = arith.constant 2 : i32
      %shift_right_logical3A_208 = vector.broadcast %shift_right_logical3A_207 : i32 to vector<16xi32>
      %shift_right_logical3A_209 = arith.shrui %get3A_206, %shift_right_logical3A_208 : vector<16xi32>
      %swap3A_210 = arith.constant 48 : index
      %swap3A_211 = tpu.vector_load %arg8[%swap3A_210] {strides = array<i32>} : memref<128xi32, #tpu.memory_space<vmem>>, vector<16xi32>,
      tpu.vector_store %arg8[%swap3A_210], %shift_right_logical3A_209 {strides = array<i32>} : memref<128xi32, #tpu.memory_space<vmem>>, vector<16xi32>,
      %and3A_212 = arith.constant 3 : i32
      %and3A_213 = vector.broadcast %and3A_212 : i32 to vector<16xi32>
      %and3A_214 = arith.andi %get3A_206, %and3A_213 : vector<16xi32>
      %mul3A_215 = arith.constant 32 : i32
      %mul3A_216 = vector.broadcast %mul3A_215 : i32 to vector<16xi32>
      %mul3A_217 = arith.muli %and3A_214, %mul3A_216 : vector<16xi32>
      %swap3A_218 = arith.constant 48 : index
      %swap3A_219 = tpu.vector_load %arg9[%swap3A_218] {strides = array<i32>} : memref<128xi32, #tpu.memory_space<vmem>>, vector<16xi32>,
      tpu.vector_store %arg9[%swap3A_218], %mul3A_217 {strides = array<i32>} : memref<128xi32, #tpu.memory_space<vmem>>, vector<16xi32>,
      %get3A_220 = arith.constant 1 : i32
      %get3A_221 = arith.index_cast %get3A_220 : i32 to index
      %get3A_222 = arith.constant 64 : index
      %get3A_223 = tpu.vector_load %arg5[%get3A_221, %get3A_222] {strides = array<i32>} : memref<8x128xi32, #tpu.memory_space<vmem>>, vector<16xi32>,
      %shift_right_logical3A_224 = arith.constant 2 : i32
      %shift_right_logical3A_225 = vector.broadcast %shift_right_logical3A_224 : i32 to vector<16xi32>
      %shift_right_logical3A_226 = arith.shrui %get3A_223, %shift_right_logical3A_225 : vector<16xi32>
      %swap3A_227 = arith.constant 64 : index
      %swap3A_228 = tpu.vector_load %arg8[%swap3A_227] {strides = array<i32>} : memref<128xi32, #tpu.memory_space<vmem>>, vector<16xi32>,
      tpu.vector_store %arg8[%swap3A_227], %shift_right_logical3A_226 {strides = array<i32>} : memref<128xi32, #tpu.memory_space<vmem>>, vector<16xi32>,
      %and3A_229 = arith.constant 3 : i32
      %and3A_230 = vector.broadcast %and3A_229 : i32 to vector<16xi32>
      %and3A_231 = arith.andi %get3A_223, %and3A_230 : vector<16xi32>
      %mul3A_232 = arith.constant 32 : i32
      %mul3A_233 = vector.broadcast %mul3A_232 : i32 to vector<16xi32>
      %mul3A_234 = arith.muli %and3A_231, %mul3A_233 : vector<16xi32>
      %swap3A_235 = arith.constant 64 : index
      %swap3A_236 = tpu.vector_load %arg9[%swap3A_235] {strides = array<i32>} : memref<128xi32, #tpu.memory_space<vmem>>, vector<16xi32>,
      tpu.vector_store %arg9[%swap3A_235], %mul3A_234 {strides = array<i32>} : memref<128xi32, #tpu.memory_space<vmem>>, vector<16xi32>,
      %get3A_237 = arith.constant 1 : i32
      %get3A_238 = arith.index_cast %get3A_237 : i32 to index
      %get3A_239 = arith.constant 80 : index
      %get3A_240 = tpu.vector_load %arg5[%get3A_238, %get3A_239] {strides = array<i32>} : memref<8x128xi32, #tpu.memory_space<vmem>>, vector<16xi32>,
      %shift_right_logical3A_241 = arith.constant 2 : i32
      %shift_right_logical3A_242 = vector.broadcast %shift_right_logical3A_241 : i32 to vector<16xi32>
      %shift_right_logical3A_243 = arith.shrui %get3A_240, %shift_right_logical3A_242 : vector<16xi32>
      %swap3A_244 = arith.constant 80 : index
      %swap3A_245 = tpu.vector_load %arg8[%swap3A_244] {strides = array<i32>} : memref<128xi32, #tpu.memory_space<vmem>>, vector<16xi32>,
      tpu.vector_store %arg8[%swap3A_244], %shift_right_logical3A_243 {strides = array<i32>} : memref<128xi32, #tpu.memory_space<vmem>>, vector<16xi32>,
      %and3A_246 = arith.constant 3 : i32
      %and3A_247 = vector.broadcast %and3A_246 : i32 to vector<16xi32>
      %and3A_248 = arith.andi %get3A_240, %and3A_247 : vector<16xi32>
      %mul3A_249 = arith.constant 32 : i32
      %mul3A_250 = vector.broadcast %mul3A_249 : i32 to vector<16xi32>
      %mul3A_251 = arith.muli %and3A_248, %mul3A_250 : vector<16xi32>
      %swap3A_252 = arith.constant 80 : index
      %swap3A_253 = tpu.vector_load %arg9[%swap3A_252] {strides = array<i32>} : memref<128xi32, #tpu.memory_space<vmem>>, vector<16xi32>,
      tpu.vector_store %arg9[%swap3A_252], %mul3A_251 {strides = array<i32>} : memref<128xi32, #tpu.memory_space<vmem>>, vector<16xi32>,
      %get3A_254 = arith.constant 1 : i32
      %get3A_255 = arith.index_cast %get3A_254 : i32 to index
      %get3A_256 = arith.constant 96 : index
      %get3A_257 = tpu.vector_load %arg5[%get3A_255, %get3A_256] {strides = array<i32>} : memref<8x128xi32, #tpu.memory_space<vmem>>, vector<16xi32>,
      %shift_right_logical3A_258 = arith.constant 2 : i32
      %shift_right_logical3A_259 = vector.broadcast %shift_right_logical3A_258 : i32 to vector<16xi32>
      %shift_right_logical3A_260 = arith.shrui %get3A_257, %shift_right_logical3A_259 : vector<16xi32>
      %swap3A_261 = arith.constant 96 : index
      %swap3A_262 = tpu.vector_load %arg8[%swap3A_261] {strides = array<i32>} : memref<128xi32, #tpu.memory_space<vmem>>, vector<16xi32>,
      tpu.vector_store %arg8[%swap3A_261], %shift_right_logical3A_260 {strides = array<i32>} : memref<128xi32, #tpu.memory_space<vmem>>, vector<16xi32>,
      %and3A_263 = arith.constant 3 : i32
      %and3A_264 = vector.broadcast %and3A_263 : i32 to vector<16xi32>
      %and3A_265 = arith.andi %get3A_257, %and3A_264 : vector<16xi32>
      %mul3A_266 = arith.constant 32 : i32
      %mul3A_267 = vector.broadcast %mul3A_266 : i32 to vector<16xi32>
      %mul3A_268 = arith.muli %and3A_265, %mul3A_267 : vector<16xi32>
      %swap3A_269 = arith.constant 96 : index
      %swap3A_270 = tpu.vector_load %arg9[%swap3A_269] {strides = array<i32>} : memref<128xi32, #tpu.memory_space<vmem>>, vector<16xi32>,
      tpu.vector_store %arg9[%swap3A_269], %mul3A_268 {strides = array<i32>} : memref<128xi32, #tpu.memory_space<vmem>>, vector<16xi32>,
      %get3A_271 = arith.constant 1 : i32
      %get3A_272 = arith.index_cast %get3A_271 : i32 to index
      %get3A_273 = arith.constant 112 : index
      %get3A_274 = tpu.vector_load %arg5[%get3A_272, %get3A_273] {strides = array<i32>} : memref<8x128xi32, #tpu.memory_space<vmem>>, vector<16xi32>,
      %shift_right_logical3A_275 = arith.constant 2 : i32
      %shift_right_logical3A_276 = vector.broadcast %shift_right_logical3A_275 : i32 to vector<16xi32>
      %shift_right_logical3A_277 = arith.shrui %get3A_274, %shift_right_logical3A_276 : vector<16xi32>
      %swap3A_278 = arith.constant 112 : index
      %swap3A_279 = tpu.vector_load %arg8[%swap3A_278] {strides = array<i32>} : memref<128xi32, #tpu.memory_space<vmem>>, vector<16xi32>,
      tpu.vector_store %arg8[%swap3A_278], %shift_right_logical3A_277 {strides = array<i32>} : memref<128xi32, #tpu.memory_space<vmem>>, vector<16xi32>,
      %and3A_280 = arith.constant 3 : i32
      %and3A_281 = vector.broadcast %and3A_280 : i32 to vector<16xi32>
      %and3A_282 = arith.andi %get3A_274, %and3A_281 : vector<16xi32>
      %mul3A_283 = arith.constant 32 : i32
      %mul3A_284 = vector.broadcast %mul3A_283 : i32 to vector<16xi32>
      %mul3A_285 = arith.muli %and3A_282, %mul3A_284 : vector<16xi32>
      %swap3A_286 = arith.constant 112 : index
      %swap3A_287 = tpu.vector_load %arg9[%swap3A_286] {strides = array<i32>} : memref<128xi32, #tpu.memory_space<vmem>>, vector<16xi32>,
      tpu.vector_store %arg9[%swap3A_286], %mul3A_285 {strides = array<i32>} : memref<128xi32, #tpu.memory_space<vmem>>, vector<16xi32>,
      %dma_wait3A = arith.constant 0 : i32
      %dma_wait3A_288 = arith.constant 0 : i32
      %dma_wait3A_289 = tpu.memref_slice %arg2[%dma_wait3A, %dma_wait3A_288] : memref<250000x128xf32, #tpu.memory_space<hbm>> -> memref<250000x128xf32, #tpu.memory_space<hbm>>
      tpu.wait_indirect_dma semaphore(%arg14 : memref<!tpu.dma_semaphore, #tpu.memory_space<semaphore_mem>>) src(%dma_wait3A_289 : memref<250000x128xf32, #tpu.memory_space<hbm>>) dst(%arg10 : memref<128x128xf32, #tpu.memory_space<vmem>>)
      %dma_start3A_290 = arith.constant 0 : i32
      %dma_start3A_291 = arith.constant 0 : i32
      %dma_start3A_292 = tpu.memref_slice %arg2[%dma_start3A_290, %dma_start3A_291] : memref<250000x128xf32, #tpu.memory_space<hbm>> -> memref<250000x128xf32, #tpu.memory_space<hbm>>
      tpu.enqueue_indirect_dma source(%dma_start3A_292 : memref<250000x128xf32, #tpu.memory_space<hbm>>) target(%arg11 : memref<128x128xf32, #tpu.memory_space<vmem>>) offsets(%arg8 : memref<128xi32, #tpu.memory_space<vmem>>) semaphore(%arg14 : memref<!tpu.dma_semaphore, #tpu.memory_space<semaphore_mem>>)
      %scan3A_293 = arith.constant 0 : i32
      %scan3A_294 = arith.constant 0 : i32
      %scan3A_295 = arith.constant 8 : i32
      %scan3A_296 = arith.addi %scan3A_294, %scan3A_295 : i32
      %scan3A_297 = arith.constant 1 : i32
      scf.for %scan3A_344 = %scan3A_294 to %scan3A_296 step %scan3A_297  : i32 {
        %mul3A_345 = arith.constant 16 : i32
        %mul3A_346 = arith.muli %scan3A_344, %mul3A_345 : i32
        %get3A_347 = arith.index_cast %mul3A_346 : i32 to index
        %get3A_348 = tpu.vector_load %arg7[%get3A_347] {strides = array<i32>} : memref<128xi32, #tpu.memory_space<vmem>>, vector<16xi32>,
        %mul3A_349 = arith.constant 16 : i32
        %mul3A_350 = arith.muli %scan3A_344, %mul3A_349 : i32
        %iota3A = tpu.iota {dimensions = array<i32: 0>} : vector<16xi32>
        %add3A_351 = vector.broadcast %mul3A_350 : i32 to vector<16xi32>
        %add3A_352 = arith.addi %add3A_351, %iota3A : vector<16xi32>
        %add3A_353 = arith.constant 0 : i32
        %add3A_354 = vector.broadcast %add3A_353 : i32 to vector<16xi32>
        %add3A_355 = arith.addi %get3A_348, %add3A_354 : vector<16xi32>
        %gather3A = tpu.vector_load_idx %arg10[%add3A_352, %add3A_355] : memref<128x128xf32, #tpu.memory_space<vmem>>[vector<16xi32>, vector<16xi32>], vector<16xf32>,
        %mul3A_356 = arith.constant 16 : i32
        %mul3A_357 = arith.muli %scan3A_344, %mul3A_356 : i32
        %swap3A_358 = arith.constant 0 : i32
        %swap3A_359 = arith.index_cast %swap3A_358 : i32 to index
        %swap3A_360 = arith.index_cast %mul3A_357 : i32 to index
        %swap3A_361 = tpu.vector_load %arg12[%swap3A_359, %swap3A_360] {strides = array<i32>} : memref<32x128xf32, #tpu.memory_space<vmem>>, vector<16xf32>,
        tpu.vector_store %arg12[%swap3A_359, %swap3A_360], %gather3A {strides = array<i32>} : memref<32x128xf32, #tpu.memory_space<vmem>>, vector<16xf32>,
        %add3A_362 = arith.constant 1 : i32
        %add3A_363 = vector.broadcast %add3A_362 : i32 to vector<16xi32>
        %add3A_364 = arith.addi %get3A_348, %add3A_363 : vector<16xi32>
        %gather3A_365 = tpu.vector_load_idx %arg10[%add3A_352, %add3A_364] : memref<128x128xf32, #tpu.memory_space<vmem>>[vector<16xi32>, vector<16xi32>], vector<16xf32>,
        %mul3A_366 = arith.constant 16 : i32
        %mul3A_367 = arith.muli %scan3A_344, %mul3A_366 : i32
        %swap3A_368 = arith.constant 1 : i32
        %swap3A_369 = arith.index_cast %swap3A_368 : i32 to index
        %swap3A_370 = arith.index_cast %mul3A_367 : i32 to index
        %swap3A_371 = tpu.vector_load %arg12[%swap3A_369, %swap3A_370] {strides = array<i32>} : memref<32x128xf32, #tpu.memory_space<vmem>>, vector<16xf32>,
        tpu.vector_store %arg12[%swap3A_369, %swap3A_370], %gather3A_365 {strides = array<i32>} : memref<32x128xf32, #tpu.memory_space<vmem>>, vector<16xf32>,
        %add3A_372 = arith.constant 2 : i32
        %add3A_373 = vector.broadcast %add3A_372 : i32 to vector<16xi32>
        %add3A_374 = arith.addi %get3A_348, %add3A_373 : vector<16xi32>
        %gather3A_375 = tpu.vector_load_idx %arg10[%add3A_352, %add3A_374] : memref<128x128xf32, #tpu.memory_space<vmem>>[vector<16xi32>, vector<16xi32>], vector<16xf32>,
        %mul3A_376 = arith.constant 16 : i32
        %mul3A_377 = arith.muli %scan3A_344, %mul3A_376 : i32
        %swap3A_378 = arith.constant 2 : i32
        %swap3A_379 = arith.index_cast %swap3A_378 : i32 to index
        %swap3A_380 = arith.index_cast %mul3A_377 : i32 to index
        %swap3A_381 = tpu.vector_load %arg12[%swap3A_379, %swap3A_380] {strides = array<i32>} : memref<32x128xf32, #tpu.memory_space<vmem>>, vector<16xf32>,
        tpu.vector_store %arg12[%swap3A_379, %swap3A_380], %gather3A_375 {strides = array<i32>} : memref<32x128xf32, #tpu.memory_space<vmem>>, vector<16xf32>,
        %add3A_382 = arith.constant 3 : i32
        %add3A_383 = vector.broadcast %add3A_382 : i32 to vector<16xi32>
        %add3A_384 = arith.addi %get3A_348, %add3A_383 : vector<16xi32>
        %gather3A_385 = tpu.vector_load_idx %arg10[%add3A_352, %add3A_384] : memref<128x128xf32, #tpu.memory_space<vmem>>[vector<16xi32>, vector<16xi32>], vector<16xf32>,
        %mul3A_386 = arith.constant 16 : i32
        %mul3A_387 = arith.muli %scan3A_344, %mul3A_386 : i32
        %swap3A_388 = arith.constant 3 : i32
        %swap3A_389 = arith.index_cast %swap3A_388 : i32 to index
        %swap3A_390 = arith.index_cast %mul3A_387 : i32 to index
        %swap3A_391 = tpu.vector_load %arg12[%swap3A_389, %swap3A_390] {strides = array<i32>} : memref<32x128xf32, #tpu.memory_space<vmem>>, vector<16xf32>,
        tpu.vector_store %arg12[%swap3A_389, %swap3A_390], %gather3A_385 {strides = array<i32>} : memref<32x128xf32, #tpu.memory_space<vmem>>, vector<16xf32>,
        %add3A_392 = arith.constant 4 : i32
        %add3A_393 = vector.broadcast %add3A_392 : i32 to vector<16xi32>
        %add3A_394 = arith.addi %get3A_348, %add3A_393 : vector<16xi32>
        %gather3A_395 = tpu.vector_load_idx %arg10[%add3A_352, %add3A_394] : memref<128x128xf32, #tpu.memory_space<vmem>>[vector<16xi32>, vector<16xi32>], vector<16xf32>,
        %mul3A_396 = arith.constant 16 : i32
        %mul3A_397 = arith.muli %scan3A_344, %mul3A_396 : i32
        %swap3A_398 = arith.constant 4 : i32
        %swap3A_399 = arith.index_cast %swap3A_398 : i32 to index
        %swap3A_400 = arith.index_cast %mul3A_397 : i32 to index
        %swap3A_401 = tpu.vector_load %arg12[%swap3A_399, %swap3A_400] {strides = array<i32>} : memref<32x128xf32, #tpu.memory_space<vmem>>, vector<16xf32>,
        tpu.vector_store %arg12[%swap3A_399, %swap3A_400], %gather3A_395 {strides = array<i32>} : memref<32x128xf32, #tpu.memory_space<vmem>>, vector<16xf32>,
        %add3A_402 = arith.constant 5 : i32
        %add3A_403 = vector.broadcast %add3A_402 : i32 to vector<16xi32>
        %add3A_404 = arith.addi %get3A_348, %add3A_403 : vector<16xi32>
        %gather3A_405 = tpu.vector_load_idx %arg10[%add3A_352, %add3A_404] : memref<128x128xf32, #tpu.memory_space<vmem>>[vector<16xi32>, vector<16xi32>], vector<16xf32>,
        %mul3A_406 = arith.constant 16 : i32
        %mul3A_407 = arith.muli %scan3A_344, %mul3A_406 : i32
        %swap3A_408 = arith.constant 5 : i32
        %swap3A_409 = arith.index_cast %swap3A_408 : i32 to index
        %swap3A_410 = arith.index_cast %mul3A_407 : i32 to index
        %swap3A_411 = tpu.vector_load %arg12[%swap3A_409, %swap3A_410] {strides = array<i32>} : memref<32x128xf32, #tpu.memory_space<vmem>>, vector<16xf32>,
        tpu.vector_store %arg12[%swap3A_409, %swap3A_410], %gather3A_405 {strides = array<i32>} : memref<32x128xf32, #tpu.memory_space<vmem>>, vector<16xf32>,
        %add3A_412 = arith.constant 6 : i32
        %add3A_413 = vector.broadcast %add3A_412 : i32 to vector<16xi32>
        %add3A_414 = arith.addi %get3A_348, %add3A_413 : vector<16xi32>
        %gather3A_415 = tpu.vector_load_idx %arg10[%add3A_352, %add3A_414] : memref<128x128xf32, #tpu.memory_space<vmem>>[vector<16xi32>, vector<16xi32>], vector<16xf32>,
        %mul3A_416 = arith.constant 16 : i32
        %mul3A_417 = arith.muli %scan3A_344, %mul3A_416 : i32
        %swap3A_418 = arith.constant 6 : i32
        %swap3A_419 = arith.index_cast %swap3A_418 : i32 to index
        %swap3A_420 = arith.index_cast %mul3A_417 : i32 to index
        %swap3A_421 = tpu.vector_load %arg12[%swap3A_419, %swap3A_420] {strides = array<i32>} : memref<32x128xf32, #tpu.memory_space<vmem>>, vector<16xf32>,
        tpu.vector_store %arg12[%swap3A_419, %swap3A_420], %gather3A_415 {strides = array<i32>} : memref<32x128xf32, #tpu.memory_space<vmem>>, vector<16xf32>,
        %add3A_422 = arith.constant 7 : i32
        %add3A_423 = vector.broadcast %add3A_422 : i32 to vector<16xi32>
        %add3A_424 = arith.addi %get3A_348, %add3A_423 : vector<16xi32>
        %gather3A_425 = tpu.vector_load_idx %arg10[%add3A_352, %add3A_424] : memref<128x128xf32, #tpu.memory_space<vmem>>[vector<16xi32>, vector<16xi32>], vector<16xf32>,
        %mul3A_426 = arith.constant 16 : i32
        %mul3A_427 = arith.muli %scan3A_344, %mul3A_426 : i32
        %swap3A_428 = arith.constant 7 : i32
        %swap3A_429 = arith.index_cast %swap3A_428 : i32 to index
        %swap3A_430 = arith.index_cast %mul3A_427 : i32 to index
        %swap3A_431 = tpu.vector_load %arg12[%swap3A_429, %swap3A_430] {strides = array<i32>} : memref<32x128xf32, #tpu.memory_space<vmem>>, vector<16xf32>,
        tpu.vector_store %arg12[%swap3A_429, %swap3A_430], %gather3A_425 {strides = array<i32>} : memref<32x128xf32, #tpu.memory_space<vmem>>, vector<16xf32>,
        %add3A_432 = arith.constant 8 : i32
        %add3A_433 = vector.broadcast %add3A_432 : i32 to vector<16xi32>
        %add3A_434 = arith.addi %get3A_348, %add3A_433 : vector<16xi32>
        %gather3A_435 = tpu.vector_load_idx %arg10[%add3A_352, %add3A_434] : memref<128x128xf32, #tpu.memory_space<vmem>>[vector<16xi32>, vector<16xi32>], vector<16xf32>,
        %mul3A_436 = arith.constant 16 : i32
        %mul3A_437 = arith.muli %scan3A_344, %mul3A_436 : i32
        %swap3A_438 = arith.constant 8 : i32
        %swap3A_439 = arith.index_cast %swap3A_438 : i32 to index
        %swap3A_440 = arith.index_cast %mul3A_437 : i32 to index
        %swap3A_441 = tpu.vector_load %arg12[%swap3A_439, %swap3A_440] {strides = array<i32>} : memref<32x128xf32, #tpu.memory_space<vmem>>, vector<16xf32>,
        tpu.vector_store %arg12[%swap3A_439, %swap3A_440], %gather3A_435 {strides = array<i32>} : memref<32x128xf32, #tpu.memory_space<vmem>>, vector<16xf32>,
        %add3A_442 = arith.constant 9 : i32
        %add3A_443 = vector.broadcast %add3A_442 : i32 to vector<16xi32>
        %add3A_444 = arith.addi %get3A_348, %add3A_443 : vector<16xi32>
        %gather3A_445 = tpu.vector_load_idx %arg10[%add3A_352, %add3A_444] : memref<128x128xf32, #tpu.memory_space<vmem>>[vector<16xi32>, vector<16xi32>], vector<16xf32>,
        %mul3A_446 = arith.constant 16 : i32
        %mul3A_447 = arith.muli %scan3A_344, %mul3A_446 : i32
        %swap3A_448 = arith.constant 9 : i32
        %swap3A_449 = arith.index_cast %swap3A_448 : i32 to index
        %swap3A_450 = arith.index_cast %mul3A_447 : i32 to index
        %swap3A_451 = tpu.vector_load %arg12[%swap3A_449, %swap3A_450] {strides = array<i32>} : memref<32x128xf32, #tpu.memory_space<vmem>>, vector<16xf32>,
        tpu.vector_store %arg12[%swap3A_449, %swap3A_450], %gather3A_445 {strides = array<i32>} : memref<32x128xf32, #tpu.memory_space<vmem>>, vector<16xf32>,
        %add3A_452 = arith.constant 10 : i32
        %add3A_453 = vector.broadcast %add3A_452 : i32 to vector<16xi32>
        %add3A_454 = arith.addi %get3A_348, %add3A_453 : vector<16xi32>
        %gather3A_455 = tpu.vector_load_idx %arg10[%add3A_352, %add3A_454] : memref<128x128xf32, #tpu.memory_space<vmem>>[vector<16xi32>, vector<16xi32>], vector<16xf32>,
        %mul3A_456 = arith.constant 16 : i32
        %mul3A_457 = arith.muli %scan3A_344, %mul3A_456 : i32
        %swap3A_458 = arith.constant 10 : i32
        %swap3A_459 = arith.index_cast %swap3A_458 : i32 to index
        %swap3A_460 = arith.index_cast %mul3A_457 : i32 to index
        %swap3A_461 = tpu.vector_load %arg12[%swap3A_459, %swap3A_460] {strides = array<i32>} : memref<32x128xf32, #tpu.memory_space<vmem>>, vector<16xf32>,
        tpu.vector_store %arg12[%swap3A_459, %swap3A_460], %gather3A_455 {strides = array<i32>} : memref<32x128xf32, #tpu.memory_space<vmem>>, vector<16xf32>,
        %add3A_462 = arith.constant 11 : i32
        %add3A_463 = vector.broadcast %add3A_462 : i32 to vector<16xi32>
        %add3A_464 = arith.addi %get3A_348, %add3A_463 : vector<16xi32>
        %gather3A_465 = tpu.vector_load_idx %arg10[%add3A_352, %add3A_464] : memref<128x128xf32, #tpu.memory_space<vmem>>[vector<16xi32>, vector<16xi32>], vector<16xf32>,
        %mul3A_466 = arith.constant 16 : i32
        %mul3A_467 = arith.muli %scan3A_344, %mul3A_466 : i32
        %swap3A_468 = arith.constant 11 : i32
        %swap3A_469 = arith.index_cast %swap3A_468 : i32 to index
        %swap3A_470 = arith.index_cast %mul3A_467 : i32 to index
        %swap3A_471 = tpu.vector_load %arg12[%swap3A_469, %swap3A_470] {strides = array<i32>} : memref<32x128xf32, #tpu.memory_space<vmem>>, vector<16xf32>,
        tpu.vector_store %arg12[%swap3A_469, %swap3A_470], %gather3A_465 {strides = array<i32>} : memref<32x128xf32, #tpu.memory_space<vmem>>, vector<16xf32>,
        %add3A_472 = arith.constant 12 : i32
        %add3A_473 = vector.broadcast %add3A_472 : i32 to vector<16xi32>
        %add3A_474 = arith.addi %get3A_348, %add3A_473 : vector<16xi32>
        %gather3A_475 = tpu.vector_load_idx %arg10[%add3A_352, %add3A_474] : memref<128x128xf32, #tpu.memory_space<vmem>>[vector<16xi32>, vector<16xi32>], vector<16xf32>,
        %mul3A_476 = arith.constant 16 : i32
        %mul3A_477 = arith.muli %scan3A_344, %mul3A_476 : i32
        %swap3A_478 = arith.constant 12 : i32
        %swap3A_479 = arith.index_cast %swap3A_478 : i32 to index
        %swap3A_480 = arith.index_cast %mul3A_477 : i32 to index
        %swap3A_481 = tpu.vector_load %arg12[%swap3A_479, %swap3A_480] {strides = array<i32>} : memref<32x128xf32, #tpu.memory_space<vmem>>, vector<16xf32>,
        tpu.vector_store %arg12[%swap3A_479, %swap3A_480], %gather3A_475 {strides = array<i32>} : memref<32x128xf32, #tpu.memory_space<vmem>>, vector<16xf32>,
        %add3A_482 = arith.constant 13 : i32
        %add3A_483 = vector.broadcast %add3A_482 : i32 to vector<16xi32>
        %add3A_484 = arith.addi %get3A_348, %add3A_483 : vector<16xi32>
        %gather3A_485 = tpu.vector_load_idx %arg10[%add3A_352, %add3A_484] : memref<128x128xf32, #tpu.memory_space<vmem>>[vector<16xi32>, vector<16xi32>], vector<16xf32>,
        %mul3A_486 = arith.constant 16 : i32
        %mul3A_487 = arith.muli %scan3A_344, %mul3A_486 : i32
        %swap3A_488 = arith.constant 13 : i32
        %swap3A_489 = arith.index_cast %swap3A_488 : i32 to index
        %swap3A_490 = arith.index_cast %mul3A_487 : i32 to index
        %swap3A_491 = tpu.vector_load %arg12[%swap3A_489, %swap3A_490] {strides = array<i32>} : memref<32x128xf32, #tpu.memory_space<vmem>>, vector<16xf32>,
        tpu.vector_store %arg12[%swap3A_489, %swap3A_490], %gather3A_485 {strides = array<i32>} : memref<32x128xf32, #tpu.memory_space<vmem>>, vector<16xf32>,
        %add3A_492 = arith.constant 14 : i32
        %add3A_493 = vector.broadcast %add3A_492 : i32 to vector<16xi32>
        %add3A_494 = arith.addi %get3A_348, %add3A_493 : vector<16xi32>
        %gather3A_495 = tpu.vector_load_idx %arg10[%add3A_352, %add3A_494] : memref<128x128xf32, #tpu.memory_space<vmem>>[vector<16xi32>, vector<16xi32>], vector<16xf32>,
        %mul3A_496 = arith.constant 16 : i32
        %mul3A_497 = arith.muli %scan3A_344, %mul3A_496 : i32
        %swap3A_498 = arith.constant 14 : i32
        %swap3A_499 = arith.index_cast %swap3A_498 : i32 to index
        %swap3A_500 = arith.index_cast %mul3A_497 : i32 to index
        %swap3A_501 = tpu.vector_load %arg12[%swap3A_499, %swap3A_500] {strides = array<i32>} : memref<32x128xf32, #tpu.memory_space<vmem>>, vector<16xf32>,
        tpu.vector_store %arg12[%swap3A_499, %swap3A_500], %gather3A_495 {strides = array<i32>} : memref<32x128xf32, #tpu.memory_space<vmem>>, vector<16xf32>,
        %add3A_502 = arith.constant 15 : i32
        %add3A_503 = vector.broadcast %add3A_502 : i32 to vector<16xi32>
        %add3A_504 = arith.addi %get3A_348, %add3A_503 : vector<16xi32>
        %gather3A_505 = tpu.vector_load_idx %arg10[%add3A_352, %add3A_504] : memref<128x128xf32, #tpu.memory_space<vmem>>[vector<16xi32>, vector<16xi32>], vector<16xf32>,
        %mul3A_506 = arith.constant 16 : i32
        %mul3A_507 = arith.muli %scan3A_344, %mul3A_506 : i32
        %swap3A_508 = arith.constant 15 : i32
        %swap3A_509 = arith.index_cast %swap3A_508 : i32 to index
        %swap3A_510 = arith.index_cast %mul3A_507 : i32 to index
        %swap3A_511 = tpu.vector_load %arg12[%swap3A_509, %swap3A_510] {strides = array<i32>} : memref<32x128xf32, #tpu.memory_space<vmem>>, vector<16xf32>,
        tpu.vector_store %arg12[%swap3A_509, %swap3A_510], %gather3A_505 {strides = array<i32>} : memref<32x128xf32, #tpu.memory_space<vmem>>, vector<16xf32>,
        %add3A_512 = arith.constant 16 : i32
        %add3A_513 = vector.broadcast %add3A_512 : i32 to vector<16xi32>
        %add3A_514 = arith.addi %get3A_348, %add3A_513 : vector<16xi32>
        %gather3A_515 = tpu.vector_load_idx %arg10[%add3A_352, %add3A_514] : memref<128x128xf32, #tpu.memory_space<vmem>>[vector<16xi32>, vector<16xi32>], vector<16xf32>,
        %mul3A_516 = arith.constant 16 : i32
        %mul3A_517 = arith.muli %scan3A_344, %mul3A_516 : i32
        %swap3A_518 = arith.constant 16 : i32
        %swap3A_519 = arith.index_cast %swap3A_518 : i32 to index
        %swap3A_520 = arith.index_cast %mul3A_517 : i32 to index
        %swap3A_521 = tpu.vector_load %arg12[%swap3A_519, %swap3A_520] {strides = array<i32>} : memref<32x128xf32, #tpu.memory_space<vmem>>, vector<16xf32>,
        tpu.vector_store %arg12[%swap3A_519, %swap3A_520], %gather3A_515 {strides = array<i32>} : memref<32x128xf32, #tpu.memory_space<vmem>>, vector<16xf32>,
        %add3A_522 = arith.constant 17 : i32
        %add3A_523 = vector.broadcast %add3A_522 : i32 to vector<16xi32>
        %add3A_524 = arith.addi %get3A_348, %add3A_523 : vector<16xi32>
        %gather3A_525 = tpu.vector_load_idx %arg10[%add3A_352, %add3A_524] : memref<128x128xf32, #tpu.memory_space<vmem>>[vector<16xi32>, vector<16xi32>], vector<16xf32>,
        %mul3A_526 = arith.constant 16 : i32
        %mul3A_527 = arith.muli %scan3A_344, %mul3A_526 : i32
        %swap3A_528 = arith.constant 17 : i32
        %swap3A_529 = arith.index_cast %swap3A_528 : i32 to index
        %swap3A_530 = arith.index_cast %mul3A_527 : i32 to index
        %swap3A_531 = tpu.vector_load %arg12[%swap3A_529, %swap3A_530] {strides = array<i32>} : memref<32x128xf32, #tpu.memory_space<vmem>>, vector<16xf32>,
        tpu.vector_store %arg12[%swap3A_529, %swap3A_530], %gather3A_525 {strides = array<i32>} : memref<32x128xf32, #tpu.memory_space<vmem>>, vector<16xf32>,
        %add3A_532 = arith.constant 18 : i32
        %add3A_533 = vector.broadcast %add3A_532 : i32 to vector<16xi32>
        %add3A_534 = arith.addi %get3A_348, %add3A_533 : vector<16xi32>
        %gather3A_535 = tpu.vector_load_idx %arg10[%add3A_352, %add3A_534] : memref<128x128xf32, #tpu.memory_space<vmem>>[vector<16xi32>, vector<16xi32>], vector<16xf32>,
        %mul3A_536 = arith.constant 16 : i32
        %mul3A_537 = arith.muli %scan3A_344, %mul3A_536 : i32
        %swap3A_538 = arith.constant 18 : i32
        %swap3A_539 = arith.index_cast %swap3A_538 : i32 to index
        %swap3A_540 = arith.index_cast %mul3A_537 : i32 to index
        %swap3A_541 = tpu.vector_load %arg12[%swap3A_539, %swap3A_540] {strides = array<i32>} : memref<32x128xf32, #tpu.memory_space<vmem>>, vector<16xf32>,
        tpu.vector_store %arg12[%swap3A_539, %swap3A_540], %gather3A_535 {strides = array<i32>} : memref<32x128xf32, #tpu.memory_space<vmem>>, vector<16xf32>,
        %add3A_542 = arith.constant 19 : i32
        %add3A_543 = vector.broadcast %add3A_542 : i32 to vector<16xi32>
        %add3A_544 = arith.addi %get3A_348, %add3A_543 : vector<16xi32>
        %gather3A_545 = tpu.vector_load_idx %arg10[%add3A_352, %add3A_544] : memref<128x128xf32, #tpu.memory_space<vmem>>[vector<16xi32>, vector<16xi32>], vector<16xf32>,
        %mul3A_546 = arith.constant 16 : i32
        %mul3A_547 = arith.muli %scan3A_344, %mul3A_546 : i32
        %swap3A_548 = arith.constant 19 : i32
        %swap3A_549 = arith.index_cast %swap3A_548 : i32 to index
        %swap3A_550 = arith.index_cast %mul3A_547 : i32 to index
        %swap3A_551 = tpu.vector_load %arg12[%swap3A_549, %swap3A_550] {strides = array<i32>} : memref<32x128xf32, #tpu.memory_space<vmem>>, vector<16xf32>,
        tpu.vector_store %arg12[%swap3A_549, %swap3A_550], %gather3A_545 {strides = array<i32>} : memref<32x128xf32, #tpu.memory_space<vmem>>, vector<16xf32>,
        %add3A_552 = arith.constant 20 : i32
        %add3A_553 = vector.broadcast %add3A_552 : i32 to vector<16xi32>
        %add3A_554 = arith.addi %get3A_348, %add3A_553 : vector<16xi32>
        %gather3A_555 = tpu.vector_load_idx %arg10[%add3A_352, %add3A_554] : memref<128x128xf32, #tpu.memory_space<vmem>>[vector<16xi32>, vector<16xi32>], vector<16xf32>,
        %mul3A_556 = arith.constant 16 : i32
        %mul3A_557 = arith.muli %scan3A_344, %mul3A_556 : i32
        %swap3A_558 = arith.constant 20 : i32
        %swap3A_559 = arith.index_cast %swap3A_558 : i32 to index
        %swap3A_560 = arith.index_cast %mul3A_557 : i32 to index
        %swap3A_561 = tpu.vector_load %arg12[%swap3A_559, %swap3A_560] {strides = array<i32>} : memref<32x128xf32, #tpu.memory_space<vmem>>, vector<16xf32>,
        tpu.vector_store %arg12[%swap3A_559, %swap3A_560], %gather3A_555 {strides = array<i32>} : memref<32x128xf32, #tpu.memory_space<vmem>>, vector<16xf32>,
        %add3A_562 = arith.constant 21 : i32
        %add3A_563 = vector.broadcast %add3A_562 : i32 to vector<16xi32>
        %add3A_564 = arith.addi %get3A_348, %add3A_563 : vector<16xi32>
        %gather3A_565 = tpu.vector_load_idx %arg10[%add3A_352, %add3A_564] : memref<128x128xf32, #tpu.memory_space<vmem>>[vector<16xi32>, vector<16xi32>], vector<16xf32>,
        %mul3A_566 = arith.constant 16 : i32
        %mul3A_567 = arith.muli %scan3A_344, %mul3A_566 : i32
        %swap3A_568 = arith.constant 21 : i32
        %swap3A_569 = arith.index_cast %swap3A_568 : i32 to index
        %swap3A_570 = arith.index_cast %mul3A_567 : i32 to index
        %swap3A_571 = tpu.vector_load %arg12[%swap3A_569, %swap3A_570] {strides = array<i32>} : memref<32x128xf32, #tpu.memory_space<vmem>>, vector<16xf32>,
        tpu.vector_store %arg12[%swap3A_569, %swap3A_570], %gather3A_565 {strides = array<i32>} : memref<32x128xf32, #tpu.memory_space<vmem>>, vector<16xf32>,
        %add3A_572 = arith.constant 22 : i32
        %add3A_573 = vector.broadcast %add3A_572 : i32 to vector<16xi32>
        %add3A_574 = arith.addi %get3A_348, %add3A_573 : vector<16xi32>
        %gather3A_575 = tpu.vector_load_idx %arg10[%add3A_352, %add3A_574] : memref<128x128xf32, #tpu.memory_space<vmem>>[vector<16xi32>, vector<16xi32>], vector<16xf32>,
        %mul3A_576 = arith.constant 16 : i32
        %mul3A_577 = arith.muli %scan3A_344, %mul3A_576 : i32
        %swap3A_578 = arith.constant 22 : i32
        %swap3A_579 = arith.index_cast %swap3A_578 : i32 to index
        %swap3A_580 = arith.index_cast %mul3A_577 : i32 to index
        %swap3A_581 = tpu.vector_load %arg12[%swap3A_579, %swap3A_580] {strides = array<i32>} : memref<32x128xf32, #tpu.memory_space<vmem>>, vector<16xf32>,
        tpu.vector_store %arg12[%swap3A_579, %swap3A_580], %gather3A_575 {strides = array<i32>} : memref<32x128xf32, #tpu.memory_space<vmem>>, vector<16xf32>,
        %add3A_582 = arith.constant 23 : i32
        %add3A_583 = vector.broadcast %add3A_582 : i32 to vector<16xi32>
        %add3A_584 = arith.addi %get3A_348, %add3A_583 : vector<16xi32>
        %gather3A_585 = tpu.vector_load_idx %arg10[%add3A_352, %add3A_584] : memref<128x128xf32, #tpu.memory_space<vmem>>[vector<16xi32>, vector<16xi32>], vector<16xf32>,
        %mul3A_586 = arith.constant 16 : i32
        %mul3A_587 = arith.muli %scan3A_344, %mul3A_586 : i32
        %swap3A_588 = arith.constant 23 : i32
        %swap3A_589 = arith.index_cast %swap3A_588 : i32 to index
        %swap3A_590 = arith.index_cast %mul3A_587 : i32 to index
        %swap3A_591 = tpu.vector_load %arg12[%swap3A_589, %swap3A_590] {strides = array<i32>} : memref<32x128xf32, #tpu.memory_space<vmem>>, vector<16xf32>,
        tpu.vector_store %arg12[%swap3A_589, %swap3A_590], %gather3A_585 {strides = array<i32>} : memref<32x128xf32, #tpu.memory_space<vmem>>, vector<16xf32>,
        %add3A_592 = arith.constant 24 : i32
        %add3A_593 = vector.broadcast %add3A_592 : i32 to vector<16xi32>
        %add3A_594 = arith.addi %get3A_348, %add3A_593 : vector<16xi32>
        %gather3A_595 = tpu.vector_load_idx %arg10[%add3A_352, %add3A_594] : memref<128x128xf32, #tpu.memory_space<vmem>>[vector<16xi32>, vector<16xi32>], vector<16xf32>,
        %mul3A_596 = arith.constant 16 : i32
        %mul3A_597 = arith.muli %scan3A_344, %mul3A_596 : i32
        %swap3A_598 = arith.constant 24 : i32
        %swap3A_599 = arith.index_cast %swap3A_598 : i32 to index
        %swap3A_600 = arith.index_cast %mul3A_597 : i32 to index
        %swap3A_601 = tpu.vector_load %arg12[%swap3A_599, %swap3A_600] {strides = array<i32>} : memref<32x128xf32, #tpu.memory_space<vmem>>, vector<16xf32>,
        tpu.vector_store %arg12[%swap3A_599, %swap3A_600], %gather3A_595 {strides = array<i32>} : memref<32x128xf32, #tpu.memory_space<vmem>>, vector<16xf32>,
        %add3A_602 = arith.constant 25 : i32
        %add3A_603 = vector.broadcast %add3A_602 : i32 to vector<16xi32>
        %add3A_604 = arith.addi %get3A_348, %add3A_603 : vector<16xi32>
        %gather3A_605 = tpu.vector_load_idx %arg10[%add3A_352, %add3A_604] : memref<128x128xf32, #tpu.memory_space<vmem>>[vector<16xi32>, vector<16xi32>], vector<16xf32>,
        %mul3A_606 = arith.constant 16 : i32
        %mul3A_607 = arith.muli %scan3A_344, %mul3A_606 : i32
        %swap3A_608 = arith.constant 25 : i32
        %swap3A_609 = arith.index_cast %swap3A_608 : i32 to index
        %swap3A_610 = arith.index_cast %mul3A_607 : i32 to index
        %swap3A_611 = tpu.vector_load %arg12[%swap3A_609, %swap3A_610] {strides = array<i32>} : memref<32x128xf32, #tpu.memory_space<vmem>>, vector<16xf32>,
        tpu.vector_store %arg12[%swap3A_609, %swap3A_610], %gather3A_605 {strides = array<i32>} : memref<32x128xf32, #tpu.memory_space<vmem>>, vector<16xf32>,
        %add3A_612 = arith.constant 26 : i32
        %add3A_613 = vector.broadcast %add3A_612 : i32 to vector<16xi32>
        %add3A_614 = arith.addi %get3A_348, %add3A_613 : vector<16xi32>
        %gather3A_615 = tpu.vector_load_idx %arg10[%add3A_352, %add3A_614] : memref<128x128xf32, #tpu.memory_space<vmem>>[vector<16xi32>, vector<16xi32>], vector<16xf32>,
        %mul3A_616 = arith.constant 16 : i32
        %mul3A_617 = arith.muli %scan3A_344, %mul3A_616 : i32
        %swap3A_618 = arith.constant 26 : i32
        %swap3A_619 = arith.index_cast %swap3A_618 : i32 to index
        %swap3A_620 = arith.index_cast %mul3A_617 : i32 to index
        %swap3A_621 = tpu.vector_load %arg12[%swap3A_619, %swap3A_620] {strides = array<i32>} : memref<32x128xf32, #tpu.memory_space<vmem>>, vector<16xf32>,
        tpu.vector_store %arg12[%swap3A_619, %swap3A_620], %gather3A_615 {strides = array<i32>} : memref<32x128xf32, #tpu.memory_space<vmem>>, vector<16xf32>,
        %add3A_622 = arith.constant 27 : i32
        %add3A_623 = vector.broadcast %add3A_622 : i32 to vector<16xi32>
        %add3A_624 = arith.addi %get3A_348, %add3A_623 : vector<16xi32>
        %gather3A_625 = tpu.vector_load_idx %arg10[%add3A_352, %add3A_624] : memref<128x128xf32, #tpu.memory_space<vmem>>[vector<16xi32>, vector<16xi32>], vector<16xf32>,
        %mul3A_626 = arith.constant 16 : i32
        %mul3A_627 = arith.muli %scan3A_344, %mul3A_626 : i32
        %swap3A_628 = arith.constant 27 : i32
        %swap3A_629 = arith.index_cast %swap3A_628 : i32 to index
        %swap3A_630 = arith.index_cast %mul3A_627 : i32 to index
        %swap3A_631 = tpu.vector_load %arg12[%swap3A_629, %swap3A_630] {strides = array<i32>} : memref<32x128xf32, #tpu.memory_space<vmem>>, vector<16xf32>,
        tpu.vector_store %arg12[%swap3A_629, %swap3A_630], %gather3A_625 {strides = array<i32>} : memref<32x128xf32, #tpu.memory_space<vmem>>, vector<16xf32>,
        %add3A_632 = arith.constant 28 : i32
        %add3A_633 = vector.broadcast %add3A_632 : i32 to vector<16xi32>
        %add3A_634 = arith.addi %get3A_348, %add3A_633 : vector<16xi32>
        %gather3A_635 = tpu.vector_load_idx %arg10[%add3A_352, %add3A_634] : memref<128x128xf32, #tpu.memory_space<vmem>>[vector<16xi32>, vector<16xi32>], vector<16xf32>,
        %mul3A_636 = arith.constant 16 : i32
        %mul3A_637 = arith.muli %scan3A_344, %mul3A_636 : i32
        %swap3A_638 = arith.constant 28 : i32
        %swap3A_639 = arith.index_cast %swap3A_638 : i32 to index
        %swap3A_640 = arith.index_cast %mul3A_637 : i32 to index
        %swap3A_641 = tpu.vector_load %arg12[%swap3A_639, %swap3A_640] {strides = array<i32>} : memref<32x128xf32, #tpu.memory_space<vmem>>, vector<16xf32>,
        tpu.vector_store %arg12[%swap3A_639, %swap3A_640], %gather3A_635 {strides = array<i32>} : memref<32x128xf32, #tpu.memory_space<vmem>>, vector<16xf32>,
        %add3A_642 = arith.constant 29 : i32
        %add3A_643 = vector.broadcast %add3A_642 : i32 to vector<16xi32>
        %add3A_644 = arith.addi %get3A_348, %add3A_643 : vector<16xi32>
        %gather3A_645 = tpu.vector_load_idx %arg10[%add3A_352, %add3A_644] : memref<128x128xf32, #tpu.memory_space<vmem>>[vector<16xi32>, vector<16xi32>], vector<16xf32>,
        %mul3A_646 = arith.constant 16 : i32
        %mul3A_647 = arith.muli %scan3A_344, %mul3A_646 : i32
        %swap3A_648 = arith.constant 29 : i32
        %swap3A_649 = arith.index_cast %swap3A_648 : i32 to index
        %swap3A_650 = arith.index_cast %mul3A_647 : i32 to index
        %swap3A_651 = tpu.vector_load %arg12[%swap3A_649, %swap3A_650] {strides = array<i32>} : memref<32x128xf32, #tpu.memory_space<vmem>>, vector<16xf32>,
        tpu.vector_store %arg12[%swap3A_649, %swap3A_650], %gather3A_645 {strides = array<i32>} : memref<32x128xf32, #tpu.memory_space<vmem>>, vector<16xf32>,
        %add3A_652 = arith.constant 30 : i32
        %add3A_653 = vector.broadcast %add3A_652 : i32 to vector<16xi32>
        %add3A_654 = arith.addi %get3A_348, %add3A_653 : vector<16xi32>
        %gather3A_655 = tpu.vector_load_idx %arg10[%add3A_352, %add3A_654] : memref<128x128xf32, #tpu.memory_space<vmem>>[vector<16xi32>, vector<16xi32>], vector<16xf32>,
        %mul3A_656 = arith.constant 16 : i32
        %mul3A_657 = arith.muli %scan3A_344, %mul3A_656 : i32
        %swap3A_658 = arith.constant 30 : i32
        %swap3A_659 = arith.index_cast %swap3A_658 : i32 to index
        %swap3A_660 = arith.index_cast %mul3A_657 : i32 to index
        %swap3A_661 = tpu.vector_load %arg12[%swap3A_659, %swap3A_660] {strides = array<i32>} : memref<32x128xf32, #tpu.memory_space<vmem>>, vector<16xf32>,
        tpu.vector_store %arg12[%swap3A_659, %swap3A_660], %gather3A_655 {strides = array<i32>} : memref<32x128xf32, #tpu.memory_space<vmem>>, vector<16xf32>,
        %add3A_662 = arith.constant 31 : i32
        %add3A_663 = vector.broadcast %add3A_662 : i32 to vector<16xi32>
        %add3A_664 = arith.addi %get3A_348, %add3A_663 : vector<16xi32>
        %gather3A_665 = tpu.vector_load_idx %arg10[%add3A_352, %add3A_664] : memref<128x128xf32, #tpu.memory_space<vmem>>[vector<16xi32>, vector<16xi32>], vector<16xf32>,
        %mul3A_666 = arith.constant 16 : i32
        %mul3A_667 = arith.muli %scan3A_344, %mul3A_666 : i32
        %swap3A_668 = arith.constant 31 : i32
        %swap3A_669 = arith.index_cast %swap3A_668 : i32 to index
        %swap3A_670 = arith.index_cast %mul3A_667 : i32 to index
        %swap3A_671 = tpu.vector_load %arg12[%swap3A_669, %swap3A_670] {strides = array<i32>} : memref<32x128xf32, #tpu.memory_space<vmem>>, vector<16xf32>,
        tpu.vector_store %arg12[%swap3A_669, %swap3A_670], %gather3A_665 {strides = array<i32>} : memref<32x128xf32, #tpu.memory_space<vmem>>, vector<16xf32>,
      }
      %scan3A_298 = arith.constant 8 : i32
      %mul3A_299 = arith.constant 128 : i32
      %mul3A_300 = arith.muli %add3A_15, %mul3A_299 : i32
      %dma_start3A_301 = arith.constant 48 : i32
      %dma_start3A_302 = arith.constant 0 : i32
      %dma_start3A_303 = tpu.memref_slice %arg4[%dma_start3A_301, %dma_start3A_302, %mul3A_300] : memref<50x32x16384xf32, #tpu.memory_space<hbm>> -> memref<1x32x128xf32, #tpu.memory_space<hbm>>
      %dma_start3A_304 = tpu.memref_squeeze %dma_start3A_303 : memref<1x32x128xf32, #tpu.memory_space<hbm>> -> memref<32x128xf32, #tpu.memory_space<hbm>>
      %dma_start3A_305 = arith.constant 0 : i32
      %dma_start3A_306 = tpu.memref_slice %arg4[%dma_start3A_301, %dma_start3A_305, %mul3A_300] : memref<50x32x16384xf32, #tpu.memory_space<hbm>> -> memref<1x32x128xf32, #tpu.memory_space<hbm>>
      %dma_start3A_307 = tpu.memref_squeeze %dma_start3A_306 : memref<1x32x128xf32, #tpu.memory_space<hbm>> -> memref<32x128xf32, #tpu.memory_space<hbm>>
      tpu.enqueue_dma source(%arg12 : memref<32x128xf32, #tpu.memory_space<vmem>>) target(%dma_start3A_307 : memref<32x128xf32, #tpu.memory_space<hbm>>) target_semaphore(%arg15 : memref<!tpu.dma_semaphore, #tpu.memory_space<semaphore_mem>>)
      %dma_wait3A_308 = arith.constant 0 : i32
      %dma_wait3A_309 = arith.constant 0 : i32
      %dma_wait3A_310 = tpu.memref_slice %arg2[%dma_wait3A_308, %dma_wait3A_309] : memref<250000x128xf32, #tpu.memory_space<hbm>> -> memref<250000x128xf32, #tpu.memory_space<hbm>>
      tpu.wait_indirect_dma semaphore(%arg14 : memref<!tpu.dma_semaphore, #tpu.memory_space<semaphore_mem>>) src(%dma_wait3A_310 : memref<250000x128xf32, #tpu.memory_space<hbm>>) dst(%arg11 : memref<128x128xf32, #tpu.memory_space<vmem>>)
      %scan3A_311 = arith.constant 0 : i32
      %scan3A_312 = arith.constant 0 : i32
      %scan3A_313 = arith.constant 8 : i32
      %scan3A_314 = arith.addi %scan3A_312, %scan3A_313 : i32
      %scan3A_315 = arith.constant 1 : i32
      scf.for %scan3A_344 = %scan3A_312 to %scan3A_314 step %scan3A_315  : i32 {
        %mul3A_345 = arith.constant 16 : i32
        %mul3A_346 = arith.muli %scan3A_344, %mul3A_345 : i32
        %get3A_347 = arith.index_cast %mul3A_346 : i32 to index
        %get3A_348 = tpu.vector_load %arg9[%get3A_347] {strides = array<i32>} : memref<128xi32, #tpu.memory_space<vmem>>, vector<16xi32>,
        %mul3A_349 = arith.constant 16 : i32
        %mul3A_350 = arith.muli %scan3A_344, %mul3A_349 : i32
        %iota3A = tpu.iota {dimensions = array<i32: 0>} : vector<16xi32>
        %add3A_351 = vector.broadcast %mul3A_350 : i32 to vector<16xi32>
        %add3A_352 = arith.addi %add3A_351, %iota3A : vector<16xi32>
        %add3A_353 = arith.constant 0 : i32
        %add3A_354 = vector.broadcast %add3A_353 : i32 to vector<16xi32>
        %add3A_355 = arith.addi %get3A_348, %add3A_354 : vector<16xi32>
        %gather3A = tpu.vector_load_idx %arg11[%add3A_352, %add3A_355] : memref<128x128xf32, #tpu.memory_space<vmem>>[vector<16xi32>, vector<16xi32>], vector<16xf32>,
        %mul3A_356 = arith.constant 16 : i32
        %mul3A_357 = arith.muli %scan3A_344, %mul3A_356 : i32
        %swap3A_358 = arith.constant 0 : i32
        %swap3A_359 = arith.index_cast %swap3A_358 : i32 to index
        %swap3A_360 = arith.index_cast %mul3A_357 : i32 to index
        %swap3A_361 = tpu.vector_load %arg13[%swap3A_359, %swap3A_360] {strides = array<i32>} : memref<32x128xf32, #tpu.memory_space<vmem>>, vector<16xf32>,
        tpu.vector_store %arg13[%swap3A_359, %swap3A_360], %gather3A {strides = array<i32>} : memref<32x128xf32, #tpu.memory_space<vmem>>, vector<16xf32>,
        %add3A_362 = arith.constant 1 : i32
        %add3A_363 = vector.broadcast %add3A_362 : i32 to vector<16xi32>
        %add3A_364 = arith.addi %get3A_348, %add3A_363 : vector<16xi32>
        %gather3A_365 = tpu.vector_load_idx %arg11[%add3A_352, %add3A_364] : memref<128x128xf32, #tpu.memory_space<vmem>>[vector<16xi32>, vector<16xi32>], vector<16xf32>,
        %mul3A_366 = arith.constant 16 : i32
        %mul3A_367 = arith.muli %scan3A_344, %mul3A_366 : i32
        %swap3A_368 = arith.constant 1 : i32
        %swap3A_369 = arith.index_cast %swap3A_368 : i32 to index
        %swap3A_370 = arith.index_cast %mul3A_367 : i32 to index
        %swap3A_371 = tpu.vector_load %arg13[%swap3A_369, %swap3A_370] {strides = array<i32>} : memref<32x128xf32, #tpu.memory_space<vmem>>, vector<16xf32>,
        tpu.vector_store %arg13[%swap3A_369, %swap3A_370], %gather3A_365 {strides = array<i32>} : memref<32x128xf32, #tpu.memory_space<vmem>>, vector<16xf32>,
        %add3A_372 = arith.constant 2 : i32
        %add3A_373 = vector.broadcast %add3A_372 : i32 to vector<16xi32>
        %add3A_374 = arith.addi %get3A_348, %add3A_373 : vector<16xi32>
        %gather3A_375 = tpu.vector_load_idx %arg11[%add3A_352, %add3A_374] : memref<128x128xf32, #tpu.memory_space<vmem>>[vector<16xi32>, vector<16xi32>], vector<16xf32>,
        %mul3A_376 = arith.constant 16 : i32
        %mul3A_377 = arith.muli %scan3A_344, %mul3A_376 : i32
        %swap3A_378 = arith.constant 2 : i32
        %swap3A_379 = arith.index_cast %swap3A_378 : i32 to index
        %swap3A_380 = arith.index_cast %mul3A_377 : i32 to index
        %swap3A_381 = tpu.vector_load %arg13[%swap3A_379, %swap3A_380] {strides = array<i32>} : memref<32x128xf32, #tpu.memory_space<vmem>>, vector<16xf32>,
        tpu.vector_store %arg13[%swap3A_379, %swap3A_380], %gather3A_375 {strides = array<i32>} : memref<32x128xf32, #tpu.memory_space<vmem>>, vector<16xf32>,
        %add3A_382 = arith.constant 3 : i32
        %add3A_383 = vector.broadcast %add3A_382 : i32 to vector<16xi32>
        %add3A_384 = arith.addi %get3A_348, %add3A_383 : vector<16xi32>
        %gather3A_385 = tpu.vector_load_idx %arg11[%add3A_352, %add3A_384] : memref<128x128xf32, #tpu.memory_space<vmem>>[vector<16xi32>, vector<16xi32>], vector<16xf32>,
        %mul3A_386 = arith.constant 16 : i32
        %mul3A_387 = arith.muli %scan3A_344, %mul3A_386 : i32
        %swap3A_388 = arith.constant 3 : i32
        %swap3A_389 = arith.index_cast %swap3A_388 : i32 to index
        %swap3A_390 = arith.index_cast %mul3A_387 : i32 to index
        %swap3A_391 = tpu.vector_load %arg13[%swap3A_389, %swap3A_390] {strides = array<i32>} : memref<32x128xf32, #tpu.memory_space<vmem>>, vector<16xf32>,
        tpu.vector_store %arg13[%swap3A_389, %swap3A_390], %gather3A_385 {strides = array<i32>} : memref<32x128xf32, #tpu.memory_space<vmem>>, vector<16xf32>,
        %add3A_392 = arith.constant 4 : i32
        %add3A_393 = vector.broadcast %add3A_392 : i32 to vector<16xi32>
        %add3A_394 = arith.addi %get3A_348, %add3A_393 : vector<16xi32>
        %gather3A_395 = tpu.vector_load_idx %arg11[%add3A_352, %add3A_394] : memref<128x128xf32, #tpu.memory_space<vmem>>[vector<16xi32>, vector<16xi32>], vector<16xf32>,
        %mul3A_396 = arith.constant 16 : i32
        %mul3A_397 = arith.muli %scan3A_344, %mul3A_396 : i32
        %swap3A_398 = arith.constant 4 : i32
        %swap3A_399 = arith.index_cast %swap3A_398 : i32 to index
        %swap3A_400 = arith.index_cast %mul3A_397 : i32 to index
        %swap3A_401 = tpu.vector_load %arg13[%swap3A_399, %swap3A_400] {strides = array<i32>} : memref<32x128xf32, #tpu.memory_space<vmem>>, vector<16xf32>,
        tpu.vector_store %arg13[%swap3A_399, %swap3A_400], %gather3A_395 {strides = array<i32>} : memref<32x128xf32, #tpu.memory_space<vmem>>, vector<16xf32>,
        %add3A_402 = arith.constant 5 : i32
        %add3A_403 = vector.broadcast %add3A_402 : i32 to vector<16xi32>
        %add3A_404 = arith.addi %get3A_348, %add3A_403 : vector<16xi32>
        %gather3A_405 = tpu.vector_load_idx %arg11[%add3A_352, %add3A_404] : memref<128x128xf32, #tpu.memory_space<vmem>>[vector<16xi32>, vector<16xi32>], vector<16xf32>,
        %mul3A_406 = arith.constant 16 : i32
        %mul3A_407 = arith.muli %scan3A_344, %mul3A_406 : i32
        %swap3A_408 = arith.constant 5 : i32
        %swap3A_409 = arith.index_cast %swap3A_408 : i32 to index
        %swap3A_410 = arith.index_cast %mul3A_407 : i32 to index
        %swap3A_411 = tpu.vector_load %arg13[%swap3A_409, %swap3A_410] {strides = array<i32>} : memref<32x128xf32, #tpu.memory_space<vmem>>, vector<16xf32>,
        tpu.vector_store %arg13[%swap3A_409, %swap3A_410], %gather3A_405 {strides = array<i32>} : memref<32x128xf32, #tpu.memory_space<vmem>>, vector<16xf32>,
        %add3A_412 = arith.constant 6 : i32
        %add3A_413 = vector.broadcast %add3A_412 : i32 to vector<16xi32>
        %add3A_414 = arith.addi %get3A_348, %add3A_413 : vector<16xi32>
        %gather3A_415 = tpu.vector_load_idx %arg11[%add3A_352, %add3A_414] : memref<128x128xf32, #tpu.memory_space<vmem>>[vector<16xi32>, vector<16xi32>], vector<16xf32>,
        %mul3A_416 = arith.constant 16 : i32
        %mul3A_417 = arith.muli %scan3A_344, %mul3A_416 : i32
        %swap3A_418 = arith.constant 6 : i32
        %swap3A_419 = arith.index_cast %swap3A_418 : i32 to index
        %swap3A_420 = arith.index_cast %mul3A_417 : i32 to index
        %swap3A_421 = tpu.vector_load %arg13[%swap3A_419, %swap3A_420] {strides = array<i32>} : memref<32x128xf32, #tpu.memory_space<vmem>>, vector<16xf32>,
        tpu.vector_store %arg13[%swap3A_419, %swap3A_420], %gather3A_415 {strides = array<i32>} : memref<32x128xf32, #tpu.memory_space<vmem>>, vector<16xf32>,
        %add3A_422 = arith.constant 7 : i32
        %add3A_423 = vector.broadcast %add3A_422 : i32 to vector<16xi32>
        %add3A_424 = arith.addi %get3A_348, %add3A_423 : vector<16xi32>
        %gather3A_425 = tpu.vector_load_idx %arg11[%add3A_352, %add3A_424] : memref<128x128xf32, #tpu.memory_space<vmem>>[vector<16xi32>, vector<16xi32>], vector<16xf32>,
        %mul3A_426 = arith.constant 16 : i32
        %mul3A_427 = arith.muli %scan3A_344, %mul3A_426 : i32
        %swap3A_428 = arith.constant 7 : i32
        %swap3A_429 = arith.index_cast %swap3A_428 : i32 to index
        %swap3A_430 = arith.index_cast %mul3A_427 : i32 to index
        %swap3A_431 = tpu.vector_load %arg13[%swap3A_429, %swap3A_430] {strides = array<i32>} : memref<32x128xf32, #tpu.memory_space<vmem>>, vector<16xf32>,
        tpu.vector_store %arg13[%swap3A_429, %swap3A_430], %gather3A_425 {strides = array<i32>} : memref<32x128xf32, #tpu.memory_space<vmem>>, vector<16xf32>,
        %add3A_432 = arith.constant 8 : i32
        %add3A_433 = vector.broadcast %add3A_432 : i32 to vector<16xi32>
        %add3A_434 = arith.addi %get3A_348, %add3A_433 : vector<16xi32>
        %gather3A_435 = tpu.vector_load_idx %arg11[%add3A_352, %add3A_434] : memref<128x128xf32, #tpu.memory_space<vmem>>[vector<16xi32>, vector<16xi32>], vector<16xf32>,
        %mul3A_436 = arith.constant 16 : i32
        %mul3A_437 = arith.muli %scan3A_344, %mul3A_436 : i32
        %swap3A_438 = arith.constant 8 : i32
        %swap3A_439 = arith.index_cast %swap3A_438 : i32 to index
        %swap3A_440 = arith.index_cast %mul3A_437 : i32 to index
        %swap3A_441 = tpu.vector_load %arg13[%swap3A_439, %swap3A_440] {strides = array<i32>} : memref<32x128xf32, #tpu.memory_space<vmem>>, vector<16xf32>,
        tpu.vector_store %arg13[%swap3A_439, %swap3A_440], %gather3A_435 {strides = array<i32>} : memref<32x128xf32, #tpu.memory_space<vmem>>, vector<16xf32>,
        %add3A_442 = arith.constant 9 : i32
        %add3A_443 = vector.broadcast %add3A_442 : i32 to vector<16xi32>
        %add3A_444 = arith.addi %get3A_348, %add3A_443 : vector<16xi32>
        %gather3A_445 = tpu.vector_load_idx %arg11[%add3A_352, %add3A_444] : memref<128x128xf32, #tpu.memory_space<vmem>>[vector<16xi32>, vector<16xi32>], vector<16xf32>,
        %mul3A_446 = arith.constant 16 : i32
        %mul3A_447 = arith.muli %scan3A_344, %mul3A_446 : i32
        %swap3A_448 = arith.constant 9 : i32
        %swap3A_449 = arith.index_cast %swap3A_448 : i32 to index
        %swap3A_450 = arith.index_cast %mul3A_447 : i32 to index
        %swap3A_451 = tpu.vector_load %arg13[%swap3A_449, %swap3A_450] {strides = array<i32>} : memref<32x128xf32, #tpu.memory_space<vmem>>, vector<16xf32>,
        tpu.vector_store %arg13[%swap3A_449, %swap3A_450], %gather3A_445 {strides = array<i32>} : memref<32x128xf32, #tpu.memory_space<vmem>>, vector<16xf32>,
        %add3A_452 = arith.constant 10 : i32
        %add3A_453 = vector.broadcast %add3A_452 : i32 to vector<16xi32>
        %add3A_454 = arith.addi %get3A_348, %add3A_453 : vector<16xi32>
        %gather3A_455 = tpu.vector_load_idx %arg11[%add3A_352, %add3A_454] : memref<128x128xf32, #tpu.memory_space<vmem>>[vector<16xi32>, vector<16xi32>], vector<16xf32>,
        %mul3A_456 = arith.constant 16 : i32
        %mul3A_457 = arith.muli %scan3A_344, %mul3A_456 : i32
        %swap3A_458 = arith.constant 10 : i32
        %swap3A_459 = arith.index_cast %swap3A_458 : i32 to index
        %swap3A_460 = arith.index_cast %mul3A_457 : i32 to index
        %swap3A_461 = tpu.vector_load %arg13[%swap3A_459, %swap3A_460] {strides = array<i32>} : memref<32x128xf32, #tpu.memory_space<vmem>>, vector<16xf32>,
        tpu.vector_store %arg13[%swap3A_459, %swap3A_460], %gather3A_455 {strides = array<i32>} : memref<32x128xf32, #tpu.memory_space<vmem>>, vector<16xf32>,
        %add3A_462 = arith.constant 11 : i32
        %add3A_463 = vector.broadcast %add3A_462 : i32 to vector<16xi32>
        %add3A_464 = arith.addi %get3A_348, %add3A_463 : vector<16xi32>
        %gather3A_465 = tpu.vector_load_idx %arg11[%add3A_352, %add3A_464] : memref<128x128xf32, #tpu.memory_space<vmem>>[vector<16xi32>, vector<16xi32>], vector<16xf32>,
        %mul3A_466 = arith.constant 16 : i32
        %mul3A_467 = arith.muli %scan3A_344, %mul3A_466 : i32
        %swap3A_468 = arith.constant 11 : i32
        %swap3A_469 = arith.index_cast %swap3A_468 : i32 to index
        %swap3A_470 = arith.index_cast %mul3A_467 : i32 to index
        %swap3A_471 = tpu.vector_load %arg13[%swap3A_469, %swap3A_470] {strides = array<i32>} : memref<32x128xf32, #tpu.memory_space<vmem>>, vector<16xf32>,
        tpu.vector_store %arg13[%swap3A_469, %swap3A_470], %gather3A_465 {strides = array<i32>} : memref<32x128xf32, #tpu.memory_space<vmem>>, vector<16xf32>,
        %add3A_472 = arith.constant 12 : i32
        %add3A_473 = vector.broadcast %add3A_472 : i32 to vector<16xi32>
        %add3A_474 = arith.addi %get3A_348, %add3A_473 : vector<16xi32>
        %gather3A_475 = tpu.vector_load_idx %arg11[%add3A_352, %add3A_474] : memref<128x128xf32, #tpu.memory_space<vmem>>[vector<16xi32>, vector<16xi32>], vector<16xf32>,
        %mul3A_476 = arith.constant 16 : i32
        %mul3A_477 = arith.muli %scan3A_344, %mul3A_476 : i32
        %swap3A_478 = arith.constant 12 : i32
        %swap3A_479 = arith.index_cast %swap3A_478 : i32 to index
        %swap3A_480 = arith.index_cast %mul3A_477 : i32 to index
        %swap3A_481 = tpu.vector_load %arg13[%swap3A_479, %swap3A_480] {strides = array<i32>} : memref<32x128xf32, #tpu.memory_space<vmem>>, vector<16xf32>,
        tpu.vector_store %arg13[%swap3A_479, %swap3A_480], %gather3A_475 {strides = array<i32>} : memref<32x128xf32, #tpu.memory_space<vmem>>, vector<16xf32>,
        %add3A_482 = arith.constant 13 : i32
        %add3A_483 = vector.broadcast %add3A_482 : i32 to vector<16xi32>
        %add3A_484 = arith.addi %get3A_348, %add3A_483 : vector<16xi32>
        %gather3A_485 = tpu.vector_load_idx %arg11[%add3A_352, %add3A_484] : memref<128x128xf32, #tpu.memory_space<vmem>>[vector<16xi32>, vector<16xi32>], vector<16xf32>,
        %mul3A_486 = arith.constant 16 : i32
        %mul3A_487 = arith.muli %scan3A_344, %mul3A_486 : i32
        %swap3A_488 = arith.constant 13 : i32
        %swap3A_489 = arith.index_cast %swap3A_488 : i32 to index
        %swap3A_490 = arith.index_cast %mul3A_487 : i32 to index
        %swap3A_491 = tpu.vector_load %arg13[%swap3A_489, %swap3A_490] {strides = array<i32>} : memref<32x128xf32, #tpu.memory_space<vmem>>, vector<16xf32>,
        tpu.vector_store %arg13[%swap3A_489, %swap3A_490], %gather3A_485 {strides = array<i32>} : memref<32x128xf32, #tpu.memory_space<vmem>>, vector<16xf32>,
        %add3A_492 = arith.constant 14 : i32
        %add3A_493 = vector.broadcast %add3A_492 : i32 to vector<16xi32>
        %add3A_494 = arith.addi %get3A_348, %add3A_493 : vector<16xi32>
        %gather3A_495 = tpu.vector_load_idx %arg11[%add3A_352, %add3A_494] : memref<128x128xf32, #tpu.memory_space<vmem>>[vector<16xi32>, vector<16xi32>], vector<16xf32>,
        %mul3A_496 = arith.constant 16 : i32
        %mul3A_497 = arith.muli %scan3A_344, %mul3A_496 : i32
        %swap3A_498 = arith.constant 14 : i32
        %swap3A_499 = arith.index_cast %swap3A_498 : i32 to index
        %swap3A_500 = arith.index_cast %mul3A_497 : i32 to index
        %swap3A_501 = tpu.vector_load %arg13[%swap3A_499, %swap3A_500] {strides = array<i32>} : memref<32x128xf32, #tpu.memory_space<vmem>>, vector<16xf32>,
        tpu.vector_store %arg13[%swap3A_499, %swap3A_500], %gather3A_495 {strides = array<i32>} : memref<32x128xf32, #tpu.memory_space<vmem>>, vector<16xf32>,
        %add3A_502 = arith.constant 15 : i32
        %add3A_503 = vector.broadcast %add3A_502 : i32 to vector<16xi32>
        %add3A_504 = arith.addi %get3A_348, %add3A_503 : vector<16xi32>
        %gather3A_505 = tpu.vector_load_idx %arg11[%add3A_352, %add3A_504] : memref<128x128xf32, #tpu.memory_space<vmem>>[vector<16xi32>, vector<16xi32>], vector<16xf32>,
        %mul3A_506 = arith.constant 16 : i32
        %mul3A_507 = arith.muli %scan3A_344, %mul3A_506 : i32
        %swap3A_508 = arith.constant 15 : i32
        %swap3A_509 = arith.index_cast %swap3A_508 : i32 to index
        %swap3A_510 = arith.index_cast %mul3A_507 : i32 to index
        %swap3A_511 = tpu.vector_load %arg13[%swap3A_509, %swap3A_510] {strides = array<i32>} : memref<32x128xf32, #tpu.memory_space<vmem>>, vector<16xf32>,
        tpu.vector_store %arg13[%swap3A_509, %swap3A_510], %gather3A_505 {strides = array<i32>} : memref<32x128xf32, #tpu.memory_space<vmem>>, vector<16xf32>,
        %add3A_512 = arith.constant 16 : i32
        %add3A_513 = vector.broadcast %add3A_512 : i32 to vector<16xi32>
        %add3A_514 = arith.addi %get3A_348, %add3A_513 : vector<16xi32>
        %gather3A_515 = tpu.vector_load_idx %arg11[%add3A_352, %add3A_514] : memref<128x128xf32, #tpu.memory_space<vmem>>[vector<16xi32>, vector<16xi32>], vector<16xf32>,
        %mul3A_516 = arith.constant 16 : i32
        %mul3A_517 = arith.muli %scan3A_344, %mul3A_516 : i32
        %swap3A_518 = arith.constant 16 : i32
        %swap3A_519 = arith.index_cast %swap3A_518 : i32 to index
        %swap3A_520 = arith.index_cast %mul3A_517 : i32 to index
        %swap3A_521 = tpu.vector_load %arg13[%swap3A_519, %swap3A_520] {strides = array<i32>} : memref<32x128xf32, #tpu.memory_space<vmem>>, vector<16xf32>,
        tpu.vector_store %arg13[%swap3A_519, %swap3A_520], %gather3A_515 {strides = array<i32>} : memref<32x128xf32, #tpu.memory_space<vmem>>, vector<16xf32>,
        %add3A_522 = arith.constant 17 : i32
        %add3A_523 = vector.broadcast %add3A_522 : i32 to vector<16xi32>
        %add3A_524 = arith.addi %get3A_348, %add3A_523 : vector<16xi32>
        %gather3A_525 = tpu.vector_load_idx %arg11[%add3A_352, %add3A_524] : memref<128x128xf32, #tpu.memory_space<vmem>>[vector<16xi32>, vector<16xi32>], vector<16xf32>,
        %mul3A_526 = arith.constant 16 : i32
        %mul3A_527 = arith.muli %scan3A_344, %mul3A_526 : i32
        %swap3A_528 = arith.constant 17 : i32
        %swap3A_529 = arith.index_cast %swap3A_528 : i32 to index
        %swap3A_530 = arith.index_cast %mul3A_527 : i32 to index
        %swap3A_531 = tpu.vector_load %arg13[%swap3A_529, %swap3A_530] {strides = array<i32>} : memref<32x128xf32, #tpu.memory_space<vmem>>, vector<16xf32>,
        tpu.vector_store %arg13[%swap3A_529, %swap3A_530], %gather3A_525 {strides = array<i32>} : memref<32x128xf32, #tpu.memory_space<vmem>>, vector<16xf32>,
        %add3A_532 = arith.constant 18 : i32
        %add3A_533 = vector.broadcast %add3A_532 : i32 to vector<16xi32>
        %add3A_534 = arith.addi %get3A_348, %add3A_533 : vector<16xi32>
        %gather3A_535 = tpu.vector_load_idx %arg11[%add3A_352, %add3A_534] : memref<128x128xf32, #tpu.memory_space<vmem>>[vector<16xi32>, vector<16xi32>], vector<16xf32>,
        %mul3A_536 = arith.constant 16 : i32
        %mul3A_537 = arith.muli %scan3A_344, %mul3A_536 : i32
        %swap3A_538 = arith.constant 18 : i32
        %swap3A_539 = arith.index_cast %swap3A_538 : i32 to index
        %swap3A_540 = arith.index_cast %mul3A_537 : i32 to index
        %swap3A_541 = tpu.vector_load %arg13[%swap3A_539, %swap3A_540] {strides = array<i32>} : memref<32x128xf32, #tpu.memory_space<vmem>>, vector<16xf32>,
        tpu.vector_store %arg13[%swap3A_539, %swap3A_540], %gather3A_535 {strides = array<i32>} : memref<32x128xf32, #tpu.memory_space<vmem>>, vector<16xf32>,
        %add3A_542 = arith.constant 19 : i32
        %add3A_543 = vector.broadcast %add3A_542 : i32 to vector<16xi32>
        %add3A_544 = arith.addi %get3A_348, %add3A_543 : vector<16xi32>
        %gather3A_545 = tpu.vector_load_idx %arg11[%add3A_352, %add3A_544] : memref<128x128xf32, #tpu.memory_space<vmem>>[vector<16xi32>, vector<16xi32>], vector<16xf32>,
        %mul3A_546 = arith.constant 16 : i32
        %mul3A_547 = arith.muli %scan3A_344, %mul3A_546 : i32
        %swap3A_548 = arith.constant 19 : i32
        %swap3A_549 = arith.index_cast %swap3A_548 : i32 to index
        %swap3A_550 = arith.index_cast %mul3A_547 : i32 to index
        %swap3A_551 = tpu.vector_load %arg13[%swap3A_549, %swap3A_550] {strides = array<i32>} : memref<32x128xf32, #tpu.memory_space<vmem>>, vector<16xf32>,
        tpu.vector_store %arg13[%swap3A_549, %swap3A_550], %gather3A_545 {strides = array<i32>} : memref<32x128xf32, #tpu.memory_space<vmem>>, vector<16xf32>,
        %add3A_552 = arith.constant 20 : i32
        %add3A_553 = vector.broadcast %add3A_552 : i32 to vector<16xi32>
        %add3A_554 = arith.addi %get3A_348, %add3A_553 : vector<16xi32>
        %gather3A_555 = tpu.vector_load_idx %arg11[%add3A_352, %add3A_554] : memref<128x128xf32, #tpu.memory_space<vmem>>[vector<16xi32>, vector<16xi32>], vector<16xf32>,
        %mul3A_556 = arith.constant 16 : i32
        %mul3A_557 = arith.muli %scan3A_344, %mul3A_556 : i32
        %swap3A_558 = arith.constant 20 : i32
        %swap3A_559 = arith.index_cast %swap3A_558 : i32 to index
        %swap3A_560 = arith.index_cast %mul3A_557 : i32 to index
        %swap3A_561 = tpu.vector_load %arg13[%swap3A_559, %swap3A_560] {strides = array<i32>} : memref<32x128xf32, #tpu.memory_space<vmem>>, vector<16xf32>,
        tpu.vector_store %arg13[%swap3A_559, %swap3A_560], %gather3A_555 {strides = array<i32>} : memref<32x128xf32, #tpu.memory_space<vmem>>, vector<16xf32>,
        %add3A_562 = arith.constant 21 : i32
        %add3A_563 = vector.broadcast %add3A_562 : i32 to vector<16xi32>
        %add3A_564 = arith.addi %get3A_348, %add3A_563 : vector<16xi32>
        %gather3A_565 = tpu.vector_load_idx %arg11[%add3A_352, %add3A_564] : memref<128x128xf32, #tpu.memory_space<vmem>>[vector<16xi32>, vector<16xi32>], vector<16xf32>,
        %mul3A_566 = arith.constant 16 : i32
        %mul3A_567 = arith.muli %scan3A_344, %mul3A_566 : i32
        %swap3A_568 = arith.constant 21 : i32
        %swap3A_569 = arith.index_cast %swap3A_568 : i32 to index
        %swap3A_570 = arith.index_cast %mul3A_567 : i32 to index
        %swap3A_571 = tpu.vector_load %arg13[%swap3A_569, %swap3A_570] {strides = array<i32>} : memref<32x128xf32, #tpu.memory_space<vmem>>, vector<16xf32>,
        tpu.vector_store %arg13[%swap3A_569, %swap3A_570], %gather3A_565 {strides = array<i32>} : memref<32x128xf32, #tpu.memory_space<vmem>>, vector<16xf32>,
        %add3A_572 = arith.constant 22 : i32
        %add3A_573 = vector.broadcast %add3A_572 : i32 to vector<16xi32>
        %add3A_574 = arith.addi %get3A_348, %add3A_573 : vector<16xi32>
        %gather3A_575 = tpu.vector_load_idx %arg11[%add3A_352, %add3A_574] : memref<128x128xf32, #tpu.memory_space<vmem>>[vector<16xi32>, vector<16xi32>], vector<16xf32>,
        %mul3A_576 = arith.constant 16 : i32
        %mul3A_577 = arith.muli %scan3A_344, %mul3A_576 : i32
        %swap3A_578 = arith.constant 22 : i32
        %swap3A_579 = arith.index_cast %swap3A_578 : i32 to index
        %swap3A_580 = arith.index_cast %mul3A_577 : i32 to index
        %swap3A_581 = tpu.vector_load %arg13[%swap3A_579, %swap3A_580] {strides = array<i32>} : memref<32x128xf32, #tpu.memory_space<vmem>>, vector<16xf32>,
        tpu.vector_store %arg13[%swap3A_579, %swap3A_580], %gather3A_575 {strides = array<i32>} : memref<32x128xf32, #tpu.memory_space<vmem>>, vector<16xf32>,
        %add3A_582 = arith.constant 23 : i32
        %add3A_583 = vector.broadcast %add3A_582 : i32 to vector<16xi32>
        %add3A_584 = arith.addi %get3A_348, %add3A_583 : vector<16xi32>
        %gather3A_585 = tpu.vector_load_idx %arg11[%add3A_352, %add3A_584] : memref<128x128xf32, #tpu.memory_space<vmem>>[vector<16xi32>, vector<16xi32>], vector<16xf32>,
        %mul3A_586 = arith.constant 16 : i32
        %mul3A_587 = arith.muli %scan3A_344, %mul3A_586 : i32
        %swap3A_588 = arith.constant 23 : i32
        %swap3A_589 = arith.index_cast %swap3A_588 : i32 to index
        %swap3A_590 = arith.index_cast %mul3A_587 : i32 to index
        %swap3A_591 = tpu.vector_load %arg13[%swap3A_589, %swap3A_590] {strides = array<i32>} : memref<32x128xf32, #tpu.memory_space<vmem>>, vector<16xf32>,
        tpu.vector_store %arg13[%swap3A_589, %swap3A_590], %gather3A_585 {strides = array<i32>} : memref<32x128xf32, #tpu.memory_space<vmem>>, vector<16xf32>,
        %add3A_592 = arith.constant 24 : i32
        %add3A_593 = vector.broadcast %add3A_592 : i32 to vector<16xi32>
        %add3A_594 = arith.addi %get3A_348, %add3A_593 : vector<16xi32>
        %gather3A_595 = tpu.vector_load_idx %arg11[%add3A_352, %add3A_594] : memref<128x128xf32, #tpu.memory_space<vmem>>[vector<16xi32>, vector<16xi32>], vector<16xf32>,
        %mul3A_596 = arith.constant 16 : i32
        %mul3A_597 = arith.muli %scan3A_344, %mul3A_596 : i32
        %swap3A_598 = arith.constant 24 : i32
        %swap3A_599 = arith.index_cast %swap3A_598 : i32 to index
        %swap3A_600 = arith.index_cast %mul3A_597 : i32 to index
        %swap3A_601 = tpu.vector_load %arg13[%swap3A_599, %swap3A_600] {strides = array<i32>} : memref<32x128xf32, #tpu.memory_space<vmem>>, vector<16xf32>,
        tpu.vector_store %arg13[%swap3A_599, %swap3A_600], %gather3A_595 {strides = array<i32>} : memref<32x128xf32, #tpu.memory_space<vmem>>, vector<16xf32>,
        %add3A_602 = arith.constant 25 : i32
        %add3A_603 = vector.broadcast %add3A_602 : i32 to vector<16xi32>
        %add3A_604 = arith.addi %get3A_348, %add3A_603 : vector<16xi32>
        %gather3A_605 = tpu.vector_load_idx %arg11[%add3A_352, %add3A_604] : memref<128x128xf32, #tpu.memory_space<vmem>>[vector<16xi32>, vector<16xi32>], vector<16xf32>,
        %mul3A_606 = arith.constant 16 : i32
        %mul3A_607 = arith.muli %scan3A_344, %mul3A_606 : i32
        %swap3A_608 = arith.constant 25 : i32
        %swap3A_609 = arith.index_cast %swap3A_608 : i32 to index
        %swap3A_610 = arith.index_cast %mul3A_607 : i32 to index
        %swap3A_611 = tpu.vector_load %arg13[%swap3A_609, %swap3A_610] {strides = array<i32>} : memref<32x128xf32, #tpu.memory_space<vmem>>, vector<16xf32>,
        tpu.vector_store %arg13[%swap3A_609, %swap3A_610], %gather3A_605 {strides = array<i32>} : memref<32x128xf32, #tpu.memory_space<vmem>>, vector<16xf32>,
        %add3A_612 = arith.constant 26 : i32
        %add3A_613 = vector.broadcast %add3A_612 : i32 to vector<16xi32>
        %add3A_614 = arith.addi %get3A_348, %add3A_613 : vector<16xi32>
        %gather3A_615 = tpu.vector_load_idx %arg11[%add3A_352, %add3A_614] : memref<128x128xf32, #tpu.memory_space<vmem>>[vector<16xi32>, vector<16xi32>], vector<16xf32>,
        %mul3A_616 = arith.constant 16 : i32
        %mul3A_617 = arith.muli %scan3A_344, %mul3A_616 : i32
        %swap3A_618 = arith.constant 26 : i32
        %swap3A_619 = arith.index_cast %swap3A_618 : i32 to index
        %swap3A_620 = arith.index_cast %mul3A_617 : i32 to index
        %swap3A_621 = tpu.vector_load %arg13[%swap3A_619, %swap3A_620] {strides = array<i32>} : memref<32x128xf32, #tpu.memory_space<vmem>>, vector<16xf32>,
        tpu.vector_store %arg13[%swap3A_619, %swap3A_620], %gather3A_615 {strides = array<i32>} : memref<32x128xf32, #tpu.memory_space<vmem>>, vector<16xf32>,
        %add3A_622 = arith.constant 27 : i32
        %add3A_623 = vector.broadcast %add3A_622 : i32 to vector<16xi32>
        %add3A_624 = arith.addi %get3A_348, %add3A_623 : vector<16xi32>
        %gather3A_625 = tpu.vector_load_idx %arg11[%add3A_352, %add3A_624] : memref<128x128xf32, #tpu.memory_space<vmem>>[vector<16xi32>, vector<16xi32>], vector<16xf32>,
        %mul3A_626 = arith.constant 16 : i32
        %mul3A_627 = arith.muli %scan3A_344, %mul3A_626 : i32
        %swap3A_628 = arith.constant 27 : i32
        %swap3A_629 = arith.index_cast %swap3A_628 : i32 to index
        %swap3A_630 = arith.index_cast %mul3A_627 : i32 to index
        %swap3A_631 = tpu.vector_load %arg13[%swap3A_629, %swap3A_630] {strides = array<i32>} : memref<32x128xf32, #tpu.memory_space<vmem>>, vector<16xf32>,
        tpu.vector_store %arg13[%swap3A_629, %swap3A_630], %gather3A_625 {strides = array<i32>} : memref<32x128xf32, #tpu.memory_space<vmem>>, vector<16xf32>,
        %add3A_632 = arith.constant 28 : i32
        %add3A_633 = vector.broadcast %add3A_632 : i32 to vector<16xi32>
        %add3A_634 = arith.addi %get3A_348, %add3A_633 : vector<16xi32>
        %gather3A_635 = tpu.vector_load_idx %arg11[%add3A_352, %add3A_634] : memref<128x128xf32, #tpu.memory_space<vmem>>[vector<16xi32>, vector<16xi32>], vector<16xf32>,
        %mul3A_636 = arith.constant 16 : i32
        %mul3A_637 = arith.muli %scan3A_344, %mul3A_636 : i32
        %swap3A_638 = arith.constant 28 : i32
        %swap3A_639 = arith.index_cast %swap3A_638 : i32 to index
        %swap3A_640 = arith.index_cast %mul3A_637 : i32 to index
        %swap3A_641 = tpu.vector_load %arg13[%swap3A_639, %swap3A_640] {strides = array<i32>} : memref<32x128xf32, #tpu.memory_space<vmem>>, vector<16xf32>,
        tpu.vector_store %arg13[%swap3A_639, %swap3A_640], %gather3A_635 {strides = array<i32>} : memref<32x128xf32, #tpu.memory_space<vmem>>, vector<16xf32>,
        %add3A_642 = arith.constant 29 : i32
        %add3A_643 = vector.broadcast %add3A_642 : i32 to vector<16xi32>
        %add3A_644 = arith.addi %get3A_348, %add3A_643 : vector<16xi32>
        %gather3A_645 = tpu.vector_load_idx %arg11[%add3A_352, %add3A_644] : memref<128x128xf32, #tpu.memory_space<vmem>>[vector<16xi32>, vector<16xi32>], vector<16xf32>,
        %mul3A_646 = arith.constant 16 : i32
        %mul3A_647 = arith.muli %scan3A_344, %mul3A_646 : i32
        %swap3A_648 = arith.constant 29 : i32
        %swap3A_649 = arith.index_cast %swap3A_648 : i32 to index
        %swap3A_650 = arith.index_cast %mul3A_647 : i32 to index
        %swap3A_651 = tpu.vector_load %arg13[%swap3A_649, %swap3A_650] {strides = array<i32>} : memref<32x128xf32, #tpu.memory_space<vmem>>, vector<16xf32>,
        tpu.vector_store %arg13[%swap3A_649, %swap3A_650], %gather3A_645 {strides = array<i32>} : memref<32x128xf32, #tpu.memory_space<vmem>>, vector<16xf32>,
        %add3A_652 = arith.constant 30 : i32
        %add3A_653 = vector.broadcast %add3A_652 : i32 to vector<16xi32>
        %add3A_654 = arith.addi %get3A_348, %add3A_653 : vector<16xi32>
        %gather3A_655 = tpu.vector_load_idx %arg11[%add3A_352, %add3A_654] : memref<128x128xf32, #tpu.memory_space<vmem>>[vector<16xi32>, vector<16xi32>], vector<16xf32>,
        %mul3A_656 = arith.constant 16 : i32
        %mul3A_657 = arith.muli %scan3A_344, %mul3A_656 : i32
        %swap3A_658 = arith.constant 30 : i32
        %swap3A_659 = arith.index_cast %swap3A_658 : i32 to index
        %swap3A_660 = arith.index_cast %mul3A_657 : i32 to index
        %swap3A_661 = tpu.vector_load %arg13[%swap3A_659, %swap3A_660] {strides = array<i32>} : memref<32x128xf32, #tpu.memory_space<vmem>>, vector<16xf32>,
        tpu.vector_store %arg13[%swap3A_659, %swap3A_660], %gather3A_655 {strides = array<i32>} : memref<32x128xf32, #tpu.memory_space<vmem>>, vector<16xf32>,
        %add3A_662 = arith.constant 31 : i32
        %add3A_663 = vector.broadcast %add3A_662 : i32 to vector<16xi32>
        %add3A_664 = arith.addi %get3A_348, %add3A_663 : vector<16xi32>
        %gather3A_665 = tpu.vector_load_idx %arg11[%add3A_352, %add3A_664] : memref<128x128xf32, #tpu.memory_space<vmem>>[vector<16xi32>, vector<16xi32>], vector<16xf32>,
        %mul3A_666 = arith.constant 16 : i32
        %mul3A_667 = arith.muli %scan3A_344, %mul3A_666 : i32
        %swap3A_668 = arith.constant 31 : i32
        %swap3A_669 = arith.index_cast %swap3A_668 : i32 to index
        %swap3A_670 = arith.index_cast %mul3A_667 : i32 to index
        %swap3A_671 = tpu.vector_load %arg13[%swap3A_669, %swap3A_670] {strides = array<i32>} : memref<32x128xf32, #tpu.memory_space<vmem>>, vector<16xf32>,
        tpu.vector_store %arg13[%swap3A_669, %swap3A_670], %gather3A_665 {strides = array<i32>} : memref<32x128xf32, #tpu.memory_space<vmem>>, vector<16xf32>,
      }
      %scan3A_316 = arith.constant 8 : i32
      %mul3A_317 = arith.constant 128 : i32
      %mul3A_318 = arith.muli %add3A_15, %mul3A_317 : i32
      %dma_start3A_319 = arith.constant 49 : i32
      %dma_start3A_320 = arith.constant 0 : i32
      %dma_start3A_321 = tpu.memref_slice %arg4[%dma_start3A_319, %dma_start3A_320, %mul3A_318] : memref<50x32x16384xf32, #tpu.memory_space<hbm>> -> memref<1x32x128xf32, #tpu.memory_space<hbm>>
      %dma_start3A_322 = tpu.memref_squeeze %dma_start3A_321 : memref<1x32x128xf32, #tpu.memory_space<hbm>> -> memref<32x128xf32, #tpu.memory_space<hbm>>
      %dma_start3A_323 = arith.constant 0 : i32
      %dma_start3A_324 = tpu.memref_slice %arg4[%dma_start3A_319, %dma_start3A_323, %mul3A_318] : memref<50x32x16384xf32, #tpu.memory_space<hbm>> -> memref<1x32x128xf32, #tpu.memory_space<hbm>>
      %dma_start3A_325 = tpu.memref_squeeze %dma_start3A_324 : memref<1x32x128xf32, #tpu.memory_space<hbm>> -> memref<32x128xf32, #tpu.memory_space<hbm>>
      tpu.enqueue_dma source(%arg13 : memref<32x128xf32, #tpu.memory_space<vmem>>) target(%dma_start3A_325 : memref<32x128xf32, #tpu.memory_space<hbm>>) target_semaphore(%arg15 : memref<!tpu.dma_semaphore, #tpu.memory_space<semaphore_mem>>)
      %dma_wait3A_326 = arith.constant 0 : i32
      %dma_wait3A_327 = arith.constant 0 : i32
      %dma_wait3A_328 = arith.constant 0 : i32
      %dma_wait3A_329 = tpu.memref_slice %arg4[%dma_wait3A_326, %dma_wait3A_327, %dma_wait3A_328] : memref<50x32x16384xf32, #tpu.memory_space<hbm>> -> memref<1x32x128xf32, #tpu.memory_space<hbm>>
      %dma_wait3A_330 = tpu.memref_squeeze %dma_wait3A_329 : memref<1x32x128xf32, #tpu.memory_space<hbm>> -> memref<32x128xf32, #tpu.memory_space<hbm>>
      %dma_wait3A_331 = arith.constant 0 : i32
      %dma_wait3A_332 = arith.constant 0 : i32
      %dma_wait3A_333 = tpu.memref_slice %arg4[%dma_wait3A_326, %dma_wait3A_331, %dma_wait3A_332] : memref<50x32x16384xf32, #tpu.memory_space<hbm>> -> memref<1x32x128xf32, #tpu.memory_space<hbm>>
      %dma_wait3A_334 = tpu.memref_squeeze %dma_wait3A_333 : memref<1x32x128xf32, #tpu.memory_space<hbm>> -> memref<32x128xf32, #tpu.memory_space<hbm>>
      tpu.wait_dma2 semaphore(%arg15 : memref<!tpu.dma_semaphore, #tpu.memory_space<semaphore_mem>>) src(%arg12 : memref<32x128xf32, #tpu.memory_space<vmem>>) dst(%dma_wait3A_334 : memref<32x128xf32, #tpu.memory_space<hbm>>)
      %dma_wait3A_335 = arith.constant 0 : i32
      %dma_wait3A_336 = arith.constant 0 : i32
      %dma_wait3A_337 = arith.constant 0 : i32
      %dma_wait3A_338 = tpu.memref_slice %arg4[%dma_wait3A_335, %dma_wait3A_336, %dma_wait3A_337] : memref<50x32x16384xf32, #tpu.memory_space<hbm>> -> memref<1x32x128xf32, #tpu.memory_space<hbm>>
      %dma_wait3A_339 = tpu.memref_squeeze %dma_wait3A_338 : memref<1x32x128xf32, #tpu.memory_space<hbm>> -> memref<32x128xf32, #tpu.memory_space<hbm>>
      %dma_wait3A_340 = arith.constant 0 : i32
      %dma_wait3A_341 = arith.constant 0 : i32
      %dma_wait3A_342 = tpu.memref_slice %arg4[%dma_wait3A_335, %dma_wait3A_340, %dma_wait3A_341] : memref<50x32x16384xf32, #tpu.memory_space<hbm>> -> memref<1x32x128xf32, #tpu.memory_space<hbm>>
      %dma_wait3A_343 = tpu.memref_squeeze %dma_wait3A_342 : memref<1x32x128xf32, #tpu.memory_space<hbm>> -> memref<32x128xf32, #tpu.memory_space<hbm>>
      tpu.wait_dma2 semaphore(%arg15 : memref<!tpu.dma_semaphore, #tpu.memory_space<semaphore_mem>>) src(%arg12 : memref<32x128xf32, #tpu.memory_space<vmem>>) dst(%dma_wait3A_343 : memref<32x128xf32, #tpu.memory_space<hbm>>)
    }
    %scan3A_11 = arith.constant 4 : i32
    return
  }
}

</mosaic_0001>

<sc_bundles>
// kernel: kernel.3.cloned.1.call-start
scs
__scs_entry_jumppad:
0x0: {  	(pc) =	sbr.rel $0x88, $3  }
0x1: {  	(tag) =	ssettag $0x0;
	lr =	simm.s32 $0x1  }
0x2: {  	[smem:$0x3F9F] =	sst lr;
	_ =	strace $0xD0000000  }
0x3: {  	_ = 	snop  }
0x4: {  	_ = 	snop  }
0x5: {  	_ = 	snop  }
0x6: {  	_ = 	snop  }
0x7: {  	_ = 	snop  }
__scs_overlays_trampoline_lowered:
0x8: {  	[smem:$0x3FAE] =	sst s0  }
0x9: {  	[smem:$0x3FAF] =	sst s1  }
0xa: {  	[smem:$0x3FB0] =	sst s2  }
0xb: {  	[smem:$0x3FB1] =	sst s3  }
0xc: {  	[smem:$0x3FB2] =	sst s4  }
0xd: {  	[smem:$0x3FB3] =	sst s5  }
0xe: {  	[smem:$0x3FB4] =	sst s6  }
0xf: {  	[smem:$0x3FB5] =	sst s7  }
0x10: {  	[smem:$0x3FB6] =	sst s8  }
0x11: {  	[smem:$0x3FB7] =	sst s9;
	s0 =	simm.s32 @!p0 $0x0  }
0x12: {  	s1 =	sld [smem:$0x3F9D];
	s0 =	simm.s32 @p0 $0x1  }
0x13: {  	[smem:$0x3FB8] =	sst s0;
	s0 =	simm.s32 @!p1 $0x0  }
0x14: {  	s2 =	sld [smem:$0x3F9C];
	s0 =	simm.s32 @p1 $0x1  }
0x15: {  	[smem:$0x3FB9] =	sst s0;
	s0 =	simm.s32 @!p2 $0x0  }
0x16: {  	s3 =	sld [smem:$0x3FDB];
	s0 =	simm.s32 @p2 $0x1  }
0x17: {  	s4 =	simm.s32 $0x1BF5;
	[smem:$0x3FBB] =	sst s0  }
0x18: {  	s0 =	sld [smem:$0x3F9E];
	_ =	swait.ge [sflag:s4], $0x0  }
0x19: {  	s7 =	sld [smem:$0x3F9F]  }
0x1a: {  	s8 =	sadd.s32 $0xFFFFE003, lr  }
0x1b: {  	s9 =	sadd.s32 $0xFFFFFEF7, lr;
	s5 =	simm.s32 $0xFFFFFFFF;
	p2 =	slt.u32 s8, $0xFFFFF086  }
0x1c: {  	p1 =	slt.u32 s9, $0xF7A;
	s5 =	simm.s32 @!p2 $0x0  }
0x1d: {  	s5 =	simm.s32 @p1 $0x1;
	p0 =	seq.s32 s7, s2  }
0x1e: {  	s7 =	smul.u32 @!p0 $0xF7A, s2;
	p2 =	seq.s32 @!p0 s5, $0x0  }
0x1f: {  	s9 =	smul.u32 $0xF7A, s1;
	s8 =	simm.s32 @!p0 $0x1BF5;
	p2 =	por !p2, p0  }
0x20: {  	[sflag:s8] =	ssyncset.s32 @!p0 $0xFFFFF086;
	s6 =	sadd.s32 @!p0 s3, s7;
	s7 =	simm.s32 @!p0 $0x108  }
0x21: {  	s3 =	sadd.s32 s3, s9;
	s6 =	sadd.s32 @!p0 $0x88, s6;
	s7 =	simm.s32 @p2 $0x1082  }
0x22: {  	[simem:s7], [sflag:s8] =	dma.local @!p0 [hbm:s6], $0xF7A  }
0x23: {  	s9 =	sor.u32 $0xD0000000, s2;
	s6 =	simm.s32 $0x108;
	_ =	swait.ge @!p0 [sflag:s8], $0x0  }
0x24: {  	s3 =	sadd.s32 $0x88, s3;
	s6 =	simm.s32 @!p1 $0x1082;
	[sflag:s4] =	ssyncset.s32 $0xFFFFF086  }
0x25: {  	[simem:s6], [sflag:s4] =	dma.local [hbm:s3], $0xF7A  }
0x26: {  	[smem:$0x3F9F] =	sst s1;
	(tag) =	ssettag s2;
	_ =	strace s9  }
0x27: {  	s1 =	sld [smem:$0x3FAF]  }
0x28: {  	s2 =	sld [smem:$0x3FB0]  }
0x29: {  	s4 =	sld [smem:$0x3FB2]  }
0x2a: {  	p0 =	seq.s32 s5, $0x0;
	s5 =	sld [smem:$0x3FB3]  }
0x2b: {  	s6 =	sld [smem:$0x3FB4]  }
0x2c: {  	s7 =	sld [smem:$0x3FB5]  }
0x2d: {  	s3 =	simm.s32 $0x108;
	s8 =	sld [smem:$0x3FB6]  }
0x2e: {  	s3 =	simm.s32 @!p0 $0x1082;
	s9 =	sld [smem:$0x3FB7]  }
0x2f: {  	lr =	sadd.s32 s0, s3;
	s0 =	sld [smem:$0x3FAE]  }
0x30: {  	s3 =	sld [smem:$0x3FB1]  }
0x31: {  	[smem:$0x3FBA] =	sst s10  }
0x32: {  	s10 =	sld [smem:$0x3FB8];
	_ =	sdelay $0x3  }
0x33: {  	p0 =	seq.s32 s10, $0x1;
	s10 =	sld [smem:$0x3FBA];
	_ =	sdelay $0x3  }
0x34: {  	[smem:$0x3FBA] =	sst s10  }
0x35: {  	s10 =	sld [smem:$0x3FB9];
	_ =	sdelay $0x3  }
0x36: {  	p1 =	seq.s32 s10, $0x1;
	s10 =	sld [smem:$0x3FBA];
	_ =	sdelay $0x3  }
0x37: {  	[smem:$0x3FBA] =	sst s10  }
0x38: {  	s10 =	sld [smem:$0x3FBB]  }
0x39: {  	_ = 	snop;
	(pc) =	sbr.ind lr, $3  }
0x3a: {  	_ = 	snop  }
0x3b: {  	_ = 	snop  }
0x3c: {  	p2 =	seq.s32 s10, $0x1;
	s10 =	sld [smem:$0x3FBA]  }
0x3d: {  	_ =	shalt  }
0x3e: {  	_ =	shalt  }
0x3f: {  	_ =	shalt  }
0x40: {  	_ =	shalt  }
0x41: {  	_ =	shalt  }
0x42: {  	_ =	shalt  }
0x43: {  	_ =	shalt  }
0x44: {  	_ =	shalt  }
0x45: {  	_ =	shalt  }
0x46: {  	_ =	shalt  }
0x47: {  	_ =	shalt  }
0x48: {  	_ =	shalt  }
0x49: {  	_ =	shalt  }
0x4a: {  	_ =	shalt  }
0x4b: {  	_ =	shalt  }
0x4c: {  	_ =	shalt  }
0x4d: {  	_ =	shalt  }
0x4e: {  	_ =	shalt  }
0x4f: {  	_ =	shalt  }
0x50: {  	_ =	shalt  }
0x51: {  	_ =	shalt  }
0x52: {  	_ =	shalt  }
0x53: {  	_ =	shalt  }
0x54: {  	_ =	shalt  }
0x55: {  	_ =	shalt  }
0x56: {  	_ =	shalt  }
0x57: {  	_ =	shalt  }
0x58: {  	_ =	shalt  }
0x59: {  	_ =	shalt  }
0x5a: {  	_ =	shalt  }
0x5b: {  	_ =	shalt  }
0x5c: {  	_ =	shalt  }
0x5d: {  	_ =	shalt  }
0x5e: {  	_ =	shalt  }
0x5f: {  	_ =	shalt  }
0x60: {  	_ =	shalt  }
0x61: {  	_ =	shalt  }
0x62: {  	_ =	shalt  }
0x63: {  	_ =	shalt  }
0x64: {  	_ =	shalt  }
0x65: {  	_ =	shalt  }
0x66: {  	_ =	shalt  }
0x67: {  	_ =	shalt  }
0x68: {  	_ =	shalt  }
0x69: {  	_ =	shalt  }
0x6a: {  	_ =	shalt  }
0x6b: {  	_ =	shalt  }
0x6c: {  	_ =	shalt  }
0x6d: {  	_ =	shalt  }
0x6e: {  	_ =	shalt  }
0x6f: {  	_ =	shalt  }
0x70: {  	_ =	shalt  }
0x71: {  	_ =	shalt  }
0x72: {  	_ =	shalt  }
0x73: {  	_ =	shalt  }
0x74: {  	_ =	shalt  }
0x75: {  	_ =	shalt  }
0x76: {  	_ =	shalt  }
0x77: {  	_ =	shalt  }
0x78: {  	_ =	shalt  }
0x79: {  	_ =	shalt  }
0x7a: {  	_ =	shalt  }
0x7b: {  	_ =	shalt  }
0x7c: {  	_ =	shalt  }
0x7d: {  	_ =	shalt  }
0x7e: {  	_ =	shalt  }
0x7f: {  	_ =	shalt  }
0x80: {  	_ =	shalt  }
0x81: {  	_ =	shalt  }
0x82: {  	_ =	shalt  }
0x83: {  	_ =	shalt  }
0x84: {  	_ =	shalt  }
0x85: {  	_ =	shalt  }
0x86: {  	_ =	shalt  }
0x87: {  	_ =	shalt  }
.Lfunc_end0:
.L_simem_size_0:
called_computation_lowered:
.L_overlay_start_0:
0x88: {  	s2 =	sld [smem:$0x3FD9]  }
0x89: {  	s3 =	sld [smem:$0x3FFE];
	_ =	sdelay $0x1  }
0x8a: {  	s1 =	srdreg.scid  }
0x8b: {  	s0 =	sand.u32 $0x1, s1  }
0x8c: {  	s17 =	sshll.u32 s0, $0xA;
	s2 =	sadd.s32 s3, s2  }
0x8d: {  	s2 =	sadd.s32 s2, s17  }
0x8e: {  	[smem:$0x3FC6] =	sst s2  }
0x8f: {  	_ = 	snop  }
0x90: {  	s2 =	sld [smem:$0x3FC9]  }
0x91: {  	s18 =	sld [smem:$0x3FD0];
	(tm) =	ssettm $0x1  }
0x92: {  	s4 =	sld [smem:$0x3FFB];
	_ =	sdelay $0x3  }
0x93: {  	_ =	strace s4  }
0x94: {  	s4 =	sld [smem:$0x3FFC];
	_ =	sdelay $0x3  }
0x95: {  	_ =	strace s4  }
0x96: {  	s4 =	sld [smem:$0x3FFD];
	_ =	sdelay $0x3  }
0x97: {  	_ =	strace s4  }
0x98: {  	_ =	strace $0x8FFFFFFF  }
0x99: {  	s19 =	sld [smem:$0x3FDB];
	_ =	sdelay $0x1  }
0x9a: {  	s5 =	simm.s32 $_scs_section_size  }
0x9b: {  	s6 =	simm.s32 $_size__tile_overlayer_lowered;
	s7 =	simm.s32 $_tile_overlayer_lowered  }
0x9c: {  	s22 =	simm.s32 $0x1BFF;
	s21 =	sshll.u32 s7, $0x1;
	s4 =	sadd.s32 s5, s19  }
0x9d: {  	s8 =	simm.s32 $0x0;
	s20 =	sshll.u32 s6, $0x1;
	s6 =	sadd.s32 s21, s4  }
0x9e: {  	[timem:s8], [sflag:s22] =	dma.local [hbm:s6], s20  }
0x9f: {  	_ =	swait.ge [sflag:s22], s20  }
0xa0: {  	s5 =	ssub.s32 $0x0, s20;
	[sflag:s22] =	ssyncset.done $0x0  }
0xa1: {  	[sflag:s22] =	ssyncadd.s32 s5;
	_ =	sdelay $0x1  }
0xa2: {  	s23 =	simm.s32 $0x1B8B  }
0xa3: {  	_ =	swait.ge [sflag:s23], $0x1  }
0xa4: {  	[sflag:s23] =	ssyncset.done $0x0  }
0xa5: {  	s25 =	simm.s32 $0x1B8E;
	s24 =	sld [smem:$0x3FFE];
	[sflag:s23] =	ssyncadd.s32 $0xFFFFFFFF  }
0xa6: {  	s26 =	simm.s32 $execute0_lowered;
	[smem:$0x3FD2] =	sst s25  }
0xa7: {  	s6 =	sshll.u32 s26, $0x1;
	_ =	strace $0x80000046;
	[dreg:$0x1] =	wrdreg $0xFFFFFFFF  }
0xa8: {  	s28 =	simm.s32 $_size_execute0_lowered;
	s4 =	sadd.s32 s4, s6;
	[dreg:$0x0] =	wrdreg $0x0  }
0xa9: {  	s6 =	sshll.u32 s28, $0x1;
	[dreg:$0x2] =	wrdreg s4  }
0xaa: {  	[dreg:$0x3] =	wrdreg s6  }
0xab: {  	[dreg:$0x4] =	wrdreg $0xC0  }
0xac: {  	_ =	task [dreg:s8], $0x5FFFF  }
0xad: {  	[dreg:$0x1] =	wrdreg $0xFFFFFFFF  }
0xae: {  	[dreg:$0x0] =	wrdreg $0x60  }
0xaf: {  	[dreg:$0x2] =	wrdreg s24  }
0xb0: {  	[dreg:$0x3] =	wrdreg s2  }
0xb1: {  	[dreg:$0x4] =	wrdreg s18  }
0xb2: {  	[dreg:$0x5] =	wrdreg $0x9  }
0xb3: {  	_ =	task.clear_ibuf [dreg:s8], $0x6FFFF;
	_ =	strace $0x90000046  }
0xb4: {  	s29 =	simm.s32 $0x9;
	_ =	strace $0x80000048  }
0xb5: {  	_ =	swait.ge [sflag:s29], $0x1  }
0xb6: {  	[sflag:s29] =	ssyncadd.s32 $0xFFFFFFFF  }
0xb7: {  	_ =	strace $0x90000048  }
0xb8: {  	_ =	sfence  }
0xb9: {  	s30 =	sld [smem:$0x0];
	_ =	sdelay $0x2  }
0xba: {  	s31 =	sshll.u32 s1, $0xD;
	s1 =	sshrl.u32 s1, $0x2  }
0xbb: {  	s3 =	sand.u32 $0x4000, s31;
	s1 =	sadd.s32 s1, s30  }
0xbc: {  	s0 =	sor.u32 s3, s0;
	s1 =	sshll.u32 s1, $0x11  }
0xbd: {  	s0 =	sor.u32 s1, s0  }
0xbe: {  	s0 =	sadd.s32 $0x8F2B, s0  }
0xbf: {  	[sflag:s0] =	ssyncadd.remote.s32 $0x1  }
0xc0: {  	_ =	sfence.sel $0xFFFF  }
0xc1: {  	[dreg:$0x0] =	wrdreg $0xFFFFFFFF;
	(pc) =	sbr.abs _section_cstart, $3  }
0xc2: {  	[dreg:$0x1] =	wrdreg $0xFFFFFFFF  }
0xc3: {  	_ =	task.clear_ibuf [dreg:s8], $0x2FFFF;
	_ =	strace $0x9FFFFFFF  }
0xc4: {  	(tm) =	ssettm $0x7FFFFFFF  }
0xc5: {  	_ =	shalt  }
tec
execute0_lowered:
.L_overlay_start_1:
0x0: {  	(tag) =	ssettag $0x1  }
0x1: {  	s0 =	rddreg [dreg:$0x0]  }
0x2: {  	s1 =	rddreg [dreg:$0x1]  }
0x3: {  	s2 =	rddreg [dreg:$0x2]  }
0x4: {  	s4 =	simm.s32 $0x0;
	s3 =	srdreg.scid;
	s5 =	stileid.u32  }
0x5: {  	s12 =	simm.s32 $0x3;
	s13 =	simm.s32 $0x80;
	s14 =	simm.s32 $0x400  }
0x6: {  	s15 =	simm.s32 $0x600;
	s16 =	simm.s32 $0x1;
	s17 =	simm.s32 $0x500  }
0x7: {  	s18 =	simm.s32 $0x4600;
	s19 =	simm.s32 $0x20000;
	s20 =	simm.s32 $0x8600  }
0x8: {  	s21 =	simm.s32 $0x9600;
	s22 =	simm.s32 $0x2;
	s3 =	sand.u32 $0x1, s3  }
0x9: {  	[smem:$0x7FF] =	sst s4;
	s7 =	sshll.u32 s5, $0x1;
	s6 =	ssub.s32 $0x2, s3  }
0xa: {  	s5 =	sadd.s32 $0xF42800, s0;
	s8 =	sadd.s32 $0x18000, s1;
	s31 =	sshrl.u32 s6, $0x1  }
0xb: {  	s9 =	sadd.s32 $0x300000, s2;
	s10 =	sadd.s32 $0x310000, s2;
	s0 =	ssub.s32 s6, s31  }
0xc: {  	v0 =	vlaneseq.u32;
	_ =	strace $0x80000047;
	s3 =	sor.u32 s3, s7;
	s0 =	smax.u32 s0, $0x1  }
0xd: {  	v0 =	vmul.u32 $0x80, v0;
	s7 =	sshll.u32 s3, $0x7;
	s6 =	sshll.u32 s3, $0xA;
	[dreg:$0x4] =	wrdreg s0  }
.LBB2_1:
0xe: {  	s23 =	simm.s32 $0x0  }
.LBB2_2:
0xf: {  	s0 =	sshll.u32 s23, $0xF  }
0x10: {  	s0 =	sor.u32 s6, s0  }
0x11: {  	s3 =	sshrl.u32 s0, $0x3  }
0x12: {  	s24 =	simm.s32 $0x0;
	s3 =	sadd.s32 s1, s3  }
0x13: {  	[tilespmem:s24], [sflag:$0x3] =	stream.linear.gather [hbm4b:s3+s24], $0x400, $0x38;
	[tilespmem:$0xA600] =	vst v63  }
0x14: {  	_ =	swait.ge [sflag:s12], $0x400  }
0x15: {  	[sflag:s12] =	ssyncset.done $0x0  }
0x16: {  	[sflag:s12] =	ssyncadd.s32 $0xFFFFFC00  }
0x17: {  	v1 =	vld [tilespmem:$0x0];
	_ =	sdelay $0x1  }
0x18: {  	v2 =	vld [tilespmem:$0x10];
	_ =	sdelay $0x1  }
0x19: {  	v3 =	vld [tilespmem:$0x20]  }
0x1a: {  	v4 =	vshrl.u32 v1, $0x2;
	v1 =	vshll.u32 v1, $0x5  }
0x1b: {  	v62 =	vld [tilespmem:$0x30];
	[tilespmem:$0x400] =	vst v4;
	v1 =	vand.u32 $0x60, v1  }
0x1c: {  	[tilespmem:$0x480] =	vst v1;
	v1 =	vshrl.u32 v2, $0x2;
	v2 =	vshll.u32 v2, $0x5  }
0x1d: {  	[tilespmem:$0x410] =	vst v1;
	v1 =	vand.u32 $0x60, v2;
	v2 =	vld [tilespmem:$0x40]  }
0x1e: {  	[tilespmem:$0x490] =	vst v1;
	v1 =	vshrl.u32 v3, $0x2;
	v3 =	vshll.u32 v3, $0x5  }
0x1f: {  	[tilespmem:$0x420] =	vst v1;
	v1 =	vand.u32 $0x60, v3;
	v3 =	vld [tilespmem:$0x50]  }
0x20: {  	v4 =	vshll.u32 v62, $0x5;
	[tilespmem:$0x4A0] =	vst v1;
	v1 =	vshrl.u32 v62, $0x2  }
0x21: {  	v63 =	vld [tilespmem:$0x60];
	[tilespmem:$0x430] =	vst v1;
	v1 =	vand.u32 $0x60, v4  }
0x22: {  	[tilespmem:$0x4B0] =	vst v1;
	v1 =	vshrl.u32 v2, $0x2;
	v2 =	vshll.u32 v2, $0x5  }
0x23: {  	[tilespmem:$0x440] =	vst v1;
	v1 =	vand.u32 $0x60, v2;
	v2 =	vld [tilespmem:$0x70]  }
0x24: {  	[tilespmem:$0x4C0] =	vst v1;
	v1 =	vshrl.u32 v3, $0x2;
	v3 =	vshll.u32 v3, $0x5  }
0x25: {  	[tilespmem:$0x450] =	vst v1;
	v1 =	vand.u32 $0x60, v3  }
0x26: {  	v3 =	vshll.u32 v63, $0x5;
	[tilespmem:$0x4D0] =	vst v1;
	v1 =	vshrl.u32 v63, $0x2  }
0x27: {  	s31 =	sshrl.u32 s23, $0x2;
	[tilespmem:$0x460] =	vst v1;
	v1 =	vand.u32 $0x60, v3  }
0x28: {  	s25 =	sshll.u32 s31, $0x11;
	[tilespmem:$0x4E0] =	vst v1;
	v1 =	vshrl.u32 v2, $0x2;
	v2 =	vshll.u32 v2, $0x5  }
0x29: {  	s25 =	ssub.s32 s0, s25;
	[tilespmem:$0x470] =	vst v1;
	v1 =	vand.u32 $0x60, v2  }
0x2a: {  	s29 =	simm.s32 $0x0;
	s26 =	sshll.u32 s31, $0x16;
	s28 =	sadd.s32 $0x80000, s25;
	[tilespmem:$0x4F0] =	vst v1  }
0x2b: {  	[tilespmem:s15], [sflag:$0x1] =	stream.indirect.gather [hbm4b:s5+s13], $0x80, s14, s13, $0xb8;
	[tilespmem:$0xA600] =	vst v63  }
.LBB2_3:
0x2c: {  	p0 =	seq.s32 s29, $0x0  }
0x2d: {  	s0 =	simm.s32 @!p0 $0x2  }
0x2e: {  	_ =	swait.ge @!p0 [sflag:s0], $0x1000  }
0x2f: {  	[sflag:s0] =	ssyncset.done @!p0 $0x0  }
0x30: {  	[sflag:s0] =	ssyncadd.s32 @!p0 $0xFFFFF000  }
0x31: {  	_ =	swait.ge @!p0 [sflag:s0], $0x1000  }
0x32: {  	s3 =	sshll.u32 s29, $0x8;
	[sflag:s0] =	ssyncset.done @!p0 $0x0  }
0x33: {  	s30 =	sand.u32 $0x3FFFFF00, s3;
	[sflag:s0] =	ssyncadd.s32 @!p0 $0xFFFFF000  }
0x34: {  	v1 =	vld [tilespmem:s30+$0x80];
	_ =	sdelay $0x4  }
0x35: {  	v2 =	vshrl.u32 v1, $0x2;
	v1 =	vshll.u32 v1, $0x5  }
0x36: {  	[tilespmem:$0x500] =	vst v2;
	v1 =	vand.u32 $0x60, v1  }
0x37: {  	[tilespmem:$0x580] =	vst v1  }
0x38: {  	v1 =	vld [tilespmem:s30+$0x90];
	_ =	sdelay $0x4  }
0x39: {  	v2 =	vshrl.u32 v1, $0x2;
	v1 =	vshll.u32 v1, $0x5  }
0x3a: {  	[tilespmem:$0x510] =	vst v2;
	v1 =	vand.u32 $0x60, v1  }
0x3b: {  	[tilespmem:$0x590] =	vst v1  }
0x3c: {  	v1 =	vld [tilespmem:s30+$0xA0];
	_ =	sdelay $0x4  }
0x3d: {  	v2 =	vshrl.u32 v1, $0x2;
	v1 =	vshll.u32 v1, $0x5  }
0x3e: {  	[tilespmem:$0x520] =	vst v2;
	v1 =	vand.u32 $0x60, v1  }
0x3f: {  	[tilespmem:$0x5A0] =	vst v1  }
0x40: {  	v1 =	vld [tilespmem:s30+$0xB0];
	_ =	sdelay $0x4  }
0x41: {  	v2 =	vshrl.u32 v1, $0x2;
	v1 =	vshll.u32 v1, $0x5  }
0x42: {  	[tilespmem:$0x530] =	vst v2;
	v1 =	vand.u32 $0x60, v1  }
0x43: {  	[tilespmem:$0x5B0] =	vst v1  }
0x44: {  	v1 =	vld [tilespmem:s30+$0xC0];
	_ =	sdelay $0x4  }
0x45: {  	v2 =	vshrl.u32 v1, $0x2;
	v1 =	vshll.u32 v1, $0x5  }
0x46: {  	[tilespmem:$0x540] =	vst v2;
	v1 =	vand.u32 $0x60, v1  }
0x47: {  	[tilespmem:$0x5C0] =	vst v1  }
0x48: {  	v1 =	vld [tilespmem:s30+$0xD0];
	_ =	sdelay $0x4  }
0x49: {  	v2 =	vshrl.u32 v1, $0x2;
	v1 =	vshll.u32 v1, $0x5  }
0x4a: {  	[tilespmem:$0x550] =	vst v2;
	v1 =	vand.u32 $0x60, v1  }
0x4b: {  	[tilespmem:$0x5D0] =	vst v1  }
0x4c: {  	v1 =	vld [tilespmem:s30+$0xE0];
	_ =	sdelay $0x4  }
0x4d: {  	v2 =	vshrl.u32 v1, $0x2;
	v1 =	vshll.u32 v1, $0x5  }
0x4e: {  	[tilespmem:$0x560] =	vst v2;
	v1 =	vand.u32 $0x60, v1  }
0x4f: {  	[tilespmem:$0x5E0] =	vst v1  }
0x50: {  	v1 =	vld [tilespmem:s30+$0xF0];
	_ =	sdelay $0x4  }
0x51: {  	v2 =	vshrl.u32 v1, $0x2;
	v1 =	vshll.u32 v1, $0x5  }
0x52: {  	[tilespmem:$0x570] =	vst v2;
	v1 =	vand.u32 $0x60, v1  }
0x53: {  	[tilespmem:$0x5F0] =	vst v1  }
0x54: {  	_ =	swait.ge [sflag:s16], $0x4000  }
0x55: {  	[sflag:s16] =	ssyncset.done $0x0  }
0x56: {  	s31 =	simm.s32 $0x480;
	[sflag:s16] =	ssyncadd.s32 $0xFFFFC000  }
0x57: {  	[tilespmem:s18], [sflag:$0x1] =	stream.indirect.gather [hbm4b:s5+s13], $0x80, s17, s13, $0xb8;
	[tilespmem:$0xA600] =	vst v63  }
0x58: {  	v1 =	vld [tilespmem:s31+$0x0];
	_ =	sdelay $0x2  }
0x59: {  	v2 =	vmov s24  }
0x5a: {  	v2 =	vshll.u32 v2, $0x7  }
0x5b: {  	v2 =	vor.u32 v0, v2;
	v3 =	vand.u32 $0xFFFFFF80, v1  }
0x5c: {  	v4 =	vand.u32 $0x7F, v1;
	v3 =	vadd.s32 v2, v3  }
0x5d: {  	v3 =	vor.u32 v4, v3;
	_ =	sdelay $0x2  }
0x5e: {  	v46 =	vadd.s32 $0x1, v1  }
0x5f: {  	v5 =	vand.u32 $0xFFFFFF80, v46  }
0x60: {  	v5 =	vadd.s32 v2, v5;
	v4 =	vand.u32 $0x7F, v46;
	v3 =	vld.idx.msk [tilespmem:v3+s15+$0x0], $0xffff  }
0x61: {  	v4 =	vor.u32 v4, v5;
	_ =	sdelay $0x2  }
0x62: {  	s0 =	simm.s32 $0x8E00;
	v47 =	vadd.s32 $0x2, v1  }
0x63: {  	v6 =	vand.u32 $0xFFFFFF80, v47;
	[tilespmem:s0+$0xFFFFF800] =	vst v3  }
0x64: {  	v5 =	vand.u32 $0x7F, v47;
	v3 =	vadd.s32 v2, v6;
	v4 =	vld.idx.msk [tilespmem:v4+s15+$0x0], $0xffff  }
0x65: {  	v3 =	vor.u32 v5, v3;
	_ =	sdelay $0x2  }
0x66: {  	v48 =	vadd.s32 $0x3, v1  }
0x67: {  	v49 =	vand.u32 $0xFFFFFF80, v48;
	[tilespmem:s0+$0xFFFFF880] =	vst v4  }
0x68: {  	v50 =	vadd.s32 v2, v49;
	v5 =	vand.u32 $0x7F, v48;
	v3 =	vld.idx.msk [tilespmem:v3+s15+$0x0], $0xffff  }
0x69: {  	v4 =	vor.u32 v5, v50;
	_ =	sdelay $0x2  }
0x6a: {  	v51 =	vadd.s32 $0x4, v1  }
0x6b: {  	v52 =	vand.u32 $0xFFFFFF80, v51;
	[tilespmem:s0+$0xFFFFF900] =	vst v3  }
0x6c: {  	v5 =	vand.u32 $0x7F, v51;
	v3 =	vadd.s32 v2, v52;
	v4 =	vld.idx.msk [tilespmem:v4+s15+$0x0], $0xffff  }
0x6d: {  	v3 =	vor.u32 v5, v3;
	_ =	sdelay $0x2  }
0x6e: {  	v53 =	vadd.s32 $0x5, v1  }
0x6f: {  	v54 =	vand.u32 $0xFFFFFF80, v53;
	[tilespmem:s0+$0xFFFFF980] =	vst v4  }
0x70: {  	v55 =	vadd.s32 v2, v54;
	v5 =	vand.u32 $0x7F, v53;
	v3 =	vld.idx.msk [tilespmem:v3+s15+$0x0], $0xffff  }
0x71: {  	v4 =	vor.u32 v5, v55;
	_ =	sdelay $0x2  }
0x72: {  	v56 =	vadd.s32 $0x6, v1  }
0x73: {  	v57 =	vand.u32 $0xFFFFFF80, v56;
	[tilespmem:s0+$0xFFFFFA00] =	vst v3  }
0x74: {  	v5 =	vand.u32 $0x7F, v56;
	v3 =	vadd.s32 v2, v57;
	v4 =	vld.idx.msk [tilespmem:v4+s15+$0x0], $0xffff  }
0x75: {  	v3 =	vor.u32 v5, v3;
	_ =	sdelay $0x2  }
0x76: {  	v58 =	vadd.s32 $0x7, v1  }
0x77: {  	v59 =	vand.u32 $0xFFFFFF80, v58;
	[tilespmem:s0+$0xFFFFFA80] =	vst v4  }
0x78: {  	v60 =	vadd.s32 v2, v59;
	v5 =	vand.u32 $0x7F, v58;
	v3 =	vld.idx.msk [tilespmem:v3+s15+$0x0], $0xffff  }
0x79: {  	v4 =	vor.u32 v5, v60;
	_ =	sdelay $0x2  }
0x7a: {  	v61 =	vadd.s32 $0x8, v1  }
0x7b: {  	v62 =	vand.u32 $0xFFFFFF80, v61;
	[tilespmem:s0+$0xFFFFFB00] =	vst v3  }
0x7c: {  	v5 =	vand.u32 $0x7F, v61;
	v3 =	vadd.s32 v2, v62;
	v4 =	vld.idx.msk [tilespmem:v4+s15+$0x0], $0xffff  }
0x7d: {  	v3 =	vor.u32 v5, v3;
	_ =	sdelay $0x2  }
0x7e: {  	v63 =	vadd.s32 $0x9, v1  }
0x7f: {  	v9 =	vand.u32 $0xFFFFFF80, v63;
	[tilespmem:s0+$0xFFFFFB80] =	vst v4  }
0x80: {  	v10 =	vadd.s32 v2, v9;
	v5 =	vand.u32 $0x7F, v63;
	v3 =	vld.idx.msk [tilespmem:v3+s15+$0x0], $0xffff  }
0x81: {  	v4 =	vor.u32 v5, v10;
	_ =	sdelay $0x2  }
0x82: {  	v11 =	vadd.s32 $0xA, v1  }
0x83: {  	v12 =	vand.u32 $0xFFFFFF80, v11;
	[tilespmem:s0+$0xFFFFFC00] =	vst v3  }
0x84: {  	v5 =	vand.u32 $0x7F, v11;
	v3 =	vadd.s32 v2, v12;
	v4 =	vld.idx.msk [tilespmem:v4+s15+$0x0], $0xffff  }
0x85: {  	v3 =	vor.u32 v5, v3;
	_ =	sdelay $0x2  }
0x86: {  	v13 =	vadd.s32 $0xB, v1  }
0x87: {  	v14 =	vand.u32 $0xFFFFFF80, v13;
	[tilespmem:s0+$0xFFFFFC80] =	vst v4  }
0x88: {  	v15 =	vadd.s32 v2, v14;
	v5 =	vand.u32 $0x7F, v13;
	v3 =	vld.idx.msk [tilespmem:v3+s15+$0x0], $0xffff  }
0x89: {  	v4 =	vor.u32 v5, v15;
	_ =	sdelay $0x2  }
0x8a: {  	v16 =	vadd.s32 $0xC, v1  }
0x8b: {  	v17 =	vand.u32 $0xFFFFFF80, v16;
	[tilespmem:s0+$0xFFFFFD00] =	vst v3  }
0x8c: {  	v5 =	vand.u32 $0x7F, v16;
	v3 =	vadd.s32 v2, v17;
	v4 =	vld.idx.msk [tilespmem:v4+s15+$0x0], $0xffff  }
0x8d: {  	v3 =	vor.u32 v5, v3;
	_ =	sdelay $0x2  }
0x8e: {  	v18 =	vadd.s32 $0xD, v1  }
0x8f: {  	v19 =	vand.u32 $0xFFFFFF80, v18;
	[tilespmem:s0+$0xFFFFFD80] =	vst v4  }
0x90: {  	v20 =	vadd.s32 v2, v19;
	v5 =	vand.u32 $0x7F, v18;
	v3 =	vld.idx.msk [tilespmem:v3+s15+$0x0], $0xffff  }
0x91: {  	v4 =	vor.u32 v5, v20;
	_ =	sdelay $0x2  }
0x92: {  	v21 =	vadd.s32 $0xE, v1  }
0x93: {  	v22 =	vand.u32 $0xFFFFFF80, v21;
	[tilespmem:s0+$0xFFFFFE00] =	vst v3  }
0x94: {  	v5 =	vand.u32 $0x7F, v21;
	v3 =	vadd.s32 v2, v22;
	v4 =	vld.idx.msk [tilespmem:v4+s15+$0x0], $0xffff  }
0x95: {  	v3 =	vor.u32 v5, v3;
	_ =	sdelay $0x2  }
0x96: {  	v23 =	vadd.s32 $0xF, v1  }
0x97: {  	v24 =	vand.u32 $0xFFFFFF80, v23;
	[tilespmem:s0+$0xFFFFFE80] =	vst v4  }
0x98: {  	v25 =	vadd.s32 v2, v24;
	v5 =	vand.u32 $0x7F, v23;
	v3 =	vld.idx.msk [tilespmem:v3+s15+$0x0], $0xffff  }
0x99: {  	v4 =	vor.u32 v5, v25;
	_ =	sdelay $0x2  }
0x9a: {  	v26 =	vadd.s32 $0x10, v1  }
0x9b: {  	v27 =	vand.u32 $0xFFFFFF80, v26;
	[tilespmem:s0+$0xFFFFFF00] =	vst v3  }
0x9c: {  	v5 =	vand.u32 $0x7F, v26;
	v3 =	vadd.s32 v2, v27;
	v4 =	vld.idx.msk [tilespmem:v4+s15+$0x0], $0xffff  }
0x9d: {  	v3 =	vor.u32 v5, v3;
	_ =	sdelay $0x2  }
0x9e: {  	v28 =	vadd.s32 $0x11, v1  }
0x9f: {  	v29 =	vand.u32 $0xFFFFFF80, v28;
	[tilespmem:s0+$0xFFFFFF80] =	vst v4  }
0xa0: {  	v30 =	vadd.s32 v2, v29;
	v5 =	vand.u32 $0x7F, v28;
	v3 =	vld.idx.msk [tilespmem:v3+s15+$0x0], $0xffff  }
0xa1: {  	v4 =	vor.u32 v5, v30;
	_ =	sdelay $0x2  }
0xa2: {  	v31 =	vadd.s32 $0x12, v1  }
0xa3: {  	v32 =	vand.u32 $0xFFFFFF80, v31;
	[tilespmem:s0+$0x0] =	vst v3  }
0xa4: {  	v5 =	vand.u32 $0x7F, v31;
	v3 =	vadd.s32 v2, v32;
	v4 =	vld.idx.msk [tilespmem:v4+s15+$0x0], $0xffff  }
0xa5: {  	v3 =	vor.u32 v5, v3;
	_ =	sdelay $0x2  }
0xa6: {  	v33 =	vadd.s32 $0x13, v1  }
0xa7: {  	v34 =	vand.u32 $0xFFFFFF80, v33;
	[tilespmem:s0+$0x80] =	vst v4  }
0xa8: {  	v35 =	vadd.s32 v2, v34;
	v5 =	vand.u32 $0x7F, v33;
	v3 =	vld.idx.msk [tilespmem:v3+s15+$0x0], $0xffff  }
0xa9: {  	v4 =	vor.u32 v5, v35;
	_ =	sdelay $0x2  }
0xaa: {  	v36 =	vadd.s32 $0x14, v1  }
0xab: {  	v37 =	vand.u32 $0xFFFFFF80, v36;
	[tilespmem:s0+$0x100] =	vst v3  }
0xac: {  	v5 =	vand.u32 $0x7F, v36;
	v3 =	vadd.s32 v2, v37;
	v4 =	vld.idx.msk [tilespmem:v4+s15+$0x0], $0xffff  }
0xad: {  	v3 =	vor.u32 v5, v3;
	_ =	sdelay $0x2  }
0xae: {  	v38 =	vadd.s32 $0x15, v1  }
0xaf: {  	v39 =	vand.u32 $0xFFFFFF80, v38;
	[tilespmem:s0+$0x180] =	vst v4  }
0xb0: {  	v40 =	vadd.s32 v2, v39;
	v5 =	vand.u32 $0x7F, v38;
	v3 =	vld.idx.msk [tilespmem:v3+s15+$0x0], $0xffff  }
0xb1: {  	v4 =	vor.u32 v5, v40;
	_ =	sdelay $0x2  }
0xb2: {  	v41 =	vadd.s32 $0x16, v1  }
0xb3: {  	v42 =	vand.u32 $0xFFFFFF80, v41;
	[tilespmem:s0+$0x200] =	vst v3  }
0xb4: {  	v5 =	vand.u32 $0x7F, v41;
	v3 =	vadd.s32 v2, v42;
	v4 =	vld.idx.msk [tilespmem:v4+s15+$0x0], $0xffff  }
0xb5: {  	v3 =	vor.u32 v5, v3;
	_ =	sdelay $0x2  }
0xb6: {  	v43 =	vadd.s32 $0x17, v1  }
0xb7: {  	v44 =	vand.u32 $0xFFFFFF80, v43;
	[tilespmem:s0+$0x280] =	vst v4  }
0xb8: {  	v45 =	vadd.s32 v2, v44;
	v5 =	vand.u32 $0x7F, v43;
	v3 =	vld.idx.msk [tilespmem:v3+s15+$0x0], $0xffff  }
0xb9: {  	v4 =	vor.u32 v5, v45;
	_ =	sdelay $0x2  }
0xba: {  	v46 =	vadd.s32 $0x18, v1  }
0xbb: {  	v47 =	vand.u32 $0xFFFFFF80, v46;
	[tilespmem:s0+$0x300] =	vst v3  }
0xbc: {  	v5 =	vand.u32 $0x7F, v46;
	v3 =	vadd.s32 v2, v47;
	v4 =	vld.idx.msk [tilespmem:v4+s15+$0x0], $0xffff  }
0xbd: {  	v3 =	vor.u32 v5, v3;
	_ =	sdelay $0x2  }
0xbe: {  	v48 =	vadd.s32 $0x19, v1  }
0xbf: {  	v49 =	vand.u32 $0xFFFFFF80, v48;
	[tilespmem:s0+$0x380] =	vst v4  }
0xc0: {  	v50 =	vadd.s32 v2, v49;
	v5 =	vand.u32 $0x7F, v48;
	v3 =	vld.idx.msk [tilespmem:v3+s15+$0x0], $0xffff  }
0xc1: {  	v4 =	vor.u32 v5, v50;
	_ =	sdelay $0x2  }
0xc2: {  	v51 =	vadd.s32 $0x1A, v1  }
0xc3: {  	v52 =	vand.u32 $0xFFFFFF80, v51;
	[tilespmem:s0+$0x400] =	vst v3  }
0xc4: {  	v5 =	vand.u32 $0x7F, v51;
	v3 =	vadd.s32 v2, v52;
	v4 =	vld.idx.msk [tilespmem:v4+s15+$0x0], $0xffff  }
0xc5: {  	v3 =	vor.u32 v5, v3;
	_ =	sdelay $0x2  }
0xc6: {  	v53 =	vadd.s32 $0x1B, v1  }
0xc7: {  	v54 =	vand.u32 $0xFFFFFF80, v53;
	[tilespmem:s0+$0x480] =	vst v4  }
0xc8: {  	v55 =	vadd.s32 v2, v54;
	v5 =	vand.u32 $0x7F, v53;
	v3 =	vld.idx.msk [tilespmem:v3+s15+$0x0], $0xffff  }
0xc9: {  	v4 =	vor.u32 v5, v55;
	_ =	sdelay $0x2  }
0xca: {  	v56 =	vadd.s32 $0x1C, v1  }
0xcb: {  	v57 =	vand.u32 $0xFFFFFF80, v56;
	[tilespmem:s0+$0x500] =	vst v3  }
0xcc: {  	v5 =	vand.u32 $0x7F, v56;
	v3 =	vadd.s32 v2, v57;
	v4 =	vld.idx.msk [tilespmem:v4+s15+$0x0], $0xffff  }
0xcd: {  	v3 =	vor.u32 v5, v3;
	_ =	sdelay $0x2  }
0xce: {  	v58 =	vadd.s32 $0x1D, v1  }
0xcf: {  	v59 =	vand.u32 $0xFFFFFF80, v58;
	[tilespmem:s0+$0x580] =	vst v4  }
0xd0: {  	v60 =	vadd.s32 v2, v59;
	v5 =	vand.u32 $0x7F, v58;
	v3 =	vld.idx.msk [tilespmem:v3+s15+$0x0], $0xffff  }
0xd1: {  	v4 =	vor.u32 v5, v60;
	_ =	sdelay $0x2  }
0xd2: {  	v61 =	vadd.s32 $0x1E, v1  }
0xd3: {  	v62 =	vand.u32 $0xFFFFFF80, v61;
	[tilespmem:s0+$0x600] =	vst v3  }
0xd4: {  	v5 =	vand.u32 $0x7F, v61;
	v3 =	vadd.s32 v2, v62;
	v4 =	vld.idx.msk [tilespmem:v4+s15+$0x0], $0xffff  }
0xd5: {  	v3 =	vor.u32 v5, v3;
	_ =	sdelay $0x2  }
0xd6: {  	v1 =	vadd.s32 $0x1F, v1  }
0xd7: {  	v63 =	vand.u32 $0xFFFFFF80, v1;
	[tilespmem:s0+$0x680] =	vst v4  }
0xd8: {  	v1 =	vand.u32 $0x7F, v1;
	v2 =	vadd.s32 v2, v63;
	v3 =	vld.idx.msk [tilespmem:v3+s15+$0x0], $0xffff  }
0xd9: {  	v1 =	vor.u32 v1, v2;
	_ =	sdelay $0x3  }
0xda: {  	[tilespmem:s0+$0x700] =	vst v3  }
0xdb: {  	s3 =	simm.s32 $0x10;
	v1 =	vld.idx.msk [tilespmem:v1+s15+$0x0], $0xffff  }
.LBB2_4:
0xdc: {  	_ =	sdelay $0x3  }
0xdd: {  	p0 =	sne.s32 s3, $0x70;
	s31 =	sadd.s32 $0x10, s31;
	[tilespmem:s0+$0x780] =	vst v1;
	s0 =	sadd.s32 $0x10, s0  }
0xde: {  	s11 =	smov.u32 s3;
	s3 =	sadd.s32 $0x10, s3;
	v1 =	vld [tilespmem:s31+$0x0];
	_ =	sdelay $0x2  }
0xdf: {  	v2 =	vmov s11  }
0xe0: {  	v2 =	vshll.u32 v2, $0x7  }
0xe1: {  	v2 =	vor.u32 v0, v2;
	v3 =	vand.u32 $0xFFFFFF80, v1;
	v4 =	vadd.s32 $0x1, v1  }
0xe2: {  	v5 =	vand.u32 $0x7F, v1;
	v3 =	vadd.s32 v2, v3;
	v6 =	vand.u32 $0xFFFFFF80, v4  }
0xe3: {  	v3 =	vor.u32 v5, v3;
	v5 =	vadd.s32 v2, v6;
	v6 =	vadd.s32 $0x2, v1  }
0xe4: {  	v8 =	vadd.s32 $0x3, v1;
	v10 =	vadd.s32 $0x4, v1;
	v7 =	vand.u32 $0xFFFFFF80, v6  }
0xe5: {  	v9 =	vand.u32 $0xFFFFFF80, v8;
	v11 =	vand.u32 $0xFFFFFF80, v10;
	v7 =	vadd.s32 v2, v7  }
0xe6: {  	v53 =	vadd.s32 $0x5, v1;
	v9 =	vadd.s32 v2, v9;
	v11 =	vadd.s32 v2, v11  }
0xe7: {  	v51 =	vadd.s32 $0x6, v1;
	v47 =	vadd.s32 $0x7, v1;
	v12 =	vand.u32 $0xFFFFFF80, v53  }
0xe8: {  	v13 =	vand.u32 $0xFFFFFF80, v47;
	v54 =	vadd.s32 v2, v12;
	v12 =	vand.u32 $0xFFFFFF80, v51;
	v3 =	vld.idx.msk [tilespmem:v3+s15+$0x0], $0xffff  }
0xe9: {  	v4 =	vand.u32 $0x7F, v4;
	v50 =	vadd.s32 v2, v13;
	v52 =	vadd.s32 v2, v12  }
0xea: {  	v48 =	vadd.s32 $0x8, v1;
	v45 =	vadd.s32 $0x9, v1;
	v4 =	vor.u32 v4, v5  }
0xeb: {  	v42 =	vadd.s32 $0xA, v1;
	v5 =	vand.u32 $0xFFFFFF80, v48;
	v12 =	vand.u32 $0xFFFFFF80, v45  }
0xec: {  	v49 =	vadd.s32 v2, v5;
	v46 =	vadd.s32 v2, v12;
	v5 =	vand.u32 $0xFFFFFF80, v42  }
0xed: {  	v41 =	vadd.s32 $0xB, v1;
	v38 =	vadd.s32 $0xC, v1;
	v44 =	vadd.s32 v2, v5  }
0xee: {  	v36 =	vadd.s32 $0xD, v1;
	v5 =	vand.u32 $0xFFFFFF80, v38;
	[tilespmem:s0+$0xFFFFF800] =	vst v3;
	v3 =	vand.u32 $0xFFFFFF80, v41  }
0xef: {  	v40 =	vadd.s32 v2, v5;
	v4 =	vld.idx.msk [tilespmem:v4+s15+$0x0], $0xffff;
	v43 =	vadd.s32 v2, v3;
	v3 =	vand.u32 $0xFFFFFF80, v36  }
0xf0: {  	v35 =	vadd.s32 $0xE, v1;
	v5 =	vand.u32 $0x7F, v6;
	v39 =	vadd.s32 v2, v3  }
0xf1: {  	v33 =	vadd.s32 $0xF, v1;
	v3 =	vor.u32 v5, v7;
	v5 =	vand.u32 $0xFFFFFF80, v35  }
0xf2: {  	v31 =	vadd.s32 $0x10, v1;
	v37 =	vadd.s32 v2, v5;
	v5 =	vand.u32 $0xFFFFFF80, v33  }
0xf3: {  	v29 =	vadd.s32 $0x11, v1;
	v34 =	vadd.s32 v2, v5;
	v5 =	vand.u32 $0xFFFFFF80, v31  }
0xf4: {  	v26 =	vadd.s32 $0x12, v1;
	v32 =	vadd.s32 v2, v5;
	v5 =	vand.u32 $0xFFFFFF80, v29  }
0xf5: {  	v25 =	vadd.s32 $0x13, v1;
	v30 =	vadd.s32 v2, v5;
	[tilespmem:s0+$0xFFFFF880] =	vst v4;
	v4 =	vand.u32 $0xFFFFFF80, v26  }
0xf6: {  	v22 =	vadd.s32 $0x14, v1;
	v3 =	vld.idx.msk [tilespmem:v3+s15+$0x0], $0xffff;
	v28 =	vadd.s32 v2, v4;
	v4 =	vand.u32 $0xFFFFFF80, v25  }
0xf7: {  	v5 =	vand.u32 $0x7F, v8;
	v27 =	vadd.s32 v2, v4;
	v4 =	vand.u32 $0xFFFFFF80, v22  }
0xf8: {  	v21 =	vadd.s32 $0x15, v1;
	v5 =	vor.u32 v5, v9;
	v24 =	vadd.s32 v2, v4  }
0xf9: {  	v19 =	vadd.s32 $0x16, v1;
	v16 =	vadd.s32 $0x17, v1;
	v4 =	vand.u32 $0xFFFFFF80, v21  }
0xfa: {  	v6 =	vand.u32 $0xFFFFFF80, v16;
	v23 =	vadd.s32 v2, v4;
	v4 =	vand.u32 $0xFFFFFF80, v19  }
0xfb: {  	v14 =	vadd.s32 $0x18, v1;
	v18 =	vadd.s32 v2, v6;
	v20 =	vadd.s32 v2, v4  }
0xfc: {  	v13 =	vadd.s32 $0x19, v1;
	v9 =	vadd.s32 $0x1A, v1;
	[tilespmem:s0+$0xFFFFF900] =	vst v3;
	v3 =	vand.u32 $0xFFFFFF80, v14  }
0xfd: {  	v4 =	vand.u32 $0xFFFFFF80, v9;
	v5 =	vld.idx.msk [tilespmem:v5+s15+$0x0], $0xffff;
	v17 =	vadd.s32 v2, v3;
	v3 =	vand.u32 $0xFFFFFF80, v13  }
0xfe: {  	v6 =	vand.u32 $0x7F, v10;
	v12 =	vadd.s32 v2, v4;
	v15 =	vadd.s32 v2, v3  }
0xff: {  	v10 =	vadd.s32 $0x1B, v1;
	v55 =	vor.u32 v6, v11;
	v7 =	vadd.s32 $0x1C, v1  }
0x100: {  	v6 =	vand.u32 $0xFFFFFF80, v7;
	v4 =	vadd.s32 $0x1D, v1;
	v3 =	vand.u32 $0xFFFFFF80, v10  }
0x101: {  	v8 =	vadd.s32 v2, v6;
	v11 =	vadd.s32 v2, v3;
	v3 =	vand.u32 $0xFFFFFF80, v4  }
0x102: {  	v6 =	vadd.s32 v2, v3;
	v3 =	vadd.s32 $0x1E, v1;
	v1 =	vadd.s32 $0x1F, v1  }
0x103: {  	v56 =	vand.u32 $0xFFFFFF80, v1;
	[tilespmem:s0+$0xFFFFF980] =	vst v5;
	v5 =	vand.u32 $0xFFFFFF80, v3  }
0x104: {  	v55 =	vld.idx.msk [tilespmem:v55+s15+$0x0], $0xffff;
	v5 =	vadd.s32 v2, v5;
	v2 =	vadd.s32 v2, v56  }
0x105: {  	v53 =	vand.u32 $0x7F, v53  }
0x106: {  	v53 =	vor.u32 v53, v54;
	_ =	sdelay $0x3  }
0x107: {  	[tilespmem:s0+$0xFFFFFA00] =	vst v55  }
0x108: {  	v53 =	vld.idx.msk [tilespmem:v53+s15+$0x0], $0xffff  }
0x109: {  	v51 =	vand.u32 $0x7F, v51  }
0x10a: {  	v51 =	vor.u32 v51, v52;
	_ =	sdelay $0x3  }
0x10b: {  	[tilespmem:s0+$0xFFFFFA80] =	vst v53  }
0x10c: {  	v51 =	vld.idx.msk [tilespmem:v51+s15+$0x0], $0xffff  }
0x10d: {  	v47 =	vand.u32 $0x7F, v47  }
0x10e: {  	v47 =	vor.u32 v47, v50;
	_ =	sdelay $0x3  }
0x10f: {  	[tilespmem:s0+$0xFFFFFB00] =	vst v51  }
0x110: {  	v47 =	vld.idx.msk [tilespmem:v47+s15+$0x0], $0xffff  }
0x111: {  	v48 =	vand.u32 $0x7F, v48  }
0x112: {  	v48 =	vor.u32 v48, v49;
	_ =	sdelay $0x3  }
0x113: {  	[tilespmem:s0+$0xFFFFFB80] =	vst v47  }
0x114: {  	v47 =	vld.idx.msk [tilespmem:v48+s15+$0x0], $0xffff  }
0x115: {  	v45 =	vand.u32 $0x7F, v45  }
0x116: {  	v45 =	vor.u32 v45, v46;
	_ =	sdelay $0x3  }
0x117: {  	[tilespmem:s0+$0xFFFFFC00] =	vst v47  }
0x118: {  	v45 =	vld.idx.msk [tilespmem:v45+s15+$0x0], $0xffff  }
0x119: {  	v42 =	vand.u32 $0x7F, v42  }
0x11a: {  	v42 =	vor.u32 v42, v44;
	_ =	sdelay $0x3  }
0x11b: {  	[tilespmem:s0+$0xFFFFFC80] =	vst v45  }
0x11c: {  	v42 =	vld.idx.msk [tilespmem:v42+s15+$0x0], $0xffff  }
0x11d: {  	v41 =	vand.u32 $0x7F, v41  }
0x11e: {  	v41 =	vor.u32 v41, v43;
	_ =	sdelay $0x3  }
0x11f: {  	[tilespmem:s0+$0xFFFFFD00] =	vst v42  }
0x120: {  	v41 =	vld.idx.msk [tilespmem:v41+s15+$0x0], $0xffff  }
0x121: {  	v38 =	vand.u32 $0x7F, v38  }
0x122: {  	v38 =	vor.u32 v38, v40;
	_ =	sdelay $0x3  }
0x123: {  	[tilespmem:s0+$0xFFFFFD80] =	vst v41  }
0x124: {  	v38 =	vld.idx.msk [tilespmem:v38+s15+$0x0], $0xffff  }
0x125: {  	v36 =	vand.u32 $0x7F, v36  }
0x126: {  	v36 =	vor.u32 v36, v39;
	_ =	sdelay $0x3  }
0x127: {  	[tilespmem:s0+$0xFFFFFE00] =	vst v38  }
0x128: {  	v36 =	vld.idx.msk [tilespmem:v36+s15+$0x0], $0xffff  }
0x129: {  	v35 =	vand.u32 $0x7F, v35  }
0x12a: {  	v35 =	vor.u32 v35, v37;
	_ =	sdelay $0x3  }
0x12b: {  	[tilespmem:s0+$0xFFFFFE80] =	vst v36  }
0x12c: {  	v35 =	vld.idx.msk [tilespmem:v35+s15+$0x0], $0xffff  }
0x12d: {  	v33 =	vand.u32 $0x7F, v33  }
0x12e: {  	v33 =	vor.u32 v33, v34;
	_ =	sdelay $0x3  }
0x12f: {  	[tilespmem:s0+$0xFFFFFF00] =	vst v35  }
0x130: {  	v33 =	vld.idx.msk [tilespmem:v33+s15+$0x0], $0xffff  }
0x131: {  	v31 =	vand.u32 $0x7F, v31  }
0x132: {  	v31 =	vor.u32 v31, v32;
	_ =	sdelay $0x3  }
0x133: {  	[tilespmem:s0+$0xFFFFFF80] =	vst v33  }
0x134: {  	v31 =	vld.idx.msk [tilespmem:v31+s15+$0x0], $0xffff  }
0x135: {  	v29 =	vand.u32 $0x7F, v29  }
0x136: {  	v29 =	vor.u32 v29, v30;
	_ =	sdelay $0x3  }
0x137: {  	[tilespmem:s0+$0x0] =	vst v31  }
0x138: {  	v29 =	vld.idx.msk [tilespmem:v29+s15+$0x0], $0xffff  }
0x139: {  	v26 =	vand.u32 $0x7F, v26  }
0x13a: {  	v26 =	vor.u32 v26, v28;
	_ =	sdelay $0x3  }
0x13b: {  	[tilespmem:s0+$0x80] =	vst v29  }
0x13c: {  	v26 =	vld.idx.msk [tilespmem:v26+s15+$0x0], $0xffff  }
0x13d: {  	v25 =	vand.u32 $0x7F, v25  }
0x13e: {  	v25 =	vor.u32 v25, v27;
	_ =	sdelay $0x3  }
0x13f: {  	[tilespmem:s0+$0x100] =	vst v26  }
0x140: {  	v25 =	vld.idx.msk [tilespmem:v25+s15+$0x0], $0xffff  }
0x141: {  	v22 =	vand.u32 $0x7F, v22  }
0x142: {  	v22 =	vor.u32 v22, v24;
	_ =	sdelay $0x3  }
0x143: {  	[tilespmem:s0+$0x180] =	vst v25  }
0x144: {  	v22 =	vld.idx.msk [tilespmem:v22+s15+$0x0], $0xffff  }
0x145: {  	v21 =	vand.u32 $0x7F, v21  }
0x146: {  	v21 =	vor.u32 v21, v23;
	_ =	sdelay $0x3  }
0x147: {  	[tilespmem:s0+$0x200] =	vst v22  }
0x148: {  	v21 =	vld.idx.msk [tilespmem:v21+s15+$0x0], $0xffff  }
0x149: {  	v19 =	vand.u32 $0x7F, v19  }
0x14a: {  	v19 =	vor.u32 v19, v20;
	_ =	sdelay $0x3  }
0x14b: {  	[tilespmem:s0+$0x280] =	vst v21  }
0x14c: {  	v19 =	vld.idx.msk [tilespmem:v19+s15+$0x0], $0xffff  }
0x14d: {  	v16 =	vand.u32 $0x7F, v16  }
0x14e: {  	v16 =	vor.u32 v16, v18;
	_ =	sdelay $0x3  }
0x14f: {  	[tilespmem:s0+$0x300] =	vst v19  }
0x150: {  	v16 =	vld.idx.msk [tilespmem:v16+s15+$0x0], $0xffff  }
0x151: {  	v14 =	vand.u32 $0x7F, v14  }
0x152: {  	v14 =	vor.u32 v14, v17;
	_ =	sdelay $0x3  }
0x153: {  	[tilespmem:s0+$0x380] =	vst v16  }
0x154: {  	v14 =	vld.idx.msk [tilespmem:v14+s15+$0x0], $0xffff  }
0x155: {  	v13 =	vand.u32 $0x7F, v13  }
0x156: {  	v13 =	vor.u32 v13, v15;
	_ =	sdelay $0x3  }
0x157: {  	[tilespmem:s0+$0x400] =	vst v14  }
0x158: {  	v13 =	vld.idx.msk [tilespmem:v13+s15+$0x0], $0xffff  }
0x159: {  	v9 =	vand.u32 $0x7F, v9  }
0x15a: {  	v9 =	vor.u32 v9, v12;
	_ =	sdelay $0x3  }
0x15b: {  	[tilespmem:s0+$0x480] =	vst v13  }
0x15c: {  	v9 =	vld.idx.msk [tilespmem:v9+s15+$0x0], $0xffff  }
0x15d: {  	v10 =	vand.u32 $0x7F, v10  }
0x15e: {  	v10 =	vor.u32 v10, v11;
	_ =	sdelay $0x3  }
0x15f: {  	[tilespmem:s0+$0x500] =	vst v9  }
0x160: {  	v9 =	vld.idx.msk [tilespmem:v10+s15+$0x0], $0xffff  }
0x161: {  	v7 =	vand.u32 $0x7F, v7  }
0x162: {  	v7 =	vor.u32 v7, v8;
	_ =	sdelay $0x3  }
0x163: {  	[tilespmem:s0+$0x580] =	vst v9  }
0x164: {  	v7 =	vld.idx.msk [tilespmem:v7+s15+$0x0], $0xffff  }
0x165: {  	v4 =	vand.u32 $0x7F, v4  }
0x166: {  	v4 =	vor.u32 v4, v6;
	_ =	sdelay $0x3  }
0x167: {  	[tilespmem:s0+$0x600] =	vst v7  }
0x168: {  	v4 =	vld.idx.msk [tilespmem:v4+s15+$0x0], $0xffff  }
0x169: {  	v3 =	vand.u32 $0x7F, v3  }
0x16a: {  	v3 =	vor.u32 v3, v5;
	_ =	sdelay $0x3  }
0x16b: {  	[tilespmem:s0+$0x680] =	vst v4  }
0x16c: {  	v3 =	vld.idx.msk [tilespmem:v3+s15+$0x0], $0xffff  }
0x16d: {  	v1 =	vand.u32 $0x7F, v1  }
0x16e: {  	v1 =	vor.u32 v1, v2  }
.Ltmp0:
0x16f: {  	(pc) =	sbr.rel @p0 .LBB2_4-.Ltmp0, $3  }
0x170: {  	_ =	sdelay $0x1  }
0x171: {  	[tilespmem:s0+$0x700] =	vst v3  }
0x172: {  	v1 =	vld.idx.msk [tilespmem:v1+s15+$0x0], $0xffff  }
0x173: {  	s3 =	sshll.u32 s29, $0x14  }
0x174: {  	s31 =	sadd.s32 s26, s3  }
0x175: {  	s3 =	sadd.s32 s25, s31  }
0x176: {  	p0 =	seq.s32 s29, $0x3;
	s3 =	sshrl.u32 s3, $0x3  }
0x177: {  	[tilespmem:s0+$0x780] =	vst v1;
	s3 =	sadd.s32 s2, s3;
	s0 =	simm.s32 @p0 $0x1  }
0x178: {  	[hbm4b:s3+s14] =	stream.strided.scatter [tilespmem:s20], [sflag:$0x2], $0x1000, s19, s14, $0x38;
	[tilespmem:$0xA600] =	vst v63  }
0x179: {  	_ =	swait.ge @p0 [sflag:s0], $0x4000  }
0x17a: {  	[sflag:s0] =	ssyncset.done @p0 $0x0  }
0x17b: {  	[sflag:s0] =	ssyncadd.s32 @p0 $0xFFFFC000  }
0x17c: {  	v1 =	vld @!p0 [tilespmem:s30+$0x100];
	_ =	sdelay $0x4  }
0x17d: {  	v2 =	vshrl.u32 @!p0 v1, $0x2;
	v1 =	vshll.u32 @!p0 v1, $0x5  }
0x17e: {  	[tilespmem:$0x400] =	vst @!p0 v2;
	v1 =	vand.u32 @!p0 $0x60, v1  }
0x17f: {  	[tilespmem:$0x480] =	vst @!p0 v1  }
0x180: {  	v1 =	vld @!p0 [tilespmem:s30+$0x110];
	_ =	sdelay $0x4  }
0x181: {  	v2 =	vshrl.u32 @!p0 v1, $0x2;
	v1 =	vshll.u32 @!p0 v1, $0x5  }
0x182: {  	[tilespmem:$0x410] =	vst @!p0 v2;
	v1 =	vand.u32 @!p0 $0x60, v1  }
0x183: {  	[tilespmem:$0x490] =	vst @!p0 v1  }
0x184: {  	v1 =	vld @!p0 [tilespmem:s30+$0x120];
	_ =	sdelay $0x4  }
0x185: {  	v2 =	vshrl.u32 @!p0 v1, $0x2;
	v1 =	vshll.u32 @!p0 v1, $0x5  }
0x186: {  	[tilespmem:$0x420] =	vst @!p0 v2;
	v1 =	vand.u32 @!p0 $0x60, v1  }
0x187: {  	[tilespmem:$0x4A0] =	vst @!p0 v1  }
0x188: {  	v1 =	vld @!p0 [tilespmem:s30+$0x130];
	_ =	sdelay $0x4  }
0x189: {  	v2 =	vshrl.u32 @!p0 v1, $0x2;
	v1 =	vshll.u32 @!p0 v1, $0x5  }
0x18a: {  	[tilespmem:$0x430] =	vst @!p0 v2;
	v1 =	vand.u32 @!p0 $0x60, v1  }
0x18b: {  	[tilespmem:$0x4B0] =	vst @!p0 v1  }
0x18c: {  	v1 =	vld @!p0 [tilespmem:s30+$0x140];
	_ =	sdelay $0x4  }
0x18d: {  	v2 =	vshrl.u32 @!p0 v1, $0x2;
	v1 =	vshll.u32 @!p0 v1, $0x5  }
0x18e: {  	[tilespmem:$0x440] =	vst @!p0 v2;
	v1 =	vand.u32 @!p0 $0x60, v1  }
0x18f: {  	[tilespmem:$0x4C0] =	vst @!p0 v1  }
0x190: {  	v1 =	vld @!p0 [tilespmem:s30+$0x150];
	_ =	sdelay $0x4  }
0x191: {  	v2 =	vshrl.u32 @!p0 v1, $0x2;
	v1 =	vshll.u32 @!p0 v1, $0x5  }
0x192: {  	[tilespmem:$0x450] =	vst @!p0 v2;
	v1 =	vand.u32 @!p0 $0x60, v1  }
0x193: {  	[tilespmem:$0x4D0] =	vst @!p0 v1  }
0x194: {  	v1 =	vld @!p0 [tilespmem:s30+$0x160];
	_ =	sdelay $0x4  }
0x195: {  	v2 =	vshrl.u32 @!p0 v1, $0x2;
	v1 =	vshll.u32 @!p0 v1, $0x5  }
0x196: {  	[tilespmem:$0x460] =	vst @!p0 v2;
	v1 =	vand.u32 @!p0 $0x60, v1  }
0x197: {  	[tilespmem:$0x4E0] =	vst @!p0 v1  }
0x198: {  	v1 =	vld @!p0 [tilespmem:s30+$0x170];
	_ =	sdelay $0x4  }
0x199: {  	v2 =	vshrl.u32 @!p0 v1, $0x2;
	v1 =	vshll.u32 @!p0 v1, $0x5  }
0x19a: {  	[tilespmem:$0x470] =	vst @!p0 v2;
	v1 =	vand.u32 @!p0 $0x60, v1  }
0x19b: {  	s0 =	simm.s32 @!p0 $0x1;
	[tilespmem:$0x4F0] =	vst @!p0 v1  }
0x19c: {  	_ =	swait.ge @!p0 [sflag:s0], $0x4000  }
0x19d: {  	s11 =	simm.s32 @!p0 $0x600;
	s3 =	simm.s32 @!p0 $0x400;
	[sflag:s0] =	ssyncset.done @!p0 $0x0  }
0x19e: {  	s30 =	simm.s32 $0x580;
	[sflag:s0] =	ssyncadd.s32 @!p0 $0xFFFFC000;
	s0 =	simm.s32 @!p0 $0x80  }
0x19f: {  	[tilespmem:s11], [sflag:$0x1] =	stream.indirect.gather @!p0 [hbm4b:s5+s0], $0x80, s3, s0, $0xb8;
	[tilespmem:$0xA600] =	vst v63  }
0x1a0: {  	v1 =	vld [tilespmem:s30+$0x0];
	_ =	sdelay $0x1  }
0x1a1: {  	s11 =	simm.s32 $0x0  }
0x1a2: {  	v2 =	vmov s11  }
0x1a3: {  	v2 =	vshll.u32 v2, $0x7  }
0x1a4: {  	v2 =	vor.u32 v0, v2;
	v3 =	vand.u32 $0xFFFFFF80, v1  }
0x1a5: {  	v4 =	vand.u32 $0x7F, v1;
	v3 =	vadd.s32 v2, v3  }
0x1a6: {  	v3 =	vor.u32 v4, v3;
	_ =	sdelay $0x2  }
0x1a7: {  	v46 =	vadd.s32 $0x1, v1  }
0x1a8: {  	v5 =	vand.u32 $0xFFFFFF80, v46  }
0x1a9: {  	v5 =	vadd.s32 v2, v5;
	v4 =	vand.u32 $0x7F, v46;
	v3 =	vld.idx.msk [tilespmem:v3+s18+$0x0], $0xffff  }
0x1aa: {  	v4 =	vor.u32 v4, v5;
	_ =	sdelay $0x2  }
0x1ab: {  	s0 =	simm.s32 $0x9E00;
	v47 =	vadd.s32 $0x2, v1  }
0x1ac: {  	v6 =	vand.u32 $0xFFFFFF80, v47;
	[tilespmem:s0+$0xFFFFF800] =	vst v3  }
0x1ad: {  	v5 =	vand.u32 $0x7F, v47;
	v3 =	vadd.s32 v2, v6;
	v4 =	vld.idx.msk [tilespmem:v4+s18+$0x0], $0xffff  }
0x1ae: {  	v3 =	vor.u32 v5, v3;
	_ =	sdelay $0x2  }
0x1af: {  	v48 =	vadd.s32 $0x3, v1  }
0x1b0: {  	v49 =	vand.u32 $0xFFFFFF80, v48;
	[tilespmem:s0+$0xFFFFF880] =	vst v4  }
0x1b1: {  	v50 =	vadd.s32 v2, v49;
	v5 =	vand.u32 $0x7F, v48;
	v3 =	vld.idx.msk [tilespmem:v3+s18+$0x0], $0xffff  }
0x1b2: {  	v4 =	vor.u32 v5, v50;
	_ =	sdelay $0x2  }
0x1b3: {  	v51 =	vadd.s32 $0x4, v1  }
0x1b4: {  	v52 =	vand.u32 $0xFFFFFF80, v51;
	[tilespmem:s0+$0xFFFFF900] =	vst v3  }
0x1b5: {  	v5 =	vand.u32 $0x7F, v51;
	v3 =	vadd.s32 v2, v52;
	v4 =	vld.idx.msk [tilespmem:v4+s18+$0x0], $0xffff  }
0x1b6: {  	v3 =	vor.u32 v5, v3;
	_ =	sdelay $0x2  }
0x1b7: {  	v53 =	vadd.s32 $0x5, v1  }
0x1b8: {  	v54 =	vand.u32 $0xFFFFFF80, v53;
	[tilespmem:s0+$0xFFFFF980] =	vst v4  }
0x1b9: {  	v55 =	vadd.s32 v2, v54;
	v5 =	vand.u32 $0x7F, v53;
	v3 =	vld.idx.msk [tilespmem:v3+s18+$0x0], $0xffff  }
0x1ba: {  	v4 =	vor.u32 v5, v55;
	_ =	sdelay $0x2  }
0x1bb: {  	v56 =	vadd.s32 $0x6, v1  }
0x1bc: {  	v57 =	vand.u32 $0xFFFFFF80, v56;
	[tilespmem:s0+$0xFFFFFA00] =	vst v3  }
0x1bd: {  	v5 =	vand.u32 $0x7F, v56;
	v3 =	vadd.s32 v2, v57;
	v4 =	vld.idx.msk [tilespmem:v4+s18+$0x0], $0xffff  }
0x1be: {  	v3 =	vor.u32 v5, v3;
	_ =	sdelay $0x2  }
0x1bf: {  	v58 =	vadd.s32 $0x7, v1  }
0x1c0: {  	v59 =	vand.u32 $0xFFFFFF80, v58;
	[tilespmem:s0+$0xFFFFFA80] =	vst v4  }
0x1c1: {  	v60 =	vadd.s32 v2, v59;
	v5 =	vand.u32 $0x7F, v58;
	v3 =	vld.idx.msk [tilespmem:v3+s18+$0x0], $0xffff  }
0x1c2: {  	v4 =	vor.u32 v5, v60;
	_ =	sdelay $0x2  }
0x1c3: {  	v61 =	vadd.s32 $0x8, v1  }
0x1c4: {  	v62 =	vand.u32 $0xFFFFFF80, v61;
	[tilespmem:s0+$0xFFFFFB00] =	vst v3  }
0x1c5: {  	v5 =	vand.u32 $0x7F, v61;
	v3 =	vadd.s32 v2, v62;
	v4 =	vld.idx.msk [tilespmem:v4+s18+$0x0], $0xffff  }
0x1c6: {  	v3 =	vor.u32 v5, v3;
	_ =	sdelay $0x2  }
0x1c7: {  	v63 =	vadd.s32 $0x9, v1  }
0x1c8: {  	v9 =	vand.u32 $0xFFFFFF80, v63;
	[tilespmem:s0+$0xFFFFFB80] =	vst v4  }
0x1c9: {  	v10 =	vadd.s32 v2, v9;
	v5 =	vand.u32 $0x7F, v63;
	v3 =	vld.idx.msk [tilespmem:v3+s18+$0x0], $0xffff  }
0x1ca: {  	v4 =	vor.u32 v5, v10;
	_ =	sdelay $0x2  }
0x1cb: {  	v11 =	vadd.s32 $0xA, v1  }
0x1cc: {  	v12 =	vand.u32 $0xFFFFFF80, v11;
	[tilespmem:s0+$0xFFFFFC00] =	vst v3  }
0x1cd: {  	v5 =	vand.u32 $0x7F, v11;
	v3 =	vadd.s32 v2, v12;
	v4 =	vld.idx.msk [tilespmem:v4+s18+$0x0], $0xffff  }
0x1ce: {  	v3 =	vor.u32 v5, v3;
	_ =	sdelay $0x2  }
0x1cf: {  	v13 =	vadd.s32 $0xB, v1  }
0x1d0: {  	v14 =	vand.u32 $0xFFFFFF80, v13;
	[tilespmem:s0+$0xFFFFFC80] =	vst v4  }
0x1d1: {  	v15 =	vadd.s32 v2, v14;
	v5 =	vand.u32 $0x7F, v13;
	v3 =	vld.idx.msk [tilespmem:v3+s18+$0x0], $0xffff  }
0x1d2: {  	v4 =	vor.u32 v5, v15;
	_ =	sdelay $0x2  }
0x1d3: {  	v16 =	vadd.s32 $0xC, v1  }
0x1d4: {  	v17 =	vand.u32 $0xFFFFFF80, v16;
	[tilespmem:s0+$0xFFFFFD00] =	vst v3  }
0x1d5: {  	v5 =	vand.u32 $0x7F, v16;
	v3 =	vadd.s32 v2, v17;
	v4 =	vld.idx.msk [tilespmem:v4+s18+$0x0], $0xffff  }
0x1d6: {  	v3 =	vor.u32 v5, v3;
	_ =	sdelay $0x2  }
0x1d7: {  	v18 =	vadd.s32 $0xD, v1  }
0x1d8: {  	v19 =	vand.u32 $0xFFFFFF80, v18;
	[tilespmem:s0+$0xFFFFFD80] =	vst v4  }
0x1d9: {  	v20 =	vadd.s32 v2, v19;
	v5 =	vand.u32 $0x7F, v18;
	v3 =	vld.idx.msk [tilespmem:v3+s18+$0x0], $0xffff  }
0x1da: {  	v4 =	vor.u32 v5, v20;
	_ =	sdelay $0x2  }
0x1db: {  	v21 =	vadd.s32 $0xE, v1  }
0x1dc: {  	v22 =	vand.u32 $0xFFFFFF80, v21;
	[tilespmem:s0+$0xFFFFFE00] =	vst v3  }
0x1dd: {  	v5 =	vand.u32 $0x7F, v21;
	v3 =	vadd.s32 v2, v22;
	v4 =	vld.idx.msk [tilespmem:v4+s18+$0x0], $0xffff  }
0x1de: {  	v3 =	vor.u32 v5, v3;
	_ =	sdelay $0x2  }
0x1df: {  	v23 =	vadd.s32 $0xF, v1  }
0x1e0: {  	v24 =	vand.u32 $0xFFFFFF80, v23;
	[tilespmem:s0+$0xFFFFFE80] =	vst v4  }
0x1e1: {  	v25 =	vadd.s32 v2, v24;
	v5 =	vand.u32 $0x7F, v23;
	v3 =	vld.idx.msk [tilespmem:v3+s18+$0x0], $0xffff  }
0x1e2: {  	v4 =	vor.u32 v5, v25;
	_ =	sdelay $0x2  }
0x1e3: {  	v26 =	vadd.s32 $0x10, v1  }
0x1e4: {  	v27 =	vand.u32 $0xFFFFFF80, v26;
	[tilespmem:s0+$0xFFFFFF00] =	vst v3  }
0x1e5: {  	v5 =	vand.u32 $0x7F, v26;
	v3 =	vadd.s32 v2, v27;
	v4 =	vld.idx.msk [tilespmem:v4+s18+$0x0], $0xffff  }
0x1e6: {  	v3 =	vor.u32 v5, v3;
	_ =	sdelay $0x2  }
0x1e7: {  	v28 =	vadd.s32 $0x11, v1  }
0x1e8: {  	v29 =	vand.u32 $0xFFFFFF80, v28;
	[tilespmem:s0+$0xFFFFFF80] =	vst v4  }
0x1e9: {  	v30 =	vadd.s32 v2, v29;
	v5 =	vand.u32 $0x7F, v28;
	v3 =	vld.idx.msk [tilespmem:v3+s18+$0x0], $0xffff  }
0x1ea: {  	v4 =	vor.u32 v5, v30;
	_ =	sdelay $0x2  }
0x1eb: {  	v31 =	vadd.s32 $0x12, v1  }
0x1ec: {  	v32 =	vand.u32 $0xFFFFFF80, v31;
	[tilespmem:s0+$0x0] =	vst v3  }
0x1ed: {  	v5 =	vand.u32 $0x7F, v31;
	v3 =	vadd.s32 v2, v32;
	v4 =	vld.idx.msk [tilespmem:v4+s18+$0x0], $0xffff  }
0x1ee: {  	v3 =	vor.u32 v5, v3;
	_ =	sdelay $0x2  }
0x1ef: {  	v33 =	vadd.s32 $0x13, v1  }
0x1f0: {  	v34 =	vand.u32 $0xFFFFFF80, v33;
	[tilespmem:s0+$0x80] =	vst v4  }
0x1f1: {  	v35 =	vadd.s32 v2, v34;
	v5 =	vand.u32 $0x7F, v33;
	v3 =	vld.idx.msk [tilespmem:v3+s18+$0x0], $0xffff  }
0x1f2: {  	v4 =	vor.u32 v5, v35;
	_ =	sdelay $0x2  }
0x1f3: {  	v36 =	vadd.s32 $0x14, v1  }
0x1f4: {  	v37 =	vand.u32 $0xFFFFFF80, v36;
	[tilespmem:s0+$0x100] =	vst v3  }
0x1f5: {  	v5 =	vand.u32 $0x7F, v36;
	v3 =	vadd.s32 v2, v37;
	v4 =	vld.idx.msk [tilespmem:v4+s18+$0x0], $0xffff  }
0x1f6: {  	v3 =	vor.u32 v5, v3;
	_ =	sdelay $0x2  }
0x1f7: {  	v38 =	vadd.s32 $0x15, v1  }
0x1f8: {  	v39 =	vand.u32 $0xFFFFFF80, v38;
	[tilespmem:s0+$0x180] =	vst v4  }
0x1f9: {  	v40 =	vadd.s32 v2, v39;
	v5 =	vand.u32 $0x7F, v38;
	v3 =	vld.idx.msk [tilespmem:v3+s18+$0x0], $0xffff  }
0x1fa: {  	v4 =	vor.u32 v5, v40;
	_ =	sdelay $0x2  }
0x1fb: {  	v41 =	vadd.s32 $0x16, v1  }
0x1fc: {  	v42 =	vand.u32 $0xFFFFFF80, v41;
	[tilespmem:s0+$0x200] =	vst v3  }
0x1fd: {  	v5 =	vand.u32 $0x7F, v41;
	v3 =	vadd.s32 v2, v42;
	v4 =	vld.idx.msk [tilespmem:v4+s18+$0x0], $0xffff  }
0x1fe: {  	v3 =	vor.u32 v5, v3;
	_ =	sdelay $0x2  }
0x1ff: {  	v43 =	vadd.s32 $0x17, v1  }
0x200: {  	v44 =	vand.u32 $0xFFFFFF80, v43;
	[tilespmem:s0+$0x280] =	vst v4  }
0x201: {  	v45 =	vadd.s32 v2, v44;
	v5 =	vand.u32 $0x7F, v43;
	v3 =	vld.idx.msk [tilespmem:v3+s18+$0x0], $0xffff  }
0x202: {  	v4 =	vor.u32 v5, v45;
	_ =	sdelay $0x2  }
0x203: {  	v46 =	vadd.s32 $0x18, v1  }
0x204: {  	v47 =	vand.u32 $0xFFFFFF80, v46;
	[tilespmem:s0+$0x300] =	vst v3  }
0x205: {  	v5 =	vand.u32 $0x7F, v46;
	v3 =	vadd.s32 v2, v47;
	v4 =	vld.idx.msk [tilespmem:v4+s18+$0x0], $0xffff  }
0x206: {  	v3 =	vor.u32 v5, v3;
	_ =	sdelay $0x2  }
0x207: {  	v48 =	vadd.s32 $0x19, v1  }
0x208: {  	v49 =	vand.u32 $0xFFFFFF80, v48;
	[tilespmem:s0+$0x380] =	vst v4  }
0x209: {  	v50 =	vadd.s32 v2, v49;
	v5 =	vand.u32 $0x7F, v48;
	v3 =	vld.idx.msk [tilespmem:v3+s18+$0x0], $0xffff  }
0x20a: {  	v4 =	vor.u32 v5, v50;
	_ =	sdelay $0x2  }
0x20b: {  	v51 =	vadd.s32 $0x1A, v1  }
0x20c: {  	v52 =	vand.u32 $0xFFFFFF80, v51;
	[tilespmem:s0+$0x400] =	vst v3  }
0x20d: {  	v5 =	vand.u32 $0x7F, v51;
	v3 =	vadd.s32 v2, v52;
	v4 =	vld.idx.msk [tilespmem:v4+s18+$0x0], $0xffff  }
0x20e: {  	v3 =	vor.u32 v5, v3;
	_ =	sdelay $0x2  }
0x20f: {  	v53 =	vadd.s32 $0x1B, v1  }
0x210: {  	v54 =	vand.u32 $0xFFFFFF80, v53;
	[tilespmem:s0+$0x480] =	vst v4  }
0x211: {  	v55 =	vadd.s32 v2, v54;
	v5 =	vand.u32 $0x7F, v53;
	v3 =	vld.idx.msk [tilespmem:v3+s18+$0x0], $0xffff  }
0x212: {  	v4 =	vor.u32 v5, v55;
	_ =	sdelay $0x2  }
0x213: {  	v56 =	vadd.s32 $0x1C, v1  }
0x214: {  	v57 =	vand.u32 $0xFFFFFF80, v56;
	[tilespmem:s0+$0x500] =	vst v3  }
0x215: {  	v5 =	vand.u32 $0x7F, v56;
	v3 =	vadd.s32 v2, v57;
	v4 =	vld.idx.msk [tilespmem:v4+s18+$0x0], $0xffff  }
0x216: {  	v3 =	vor.u32 v5, v3;
	_ =	sdelay $0x2  }
0x217: {  	v58 =	vadd.s32 $0x1D, v1  }
0x218: {  	v59 =	vand.u32 $0xFFFFFF80, v58;
	[tilespmem:s0+$0x580] =	vst v4  }
0x219: {  	v60 =	vadd.s32 v2, v59;
	v5 =	vand.u32 $0x7F, v58;
	v3 =	vld.idx.msk [tilespmem:v3+s18+$0x0], $0xffff  }
0x21a: {  	v4 =	vor.u32 v5, v60;
	_ =	sdelay $0x2  }
0x21b: {  	v61 =	vadd.s32 $0x1E, v1  }
0x21c: {  	v62 =	vand.u32 $0xFFFFFF80, v61;
	[tilespmem:s0+$0x600] =	vst v3  }
0x21d: {  	v5 =	vand.u32 $0x7F, v61;
	v3 =	vadd.s32 v2, v62;
	v4 =	vld.idx.msk [tilespmem:v4+s18+$0x0], $0xffff  }
0x21e: {  	v3 =	vor.u32 v5, v3;
	_ =	sdelay $0x2  }
0x21f: {  	v1 =	vadd.s32 $0x1F, v1  }
0x220: {  	v63 =	vand.u32 $0xFFFFFF80, v1;
	[tilespmem:s0+$0x680] =	vst v4  }
0x221: {  	v1 =	vand.u32 $0x7F, v1;
	v2 =	vadd.s32 v2, v63;
	v3 =	vld.idx.msk [tilespmem:v3+s18+$0x0], $0xffff  }
0x222: {  	v1 =	vor.u32 v1, v2;
	_ =	sdelay $0x3  }
0x223: {  	[tilespmem:s0+$0x700] =	vst v3  }
0x224: {  	s3 =	simm.s32 $0x10;
	v1 =	vld.idx.msk [tilespmem:v1+s18+$0x0], $0xffff  }
.LBB2_6:
0x225: {  	_ =	sdelay $0x3  }
0x226: {  	p0 =	sne.s32 s3, $0x70;
	s30 =	sadd.s32 $0x10, s30;
	[tilespmem:s0+$0x780] =	vst v1;
	s0 =	sadd.s32 $0x10, s0  }
0x227: {  	s11 =	smov.u32 s3;
	s3 =	sadd.s32 $0x10, s3;
	v1 =	vld [tilespmem:s30+$0x0];
	_ =	sdelay $0x2  }
0x228: {  	v2 =	vmov s11  }
0x229: {  	v2 =	vshll.u32 v2, $0x7  }
0x22a: {  	v2 =	vor.u32 v0, v2;
	v3 =	vand.u32 $0xFFFFFF80, v1;
	v4 =	vadd.s32 $0x1, v1  }
0x22b: {  	v5 =	vand.u32 $0x7F, v1;
	v3 =	vadd.s32 v2, v3;
	v6 =	vand.u32 $0xFFFFFF80, v4  }
0x22c: {  	v3 =	vor.u32 v5, v3;
	v5 =	vadd.s32 v2, v6;
	v6 =	vadd.s32 $0x2, v1  }
0x22d: {  	v8 =	vadd.s32 $0x3, v1;
	v10 =	vadd.s32 $0x4, v1;
	v7 =	vand.u32 $0xFFFFFF80, v6  }
0x22e: {  	v9 =	vand.u32 $0xFFFFFF80, v8;
	v11 =	vand.u32 $0xFFFFFF80, v10;
	v7 =	vadd.s32 v2, v7  }
0x22f: {  	v53 =	vadd.s32 $0x5, v1;
	v9 =	vadd.s32 v2, v9;
	v11 =	vadd.s32 v2, v11  }
0x230: {  	v51 =	vadd.s32 $0x6, v1;
	v47 =	vadd.s32 $0x7, v1;
	v12 =	vand.u32 $0xFFFFFF80, v53  }
0x231: {  	v13 =	vand.u32 $0xFFFFFF80, v47;
	v54 =	vadd.s32 v2, v12;
	v12 =	vand.u32 $0xFFFFFF80, v51;
	v3 =	vld.idx.msk [tilespmem:v3+s18+$0x0], $0xffff  }
0x232: {  	v4 =	vand.u32 $0x7F, v4;
	v50 =	vadd.s32 v2, v13;
	v52 =	vadd.s32 v2, v12  }
0x233: {  	v48 =	vadd.s32 $0x8, v1;
	v45 =	vadd.s32 $0x9, v1;
	v4 =	vor.u32 v4, v5  }
0x234: {  	v42 =	vadd.s32 $0xA, v1;
	v5 =	vand.u32 $0xFFFFFF80, v48;
	v12 =	vand.u32 $0xFFFFFF80, v45  }
0x235: {  	v49 =	vadd.s32 v2, v5;
	v46 =	vadd.s32 v2, v12;
	v5 =	vand.u32 $0xFFFFFF80, v42  }
0x236: {  	v41 =	vadd.s32 $0xB, v1;
	v38 =	vadd.s32 $0xC, v1;
	v44 =	vadd.s32 v2, v5  }
0x237: {  	v36 =	vadd.s32 $0xD, v1;
	v5 =	vand.u32 $0xFFFFFF80, v38;
	[tilespmem:s0+$0xFFFFF800] =	vst v3;
	v3 =	vand.u32 $0xFFFFFF80, v41  }
0x238: {  	v40 =	vadd.s32 v2, v5;
	v4 =	vld.idx.msk [tilespmem:v4+s18+$0x0], $0xffff;
	v43 =	vadd.s32 v2, v3;
	v3 =	vand.u32 $0xFFFFFF80, v36  }
0x239: {  	v35 =	vadd.s32 $0xE, v1;
	v5 =	vand.u32 $0x7F, v6;
	v39 =	vadd.s32 v2, v3  }
0x23a: {  	v33 =	vadd.s32 $0xF, v1;
	v3 =	vor.u32 v5, v7;
	v5 =	vand.u32 $0xFFFFFF80, v35  }
0x23b: {  	v31 =	vadd.s32 $0x10, v1;
	v37 =	vadd.s32 v2, v5;
	v5 =	vand.u32 $0xFFFFFF80, v33  }
0x23c: {  	v29 =	vadd.s32 $0x11, v1;
	v34 =	vadd.s32 v2, v5;
	v5 =	vand.u32 $0xFFFFFF80, v31  }
0x23d: {  	v26 =	vadd.s32 $0x12, v1;
	v32 =	vadd.s32 v2, v5;
	v5 =	vand.u32 $0xFFFFFF80, v29  }
0x23e: {  	v25 =	vadd.s32 $0x13, v1;
	v30 =	vadd.s32 v2, v5;
	[tilespmem:s0+$0xFFFFF880] =	vst v4;
	v4 =	vand.u32 $0xFFFFFF80, v26  }
0x23f: {  	v22 =	vadd.s32 $0x14, v1;
	v3 =	vld.idx.msk [tilespmem:v3+s18+$0x0], $0xffff;
	v28 =	vadd.s32 v2, v4;
	v4 =	vand.u32 $0xFFFFFF80, v25  }
0x240: {  	v5 =	vand.u32 $0x7F, v8;
	v27 =	vadd.s32 v2, v4;
	v4 =	vand.u32 $0xFFFFFF80, v22  }
0x241: {  	v21 =	vadd.s32 $0x15, v1;
	v5 =	vor.u32 v5, v9;
	v24 =	vadd.s32 v2, v4  }
0x242: {  	v19 =	vadd.s32 $0x16, v1;
	v16 =	vadd.s32 $0x17, v1;
	v4 =	vand.u32 $0xFFFFFF80, v21  }
0x243: {  	v6 =	vand.u32 $0xFFFFFF80, v16;
	v23 =	vadd.s32 v2, v4;
	v4 =	vand.u32 $0xFFFFFF80, v19  }
0x244: {  	v14 =	vadd.s32 $0x18, v1;
	v18 =	vadd.s32 v2, v6;
	v20 =	vadd.s32 v2, v4  }
0x245: {  	v13 =	vadd.s32 $0x19, v1;
	v9 =	vadd.s32 $0x1A, v1;
	[tilespmem:s0+$0xFFFFF900] =	vst v3;
	v3 =	vand.u32 $0xFFFFFF80, v14  }
0x246: {  	v4 =	vand.u32 $0xFFFFFF80, v9;
	v5 =	vld.idx.msk [tilespmem:v5+s18+$0x0], $0xffff;
	v17 =	vadd.s32 v2, v3;
	v3 =	vand.u32 $0xFFFFFF80, v13  }
0x247: {  	v6 =	vand.u32 $0x7F, v10;
	v12 =	vadd.s32 v2, v4;
	v15 =	vadd.s32 v2, v3  }
0x248: {  	v10 =	vadd.s32 $0x1B, v1;
	v55 =	vor.u32 v6, v11;
	v7 =	vadd.s32 $0x1C, v1  }
0x249: {  	v6 =	vand.u32 $0xFFFFFF80, v7;
	v4 =	vadd.s32 $0x1D, v1;
	v3 =	vand.u32 $0xFFFFFF80, v10  }
0x24a: {  	v8 =	vadd.s32 v2, v6;
	v11 =	vadd.s32 v2, v3;
	v3 =	vand.u32 $0xFFFFFF80, v4  }
0x24b: {  	v6 =	vadd.s32 v2, v3;
	v3 =	vadd.s32 $0x1E, v1;
	v1 =	vadd.s32 $0x1F, v1  }
0x24c: {  	v56 =	vand.u32 $0xFFFFFF80, v1;
	[tilespmem:s0+$0xFFFFF980] =	vst v5;
	v5 =	vand.u32 $0xFFFFFF80, v3  }
0x24d: {  	v55 =	vld.idx.msk [tilespmem:v55+s18+$0x0], $0xffff;
	v5 =	vadd.s32 v2, v5;
	v2 =	vadd.s32 v2, v56  }
0x24e: {  	v53 =	vand.u32 $0x7F, v53  }
0x24f: {  	v53 =	vor.u32 v53, v54;
	_ =	sdelay $0x3  }
0x250: {  	[tilespmem:s0+$0xFFFFFA00] =	vst v55  }
0x251: {  	v53 =	vld.idx.msk [tilespmem:v53+s18+$0x0], $0xffff  }
0x252: {  	v51 =	vand.u32 $0x7F, v51  }
0x253: {  	v51 =	vor.u32 v51, v52;
	_ =	sdelay $0x3  }
0x254: {  	[tilespmem:s0+$0xFFFFFA80] =	vst v53  }
0x255: {  	v51 =	vld.idx.msk [tilespmem:v51+s18+$0x0], $0xffff  }
0x256: {  	v47 =	vand.u32 $0x7F, v47  }
0x257: {  	v47 =	vor.u32 v47, v50;
	_ =	sdelay $0x3  }
0x258: {  	[tilespmem:s0+$0xFFFFFB00] =	vst v51  }
0x259: {  	v47 =	vld.idx.msk [tilespmem:v47+s18+$0x0], $0xffff  }
0x25a: {  	v48 =	vand.u32 $0x7F, v48  }
0x25b: {  	v48 =	vor.u32 v48, v49;
	_ =	sdelay $0x3  }
0x25c: {  	[tilespmem:s0+$0xFFFFFB80] =	vst v47  }
0x25d: {  	v47 =	vld.idx.msk [tilespmem:v48+s18+$0x0], $0xffff  }
0x25e: {  	v45 =	vand.u32 $0x7F, v45  }
0x25f: {  	v45 =	vor.u32 v45, v46;
	_ =	sdelay $0x3  }
0x260: {  	[tilespmem:s0+$0xFFFFFC00] =	vst v47  }
0x261: {  	v45 =	vld.idx.msk [tilespmem:v45+s18+$0x0], $0xffff  }
0x262: {  	v42 =	vand.u32 $0x7F, v42  }
0x263: {  	v42 =	vor.u32 v42, v44;
	_ =	sdelay $0x3  }
0x264: {  	[tilespmem:s0+$0xFFFFFC80] =	vst v45  }
0x265: {  	v42 =	vld.idx.msk [tilespmem:v42+s18+$0x0], $0xffff  }
0x266: {  	v41 =	vand.u32 $0x7F, v41  }
0x267: {  	v41 =	vor.u32 v41, v43;
	_ =	sdelay $0x3  }
0x268: {  	[tilespmem:s0+$0xFFFFFD00] =	vst v42  }
0x269: {  	v41 =	vld.idx.msk [tilespmem:v41+s18+$0x0], $0xffff  }
0x26a: {  	v38 =	vand.u32 $0x7F, v38  }
0x26b: {  	v38 =	vor.u32 v38, v40;
	_ =	sdelay $0x3  }
0x26c: {  	[tilespmem:s0+$0xFFFFFD80] =	vst v41  }
0x26d: {  	v38 =	vld.idx.msk [tilespmem:v38+s18+$0x0], $0xffff  }
0x26e: {  	v36 =	vand.u32 $0x7F, v36  }
0x26f: {  	v36 =	vor.u32 v36, v39;
	_ =	sdelay $0x3  }
0x270: {  	[tilespmem:s0+$0xFFFFFE00] =	vst v38  }
0x271: {  	v36 =	vld.idx.msk [tilespmem:v36+s18+$0x0], $0xffff  }
0x272: {  	v35 =	vand.u32 $0x7F, v35  }
0x273: {  	v35 =	vor.u32 v35, v37;
	_ =	sdelay $0x3  }
0x274: {  	[tilespmem:s0+$0xFFFFFE80] =	vst v36  }
0x275: {  	v35 =	vld.idx.msk [tilespmem:v35+s18+$0x0], $0xffff  }
0x276: {  	v33 =	vand.u32 $0x7F, v33  }
0x277: {  	v33 =	vor.u32 v33, v34;
	_ =	sdelay $0x3  }
0x278: {  	[tilespmem:s0+$0xFFFFFF00] =	vst v35  }
0x279: {  	v33 =	vld.idx.msk [tilespmem:v33+s18+$0x0], $0xffff  }
0x27a: {  	v31 =	vand.u32 $0x7F, v31  }
0x27b: {  	v31 =	vor.u32 v31, v32;
	_ =	sdelay $0x3  }
0x27c: {  	[tilespmem:s0+$0xFFFFFF80] =	vst v33  }
0x27d: {  	v31 =	vld.idx.msk [tilespmem:v31+s18+$0x0], $0xffff  }
0x27e: {  	v29 =	vand.u32 $0x7F, v29  }
0x27f: {  	v29 =	vor.u32 v29, v30;
	_ =	sdelay $0x3  }
0x280: {  	[tilespmem:s0+$0x0] =	vst v31  }
0x281: {  	v29 =	vld.idx.msk [tilespmem:v29+s18+$0x0], $0xffff  }
0x282: {  	v26 =	vand.u32 $0x7F, v26  }
0x283: {  	v26 =	vor.u32 v26, v28;
	_ =	sdelay $0x3  }
0x284: {  	[tilespmem:s0+$0x80] =	vst v29  }
0x285: {  	v26 =	vld.idx.msk [tilespmem:v26+s18+$0x0], $0xffff  }
0x286: {  	v25 =	vand.u32 $0x7F, v25  }
0x287: {  	v25 =	vor.u32 v25, v27;
	_ =	sdelay $0x3  }
0x288: {  	[tilespmem:s0+$0x100] =	vst v26  }
0x289: {  	v25 =	vld.idx.msk [tilespmem:v25+s18+$0x0], $0xffff  }
0x28a: {  	v22 =	vand.u32 $0x7F, v22  }
0x28b: {  	v22 =	vor.u32 v22, v24;
	_ =	sdelay $0x3  }
0x28c: {  	[tilespmem:s0+$0x180] =	vst v25  }
0x28d: {  	v22 =	vld.idx.msk [tilespmem:v22+s18+$0x0], $0xffff  }
0x28e: {  	v21 =	vand.u32 $0x7F, v21  }
0x28f: {  	v21 =	vor.u32 v21, v23;
	_ =	sdelay $0x3  }
0x290: {  	[tilespmem:s0+$0x200] =	vst v22  }
0x291: {  	v21 =	vld.idx.msk [tilespmem:v21+s18+$0x0], $0xffff  }
0x292: {  	v19 =	vand.u32 $0x7F, v19  }
0x293: {  	v19 =	vor.u32 v19, v20;
	_ =	sdelay $0x3  }
0x294: {  	[tilespmem:s0+$0x280] =	vst v21  }
0x295: {  	v19 =	vld.idx.msk [tilespmem:v19+s18+$0x0], $0xffff  }
0x296: {  	v16 =	vand.u32 $0x7F, v16  }
0x297: {  	v16 =	vor.u32 v16, v18;
	_ =	sdelay $0x3  }
0x298: {  	[tilespmem:s0+$0x300] =	vst v19  }
0x299: {  	v16 =	vld.idx.msk [tilespmem:v16+s18+$0x0], $0xffff  }
0x29a: {  	v14 =	vand.u32 $0x7F, v14  }
0x29b: {  	v14 =	vor.u32 v14, v17;
	_ =	sdelay $0x3  }
0x29c: {  	[tilespmem:s0+$0x380] =	vst v16  }
0x29d: {  	v14 =	vld.idx.msk [tilespmem:v14+s18+$0x0], $0xffff  }
0x29e: {  	v13 =	vand.u32 $0x7F, v13  }
0x29f: {  	v13 =	vor.u32 v13, v15;
	_ =	sdelay $0x3  }
0x2a0: {  	[tilespmem:s0+$0x400] =	vst v14  }
0x2a1: {  	v13 =	vld.idx.msk [tilespmem:v13+s18+$0x0], $0xffff  }
0x2a2: {  	v9 =	vand.u32 $0x7F, v9  }
0x2a3: {  	v9 =	vor.u32 v9, v12;
	_ =	sdelay $0x3  }
0x2a4: {  	[tilespmem:s0+$0x480] =	vst v13  }
0x2a5: {  	v9 =	vld.idx.msk [tilespmem:v9+s18+$0x0], $0xffff  }
0x2a6: {  	v10 =	vand.u32 $0x7F, v10  }
0x2a7: {  	v10 =	vor.u32 v10, v11;
	_ =	sdelay $0x3  }
0x2a8: {  	[tilespmem:s0+$0x500] =	vst v9  }
0x2a9: {  	v9 =	vld.idx.msk [tilespmem:v10+s18+$0x0], $0xffff  }
0x2aa: {  	v7 =	vand.u32 $0x7F, v7  }
0x2ab: {  	v7 =	vor.u32 v7, v8;
	_ =	sdelay $0x3  }
0x2ac: {  	[tilespmem:s0+$0x580] =	vst v9  }
0x2ad: {  	v7 =	vld.idx.msk [tilespmem:v7+s18+$0x0], $0xffff  }
0x2ae: {  	v4 =	vand.u32 $0x7F, v4  }
0x2af: {  	v4 =	vor.u32 v4, v6;
	_ =	sdelay $0x3  }
0x2b0: {  	[tilespmem:s0+$0x600] =	vst v7  }
0x2b1: {  	v4 =	vld.idx.msk [tilespmem:v4+s18+$0x0], $0xffff  }
0x2b2: {  	v3 =	vand.u32 $0x7F, v3  }
0x2b3: {  	v3 =	vor.u32 v3, v5;
	_ =	sdelay $0x3  }
0x2b4: {  	[tilespmem:s0+$0x680] =	vst v4  }
0x2b5: {  	v3 =	vld.idx.msk [tilespmem:v3+s18+$0x0], $0xffff  }
0x2b6: {  	v1 =	vand.u32 $0x7F, v1  }
0x2b7: {  	v1 =	vor.u32 v1, v2  }
.Ltmp1:
0x2b8: {  	(pc) =	sbr.rel @p0 .LBB2_6-.Ltmp1, $3  }
0x2b9: {  	_ =	sdelay $0x1  }
0x2ba: {  	[tilespmem:s0+$0x700] =	vst v3  }
0x2bb: {  	v1 =	vld.idx.msk [tilespmem:v1+s18+$0x0], $0xffff  }
0x2bc: {  	s29 =	sadd.s32 $0x1, s29  }
0x2bd: {  	p0 =	sne.s32 s29, $0x4  }
.Ltmp2:
0x2be: {  	_ = 	snop;
	(pc) =	sbr.rel @p0 .LBB2_3-.Ltmp2, $4  }
0x2bf: {  	s3 =	sadd.s32 s31, s28  }
0x2c0: {  	s3 =	sshrl.u32 s3, $0x3  }
0x2c1: {  	s31 =	sadd.s32 s2, s3;
	[tilespmem:s0+$0x780] =	vst v1  }
0x2c2: {  	[hbm4b:s31+s14] =	stream.strided.scatter [tilespmem:s21], [sflag:$0x2], $0x1000, s19, s14, $0x38;
	[tilespmem:$0xA600] =	vst v63  }
0x2c3: {  	s23 =	sadd.s32 $0x1, s23  }
0x2c4: {  	_ =	swait.ge [sflag:s22], $0x1000;
	p0 =	sne.s32 s23, $0x18  }
.Ltmp3:
0x2c5: {  	[sflag:s22] =	ssyncset.done $0x0;
	(pc) =	sbr.rel @p0 .LBB2_2-.Ltmp3, $4  }
0x2c6: {  	[sflag:s22] =	ssyncadd.s32 $0xFFFFF000  }
0x2c7: {  	_ =	swait.ge [sflag:s22], $0x1000  }
0x2c8: {  	[sflag:s22] =	ssyncset.done $0x0  }
0x2c9: {  	s24 =	simm.s32 $0x0;
	[sflag:s22] =	ssyncadd.s32 $0xFFFFF000  }
0x2ca: {  	s23 =	simm.s32 $0x0  }
.LBB2_10:
0x2cb: {  	s0 =	sshll.u32 s23, $0xC  }
0x2cc: {  	s25 =	sor.u32 s7, s0  }
0x2cd: {  	s0 =	sadd.s32 s25, s8  }
0x2ce: {  	[tilespmem:s24], [sflag:$0x3] =	stream.strided.gather [hbm4b:s0+s14], $0x0, s19, s14, $0x38;
	[tilespmem:$0xA600] =	vst v63  }
0x2cf: {  	_ = 	snop  }
0x2d0: {  	[tilespmem:s24], [sflag:$0x3] =	stream.linear.gather [hbm4b:s0+s24], $0x100, $0x38;
	[tilespmem:$0xA600] =	vst v63  }
0x2d1: {  	_ =	swait.ge [sflag:s12], $0x100  }
0x2d2: {  	[sflag:s12] =	ssyncset.done $0x0  }
0x2d3: {  	[sflag:s12] =	ssyncadd.s32 $0xFFFFFF00  }
0x2d4: {  	v1 =	vld [tilespmem:$0x0];
	_ =	sdelay $0x1  }
0x2d5: {  	v2 =	vld [tilespmem:$0x10];
	_ =	sdelay $0x1  }
0x2d6: {  	v3 =	vld [tilespmem:$0x20]  }
0x2d7: {  	v4 =	vshrl.u32 v1, $0x2;
	v1 =	vshll.u32 v1, $0x5  }
0x2d8: {  	v40 =	vld [tilespmem:$0x30];
	[tilespmem:$0x400] =	vst v4;
	v1 =	vand.u32 $0x60, v1  }
0x2d9: {  	[tilespmem:$0x480] =	vst v1;
	v1 =	vshrl.u32 v2, $0x2;
	v2 =	vshll.u32 v2, $0x5  }
0x2da: {  	[tilespmem:$0x410] =	vst v1;
	v1 =	vand.u32 $0x60, v2;
	v2 =	vld [tilespmem:$0x40]  }
0x2db: {  	[tilespmem:$0x490] =	vst v1;
	v1 =	vshrl.u32 v3, $0x2;
	v3 =	vshll.u32 v3, $0x5  }
0x2dc: {  	[tilespmem:$0x420] =	vst v1;
	v1 =	vand.u32 $0x60, v3;
	v3 =	vld [tilespmem:$0x50]  }
0x2dd: {  	v4 =	vshll.u32 v40, $0x5;
	[tilespmem:$0x4A0] =	vst v1;
	v1 =	vshrl.u32 v40, $0x2  }
0x2de: {  	v41 =	vld [tilespmem:$0x60];
	[tilespmem:$0x430] =	vst v1;
	v1 =	vand.u32 $0x60, v4  }
0x2df: {  	[tilespmem:$0x4B0] =	vst v1;
	v1 =	vshrl.u32 v2, $0x2;
	v2 =	vshll.u32 v2, $0x5  }
0x2e0: {  	[tilespmem:$0x440] =	vst v1;
	v1 =	vand.u32 $0x60, v2;
	v2 =	vld [tilespmem:$0x70]  }
0x2e1: {  	[tilespmem:$0x4C0] =	vst v1;
	v1 =	vshrl.u32 v3, $0x2;
	v3 =	vshll.u32 v3, $0x5  }
0x2e2: {  	[tilespmem:$0x450] =	vst v1;
	v1 =	vand.u32 $0x60, v3  }
0x2e3: {  	v3 =	vshll.u32 v41, $0x5;
	[tilespmem:$0x4D0] =	vst v1;
	v1 =	vshrl.u32 v41, $0x2  }
0x2e4: {  	[tilespmem:$0x460] =	vst v1;
	v1 =	vand.u32 $0x60, v3  }
0x2e5: {  	[tilespmem:$0x4E0] =	vst v1;
	v1 =	vshrl.u32 v2, $0x2;
	v2 =	vshll.u32 v2, $0x5  }
0x2e6: {  	[tilespmem:$0x470] =	vst v1;
	v1 =	vand.u32 $0x60, v2  }
0x2e7: {  	[tilespmem:$0x4F0] =	vst v1  }
0x2e8: {  	[tilespmem:s15], [sflag:$0x1] =	stream.indirect.gather [hbm4b:s5+s13], $0x80, s14, s13, $0xb8;
	[tilespmem:$0xA600] =	vst v63  }
0x2e9: {  	v1 =	vld [tilespmem:$0x80];
	_ =	sdelay $0x1  }
0x2ea: {  	v2 =	vld [tilespmem:$0x90];
	_ =	sdelay $0x1  }
0x2eb: {  	v3 =	vld [tilespmem:$0xA0]  }
0x2ec: {  	v42 =	vshrl.u32 v1, $0x2;
	v1 =	vshll.u32 v1, $0x5  }
0x2ed: {  	v43 =	vld [tilespmem:$0xB0];
	[tilespmem:$0x500] =	vst v42;
	v1 =	vand.u32 $0x60, v1  }
0x2ee: {  	[tilespmem:$0x580] =	vst v1;
	v1 =	vshrl.u32 v2, $0x2;
	v2 =	vshll.u32 v2, $0x5  }
0x2ef: {  	[tilespmem:$0x510] =	vst v1;
	v1 =	vand.u32 $0x60, v2;
	v2 =	vld [tilespmem:$0xC0]  }
0x2f0: {  	[tilespmem:$0x590] =	vst v1;
	v1 =	vshrl.u32 v3, $0x2;
	v3 =	vshll.u32 v3, $0x5  }
0x2f1: {  	[tilespmem:$0x520] =	vst v1;
	v1 =	vand.u32 $0x60, v3;
	v3 =	vld [tilespmem:$0xD0]  }
0x2f2: {  	v4 =	vshll.u32 v43, $0x5;
	[tilespmem:$0x5A0] =	vst v1;
	v1 =	vshrl.u32 v43, $0x2  }
0x2f3: {  	v44 =	vld [tilespmem:$0xE0];
	[tilespmem:$0x530] =	vst v1;
	v1 =	vand.u32 $0x60, v4  }
0x2f4: {  	[tilespmem:$0x5B0] =	vst v1;
	v1 =	vshrl.u32 v2, $0x2;
	v2 =	vshll.u32 v2, $0x5  }
0x2f5: {  	[tilespmem:$0x540] =	vst v1;
	v1 =	vand.u32 $0x60, v2;
	v2 =	vld [tilespmem:$0xF0]  }
0x2f6: {  	[tilespmem:$0x5C0] =	vst v1;
	v1 =	vshrl.u32 v3, $0x2;
	v3 =	vshll.u32 v3, $0x5  }
0x2f7: {  	[tilespmem:$0x550] =	vst v1;
	v1 =	vand.u32 $0x60, v3  }
0x2f8: {  	v3 =	vshll.u32 v44, $0x5;
	[tilespmem:$0x5D0] =	vst v1;
	v1 =	vshrl.u32 v44, $0x2  }
0x2f9: {  	[tilespmem:$0x560] =	vst v1;
	v1 =	vand.u32 $0x60, v3  }
0x2fa: {  	[tilespmem:$0x5E0] =	vst v1;
	v1 =	vshrl.u32 v2, $0x2;
	v2 =	vshll.u32 v2, $0x5  }
0x2fb: {  	[tilespmem:$0x570] =	vst v1;
	v1 =	vand.u32 $0x60, v2  }
0x2fc: {  	[tilespmem:$0x5F0] =	vst v1  }
0x2fd: {  	_ =	swait.ge [sflag:s16], $0x4000  }
0x2fe: {  	[sflag:s16] =	ssyncset.done $0x0  }
0x2ff: {  	s26 =	simm.s32 $0x480;
	[sflag:s16] =	ssyncadd.s32 $0xFFFFC000  }
0x300: {  	[tilespmem:s18], [sflag:$0x1] =	stream.indirect.gather [hbm4b:s5+s13], $0x80, s17, s13, $0xb8;
	[tilespmem:$0xA600] =	vst v63  }
0x301: {  	v1 =	vld [tilespmem:s26+$0x0];
	_ =	sdelay $0x2  }
0x302: {  	v2 =	vmov s24  }
0x303: {  	v2 =	vshll.u32 v2, $0x7  }
0x304: {  	v2 =	vor.u32 v0, v2;
	v3 =	vand.u32 $0xFFFFFF80, v1  }
0x305: {  	v45 =	vand.u32 $0x7F, v1;
	v3 =	vadd.s32 v2, v3  }
0x306: {  	v3 =	vor.u32 v45, v3;
	_ =	sdelay $0x2  }
0x307: {  	v46 =	vadd.s32 $0x1, v1  }
0x308: {  	v5 =	vand.u32 $0xFFFFFF80, v46  }
0x309: {  	v4 =	vand.u32 $0x7F, v46;
	v5 =	vadd.s32 v2, v5;
	v3 =	vld.idx.msk [tilespmem:v3+s15+$0x0], $0xffff  }
0x30a: {  	v4 =	vor.u32 v4, v5;
	_ =	sdelay $0x2  }
0x30b: {  	s0 =	simm.s32 $0x8E00;
	v47 =	vadd.s32 $0x2, v1  }
0x30c: {  	v6 =	vand.u32 $0xFFFFFF80, v47;
	[tilespmem:s0+$0xFFFFF800] =	vst v3  }
0x30d: {  	v5 =	vand.u32 $0x7F, v47;
	v3 =	vadd.s32 v2, v6;
	v4 =	vld.idx.msk [tilespmem:v4+s15+$0x0], $0xffff  }
0x30e: {  	v3 =	vor.u32 v5, v3;
	_ =	sdelay $0x2  }
0x30f: {  	v48 =	vadd.s32 $0x3, v1  }
0x310: {  	v49 =	vand.u32 $0xFFFFFF80, v48;
	[tilespmem:s0+$0xFFFFF880] =	vst v4  }
0x311: {  	v50 =	vadd.s32 v2, v49;
	v5 =	vand.u32 $0x7F, v48;
	v3 =	vld.idx.msk [tilespmem:v3+s15+$0x0], $0xffff  }
0x312: {  	v4 =	vor.u32 v5, v50;
	_ =	sdelay $0x2  }
0x313: {  	v51 =	vadd.s32 $0x4, v1  }
0x314: {  	v52 =	vand.u32 $0xFFFFFF80, v51;
	[tilespmem:s0+$0xFFFFF900] =	vst v3  }
0x315: {  	v5 =	vand.u32 $0x7F, v51;
	v3 =	vadd.s32 v2, v52;
	v4 =	vld.idx.msk [tilespmem:v4+s15+$0x0], $0xffff  }
0x316: {  	v3 =	vor.u32 v5, v3;
	_ =	sdelay $0x2  }
0x317: {  	v53 =	vadd.s32 $0x5, v1  }
0x318: {  	v54 =	vand.u32 $0xFFFFFF80, v53;
	[tilespmem:s0+$0xFFFFF980] =	vst v4  }
0x319: {  	v55 =	vadd.s32 v2, v54;
	v5 =	vand.u32 $0x7F, v53;
	v3 =	vld.idx.msk [tilespmem:v3+s15+$0x0], $0xffff  }
0x31a: {  	v4 =	vor.u32 v5, v55;
	_ =	sdelay $0x2  }
0x31b: {  	v56 =	vadd.s32 $0x6, v1  }
0x31c: {  	v57 =	vand.u32 $0xFFFFFF80, v56;
	[tilespmem:s0+$0xFFFFFA00] =	vst v3  }
0x31d: {  	v5 =	vand.u32 $0x7F, v56;
	v3 =	vadd.s32 v2, v57;
	v4 =	vld.idx.msk [tilespmem:v4+s15+$0x0], $0xffff  }
0x31e: {  	v3 =	vor.u32 v5, v3;
	_ =	sdelay $0x2  }
0x31f: {  	v58 =	vadd.s32 $0x7, v1  }
0x320: {  	v59 =	vand.u32 $0xFFFFFF80, v58;
	[tilespmem:s0+$0xFFFFFA80] =	vst v4  }
0x321: {  	v60 =	vadd.s32 v2, v59;
	v5 =	vand.u32 $0x7F, v58;
	v3 =	vld.idx.msk [tilespmem:v3+s15+$0x0], $0xffff  }
0x322: {  	v4 =	vor.u32 v5, v60;
	_ =	sdelay $0x2  }
0x323: {  	v61 =	vadd.s32 $0x8, v1  }
0x324: {  	v62 =	vand.u32 $0xFFFFFF80, v61;
	[tilespmem:s0+$0xFFFFFB00] =	vst v3  }
0x325: {  	v5 =	vand.u32 $0x7F, v61;
	v3 =	vadd.s32 v2, v62;
	v4 =	vld.idx.msk [tilespmem:v4+s15+$0x0], $0xffff  }
0x326: {  	v3 =	vor.u32 v5, v3;
	_ =	sdelay $0x2  }
0x327: {  	v63 =	vadd.s32 $0x9, v1  }
0x328: {  	v9 =	vand.u32 $0xFFFFFF80, v63;
	[tilespmem:s0+$0xFFFFFB80] =	vst v4  }
0x329: {  	v10 =	vadd.s32 v2, v9;
	v5 =	vand.u32 $0x7F, v63;
	v3 =	vld.idx.msk [tilespmem:v3+s15+$0x0], $0xffff  }
0x32a: {  	v4 =	vor.u32 v5, v10;
	_ =	sdelay $0x2  }
0x32b: {  	v11 =	vadd.s32 $0xA, v1  }
0x32c: {  	v12 =	vand.u32 $0xFFFFFF80, v11;
	[tilespmem:s0+$0xFFFFFC00] =	vst v3  }
0x32d: {  	v5 =	vand.u32 $0x7F, v11;
	v3 =	vadd.s32 v2, v12;
	v4 =	vld.idx.msk [tilespmem:v4+s15+$0x0], $0xffff  }
0x32e: {  	v3 =	vor.u32 v5, v3;
	_ =	sdelay $0x2  }
0x32f: {  	v13 =	vadd.s32 $0xB, v1  }
0x330: {  	v14 =	vand.u32 $0xFFFFFF80, v13;
	[tilespmem:s0+$0xFFFFFC80] =	vst v4  }
0x331: {  	v15 =	vadd.s32 v2, v14;
	v5 =	vand.u32 $0x7F, v13;
	v3 =	vld.idx.msk [tilespmem:v3+s15+$0x0], $0xffff  }
0x332: {  	v4 =	vor.u32 v5, v15;
	_ =	sdelay $0x2  }
0x333: {  	v16 =	vadd.s32 $0xC, v1  }
0x334: {  	v17 =	vand.u32 $0xFFFFFF80, v16;
	[tilespmem:s0+$0xFFFFFD00] =	vst v3  }
0x335: {  	v5 =	vand.u32 $0x7F, v16;
	v3 =	vadd.s32 v2, v17;
	v4 =	vld.idx.msk [tilespmem:v4+s15+$0x0], $0xffff  }
0x336: {  	v3 =	vor.u32 v5, v3;
	_ =	sdelay $0x2  }
0x337: {  	v18 =	vadd.s32 $0xD, v1  }
0x338: {  	v19 =	vand.u32 $0xFFFFFF80, v18;
	[tilespmem:s0+$0xFFFFFD80] =	vst v4  }
0x339: {  	v20 =	vadd.s32 v2, v19;
	v5 =	vand.u32 $0x7F, v18;
	v3 =	vld.idx.msk [tilespmem:v3+s15+$0x0], $0xffff  }
0x33a: {  	v4 =	vor.u32 v5, v20;
	_ =	sdelay $0x2  }
0x33b: {  	v21 =	vadd.s32 $0xE, v1  }
0x33c: {  	v22 =	vand.u32 $0xFFFFFF80, v21;
	[tilespmem:s0+$0xFFFFFE00] =	vst v3  }
0x33d: {  	v5 =	vand.u32 $0x7F, v21;
	v3 =	vadd.s32 v2, v22;
	v4 =	vld.idx.msk [tilespmem:v4+s15+$0x0], $0xffff  }
0x33e: {  	v3 =	vor.u32 v5, v3;
	_ =	sdelay $0x2  }
0x33f: {  	v23 =	vadd.s32 $0xF, v1  }
0x340: {  	v24 =	vand.u32 $0xFFFFFF80, v23;
	[tilespmem:s0+$0xFFFFFE80] =	vst v4  }
0x341: {  	v25 =	vadd.s32 v2, v24;
	v5 =	vand.u32 $0x7F, v23;
	v3 =	vld.idx.msk [tilespmem:v3+s15+$0x0], $0xffff  }
0x342: {  	v4 =	vor.u32 v5, v25;
	_ =	sdelay $0x2  }
0x343: {  	v26 =	vadd.s32 $0x10, v1  }
0x344: {  	v27 =	vand.u32 $0xFFFFFF80, v26;
	[tilespmem:s0+$0xFFFFFF00] =	vst v3  }
0x345: {  	v5 =	vand.u32 $0x7F, v26;
	v3 =	vadd.s32 v2, v27;
	v4 =	vld.idx.msk [tilespmem:v4+s15+$0x0], $0xffff  }
0x346: {  	v3 =	vor.u32 v5, v3;
	_ =	sdelay $0x2  }
0x347: {  	v28 =	vadd.s32 $0x11, v1  }
0x348: {  	v29 =	vand.u32 $0xFFFFFF80, v28;
	[tilespmem:s0+$0xFFFFFF80] =	vst v4  }
0x349: {  	v30 =	vadd.s32 v2, v29;
	v5 =	vand.u32 $0x7F, v28;
	v3 =	vld.idx.msk [tilespmem:v3+s15+$0x0], $0xffff  }
0x34a: {  	v4 =	vor.u32 v5, v30;
	_ =	sdelay $0x2  }
0x34b: {  	v31 =	vadd.s32 $0x12, v1  }
0x34c: {  	v32 =	vand.u32 $0xFFFFFF80, v31;
	[tilespmem:s0+$0x0] =	vst v3  }
0x34d: {  	v5 =	vand.u32 $0x7F, v31;
	v3 =	vadd.s32 v2, v32;
	v4 =	vld.idx.msk [tilespmem:v4+s15+$0x0], $0xffff  }
0x34e: {  	v3 =	vor.u32 v5, v3;
	_ =	sdelay $0x2  }
0x34f: {  	v33 =	vadd.s32 $0x13, v1  }
0x350: {  	v34 =	vand.u32 $0xFFFFFF80, v33;
	[tilespmem:s0+$0x80] =	vst v4  }
0x351: {  	v35 =	vadd.s32 v2, v34;
	v5 =	vand.u32 $0x7F, v33;
	v3 =	vld.idx.msk [tilespmem:v3+s15+$0x0], $0xffff  }
0x352: {  	v4 =	vor.u32 v5, v35;
	_ =	sdelay $0x2  }
0x353: {  	v36 =	vadd.s32 $0x14, v1  }
0x354: {  	v37 =	vand.u32 $0xFFFFFF80, v36;
	[tilespmem:s0+$0x100] =	vst v3  }
0x355: {  	v5 =	vand.u32 $0x7F, v36;
	v3 =	vadd.s32 v2, v37;
	v4 =	vld.idx.msk [tilespmem:v4+s15+$0x0], $0xffff  }
0x356: {  	v3 =	vor.u32 v5, v3;
	_ =	sdelay $0x2  }
0x357: {  	v38 =	vadd.s32 $0x15, v1  }
0x358: {  	v39 =	vand.u32 $0xFFFFFF80, v38;
	[tilespmem:s0+$0x180] =	vst v4  }
0x359: {  	v40 =	vadd.s32 v2, v39;
	v5 =	vand.u32 $0x7F, v38;
	v3 =	vld.idx.msk [tilespmem:v3+s15+$0x0], $0xffff  }
0x35a: {  	v4 =	vor.u32 v5, v40;
	_ =	sdelay $0x2  }
0x35b: {  	v41 =	vadd.s32 $0x16, v1  }
0x35c: {  	v42 =	vand.u32 $0xFFFFFF80, v41;
	[tilespmem:s0+$0x200] =	vst v3  }
0x35d: {  	v5 =	vand.u32 $0x7F, v41;
	v3 =	vadd.s32 v2, v42;
	v4 =	vld.idx.msk [tilespmem:v4+s15+$0x0], $0xffff  }
0x35e: {  	v3 =	vor.u32 v5, v3;
	_ =	sdelay $0x2  }
0x35f: {  	v43 =	vadd.s32 $0x17, v1  }
0x360: {  	v44 =	vand.u32 $0xFFFFFF80, v43;
	[tilespmem:s0+$0x280] =	vst v4  }
0x361: {  	v45 =	vadd.s32 v2, v44;
	v5 =	vand.u32 $0x7F, v43;
	v3 =	vld.idx.msk [tilespmem:v3+s15+$0x0], $0xffff  }
0x362: {  	v4 =	vor.u32 v5, v45;
	_ =	sdelay $0x2  }
0x363: {  	v46 =	vadd.s32 $0x18, v1  }
0x364: {  	v47 =	vand.u32 $0xFFFFFF80, v46;
	[tilespmem:s0+$0x300] =	vst v3  }
0x365: {  	v5 =	vand.u32 $0x7F, v46;
	v3 =	vadd.s32 v2, v47;
	v4 =	vld.idx.msk [tilespmem:v4+s15+$0x0], $0xffff  }
0x366: {  	v3 =	vor.u32 v5, v3;
	_ =	sdelay $0x2  }
0x367: {  	v48 =	vadd.s32 $0x19, v1  }
0x368: {  	v49 =	vand.u32 $0xFFFFFF80, v48;
	[tilespmem:s0+$0x380] =	vst v4  }
0x369: {  	v50 =	vadd.s32 v2, v49;
	v5 =	vand.u32 $0x7F, v48;
	v3 =	vld.idx.msk [tilespmem:v3+s15+$0x0], $0xffff  }
0x36a: {  	v4 =	vor.u32 v5, v50;
	_ =	sdelay $0x2  }
0x36b: {  	v51 =	vadd.s32 $0x1A, v1  }
0x36c: {  	v52 =	vand.u32 $0xFFFFFF80, v51;
	[tilespmem:s0+$0x400] =	vst v3  }
0x36d: {  	v5 =	vand.u32 $0x7F, v51;
	v3 =	vadd.s32 v2, v52;
	v4 =	vld.idx.msk [tilespmem:v4+s15+$0x0], $0xffff  }
0x36e: {  	v3 =	vor.u32 v5, v3;
	_ =	sdelay $0x2  }
0x36f: {  	v53 =	vadd.s32 $0x1B, v1  }
0x370: {  	v54 =	vand.u32 $0xFFFFFF80, v53;
	[tilespmem:s0+$0x480] =	vst v4  }
0x371: {  	v55 =	vadd.s32 v2, v54;
	v5 =	vand.u32 $0x7F, v53;
	v3 =	vld.idx.msk [tilespmem:v3+s15+$0x0], $0xffff  }
0x372: {  	v4 =	vor.u32 v5, v55;
	_ =	sdelay $0x2  }
0x373: {  	v56 =	vadd.s32 $0x1C, v1  }
0x374: {  	v57 =	vand.u32 $0xFFFFFF80, v56;
	[tilespmem:s0+$0x500] =	vst v3  }
0x375: {  	v5 =	vand.u32 $0x7F, v56;
	v3 =	vadd.s32 v2, v57;
	v4 =	vld.idx.msk [tilespmem:v4+s15+$0x0], $0xffff  }
0x376: {  	v3 =	vor.u32 v5, v3;
	_ =	sdelay $0x2  }
0x377: {  	v58 =	vadd.s32 $0x1D, v1  }
0x378: {  	v59 =	vand.u32 $0xFFFFFF80, v58;
	[tilespmem:s0+$0x580] =	vst v4  }
0x379: {  	v60 =	vadd.s32 v2, v59;
	v5 =	vand.u32 $0x7F, v58;
	v3 =	vld.idx.msk [tilespmem:v3+s15+$0x0], $0xffff  }
0x37a: {  	v4 =	vor.u32 v5, v60;
	_ =	sdelay $0x2  }
0x37b: {  	v61 =	vadd.s32 $0x1E, v1  }
0x37c: {  	v62 =	vand.u32 $0xFFFFFF80, v61;
	[tilespmem:s0+$0x600] =	vst v3  }
0x37d: {  	v5 =	vand.u32 $0x7F, v61;
	v3 =	vadd.s32 v2, v62;
	v4 =	vld.idx.msk [tilespmem:v4+s15+$0x0], $0xffff  }
0x37e: {  	v3 =	vor.u32 v5, v3;
	_ =	sdelay $0x2  }
0x37f: {  	v1 =	vadd.s32 $0x1F, v1  }
0x380: {  	v63 =	vand.u32 $0xFFFFFF80, v1;
	[tilespmem:s0+$0x680] =	vst v4  }
0x381: {  	v1 =	vand.u32 $0x7F, v1;
	v2 =	vadd.s32 v2, v63;
	v3 =	vld.idx.msk [tilespmem:v3+s15+$0x0], $0xffff  }
0x382: {  	v1 =	vor.u32 v1, v2;
	_ =	sdelay $0x3  }
0x383: {  	[tilespmem:s0+$0x700] =	vst v3  }
0x384: {  	s3 =	simm.s32 $0x10;
	v1 =	vld.idx.msk [tilespmem:v1+s15+$0x0], $0xffff  }
.LBB2_11:
0x385: {  	_ =	sdelay $0x3  }
0x386: {  	p0 =	sne.s32 s3, $0x70;
	s26 =	sadd.s32 $0x10, s26;
	[tilespmem:s0+$0x780] =	vst v1;
	s0 =	sadd.s32 $0x10, s0  }
0x387: {  	s11 =	smov.u32 s3;
	s3 =	sadd.s32 $0x10, s3;
	v1 =	vld [tilespmem:s26+$0x0];
	_ =	sdelay $0x2  }
0x388: {  	v2 =	vmov s11  }
0x389: {  	v2 =	vshll.u32 v2, $0x7  }
0x38a: {  	v2 =	vor.u32 v0, v2;
	v3 =	vand.u32 $0xFFFFFF80, v1;
	v4 =	vadd.s32 $0x1, v1  }
0x38b: {  	v5 =	vand.u32 $0x7F, v1;
	v3 =	vadd.s32 v2, v3;
	v6 =	vand.u32 $0xFFFFFF80, v4  }
0x38c: {  	v3 =	vor.u32 v5, v3;
	v5 =	vadd.s32 v2, v6;
	v6 =	vadd.s32 $0x2, v1  }
0x38d: {  	v8 =	vadd.s32 $0x3, v1;
	v10 =	vadd.s32 $0x4, v1;
	v7 =	vand.u32 $0xFFFFFF80, v6  }
0x38e: {  	v9 =	vand.u32 $0xFFFFFF80, v8;
	v11 =	vand.u32 $0xFFFFFF80, v10;
	v7 =	vadd.s32 v2, v7  }
0x38f: {  	v53 =	vadd.s32 $0x5, v1;
	v9 =	vadd.s32 v2, v9;
	v11 =	vadd.s32 v2, v11  }
0x390: {  	v51 =	vadd.s32 $0x6, v1;
	v47 =	vadd.s32 $0x7, v1;
	v12 =	vand.u32 $0xFFFFFF80, v53  }
0x391: {  	v13 =	vand.u32 $0xFFFFFF80, v47;
	v54 =	vadd.s32 v2, v12;
	v12 =	vand.u32 $0xFFFFFF80, v51;
	v3 =	vld.idx.msk [tilespmem:v3+s15+$0x0], $0xffff  }
0x392: {  	v4 =	vand.u32 $0x7F, v4;
	v50 =	vadd.s32 v2, v13;
	v52 =	vadd.s32 v2, v12  }
0x393: {  	v48 =	vadd.s32 $0x8, v1;
	v45 =	vadd.s32 $0x9, v1;
	v4 =	vor.u32 v4, v5  }
0x394: {  	v42 =	vadd.s32 $0xA, v1;
	v5 =	vand.u32 $0xFFFFFF80, v48;
	v12 =	vand.u32 $0xFFFFFF80, v45  }
0x395: {  	v49 =	vadd.s32 v2, v5;
	v46 =	vadd.s32 v2, v12;
	v5 =	vand.u32 $0xFFFFFF80, v42  }
0x396: {  	v41 =	vadd.s32 $0xB, v1;
	v38 =	vadd.s32 $0xC, v1;
	v44 =	vadd.s32 v2, v5  }
0x397: {  	v36 =	vadd.s32 $0xD, v1;
	v5 =	vand.u32 $0xFFFFFF80, v38;
	[tilespmem:s0+$0xFFFFF800] =	vst v3;
	v3 =	vand.u32 $0xFFFFFF80, v41  }
0x398: {  	v40 =	vadd.s32 v2, v5;
	v4 =	vld.idx.msk [tilespmem:v4+s15+$0x0], $0xffff;
	v43 =	vadd.s32 v2, v3;
	v3 =	vand.u32 $0xFFFFFF80, v36  }
0x399: {  	v35 =	vadd.s32 $0xE, v1;
	v5 =	vand.u32 $0x7F, v6;
	v39 =	vadd.s32 v2, v3  }
0x39a: {  	v33 =	vadd.s32 $0xF, v1;
	v3 =	vor.u32 v5, v7;
	v5 =	vand.u32 $0xFFFFFF80, v35  }
0x39b: {  	v31 =	vadd.s32 $0x10, v1;
	v37 =	vadd.s32 v2, v5;
	v5 =	vand.u32 $0xFFFFFF80, v33  }
0x39c: {  	v29 =	vadd.s32 $0x11, v1;
	v34 =	vadd.s32 v2, v5;
	v5 =	vand.u32 $0xFFFFFF80, v31  }
0x39d: {  	v26 =	vadd.s32 $0x12, v1;
	v32 =	vadd.s32 v2, v5;
	v5 =	vand.u32 $0xFFFFFF80, v29  }
0x39e: {  	v25 =	vadd.s32 $0x13, v1;
	v30 =	vadd.s32 v2, v5;
	[tilespmem:s0+$0xFFFFF880] =	vst v4;
	v4 =	vand.u32 $0xFFFFFF80, v26  }
0x39f: {  	v22 =	vadd.s32 $0x14, v1;
	v3 =	vld.idx.msk [tilespmem:v3+s15+$0x0], $0xffff;
	v28 =	vadd.s32 v2, v4;
	v4 =	vand.u32 $0xFFFFFF80, v25  }
0x3a0: {  	v5 =	vand.u32 $0x7F, v8;
	v27 =	vadd.s32 v2, v4;
	v4 =	vand.u32 $0xFFFFFF80, v22  }
0x3a1: {  	v21 =	vadd.s32 $0x15, v1;
	v5 =	vor.u32 v5, v9;
	v24 =	vadd.s32 v2, v4  }
0x3a2: {  	v19 =	vadd.s32 $0x16, v1;
	v16 =	vadd.s32 $0x17, v1;
	v4 =	vand.u32 $0xFFFFFF80, v21  }
0x3a3: {  	v6 =	vand.u32 $0xFFFFFF80, v16;
	v23 =	vadd.s32 v2, v4;
	v4 =	vand.u32 $0xFFFFFF80, v19  }
0x3a4: {  	v14 =	vadd.s32 $0x18, v1;
	v18 =	vadd.s32 v2, v6;
	v20 =	vadd.s32 v2, v4  }
0x3a5: {  	v13 =	vadd.s32 $0x19, v1;
	v9 =	vadd.s32 $0x1A, v1;
	[tilespmem:s0+$0xFFFFF900] =	vst v3;
	v3 =	vand.u32 $0xFFFFFF80, v14  }
0x3a6: {  	v4 =	vand.u32 $0xFFFFFF80, v9;
	v5 =	vld.idx.msk [tilespmem:v5+s15+$0x0], $0xffff;
	v17 =	vadd.s32 v2, v3;
	v3 =	vand.u32 $0xFFFFFF80, v13  }
0x3a7: {  	v6 =	vand.u32 $0x7F, v10;
	v12 =	vadd.s32 v2, v4;
	v15 =	vadd.s32 v2, v3  }
0x3a8: {  	v10 =	vadd.s32 $0x1B, v1;
	v55 =	vor.u32 v6, v11;
	v7 =	vadd.s32 $0x1C, v1  }
0x3a9: {  	v6 =	vand.u32 $0xFFFFFF80, v7;
	v4 =	vadd.s32 $0x1D, v1;
	v3 =	vand.u32 $0xFFFFFF80, v10  }
0x3aa: {  	v8 =	vadd.s32 v2, v6;
	v11 =	vadd.s32 v2, v3;
	v3 =	vand.u32 $0xFFFFFF80, v4  }
0x3ab: {  	v6 =	vadd.s32 v2, v3;
	v3 =	vadd.s32 $0x1E, v1;
	v1 =	vadd.s32 $0x1F, v1  }
0x3ac: {  	v56 =	vand.u32 $0xFFFFFF80, v1;
	[tilespmem:s0+$0xFFFFF980] =	vst v5;
	v5 =	vand.u32 $0xFFFFFF80, v3  }
0x3ad: {  	v55 =	vld.idx.msk [tilespmem:v55+s15+$0x0], $0xffff;
	v5 =	vadd.s32 v2, v5;
	v2 =	vadd.s32 v2, v56  }
0x3ae: {  	v53 =	vand.u32 $0x7F, v53  }
0x3af: {  	v53 =	vor.u32 v53, v54;
	_ =	sdelay $0x3  }
0x3b0: {  	[tilespmem:s0+$0xFFFFFA00] =	vst v55  }
0x3b1: {  	v53 =	vld.idx.msk [tilespmem:v53+s15+$0x0], $0xffff  }
0x3b2: {  	v51 =	vand.u32 $0x7F, v51  }
0x3b3: {  	v51 =	vor.u32 v51, v52;
	_ =	sdelay $0x3  }
0x3b4: {  	[tilespmem:s0+$0xFFFFFA80] =	vst v53  }
0x3b5: {  	v51 =	vld.idx.msk [tilespmem:v51+s15+$0x0], $0xffff  }
0x3b6: {  	v47 =	vand.u32 $0x7F, v47  }
0x3b7: {  	v47 =	vor.u32 v47, v50;
	_ =	sdelay $0x3  }
0x3b8: {  	[tilespmem:s0+$0xFFFFFB00] =	vst v51  }
0x3b9: {  	v47 =	vld.idx.msk [tilespmem:v47+s15+$0x0], $0xffff  }
0x3ba: {  	v48 =	vand.u32 $0x7F, v48  }
0x3bb: {  	v48 =	vor.u32 v48, v49;
	_ =	sdelay $0x3  }
0x3bc: {  	[tilespmem:s0+$0xFFFFFB80] =	vst v47  }
0x3bd: {  	v47 =	vld.idx.msk [tilespmem:v48+s15+$0x0], $0xffff  }
0x3be: {  	v45 =	vand.u32 $0x7F, v45  }
0x3bf: {  	v45 =	vor.u32 v45, v46;
	_ =	sdelay $0x3  }
0x3c0: {  	[tilespmem:s0+$0xFFFFFC00] =	vst v47  }
0x3c1: {  	v45 =	vld.idx.msk [tilespmem:v45+s15+$0x0], $0xffff  }
0x3c2: {  	v42 =	vand.u32 $0x7F, v42  }
0x3c3: {  	v42 =	vor.u32 v42, v44;
	_ =	sdelay $0x3  }
0x3c4: {  	[tilespmem:s0+$0xFFFFFC80] =	vst v45  }
0x3c5: {  	v42 =	vld.idx.msk [tilespmem:v42+s15+$0x0], $0xffff  }
0x3c6: {  	v41 =	vand.u32 $0x7F, v41  }
0x3c7: {  	v41 =	vor.u32 v41, v43;
	_ =	sdelay $0x3  }
0x3c8: {  	[tilespmem:s0+$0xFFFFFD00] =	vst v42  }
0x3c9: {  	v41 =	vld.idx.msk [tilespmem:v41+s15+$0x0], $0xffff  }
0x3ca: {  	v38 =	vand.u32 $0x7F, v38  }
0x3cb: {  	v38 =	vor.u32 v38, v40;
	_ =	sdelay $0x3  }
0x3cc: {  	[tilespmem:s0+$0xFFFFFD80] =	vst v41  }
0x3cd: {  	v38 =	vld.idx.msk [tilespmem:v38+s15+$0x0], $0xffff  }
0x3ce: {  	v36 =	vand.u32 $0x7F, v36  }
0x3cf: {  	v36 =	vor.u32 v36, v39;
	_ =	sdelay $0x3  }
0x3d0: {  	[tilespmem:s0+$0xFFFFFE00] =	vst v38  }
0x3d1: {  	v36 =	vld.idx.msk [tilespmem:v36+s15+$0x0], $0xffff  }
0x3d2: {  	v35 =	vand.u32 $0x7F, v35  }
0x3d3: {  	v35 =	vor.u32 v35, v37;
	_ =	sdelay $0x3  }
0x3d4: {  	[tilespmem:s0+$0xFFFFFE80] =	vst v36  }
0x3d5: {  	v35 =	vld.idx.msk [tilespmem:v35+s15+$0x0], $0xffff  }
0x3d6: {  	v33 =	vand.u32 $0x7F, v33  }
0x3d7: {  	v33 =	vor.u32 v33, v34;
	_ =	sdelay $0x3  }
0x3d8: {  	[tilespmem:s0+$0xFFFFFF00] =	vst v35  }
0x3d9: {  	v33 =	vld.idx.msk [tilespmem:v33+s15+$0x0], $0xffff  }
0x3da: {  	v31 =	vand.u32 $0x7F, v31  }
0x3db: {  	v31 =	vor.u32 v31, v32;
	_ =	sdelay $0x3  }
0x3dc: {  	[tilespmem:s0+$0xFFFFFF80] =	vst v33  }
0x3dd: {  	v31 =	vld.idx.msk [tilespmem:v31+s15+$0x0], $0xffff  }
0x3de: {  	v29 =	vand.u32 $0x7F, v29  }
0x3df: {  	v29 =	vor.u32 v29, v30;
	_ =	sdelay $0x3  }
0x3e0: {  	[tilespmem:s0+$0x0] =	vst v31  }
0x3e1: {  	v29 =	vld.idx.msk [tilespmem:v29+s15+$0x0], $0xffff  }
0x3e2: {  	v26 =	vand.u32 $0x7F, v26  }
0x3e3: {  	v26 =	vor.u32 v26, v28;
	_ =	sdelay $0x3  }
0x3e4: {  	[tilespmem:s0+$0x80] =	vst v29  }
0x3e5: {  	v26 =	vld.idx.msk [tilespmem:v26+s15+$0x0], $0xffff  }
0x3e6: {  	v25 =	vand.u32 $0x7F, v25  }
0x3e7: {  	v25 =	vor.u32 v25, v27;
	_ =	sdelay $0x3  }
0x3e8: {  	[tilespmem:s0+$0x100] =	vst v26  }
0x3e9: {  	v25 =	vld.idx.msk [tilespmem:v25+s15+$0x0], $0xffff  }
0x3ea: {  	v22 =	vand.u32 $0x7F, v22  }
0x3eb: {  	v22 =	vor.u32 v22, v24;
	_ =	sdelay $0x3  }
0x3ec: {  	[tilespmem:s0+$0x180] =	vst v25  }
0x3ed: {  	v22 =	vld.idx.msk [tilespmem:v22+s15+$0x0], $0xffff  }
0x3ee: {  	v21 =	vand.u32 $0x7F, v21  }
0x3ef: {  	v21 =	vor.u32 v21, v23;
	_ =	sdelay $0x3  }
0x3f0: {  	[tilespmem:s0+$0x200] =	vst v22  }
0x3f1: {  	v21 =	vld.idx.msk [tilespmem:v21+s15+$0x0], $0xffff  }
0x3f2: {  	v19 =	vand.u32 $0x7F, v19  }
0x3f3: {  	v19 =	vor.u32 v19, v20;
	_ =	sdelay $0x3  }
0x3f4: {  	[tilespmem:s0+$0x280] =	vst v21  }
0x3f5: {  	v19 =	vld.idx.msk [tilespmem:v19+s15+$0x0], $0xffff  }
0x3f6: {  	v16 =	vand.u32 $0x7F, v16  }
0x3f7: {  	v16 =	vor.u32 v16, v18;
	_ =	sdelay $0x3  }
0x3f8: {  	[tilespmem:s0+$0x300] =	vst v19  }
0x3f9: {  	v16 =	vld.idx.msk [tilespmem:v16+s15+$0x0], $0xffff  }
0x3fa: {  	v14 =	vand.u32 $0x7F, v14  }
0x3fb: {  	v14 =	vor.u32 v14, v17;
	_ =	sdelay $0x3  }
0x3fc: {  	[tilespmem:s0+$0x380] =	vst v16  }
0x3fd: {  	v14 =	vld.idx.msk [tilespmem:v14+s15+$0x0], $0xffff  }
0x3fe: {  	v13 =	vand.u32 $0x7F, v13  }
0x3ff: {  	v13 =	vor.u32 v13, v15;
	_ =	sdelay $0x3  }
0x400: {  	[tilespmem:s0+$0x400] =	vst v14  }
0x401: {  	v13 =	vld.idx.msk [tilespmem:v13+s15+$0x0], $0xffff  }
0x402: {  	v9 =	vand.u32 $0x7F, v9  }
0x403: {  	v9 =	vor.u32 v9, v12;
	_ =	sdelay $0x3  }
0x404: {  	[tilespmem:s0+$0x480] =	vst v13  }
0x405: {  	v9 =	vld.idx.msk [tilespmem:v9+s15+$0x0], $0xffff  }
0x406: {  	v10 =	vand.u32 $0x7F, v10  }
0x407: {  	v10 =	vor.u32 v10, v11;
	_ =	sdelay $0x3  }
0x408: {  	[tilespmem:s0+$0x500] =	vst v9  }
0x409: {  	v9 =	vld.idx.msk [tilespmem:v10+s15+$0x0], $0xffff  }
0x40a: {  	v7 =	vand.u32 $0x7F, v7  }
0x40b: {  	v7 =	vor.u32 v7, v8;
	_ =	sdelay $0x3  }
0x40c: {  	[tilespmem:s0+$0x580] =	vst v9  }
0x40d: {  	v7 =	vld.idx.msk [tilespmem:v7+s15+$0x0], $0xffff  }
0x40e: {  	v4 =	vand.u32 $0x7F, v4  }
0x40f: {  	v4 =	vor.u32 v4, v6;
	_ =	sdelay $0x3  }
0x410: {  	[tilespmem:s0+$0x600] =	vst v7  }
0x411: {  	v4 =	vld.idx.msk [tilespmem:v4+s15+$0x0], $0xffff  }
0x412: {  	v3 =	vand.u32 $0x7F, v3  }
0x413: {  	v3 =	vor.u32 v3, v5;
	_ =	sdelay $0x3  }
0x414: {  	[tilespmem:s0+$0x680] =	vst v4  }
0x415: {  	v3 =	vld.idx.msk [tilespmem:v3+s15+$0x0], $0xffff  }
0x416: {  	v1 =	vand.u32 $0x7F, v1  }
0x417: {  	v1 =	vor.u32 v1, v2  }
.Ltmp4:
0x418: {  	(pc) =	sbr.rel @p0 .LBB2_11-.Ltmp4, $3  }
0x419: {  	_ =	sdelay $0x1  }
0x41a: {  	[tilespmem:s0+$0x700] =	vst v3  }
0x41b: {  	v1 =	vld.idx.msk [tilespmem:v1+s15+$0x0], $0xffff  }
0x41c: {  	_ =	sdelay $0x3  }
0x41d: {  	s30 =	sadd.s32 s25, s9;
	[tilespmem:s0+$0x780] =	vst v1  }
0x41e: {  	[hbm4b:s30+s14] =	stream.strided.scatter [tilespmem:s20], [sflag:$0x2], $0x1000, s19, s14, $0x38;
	[tilespmem:$0xA600] =	vst v63  }
0x41f: {  	_ =	swait.ge [sflag:s16], $0x4000  }
0x420: {  	[sflag:s16] =	ssyncset.done $0x0  }
0x421: {  	s26 =	simm.s32 $0x580;
	[sflag:s16] =	ssyncadd.s32 $0xFFFFC000  }
0x422: {  	v1 =	vld [tilespmem:s26+$0x0];
	_ =	sdelay $0x1  }
0x423: {  	s31 =	simm.s32 $0x0  }
0x424: {  	v2 =	vmov s31  }
0x425: {  	v2 =	vshll.u32 v2, $0x7  }
0x426: {  	v2 =	vor.u32 v0, v2;
	v3 =	vand.u32 $0xFFFFFF80, v1  }
0x427: {  	v4 =	vand.u32 $0x7F, v1;
	v3 =	vadd.s32 v2, v3  }
0x428: {  	v3 =	vor.u32 v4, v3;
	_ =	sdelay $0x2  }
0x429: {  	v46 =	vadd.s32 $0x1, v1  }
0x42a: {  	v5 =	vand.u32 $0xFFFFFF80, v46  }
0x42b: {  	v5 =	vadd.s32 v2, v5;
	v4 =	vand.u32 $0x7F, v46;
	v3 =	vld.idx.msk [tilespmem:v3+s18+$0x0], $0xffff  }
0x42c: {  	v4 =	vor.u32 v4, v5;
	_ =	sdelay $0x2  }
0x42d: {  	s0 =	simm.s32 $0x9E00;
	v47 =	vadd.s32 $0x2, v1  }
0x42e: {  	v6 =	vand.u32 $0xFFFFFF80, v47;
	[tilespmem:s0+$0xFFFFF800] =	vst v3  }
0x42f: {  	v5 =	vand.u32 $0x7F, v47;
	v3 =	vadd.s32 v2, v6;
	v4 =	vld.idx.msk [tilespmem:v4+s18+$0x0], $0xffff  }
0x430: {  	v3 =	vor.u32 v5, v3;
	_ =	sdelay $0x2  }
0x431: {  	v48 =	vadd.s32 $0x3, v1  }
0x432: {  	v49 =	vand.u32 $0xFFFFFF80, v48;
	[tilespmem:s0+$0xFFFFF880] =	vst v4  }
0x433: {  	v50 =	vadd.s32 v2, v49;
	v5 =	vand.u32 $0x7F, v48;
	v3 =	vld.idx.msk [tilespmem:v3+s18+$0x0], $0xffff  }
0x434: {  	v4 =	vor.u32 v5, v50;
	_ =	sdelay $0x2  }
0x435: {  	v51 =	vadd.s32 $0x4, v1  }
0x436: {  	v52 =	vand.u32 $0xFFFFFF80, v51;
	[tilespmem:s0+$0xFFFFF900] =	vst v3  }
0x437: {  	v5 =	vand.u32 $0x7F, v51;
	v3 =	vadd.s32 v2, v52;
	v4 =	vld.idx.msk [tilespmem:v4+s18+$0x0], $0xffff  }
0x438: {  	v3 =	vor.u32 v5, v3;
	_ =	sdelay $0x2  }
0x439: {  	v53 =	vadd.s32 $0x5, v1  }
0x43a: {  	v54 =	vand.u32 $0xFFFFFF80, v53;
	[tilespmem:s0+$0xFFFFF980] =	vst v4  }
0x43b: {  	v55 =	vadd.s32 v2, v54;
	v5 =	vand.u32 $0x7F, v53;
	v3 =	vld.idx.msk [tilespmem:v3+s18+$0x0], $0xffff  }
0x43c: {  	v4 =	vor.u32 v5, v55;
	_ =	sdelay $0x2  }
0x43d: {  	v56 =	vadd.s32 $0x6, v1  }
0x43e: {  	v57 =	vand.u32 $0xFFFFFF80, v56;
	[tilespmem:s0+$0xFFFFFA00] =	vst v3  }
0x43f: {  	v5 =	vand.u32 $0x7F, v56;
	v3 =	vadd.s32 v2, v57;
	v4 =	vld.idx.msk [tilespmem:v4+s18+$0x0], $0xffff  }
0x440: {  	v3 =	vor.u32 v5, v3;
	_ =	sdelay $0x2  }
0x441: {  	v58 =	vadd.s32 $0x7, v1  }
0x442: {  	v59 =	vand.u32 $0xFFFFFF80, v58;
	[tilespmem:s0+$0xFFFFFA80] =	vst v4  }
0x443: {  	v60 =	vadd.s32 v2, v59;
	v5 =	vand.u32 $0x7F, v58;
	v3 =	vld.idx.msk [tilespmem:v3+s18+$0x0], $0xffff  }
0x444: {  	v4 =	vor.u32 v5, v60;
	_ =	sdelay $0x2  }
0x445: {  	v61 =	vadd.s32 $0x8, v1  }
0x446: {  	v62 =	vand.u32 $0xFFFFFF80, v61;
	[tilespmem:s0+$0xFFFFFB00] =	vst v3  }
0x447: {  	v5 =	vand.u32 $0x7F, v61;
	v3 =	vadd.s32 v2, v62;
	v4 =	vld.idx.msk [tilespmem:v4+s18+$0x0], $0xffff  }
0x448: {  	v3 =	vor.u32 v5, v3;
	_ =	sdelay $0x2  }
0x449: {  	v63 =	vadd.s32 $0x9, v1  }
0x44a: {  	v9 =	vand.u32 $0xFFFFFF80, v63;
	[tilespmem:s0+$0xFFFFFB80] =	vst v4  }
0x44b: {  	v10 =	vadd.s32 v2, v9;
	v5 =	vand.u32 $0x7F, v63;
	v3 =	vld.idx.msk [tilespmem:v3+s18+$0x0], $0xffff  }
0x44c: {  	v4 =	vor.u32 v5, v10;
	_ =	sdelay $0x2  }
0x44d: {  	v11 =	vadd.s32 $0xA, v1  }
0x44e: {  	v12 =	vand.u32 $0xFFFFFF80, v11;
	[tilespmem:s0+$0xFFFFFC00] =	vst v3  }
0x44f: {  	v5 =	vand.u32 $0x7F, v11;
	v3 =	vadd.s32 v2, v12;
	v4 =	vld.idx.msk [tilespmem:v4+s18+$0x0], $0xffff  }
0x450: {  	v3 =	vor.u32 v5, v3;
	_ =	sdelay $0x2  }
0x451: {  	v13 =	vadd.s32 $0xB, v1  }
0x452: {  	v14 =	vand.u32 $0xFFFFFF80, v13;
	[tilespmem:s0+$0xFFFFFC80] =	vst v4  }
0x453: {  	v15 =	vadd.s32 v2, v14;
	v5 =	vand.u32 $0x7F, v13;
	v3 =	vld.idx.msk [tilespmem:v3+s18+$0x0], $0xffff  }
0x454: {  	v4 =	vor.u32 v5, v15;
	_ =	sdelay $0x2  }
0x455: {  	v16 =	vadd.s32 $0xC, v1  }
0x456: {  	v17 =	vand.u32 $0xFFFFFF80, v16;
	[tilespmem:s0+$0xFFFFFD00] =	vst v3  }
0x457: {  	v5 =	vand.u32 $0x7F, v16;
	v3 =	vadd.s32 v2, v17;
	v4 =	vld.idx.msk [tilespmem:v4+s18+$0x0], $0xffff  }
0x458: {  	v3 =	vor.u32 v5, v3;
	_ =	sdelay $0x2  }
0x459: {  	v18 =	vadd.s32 $0xD, v1  }
0x45a: {  	v19 =	vand.u32 $0xFFFFFF80, v18;
	[tilespmem:s0+$0xFFFFFD80] =	vst v4  }
0x45b: {  	v20 =	vadd.s32 v2, v19;
	v5 =	vand.u32 $0x7F, v18;
	v3 =	vld.idx.msk [tilespmem:v3+s18+$0x0], $0xffff  }
0x45c: {  	v4 =	vor.u32 v5, v20;
	_ =	sdelay $0x2  }
0x45d: {  	v21 =	vadd.s32 $0xE, v1  }
0x45e: {  	v22 =	vand.u32 $0xFFFFFF80, v21;
	[tilespmem:s0+$0xFFFFFE00] =	vst v3  }
0x45f: {  	v5 =	vand.u32 $0x7F, v21;
	v3 =	vadd.s32 v2, v22;
	v4 =	vld.idx.msk [tilespmem:v4+s18+$0x0], $0xffff  }
0x460: {  	v3 =	vor.u32 v5, v3;
	_ =	sdelay $0x2  }
0x461: {  	v23 =	vadd.s32 $0xF, v1  }
0x462: {  	v24 =	vand.u32 $0xFFFFFF80, v23;
	[tilespmem:s0+$0xFFFFFE80] =	vst v4  }
0x463: {  	v25 =	vadd.s32 v2, v24;
	v5 =	vand.u32 $0x7F, v23;
	v3 =	vld.idx.msk [tilespmem:v3+s18+$0x0], $0xffff  }
0x464: {  	v4 =	vor.u32 v5, v25;
	_ =	sdelay $0x2  }
0x465: {  	v26 =	vadd.s32 $0x10, v1  }
0x466: {  	v27 =	vand.u32 $0xFFFFFF80, v26;
	[tilespmem:s0+$0xFFFFFF00] =	vst v3  }
0x467: {  	v5 =	vand.u32 $0x7F, v26;
	v3 =	vadd.s32 v2, v27;
	v4 =	vld.idx.msk [tilespmem:v4+s18+$0x0], $0xffff  }
0x468: {  	v3 =	vor.u32 v5, v3;
	_ =	sdelay $0x2  }
0x469: {  	v28 =	vadd.s32 $0x11, v1  }
0x46a: {  	v29 =	vand.u32 $0xFFFFFF80, v28;
	[tilespmem:s0+$0xFFFFFF80] =	vst v4  }
0x46b: {  	v30 =	vadd.s32 v2, v29;
	v5 =	vand.u32 $0x7F, v28;
	v3 =	vld.idx.msk [tilespmem:v3+s18+$0x0], $0xffff  }
0x46c: {  	v4 =	vor.u32 v5, v30;
	_ =	sdelay $0x2  }
0x46d: {  	v31 =	vadd.s32 $0x12, v1  }
0x46e: {  	v32 =	vand.u32 $0xFFFFFF80, v31;
	[tilespmem:s0+$0x0] =	vst v3  }
0x46f: {  	v5 =	vand.u32 $0x7F, v31;
	v3 =	vadd.s32 v2, v32;
	v4 =	vld.idx.msk [tilespmem:v4+s18+$0x0], $0xffff  }
0x470: {  	v3 =	vor.u32 v5, v3;
	_ =	sdelay $0x2  }
0x471: {  	v33 =	vadd.s32 $0x13, v1  }
0x472: {  	v34 =	vand.u32 $0xFFFFFF80, v33;
	[tilespmem:s0+$0x80] =	vst v4  }
0x473: {  	v35 =	vadd.s32 v2, v34;
	v5 =	vand.u32 $0x7F, v33;
	v3 =	vld.idx.msk [tilespmem:v3+s18+$0x0], $0xffff  }
0x474: {  	v4 =	vor.u32 v5, v35;
	_ =	sdelay $0x2  }
0x475: {  	v36 =	vadd.s32 $0x14, v1  }
0x476: {  	v37 =	vand.u32 $0xFFFFFF80, v36;
	[tilespmem:s0+$0x100] =	vst v3  }
0x477: {  	v5 =	vand.u32 $0x7F, v36;
	v3 =	vadd.s32 v2, v37;
	v4 =	vld.idx.msk [tilespmem:v4+s18+$0x0], $0xffff  }
0x478: {  	v3 =	vor.u32 v5, v3;
	_ =	sdelay $0x2  }
0x479: {  	v38 =	vadd.s32 $0x15, v1  }
0x47a: {  	v39 =	vand.u32 $0xFFFFFF80, v38;
	[tilespmem:s0+$0x180] =	vst v4  }
0x47b: {  	v40 =	vadd.s32 v2, v39;
	v5 =	vand.u32 $0x7F, v38;
	v3 =	vld.idx.msk [tilespmem:v3+s18+$0x0], $0xffff  }
0x47c: {  	v4 =	vor.u32 v5, v40;
	_ =	sdelay $0x2  }
0x47d: {  	v41 =	vadd.s32 $0x16, v1  }
0x47e: {  	v42 =	vand.u32 $0xFFFFFF80, v41;
	[tilespmem:s0+$0x200] =	vst v3  }
0x47f: {  	v5 =	vand.u32 $0x7F, v41;
	v3 =	vadd.s32 v2, v42;
	v4 =	vld.idx.msk [tilespmem:v4+s18+$0x0], $0xffff  }
0x480: {  	v3 =	vor.u32 v5, v3;
	_ =	sdelay $0x2  }
0x481: {  	v43 =	vadd.s32 $0x17, v1  }
0x482: {  	v44 =	vand.u32 $0xFFFFFF80, v43;
	[tilespmem:s0+$0x280] =	vst v4  }
0x483: {  	v45 =	vadd.s32 v2, v44;
	v5 =	vand.u32 $0x7F, v43;
	v3 =	vld.idx.msk [tilespmem:v3+s18+$0x0], $0xffff  }
0x484: {  	v4 =	vor.u32 v5, v45;
	_ =	sdelay $0x2  }
0x485: {  	v46 =	vadd.s32 $0x18, v1  }
0x486: {  	v47 =	vand.u32 $0xFFFFFF80, v46;
	[tilespmem:s0+$0x300] =	vst v3  }
0x487: {  	v5 =	vand.u32 $0x7F, v46;
	v3 =	vadd.s32 v2, v47;
	v4 =	vld.idx.msk [tilespmem:v4+s18+$0x0], $0xffff  }
0x488: {  	v3 =	vor.u32 v5, v3;
	_ =	sdelay $0x2  }
0x489: {  	v48 =	vadd.s32 $0x19, v1  }
0x48a: {  	v49 =	vand.u32 $0xFFFFFF80, v48;
	[tilespmem:s0+$0x380] =	vst v4  }
0x48b: {  	v50 =	vadd.s32 v2, v49;
	v5 =	vand.u32 $0x7F, v48;
	v3 =	vld.idx.msk [tilespmem:v3+s18+$0x0], $0xffff  }
0x48c: {  	v4 =	vor.u32 v5, v50;
	_ =	sdelay $0x2  }
0x48d: {  	v51 =	vadd.s32 $0x1A, v1  }
0x48e: {  	v52 =	vand.u32 $0xFFFFFF80, v51;
	[tilespmem:s0+$0x400] =	vst v3  }
0x48f: {  	v5 =	vand.u32 $0x7F, v51;
	v3 =	vadd.s32 v2, v52;
	v4 =	vld.idx.msk [tilespmem:v4+s18+$0x0], $0xffff  }
0x490: {  	v3 =	vor.u32 v5, v3;
	_ =	sdelay $0x2  }
0x491: {  	v53 =	vadd.s32 $0x1B, v1  }
0x492: {  	v54 =	vand.u32 $0xFFFFFF80, v53;
	[tilespmem:s0+$0x480] =	vst v4  }
0x493: {  	v55 =	vadd.s32 v2, v54;
	v5 =	vand.u32 $0x7F, v53;
	v3 =	vld.idx.msk [tilespmem:v3+s18+$0x0], $0xffff  }
0x494: {  	v4 =	vor.u32 v5, v55;
	_ =	sdelay $0x2  }
0x495: {  	v56 =	vadd.s32 $0x1C, v1  }
0x496: {  	v57 =	vand.u32 $0xFFFFFF80, v56;
	[tilespmem:s0+$0x500] =	vst v3  }
0x497: {  	v5 =	vand.u32 $0x7F, v56;
	v3 =	vadd.s32 v2, v57;
	v4 =	vld.idx.msk [tilespmem:v4+s18+$0x0], $0xffff  }
0x498: {  	v3 =	vor.u32 v5, v3;
	_ =	sdelay $0x2  }
0x499: {  	v58 =	vadd.s32 $0x1D, v1  }
0x49a: {  	v59 =	vand.u32 $0xFFFFFF80, v58;
	[tilespmem:s0+$0x580] =	vst v4  }
0x49b: {  	v60 =	vadd.s32 v2, v59;
	v5 =	vand.u32 $0x7F, v58;
	v3 =	vld.idx.msk [tilespmem:v3+s18+$0x0], $0xffff  }
0x49c: {  	v4 =	vor.u32 v5, v60;
	_ =	sdelay $0x2  }
0x49d: {  	v61 =	vadd.s32 $0x1E, v1  }
0x49e: {  	v62 =	vand.u32 $0xFFFFFF80, v61;
	[tilespmem:s0+$0x600] =	vst v3  }
0x49f: {  	v5 =	vand.u32 $0x7F, v61;
	v3 =	vadd.s32 v2, v62;
	v4 =	vld.idx.msk [tilespmem:v4+s18+$0x0], $0xffff  }
0x4a0: {  	v3 =	vor.u32 v5, v3;
	_ =	sdelay $0x2  }
0x4a1: {  	v1 =	vadd.s32 $0x1F, v1  }
0x4a2: {  	v63 =	vand.u32 $0xFFFFFF80, v1;
	[tilespmem:s0+$0x680] =	vst v4  }
0x4a3: {  	v1 =	vand.u32 $0x7F, v1;
	v2 =	vadd.s32 v2, v63;
	v3 =	vld.idx.msk [tilespmem:v3+s18+$0x0], $0xffff  }
0x4a4: {  	v1 =	vor.u32 v1, v2;
	_ =	sdelay $0x3  }
0x4a5: {  	[tilespmem:s0+$0x700] =	vst v3  }
0x4a6: {  	s3 =	simm.s32 $0x10;
	v1 =	vld.idx.msk [tilespmem:v1+s18+$0x0], $0xffff  }
.LBB2_13:
0x4a7: {  	_ =	sdelay $0x3  }
0x4a8: {  	p0 =	sne.s32 s3, $0x70;
	s26 =	sadd.s32 $0x10, s26;
	[tilespmem:s0+$0x780] =	vst v1;
	s0 =	sadd.s32 $0x10, s0  }
0x4a9: {  	s11 =	smov.u32 s3;
	s3 =	sadd.s32 $0x10, s3;
	v1 =	vld [tilespmem:s26+$0x0];
	_ =	sdelay $0x2  }
0x4aa: {  	v2 =	vmov s11  }
0x4ab: {  	v2 =	vshll.u32 v2, $0x7  }
0x4ac: {  	v2 =	vor.u32 v0, v2;
	v3 =	vand.u32 $0xFFFFFF80, v1;
	v4 =	vadd.s32 $0x1, v1  }
0x4ad: {  	v5 =	vand.u32 $0x7F, v1;
	v3 =	vadd.s32 v2, v3;
	v6 =	vand.u32 $0xFFFFFF80, v4  }
0x4ae: {  	v3 =	vor.u32 v5, v3;
	v5 =	vadd.s32 v2, v6;
	v6 =	vadd.s32 $0x2, v1  }
0x4af: {  	v8 =	vadd.s32 $0x3, v1;
	v10 =	vadd.s32 $0x4, v1;
	v7 =	vand.u32 $0xFFFFFF80, v6  }
0x4b0: {  	v9 =	vand.u32 $0xFFFFFF80, v8;
	v11 =	vand.u32 $0xFFFFFF80, v10;
	v7 =	vadd.s32 v2, v7  }
0x4b1: {  	v53 =	vadd.s32 $0x5, v1;
	v9 =	vadd.s32 v2, v9;
	v11 =	vadd.s32 v2, v11  }
0x4b2: {  	v51 =	vadd.s32 $0x6, v1;
	v47 =	vadd.s32 $0x7, v1;
	v12 =	vand.u32 $0xFFFFFF80, v53  }
0x4b3: {  	v13 =	vand.u32 $0xFFFFFF80, v47;
	v54 =	vadd.s32 v2, v12;
	v12 =	vand.u32 $0xFFFFFF80, v51;
	v3 =	vld.idx.msk [tilespmem:v3+s18+$0x0], $0xffff  }
0x4b4: {  	v4 =	vand.u32 $0x7F, v4;
	v50 =	vadd.s32 v2, v13;
	v52 =	vadd.s32 v2, v12  }
0x4b5: {  	v48 =	vadd.s32 $0x8, v1;
	v45 =	vadd.s32 $0x9, v1;
	v4 =	vor.u32 v4, v5  }
0x4b6: {  	v42 =	vadd.s32 $0xA, v1;
	v5 =	vand.u32 $0xFFFFFF80, v48;
	v12 =	vand.u32 $0xFFFFFF80, v45  }
0x4b7: {  	v49 =	vadd.s32 v2, v5;
	v46 =	vadd.s32 v2, v12;
	v5 =	vand.u32 $0xFFFFFF80, v42  }
0x4b8: {  	v41 =	vadd.s32 $0xB, v1;
	v38 =	vadd.s32 $0xC, v1;
	v44 =	vadd.s32 v2, v5  }
0x4b9: {  	v36 =	vadd.s32 $0xD, v1;
	v5 =	vand.u32 $0xFFFFFF80, v38;
	[tilespmem:s0+$0xFFFFF800] =	vst v3;
	v3 =	vand.u32 $0xFFFFFF80, v41  }
0x4ba: {  	v40 =	vadd.s32 v2, v5;
	v4 =	vld.idx.msk [tilespmem:v4+s18+$0x0], $0xffff;
	v43 =	vadd.s32 v2, v3;
	v3 =	vand.u32 $0xFFFFFF80, v36  }
0x4bb: {  	v35 =	vadd.s32 $0xE, v1;
	v5 =	vand.u32 $0x7F, v6;
	v39 =	vadd.s32 v2, v3  }
0x4bc: {  	v33 =	vadd.s32 $0xF, v1;
	v3 =	vor.u32 v5, v7;
	v5 =	vand.u32 $0xFFFFFF80, v35  }
0x4bd: {  	v31 =	vadd.s32 $0x10, v1;
	v37 =	vadd.s32 v2, v5;
	v5 =	vand.u32 $0xFFFFFF80, v33  }
0x4be: {  	v29 =	vadd.s32 $0x11, v1;
	v34 =	vadd.s32 v2, v5;
	v5 =	vand.u32 $0xFFFFFF80, v31  }
0x4bf: {  	v26 =	vadd.s32 $0x12, v1;
	v32 =	vadd.s32 v2, v5;
	v5 =	vand.u32 $0xFFFFFF80, v29  }
0x4c0: {  	v25 =	vadd.s32 $0x13, v1;
	v30 =	vadd.s32 v2, v5;
	[tilespmem:s0+$0xFFFFF880] =	vst v4;
	v4 =	vand.u32 $0xFFFFFF80, v26  }
0x4c1: {  	v22 =	vadd.s32 $0x14, v1;
	v3 =	vld.idx.msk [tilespmem:v3+s18+$0x0], $0xffff;
	v28 =	vadd.s32 v2, v4;
	v4 =	vand.u32 $0xFFFFFF80, v25  }
0x4c2: {  	v5 =	vand.u32 $0x7F, v8;
	v27 =	vadd.s32 v2, v4;
	v4 =	vand.u32 $0xFFFFFF80, v22  }
0x4c3: {  	v21 =	vadd.s32 $0x15, v1;
	v5 =	vor.u32 v5, v9;
	v24 =	vadd.s32 v2, v4  }
0x4c4: {  	v19 =	vadd.s32 $0x16, v1;
	v16 =	vadd.s32 $0x17, v1;
	v4 =	vand.u32 $0xFFFFFF80, v21  }
0x4c5: {  	v6 =	vand.u32 $0xFFFFFF80, v16;
	v23 =	vadd.s32 v2, v4;
	v4 =	vand.u32 $0xFFFFFF80, v19  }
0x4c6: {  	v14 =	vadd.s32 $0x18, v1;
	v18 =	vadd.s32 v2, v6;
	v20 =	vadd.s32 v2, v4  }
0x4c7: {  	v13 =	vadd.s32 $0x19, v1;
	v9 =	vadd.s32 $0x1A, v1;
	[tilespmem:s0+$0xFFFFF900] =	vst v3;
	v3 =	vand.u32 $0xFFFFFF80, v14  }
0x4c8: {  	v4 =	vand.u32 $0xFFFFFF80, v9;
	v5 =	vld.idx.msk [tilespmem:v5+s18+$0x0], $0xffff;
	v17 =	vadd.s32 v2, v3;
	v3 =	vand.u32 $0xFFFFFF80, v13  }
0x4c9: {  	v6 =	vand.u32 $0x7F, v10;
	v12 =	vadd.s32 v2, v4;
	v15 =	vadd.s32 v2, v3  }
0x4ca: {  	v10 =	vadd.s32 $0x1B, v1;
	v55 =	vor.u32 v6, v11;
	v7 =	vadd.s32 $0x1C, v1  }
0x4cb: {  	v6 =	vand.u32 $0xFFFFFF80, v7;
	v4 =	vadd.s32 $0x1D, v1;
	v3 =	vand.u32 $0xFFFFFF80, v10  }
0x4cc: {  	v8 =	vadd.s32 v2, v6;
	v11 =	vadd.s32 v2, v3;
	v3 =	vand.u32 $0xFFFFFF80, v4  }
0x4cd: {  	v6 =	vadd.s32 v2, v3;
	v3 =	vadd.s32 $0x1E, v1;
	v1 =	vadd.s32 $0x1F, v1  }
0x4ce: {  	v56 =	vand.u32 $0xFFFFFF80, v1;
	[tilespmem:s0+$0xFFFFF980] =	vst v5;
	v5 =	vand.u32 $0xFFFFFF80, v3  }
0x4cf: {  	v55 =	vld.idx.msk [tilespmem:v55+s18+$0x0], $0xffff;
	v5 =	vadd.s32 v2, v5;
	v2 =	vadd.s32 v2, v56  }
0x4d0: {  	v53 =	vand.u32 $0x7F, v53  }
0x4d1: {  	v53 =	vor.u32 v53, v54;
	_ =	sdelay $0x3  }
0x4d2: {  	[tilespmem:s0+$0xFFFFFA00] =	vst v55  }
0x4d3: {  	v53 =	vld.idx.msk [tilespmem:v53+s18+$0x0], $0xffff  }
0x4d4: {  	v51 =	vand.u32 $0x7F, v51  }
0x4d5: {  	v51 =	vor.u32 v51, v52;
	_ =	sdelay $0x3  }
0x4d6: {  	[tilespmem:s0+$0xFFFFFA80] =	vst v53  }
0x4d7: {  	v51 =	vld.idx.msk [tilespmem:v51+s18+$0x0], $0xffff  }
0x4d8: {  	v47 =	vand.u32 $0x7F, v47  }
0x4d9: {  	v47 =	vor.u32 v47, v50;
	_ =	sdelay $0x3  }
0x4da: {  	[tilespmem:s0+$0xFFFFFB00] =	vst v51  }
0x4db: {  	v47 =	vld.idx.msk [tilespmem:v47+s18+$0x0], $0xffff  }
0x4dc: {  	v48 =	vand.u32 $0x7F, v48  }
0x4dd: {  	v48 =	vor.u32 v48, v49;
	_ =	sdelay $0x3  }
0x4de: {  	[tilespmem:s0+$0xFFFFFB80] =	vst v47  }
0x4df: {  	v47 =	vld.idx.msk [tilespmem:v48+s18+$0x0], $0xffff  }
0x4e0: {  	v45 =	vand.u32 $0x7F, v45  }
0x4e1: {  	v45 =	vor.u32 v45, v46;
	_ =	sdelay $0x3  }
0x4e2: {  	[tilespmem:s0+$0xFFFFFC00] =	vst v47  }
0x4e3: {  	v45 =	vld.idx.msk [tilespmem:v45+s18+$0x0], $0xffff  }
0x4e4: {  	v42 =	vand.u32 $0x7F, v42  }
0x4e5: {  	v42 =	vor.u32 v42, v44;
	_ =	sdelay $0x3  }
0x4e6: {  	[tilespmem:s0+$0xFFFFFC80] =	vst v45  }
0x4e7: {  	v42 =	vld.idx.msk [tilespmem:v42+s18+$0x0], $0xffff  }
0x4e8: {  	v41 =	vand.u32 $0x7F, v41  }
0x4e9: {  	v41 =	vor.u32 v41, v43;
	_ =	sdelay $0x3  }
0x4ea: {  	[tilespmem:s0+$0xFFFFFD00] =	vst v42  }
0x4eb: {  	v41 =	vld.idx.msk [tilespmem:v41+s18+$0x0], $0xffff  }
0x4ec: {  	v38 =	vand.u32 $0x7F, v38  }
0x4ed: {  	v38 =	vor.u32 v38, v40;
	_ =	sdelay $0x3  }
0x4ee: {  	[tilespmem:s0+$0xFFFFFD80] =	vst v41  }
0x4ef: {  	v38 =	vld.idx.msk [tilespmem:v38+s18+$0x0], $0xffff  }
0x4f0: {  	v36 =	vand.u32 $0x7F, v36  }
0x4f1: {  	v36 =	vor.u32 v36, v39;
	_ =	sdelay $0x3  }
0x4f2: {  	[tilespmem:s0+$0xFFFFFE00] =	vst v38  }
0x4f3: {  	v36 =	vld.idx.msk [tilespmem:v36+s18+$0x0], $0xffff  }
0x4f4: {  	v35 =	vand.u32 $0x7F, v35  }
0x4f5: {  	v35 =	vor.u32 v35, v37;
	_ =	sdelay $0x3  }
0x4f6: {  	[tilespmem:s0+$0xFFFFFE80] =	vst v36  }
0x4f7: {  	v35 =	vld.idx.msk [tilespmem:v35+s18+$0x0], $0xffff  }
0x4f8: {  	v33 =	vand.u32 $0x7F, v33  }
0x4f9: {  	v33 =	vor.u32 v33, v34;
	_ =	sdelay $0x3  }
0x4fa: {  	[tilespmem:s0+$0xFFFFFF00] =	vst v35  }
0x4fb: {  	v33 =	vld.idx.msk [tilespmem:v33+s18+$0x0], $0xffff  }
0x4fc: {  	v31 =	vand.u32 $0x7F, v31  }
0x4fd: {  	v31 =	vor.u32 v31, v32;
	_ =	sdelay $0x3  }
0x4fe: {  	[tilespmem:s0+$0xFFFFFF80] =	vst v33  }
0x4ff: {  	v31 =	vld.idx.msk [tilespmem:v31+s18+$0x0], $0xffff  }
0x500: {  	v29 =	vand.u32 $0x7F, v29  }
0x501: {  	v29 =	vor.u32 v29, v30;
	_ =	sdelay $0x3  }
0x502: {  	[tilespmem:s0+$0x0] =	vst v31  }
0x503: {  	v29 =	vld.idx.msk [tilespmem:v29+s18+$0x0], $0xffff  }
0x504: {  	v26 =	vand.u32 $0x7F, v26  }
0x505: {  	v26 =	vor.u32 v26, v28;
	_ =	sdelay $0x3  }
0x506: {  	[tilespmem:s0+$0x80] =	vst v29  }
0x507: {  	v26 =	vld.idx.msk [tilespmem:v26+s18+$0x0], $0xffff  }
0x508: {  	v25 =	vand.u32 $0x7F, v25  }
0x509: {  	v25 =	vor.u32 v25, v27;
	_ =	sdelay $0x3  }
0x50a: {  	[tilespmem:s0+$0x100] =	vst v26  }
0x50b: {  	v25 =	vld.idx.msk [tilespmem:v25+s18+$0x0], $0xffff  }
0x50c: {  	v22 =	vand.u32 $0x7F, v22  }
0x50d: {  	v22 =	vor.u32 v22, v24;
	_ =	sdelay $0x3  }
0x50e: {  	[tilespmem:s0+$0x180] =	vst v25  }
0x50f: {  	v22 =	vld.idx.msk [tilespmem:v22+s18+$0x0], $0xffff  }
0x510: {  	v21 =	vand.u32 $0x7F, v21  }
0x511: {  	v21 =	vor.u32 v21, v23;
	_ =	sdelay $0x3  }
0x512: {  	[tilespmem:s0+$0x200] =	vst v22  }
0x513: {  	v21 =	vld.idx.msk [tilespmem:v21+s18+$0x0], $0xffff  }
0x514: {  	v19 =	vand.u32 $0x7F, v19  }
0x515: {  	v19 =	vor.u32 v19, v20;
	_ =	sdelay $0x3  }
0x516: {  	[tilespmem:s0+$0x280] =	vst v21  }
0x517: {  	v19 =	vld.idx.msk [tilespmem:v19+s18+$0x0], $0xffff  }
0x518: {  	v16 =	vand.u32 $0x7F, v16  }
0x519: {  	v16 =	vor.u32 v16, v18;
	_ =	sdelay $0x3  }
0x51a: {  	[tilespmem:s0+$0x300] =	vst v19  }
0x51b: {  	v16 =	vld.idx.msk [tilespmem:v16+s18+$0x0], $0xffff  }
0x51c: {  	v14 =	vand.u32 $0x7F, v14  }
0x51d: {  	v14 =	vor.u32 v14, v17;
	_ =	sdelay $0x3  }
0x51e: {  	[tilespmem:s0+$0x380] =	vst v16  }
0x51f: {  	v14 =	vld.idx.msk [tilespmem:v14+s18+$0x0], $0xffff  }
0x520: {  	v13 =	vand.u32 $0x7F, v13  }
0x521: {  	v13 =	vor.u32 v13, v15;
	_ =	sdelay $0x3  }
0x522: {  	[tilespmem:s0+$0x400] =	vst v14  }
0x523: {  	v13 =	vld.idx.msk [tilespmem:v13+s18+$0x0], $0xffff  }
0x524: {  	v9 =	vand.u32 $0x7F, v9  }
0x525: {  	v9 =	vor.u32 v9, v12;
	_ =	sdelay $0x3  }
0x526: {  	[tilespmem:s0+$0x480] =	vst v13  }
0x527: {  	v9 =	vld.idx.msk [tilespmem:v9+s18+$0x0], $0xffff  }
0x528: {  	v10 =	vand.u32 $0x7F, v10  }
0x529: {  	v10 =	vor.u32 v10, v11;
	_ =	sdelay $0x3  }
0x52a: {  	[tilespmem:s0+$0x500] =	vst v9  }
0x52b: {  	v9 =	vld.idx.msk [tilespmem:v10+s18+$0x0], $0xffff  }
0x52c: {  	v7 =	vand.u32 $0x7F, v7  }
0x52d: {  	v7 =	vor.u32 v7, v8;
	_ =	sdelay $0x3  }
0x52e: {  	[tilespmem:s0+$0x580] =	vst v9  }
0x52f: {  	v7 =	vld.idx.msk [tilespmem:v7+s18+$0x0], $0xffff  }
0x530: {  	v4 =	vand.u32 $0x7F, v4  }
0x531: {  	v4 =	vor.u32 v4, v6;
	_ =	sdelay $0x3  }
0x532: {  	[tilespmem:s0+$0x600] =	vst v7  }
0x533: {  	v4 =	vld.idx.msk [tilespmem:v4+s18+$0x0], $0xffff  }
0x534: {  	v3 =	vand.u32 $0x7F, v3  }
0x535: {  	v3 =	vor.u32 v3, v5;
	_ =	sdelay $0x3  }
0x536: {  	[tilespmem:s0+$0x680] =	vst v4  }
0x537: {  	v3 =	vld.idx.msk [tilespmem:v3+s18+$0x0], $0xffff  }
0x538: {  	v1 =	vand.u32 $0x7F, v1  }
0x539: {  	v1 =	vor.u32 v1, v2  }
.Ltmp5:
0x53a: {  	(pc) =	sbr.rel @p0 .LBB2_13-.Ltmp5, $3  }
0x53b: {  	_ =	sdelay $0x1  }
0x53c: {  	[tilespmem:s0+$0x700] =	vst v3  }
0x53d: {  	v1 =	vld.idx.msk [tilespmem:v1+s18+$0x0], $0xffff  }
0x53e: {  	_ =	sdelay $0x3  }
0x53f: {  	s31 =	sadd.s32 s25, s10;
	s23 =	sadd.s32 $0x1, s23;
	[tilespmem:s0+$0x780] =	vst v1  }
0x540: {  	[hbm4b:s31+s14] =	stream.strided.scatter [tilespmem:s21], [sflag:$0x2], $0x1000, s19, s14, $0x38;
	[tilespmem:$0xA600] =	vst v63  }
0x541: {  	p0 =	sne.s32 s23, $0x4;
	_ =	swait.ge [sflag:s22], $0x1000  }
.Ltmp6:
0x542: {  	[sflag:s22] =	ssyncset.done $0x0;
	(pc) =	sbr.rel @p0 .LBB2_10-.Ltmp6, $4  }
0x543: {  	[sflag:s22] =	ssyncadd.s32 $0xFFFFF000  }
0x544: {  	_ =	swait.ge [sflag:s22], $0x1000  }
0x545: {  	[sflag:s22] =	ssyncset.done $0x0  }
0x546: {  	[sflag:s22] =	ssyncadd.s32 $0xFFFFF000  }
0x547: {  	s4 =	sadd.s32 $0x1, s4;
	s0 =	rddreg [dreg:$0x4]  }
0x548: {  	p0 =	sne.s32 s4, s0  }
.Ltmp7:
0x549: {  	_ = 	snop;
	(pc) =	sbr.rel @p0 .LBB2_1-.Ltmp7, $1  }
0x54a: {  	_ =	sdelay $0x3  }
0x54b: {  	_ =	sfence.sel $0x180000  }
0x54c: {  	[bflag:$0x0] =	sbarrier.arrive $0xFFFF  }
0x54d: {  	_ =	strace $0x90000047  }
0x54e: {  	s0 =	stileid.u32;
	[bflag:$0x2] =	sbarrier.arrive $0xFFFF  }
0x54f: {  	p0 =	sne.s32 s0, $0x0;
	s0 =	rddreg [dreg:$0x3]  }
0x550: {  	s0 =	sadd.s32 @!p0 $0x100000, s0  }
0x551: {  	[sflag:s0] =	ssyncadd.tile.s32 @!p0 $0x1;
	_ =	shalt  }
.Lfunc_end2:
_tile_overlayer_lowered:
.L_overlay_start_2:
0x552: {  	(tag) =	ssettag $0x2  }
0x553: {  	s0 =	rddreg [dreg:$0x0];
	s2 =	stileid.u32  }
0x554: {  	s1 =	rddreg [dreg:$0x1];
	p0 =	sne.s32 s2, $0x0  }
0x555: {  	s3 =	rddreg [dreg:$0x2];
	[bflag:$0x3] =	sbarrier.arrive $0xFFFF;
	s2 =	simm.s32 @!p0 $0x1C03  }
0x556: {  	[timem:s3], [sflag:s2] =	dma.local @!p0 [hbm:s0], s1  }
0x557: {  	s0 =	simm.s32 @!p0 $0x3  }
0x558: {  	_ =	swait.ge @!p0 [sflag:s0], s1  }
0x559: {  	s1 =	ssub.s32 @!p0 $0x0, s1;
	[sflag:s0] =	ssyncset.done @!p0 $0x0  }
0x55a: {  	[sflag:s0] =	ssyncadd.s32 @!p0 s1  }
0x55b: {  	[bflag:$0x3] =	sbarrier.arrive $0xFFFF  }
0x55c: {  	_ =	shalt  }

</sc_bundles>
